<compile_context>
chip_gen: v7x
topology: tpu7x:2x2x1
jax: 0.10.2.dev20260603
libtpu: 0.0.44.dev20260713+nightly
codegen_flags: <defaults>
</compile_context>

<pallas_src>
import jax
import jax.numpy as jnp
from jax import lax
from jax.experimental import pallas as pl
from jax.experimental.pallas import tpu as pltpu
from jax.experimental.pallas import tpu_sc as plsc

B, C, H, W = 2, 256, 64, 64
N = 5000
AH = AW = 7
PB = AH * AW
SCALE = 0.0625
NPTS = N * PB
NC, NS = 2, 16
NWORK = NC * NS
CH = 32
CPW = -(-NPTS // (NWORK * CH))
PPW = CPW * CH
NP_PAD = NWORK * PPW
LANES = 16
TG = 40


def _sc_body(ft_hbm, rois_hbm, out_hbm, rois_v, *s):
    slot_a, slot_b = list(s[0:13]), list(s[13:26])
    sem_a, sem_b = s[26], s[27]
    wid = lax.axis_index("s") * NC + lax.axis_index("c")
    pltpu.sync_copy(rois_hbm, rois_v)
    base = wid * PPW
    lane = lax.broadcasted_iota(jnp.int32, (LANES,), 0)

    def fire(ci, slot, sem):
        idxs, wbs, rows = slot[0:4], slot[4:8], slot[8:12]
        p0 = base + ci * CH
        for g in range(CH // LANES):
            p = lane + (p0 + g * LANES)
            n = lax.div(p, PB)
            rem = p - n * PB
            ph = lax.div(rem, AW)
            pw = rem - ph * AW
            n = jnp.minimum(n, N - 1)
            i5 = n * 5
            bf = plsc.load_gather(rois_v, [i5])
            x1 = plsc.load_gather(rois_v, [i5 + 1]) * SCALE
            y1 = plsc.load_gather(rois_v, [i5 + 2]) * SCALE
            x2 = plsc.load_gather(rois_v, [i5 + 3]) * SCALE
            y2 = plsc.load_gather(rois_v, [i5 + 4]) * SCALE
            bw = jnp.maximum(x2 - x1, 0.0) * (1.0 / (AW - 1))
            bh = jnp.maximum(y2 - y1, 0.0) * (1.0 / (AH - 1))
            hf = y1 + ph.astype(jnp.float32) * bh
            wf = x1 + pw.astype(jnp.float32) * bw
            valid = (hf >= 0.0) & (hf < float(H)) & (wf >= 0.0) & (wf < float(W))
            h0 = jnp.clip(hf, 0.0, float(H - 1)).astype(jnp.int32)
            w0 = jnp.clip(wf, 0.0, float(W - 1)).astype(jnp.int32)
            lh = hf - h0.astype(jnp.float32)
            lw = wf - w0.astype(jnp.float32)
            h1 = jnp.minimum(h0 + 1, H - 1)
            w1 = jnp.minimum(w0 + 1, W - 1)
            rowb = bf.astype(jnp.int32) * (H * W)
            r0 = rowb + h0 * W
            r1 = rowb + h1 * W
            vf = jnp.where(valid, 1.0, 0.0).astype(jnp.float32)
            olh = (1.0 - lh) * vf
            olw = 1.0 - lw
            sl = pl.ds(g * LANES, LANES)
            idxs[0][sl] = r0 + w0
            idxs[1][sl] = r0 + w1
            idxs[2][sl] = r1 + w0
            idxs[3][sl] = r1 + w1
            wbs[0][sl] = olh * olw
            wbs[1][sl] = olh * lw
            wbs[2][sl] = lh * vf * olw
            wbs[3][sl] = lh * vf * lw
        for k in range(4):
            pltpu.async_copy(ft_hbm.at[idxs[k]], rows[k], sem)

    def drain(slot, sem):
        idxs, rows = slot[0:4], slot[8:12]
        for k in range(4):
            pltpu.make_async_copy(ft_hbm.at[idxs[k]], rows[k], sem).wait()

    def combine(ci, slot):
        wbs, rows, outb = slot[4:8], slot[8:12], slot[12]

        def point_body(j, jcarry):
            jj = jnp.zeros((LANES,), jnp.int32) + j
            wv0 = plsc.load_gather(wbs[0], [jj])
            wv1 = plsc.load_gather(wbs[1], [jj])
            wv2 = plsc.load_gather(wbs[2], [jj])
            wv3 = plsc.load_gather(wbs[3], [jj])
            for cb in range(C // LANES):
                cs = pl.ds(cb * LANES, LANES)
                acc = (wv0 * rows[0][j, cs] + wv1 * rows[1][j, cs]
                       + wv2 * rows[2][j, cs] + wv3 * rows[3][j, cs])
                outb[j, cs] = acc
            return jcarry

        lax.fori_loop(0, CH, point_body, 0)
        pltpu.sync_copy(outb, out_hbm.at[pl.ds(base + ci * CH, CH)])

    fire(0, slot_a, sem_a)

    def pair_body(k, carry):
        ci_a = 2 * k
        fire(ci_a + 1, slot_b, sem_b)
        drain(slot_a, sem_a)
        combine(ci_a, slot_a)
        fire(ci_a + 2, slot_a, sem_a)
        drain(slot_b, sem_b)
        combine(ci_a + 1, slot_b)
        return carry

    lax.fori_loop(0, CPW // 2, pair_body, 0)
    drain(slot_a, sem_a)


def _tc_transpose_body(x_ref, o_ref):
    x = x_ref[...]
    eye = jnp.eye(PB, dtype=jnp.float32)
    for g in range(TG):
        xg = x[g * PB:(g + 1) * PB, :]
        o_ref[g] = lax.dot_general(xg, eye, (((0,), (0,)), ((), ())),
                                   precision=lax.Precision.HIGHEST,
                                   preferred_element_type=jnp.float32)


@jax.jit
def kernel(features, rois):
    ft = jnp.transpose(features, (0, 2, 3, 1)).reshape(B * H * W, C)
    rois_flat = rois.reshape(-1)
    mesh = plsc.VectorSubcoreMesh(core_axis_name="c", subcore_axis_name="s",
                                  num_cores=NC, num_subcores=NS)
    slot = ([pltpu.VMEM((CH,), jnp.int32)] * 4
            + [pltpu.VMEM((CH,), jnp.float32)] * 4
            + [pltpu.VMEM((CH, C), jnp.float32)] * 5)
    out = pl.kernel(
        _sc_body,
        out_type=jax.ShapeDtypeStruct((NP_PAD, C), jnp.float32),
        mesh=mesh,
        compiler_params=pltpu.CompilerParams(needs_layout_passes=False),
        scratch_types=([pltpu.VMEM((N * 5,), jnp.float32)] + slot + slot
                       + [pltpu.SemaphoreType.DMA, pltpu.SemaphoreType.DMA]),
    )(ft, rois_flat)
    outt = pl.pallas_call(
        _tc_transpose_body,
        grid=(N // TG,),
        in_specs=[pl.BlockSpec((TG * PB, C), lambda i: (i, 0))],
        out_specs=pl.BlockSpec((TG, C, PB), lambda i: (i, 0, 0)),
        out_shape=jax.ShapeDtypeStruct((N, C, PB), jnp.float32),
    )(out)
    return outt.reshape(N, C, AH, AW)

# --- scband reference (transcript-rebuilt; emitter-appended) ---
"""Pipeline reference for scband-ro-ialign-3882650436490 (READ-ONLY COPY).

The authoritative reference and input builder live on the scoring server;
editing this copy changes nothing except your own understanding.
"""

import jax, jax.numpy as jnp
import numpy as np

ALIGNED_H = 7
ALIGNED_W = 7
SPATIAL_SCALE = 0.0625


def setup_inputs(seed: int = 0) -> dict:
    key = jax.random.key(seed)
    k1, k2, k3, k4 = jax.random.split(key, 4)
    B, C, H, W = 2, 256, 64, 64
    N = 5000
    features = jax.random.normal(k1, (B, C, H, W), dtype=jnp.float32)
    img_h = H / SPATIAL_SCALE
    img_w = W / SPATIAL_SCALE
    pts_x = jax.random.uniform(k2, (N, 2), minval=0.0, maxval=img_w, dtype=jnp.float32)
    pts_y = jax.random.uniform(k3, (N, 2), minval=0.0, maxval=img_h, dtype=jnp.float32)
    x1 = jnp.min(pts_x, axis=1); x2 = jnp.max(pts_x, axis=1)
    y1 = jnp.min(pts_y, axis=1); y2 = jnp.max(pts_y, axis=1)
    batch_idx = jax.random.randint(k4, (N,), 0, B).astype(jnp.float32)
    rois = jnp.stack([batch_idx, x1, y1, x2, y2], axis=1).astype(jnp.float32)
    return {"features": features, "rois": rois}


def _roi_align(features, rois):
    B, C, H, W = features.shape
    N = rois.shape[0]
    b_idx = rois[:, 0].astype(jnp.int32)
    x1 = rois[:, 1] * SPATIAL_SCALE
    y1 = rois[:, 2] * SPATIAL_SCALE
    x2 = rois[:, 3] * SPATIAL_SCALE
    y2 = rois[:, 4] * SPATIAL_SCALE
    roi_w = jnp.maximum(x2 - x1, 0.0)
    roi_h = jnp.maximum(y2 - y1, 0.0)
    bin_h = roi_h / float(ALIGNED_H - 1)
    bin_w = roi_w / float(ALIGNED_W - 1)
    ph = jnp.arange(ALIGNED_H, dtype=jnp.float32)
    pw = jnp.arange(ALIGNED_W, dtype=jnp.float32)
    h = y1[:, None, None] + ph[None, :, None] * bin_h[:, None, None]
    w = x1[:, None, None] + pw[None, None, :] * bin_w[:, None, None]
    h = jnp.broadcast_to(h, (N, ALIGNED_H, ALIGNED_W))
    w = jnp.broadcast_to(w, (N, ALIGNED_H, ALIGNED_W))
    valid = (h >= 0) & (h < H) & (w >= 0) & (w < W)
    h0f = jnp.floor(h)
    w0f = jnp.floor(w)
    h0 = h0f.astype(jnp.int32)
    w0 = w0f.astype(jnp.int32)
    lh = h - h0f
    lw = w - w0f
    h_lo = jnp.clip(h0, 0, H - 1)
    h_hi = jnp.clip(h0 + 1, 0, H - 1)
    w_lo = jnp.clip(w0, 0, W - 1)
    w_hi = jnp.clip(w0 + 1, 0, W - 1)
    bi = b_idx[:, None, None]
    v00 = features[bi, :, h_lo, w_lo]
    v01 = features[bi, :, h_lo, w_hi]
    v10 = features[bi, :, h_hi, w_lo]
    v11 = features[bi, :, h_hi, w_hi]
    lh_ = lh[..., None]
    lw_ = lw[..., None]
    val = (v00 * (1.0 - lh_) * (1.0 - lw_)
           + v01 * (1.0 - lh_) * lw_
           + v10 * lh_ * (1.0 - lw_)
           + v11 * lh_ * lw_)
    val = jnp.where(valid[..., None], val, 0.0)
    return jnp.transpose(val, (0, 3, 1, 2))


def reference(features, rois):
    return _roi_align(features, rois)

if __name__ == "__main__":
    import jax
    _d = setup_inputs()
    print(jax.jit(kernel)(*tuple(_d.values())))

</pallas_src>

<mosaic_0001>
#map = affine_map<(d0, d1) -> (0, 0)>
#map1 = affine_map<(d0, d1) -> (0)>
module attributes {stable_mosaic.version = 14 : i64} {
  func.func @_sc_body(%arg0: i32, %arg1: i32, %arg2: memref<8192x256xf32, #tpu.memory_space<hbm>>, %arg3: memref<25000xf32, #tpu.memory_space<hbm>>, %arg4: memref<245760x256xf32, #tpu.memory_space<hbm>>, %arg5: memref<25000xf32, #tpu.memory_space<vmem>>, %arg6: memref<32xi32, #tpu.memory_space<vmem>>, %arg7: memref<32xi32, #tpu.memory_space<vmem>>, %arg8: memref<32xi32, #tpu.memory_space<vmem>>, %arg9: memref<32xi32, #tpu.memory_space<vmem>>, %arg10: memref<32xf32, #tpu.memory_space<vmem>>, %arg11: memref<32xf32, #tpu.memory_space<vmem>>, %arg12: memref<32xf32, #tpu.memory_space<vmem>>, %arg13: memref<32xf32, #tpu.memory_space<vmem>>, %arg14: memref<32x256xf32, #tpu.memory_space<vmem>>, %arg15: memref<32x256xf32, #tpu.memory_space<vmem>>, %arg16: memref<32x256xf32, #tpu.memory_space<vmem>>, %arg17: memref<32x256xf32, #tpu.memory_space<vmem>>, %arg18: memref<32x256xf32, #tpu.memory_space<vmem>>, %arg19: memref<32xi32, #tpu.memory_space<vmem>>, %arg20: memref<32xi32, #tpu.memory_space<vmem>>, %arg21: memref<32xi32, #tpu.memory_space<vmem>>, %arg22: memref<32xi32, #tpu.memory_space<vmem>>, %arg23: memref<32xf32, #tpu.memory_space<vmem>>, %arg24: memref<32xf32, #tpu.memory_space<vmem>>, %arg25: memref<32xf32, #tpu.memory_space<vmem>>, %arg26: memref<32xf32, #tpu.memory_space<vmem>>, %arg27: memref<32x256xf32, #tpu.memory_space<vmem>>, %arg28: memref<32x256xf32, #tpu.memory_space<vmem>>, %arg29: memref<32x256xf32, #tpu.memory_space<vmem>>, %arg30: memref<32x256xf32, #tpu.memory_space<vmem>>, %arg31: memref<32x256xf32, #tpu.memory_space<vmem>>, %arg32: memref<!tpu.dma_semaphore, #tpu.memory_space<semaphore_mem>>, %arg33: memref<!tpu.dma_semaphore, #tpu.memory_space<semaphore_mem>>) attributes {dimension_semantics = [#tpu.dimension_semantics<core_parallel>, #tpu.dimension_semantics<subcore_parallel>], iteration_bounds = array<i64: 2, 16>, scalar_prefetch = 0 : i64, scratch_operands = 29 : i64, tpu.core_type = #tpu.core_type<sc_vector_subcore>, window_params = [{transform_indices = #map}, {transform_indices = #map1}, {transform_indices = #map}]} {
    %mul3A = arith.constant 2 : i32
    %mul3A_0 = arith.muli %arg1, %mul3A : i32
    %add3A = arith.addi %mul3A_0, %arg0 : i32
    "tpu.region"() ({
      %run_scoped3A = tpu.sem_alloc : memref<!tpu.dma_semaphore, #tpu.memory_space<semaphore_mem>>
      tpu.enqueue_dma source(%arg3 : memref<25000xf32, #tpu.memory_space<hbm>>) target(%arg5 : memref<25000xf32, #tpu.memory_space<vmem>>) target_semaphore(%run_scoped3A : memref<!tpu.dma_semaphore, #tpu.memory_space<semaphore_mem>>)
      tpu.wait_dma2 semaphore(%run_scoped3A : memref<!tpu.dma_semaphore, #tpu.memory_space<semaphore_mem>>) src(%arg3 : memref<25000xf32, #tpu.memory_space<hbm>>) dst(%arg5 : memref<25000xf32, #tpu.memory_space<vmem>>)
      tpu.yield
    }) : () -> ()
    %mul3A_1 = arith.constant 7680 : i32
    %mul3A_2 = arith.muli %add3A, %mul3A_1 : i32
    %iota3A = tpu.iota {dimensions = array<i32: 0>} : vector<16xi32>
    %add3A_3 = arith.constant 0 : i32
    %add3A_4 = arith.addi %mul3A_2, %add3A_3 : i32
    %add3A_5 = arith.constant 0 : i32
    %add3A_6 = arith.addi %add3A_4, %add3A_5 : i32
    %add3A_7 = vector.broadcast %add3A_6 : i32 to vector<16xi32>
    %add3A_8 = arith.addi %iota3A, %add3A_7 : vector<16xi32>
    %div3A = arith.constant 49 : i32
    %div3A_9 = vector.broadcast %div3A : i32 to vector<16xi32>
    %div3A_10 = arith.divsi %add3A_8, %div3A_9 : vector<16xi32>
    %mul3A_11 = arith.constant 49 : i32
    %mul3A_12 = vector.broadcast %mul3A_11 : i32 to vector<16xi32>
    %mul3A_13 = arith.muli %div3A_10, %mul3A_12 : vector<16xi32>
    %sub3A = arith.subi %add3A_8, %mul3A_13 : vector<16xi32>
    %div3A_14 = arith.constant 7 : i32
    %div3A_15 = vector.broadcast %div3A_14 : i32 to vector<16xi32>
    %div3A_16 = arith.divsi %sub3A, %div3A_15 : vector<16xi32>
    %mul3A_17 = arith.constant 7 : i32
    %mul3A_18 = vector.broadcast %mul3A_17 : i32 to vector<16xi32>
    %mul3A_19 = arith.muli %div3A_16, %mul3A_18 : vector<16xi32>
    %sub3A_20 = arith.subi %sub3A, %mul3A_19 : vector<16xi32>
    %min3A = arith.constant 4999 : i32
    %min3A_21 = vector.broadcast %min3A : i32 to vector<16xi32>
    %min3A_22 = arith.minsi %div3A_10, %min3A_21 : vector<16xi32>
    %mul3A_23 = arith.constant 5 : i32
    %mul3A_24 = vector.broadcast %mul3A_23 : i32 to vector<16xi32>
    %mul3A_25 = arith.muli %min3A_22, %mul3A_24 : vector<16xi32>
    %gather3A = tpu.vector_load_idx %arg5[%mul3A_25] : memref<25000xf32, #tpu.memory_space<vmem>>[vector<16xi32>], vector<16xf32>,
    %add3A_26 = arith.constant 1 : i32
    %add3A_27 = vector.broadcast %add3A_26 : i32 to vector<16xi32>
    %add3A_28 = arith.addi %mul3A_25, %add3A_27 : vector<16xi32>
    %gather3A_29 = tpu.vector_load_idx %arg5[%add3A_28] : memref<25000xf32, #tpu.memory_space<vmem>>[vector<16xi32>], vector<16xf32>,
    %mul3A_30 = arith.constant 6.250000e-02 : f32
    %mul3A_31 = vector.broadcast %mul3A_30 : f32 to vector<16xf32>
    %mul3A_32 = arith.mulf %gather3A_29, %mul3A_31 : vector<16xf32>
    %add3A_33 = arith.constant 2 : i32
    %add3A_34 = vector.broadcast %add3A_33 : i32 to vector<16xi32>
    %add3A_35 = arith.addi %mul3A_25, %add3A_34 : vector<16xi32>
    %gather3A_36 = tpu.vector_load_idx %arg5[%add3A_35] : memref<25000xf32, #tpu.memory_space<vmem>>[vector<16xi32>], vector<16xf32>,
    %mul3A_37 = arith.constant 6.250000e-02 : f32
    %mul3A_38 = vector.broadcast %mul3A_37 : f32 to vector<16xf32>
    %mul3A_39 = arith.mulf %gather3A_36, %mul3A_38 : vector<16xf32>
    %add3A_40 = arith.constant 3 : i32
    %add3A_41 = vector.broadcast %add3A_40 : i32 to vector<16xi32>
    %add3A_42 = arith.addi %mul3A_25, %add3A_41 : vector<16xi32>
    %gather3A_43 = tpu.vector_load_idx %arg5[%add3A_42] : memref<25000xf32, #tpu.memory_space<vmem>>[vector<16xi32>], vector<16xf32>,
    %mul3A_44 = arith.constant 6.250000e-02 : f32
    %mul3A_45 = vector.broadcast %mul3A_44 : f32 to vector<16xf32>
    %mul3A_46 = arith.mulf %gather3A_43, %mul3A_45 : vector<16xf32>
    %add3A_47 = arith.constant 4 : i32
    %add3A_48 = vector.broadcast %add3A_47 : i32 to vector<16xi32>
    %add3A_49 = arith.addi %mul3A_25, %add3A_48 : vector<16xi32>
    %gather3A_50 = tpu.vector_load_idx %arg5[%add3A_49] : memref<25000xf32, #tpu.memory_space<vmem>>[vector<16xi32>], vector<16xf32>,
    %mul3A_51 = arith.constant 6.250000e-02 : f32
    %mul3A_52 = vector.broadcast %mul3A_51 : f32 to vector<16xf32>
    %mul3A_53 = arith.mulf %gather3A_50, %mul3A_52 : vector<16xf32>
    %sub3A_54 = arith.subf %mul3A_46, %mul3A_32 : vector<16xf32>
    %max3A = arith.constant 0.000000e+00 : f32
    %max3A_55 = vector.broadcast %max3A : f32 to vector<16xf32>
    %max3A_56 = arith.maximumf %sub3A_54, %max3A_55 : vector<16xf32>
    %mul3A_57 = arith.constant 0.166666672 : f32
    %mul3A_58 = vector.broadcast %mul3A_57 : f32 to vector<16xf32>
    %mul3A_59 = arith.mulf %max3A_56, %mul3A_58 : vector<16xf32>
    %sub3A_60 = arith.subf %mul3A_53, %mul3A_39 : vector<16xf32>
    %max3A_61 = arith.constant 0.000000e+00 : f32
    %max3A_62 = vector.broadcast %max3A_61 : f32 to vector<16xf32>
    %max3A_63 = arith.maximumf %sub3A_60, %max3A_62 : vector<16xf32>
    %mul3A_64 = arith.constant 0.166666672 : f32
    %mul3A_65 = vector.broadcast %mul3A_64 : f32 to vector<16xf32>
    %mul3A_66 = arith.mulf %max3A_63, %mul3A_65 : vector<16xf32>
    %convert_element_type3A = arith.sitofp %div3A_16 : vector<16xi32> to vector<16xf32>
    %mul3A_67 = arith.mulf %convert_element_type3A, %mul3A_66 : vector<16xf32>
    %add3A_68 = arith.addf %mul3A_39, %mul3A_67 : vector<16xf32>
    %convert_element_type3A_69 = arith.sitofp %sub3A_20 : vector<16xi32> to vector<16xf32>
    %mul3A_70 = arith.mulf %convert_element_type3A_69, %mul3A_59 : vector<16xf32>
    %add3A_71 = arith.addf %mul3A_32, %mul3A_70 : vector<16xf32>
    %ge3A = arith.constant 0.000000e+00 : f32
    %ge3A_72 = vector.broadcast %ge3A : f32 to vector<16xf32>
    %ge3A_73 = arith.cmpf oge, %add3A_68, %ge3A_72 : vector<16xf32>
    %lt3A = arith.constant 6.400000e+01 : f32
    %lt3A_74 = vector.broadcast %lt3A : f32 to vector<16xf32>
    %lt3A_75 = arith.cmpf olt, %add3A_68, %lt3A_74 : vector<16xf32>
    %and3A = arith.andi %ge3A_73, %lt3A_75 : vector<16xi1>
    %ge3A_76 = arith.constant 0.000000e+00 : f32
    %ge3A_77 = vector.broadcast %ge3A_76 : f32 to vector<16xf32>
    %ge3A_78 = arith.cmpf oge, %add3A_71, %ge3A_77 : vector<16xf32>
    %and3A_79 = arith.andi %and3A, %ge3A_78 : vector<16xi1>
    %lt3A_80 = arith.constant 6.400000e+01 : f32
    %lt3A_81 = vector.broadcast %lt3A_80 : f32 to vector<16xf32>
    %lt3A_82 = arith.cmpf olt, %add3A_71, %lt3A_81 : vector<16xf32>
    %and3A_83 = arith.andi %and3A_79, %lt3A_82 : vector<16xi1>
    %jit3A = arith.constant 0.000000e+00 : f32
    %jit3A_84 = arith.constant 6.300000e+01 : f32
    %max3A_85 = vector.broadcast %jit3A : f32 to vector<16xf32>
    %max3A_86 = arith.maximumf %max3A_85, %add3A_68 : vector<16xf32>
    %min3A_87 = vector.broadcast %jit3A_84 : f32 to vector<16xf32>
    %min3A_88 = arith.minimumf %min3A_87, %max3A_86 : vector<16xf32>
    %convert_element_type3A_89 = arith.fptosi %min3A_88 : vector<16xf32> to vector<16xi32>
    %jit3A_90 = arith.constant 0.000000e+00 : f32
    %jit3A_91 = arith.constant 6.300000e+01 : f32
    %max3A_92 = vector.broadcast %jit3A_90 : f32 to vector<16xf32>
    %max3A_93 = arith.maximumf %max3A_92, %add3A_71 : vector<16xf32>
    %min3A_94 = vector.broadcast %jit3A_91 : f32 to vector<16xf32>
    %min3A_95 = arith.minimumf %min3A_94, %max3A_93 : vector<16xf32>
    %convert_element_type3A_96 = arith.fptosi %min3A_95 : vector<16xf32> to vector<16xi32>
    %convert_element_type3A_97 = arith.sitofp %convert_element_type3A_89 : vector<16xi32> to vector<16xf32>
    %sub3A_98 = arith.subf %add3A_68, %convert_element_type3A_97 : vector<16xf32>
    %convert_element_type3A_99 = arith.sitofp %convert_element_type3A_96 : vector<16xi32> to vector<16xf32>
    %sub3A_100 = arith.subf %add3A_71, %convert_element_type3A_99 : vector<16xf32>
    %add3A_101 = arith.constant 1 : i32
    %add3A_102 = vector.broadcast %add3A_101 : i32 to vector<16xi32>
    %add3A_103 = arith.addi %convert_element_type3A_89, %add3A_102 : vector<16xi32>
    %min3A_104 = arith.constant 63 : i32
    %min3A_105 = vector.broadcast %min3A_104 : i32 to vector<16xi32>
    %min3A_106 = arith.minsi %add3A_103, %min3A_105 : vector<16xi32>
    %add3A_107 = arith.constant 1 : i32
    %add3A_108 = vector.broadcast %add3A_107 : i32 to vector<16xi32>
    %add3A_109 = arith.addi %convert_element_type3A_96, %add3A_108 : vector<16xi32>
    %min3A_110 = arith.constant 63 : i32
    %min3A_111 = vector.broadcast %min3A_110 : i32 to vector<16xi32>
    %min3A_112 = arith.minsi %add3A_109, %min3A_111 : vector<16xi32>
    %convert_element_type3A_113 = arith.fptosi %gather3A : vector<16xf32> to vector<16xi32>
    %mul3A_114 = arith.constant 4096 : i32
    %mul3A_115 = vector.broadcast %mul3A_114 : i32 to vector<16xi32>
    %mul3A_116 = arith.muli %convert_element_type3A_113, %mul3A_115 : vector<16xi32>
    %mul3A_117 = arith.constant 64 : i32
    %mul3A_118 = vector.broadcast %mul3A_117 : i32 to vector<16xi32>
    %mul3A_119 = arith.muli %convert_element_type3A_89, %mul3A_118 : vector<16xi32>
    %add3A_120 = arith.addi %mul3A_116, %mul3A_119 : vector<16xi32>
    %mul3A_121 = arith.constant 64 : i32
    %mul3A_122 = vector.broadcast %mul3A_121 : i32 to vector<16xi32>
    %mul3A_123 = arith.muli %min3A_106, %mul3A_122 : vector<16xi32>
    %add3A_124 = arith.addi %mul3A_116, %mul3A_123 : vector<16xi32>
    %jit3A_125 = arith.constant 1.000000e+00 : f32
    %jit3A_126 = arith.constant 0.000000e+00 : f32
    %broadcast_in_dim3A = vector.broadcast %jit3A_125 : f32 to vector<16xf32>
    %broadcast_in_dim3A_127 = vector.broadcast %jit3A_126 : f32 to vector<16xf32>
    %select_n3A = arith.select %and3A_83, %broadcast_in_dim3A, %broadcast_in_dim3A_127 : vector<16xi1>, vector<16xf32>
    %sub3A_128 = arith.constant 1.000000e+00 : f32
    %sub3A_129 = vector.broadcast %sub3A_128 : f32 to vector<16xf32>
    %sub3A_130 = arith.subf %sub3A_129, %sub3A_98 : vector<16xf32>
    %mul3A_131 = arith.mulf %sub3A_130, %select_n3A : vector<16xf32>
    %sub3A_132 = arith.constant 1.000000e+00 : f32
    %sub3A_133 = vector.broadcast %sub3A_132 : f32 to vector<16xf32>
    %sub3A_134 = arith.subf %sub3A_133, %sub3A_100 : vector<16xf32>
    %add3A_135 = arith.addi %add3A_120, %convert_element_type3A_96 : vector<16xi32>
    %swap3A = arith.constant 0 : index
    %swap3A_136 = tpu.vector_load %arg6[%swap3A] {strides = array<i32>} : memref<32xi32, #tpu.memory_space<vmem>>, vector<16xi32>,
    tpu.vector_store %arg6[%swap3A], %add3A_135 {strides = array<i32>} : memref<32xi32, #tpu.memory_space<vmem>>, vector<16xi32>,
    %add3A_137 = arith.addi %add3A_120, %min3A_112 : vector<16xi32>
    %swap3A_138 = arith.constant 0 : index
    %swap3A_139 = tpu.vector_load %arg7[%swap3A_138] {strides = array<i32>} : memref<32xi32, #tpu.memory_space<vmem>>, vector<16xi32>,
    tpu.vector_store %arg7[%swap3A_138], %add3A_137 {strides = array<i32>} : memref<32xi32, #tpu.memory_space<vmem>>, vector<16xi32>,
    %add3A_140 = arith.addi %add3A_124, %convert_element_type3A_96 : vector<16xi32>
    %swap3A_141 = arith.constant 0 : index
    %swap3A_142 = tpu.vector_load %arg8[%swap3A_141] {strides = array<i32>} : memref<32xi32, #tpu.memory_space<vmem>>, vector<16xi32>,
    tpu.vector_store %arg8[%swap3A_141], %add3A_140 {strides = array<i32>} : memref<32xi32, #tpu.memory_space<vmem>>, vector<16xi32>,
    %add3A_143 = arith.addi %add3A_124, %min3A_112 : vector<16xi32>
    %swap3A_144 = arith.constant 0 : index
    %swap3A_145 = tpu.vector_load %arg9[%swap3A_144] {strides = array<i32>} : memref<32xi32, #tpu.memory_space<vmem>>, vector<16xi32>,
    tpu.vector_store %arg9[%swap3A_144], %add3A_143 {strides = array<i32>} : memref<32xi32, #tpu.memory_space<vmem>>, vector<16xi32>,
    %mul3A_146 = arith.mulf %mul3A_131, %sub3A_134 : vector<16xf32>
    %swap3A_147 = arith.constant 0 : index
    %swap3A_148 = tpu.vector_load %arg10[%swap3A_147] {strides = array<i32>} : memref<32xf32, #tpu.memory_space<vmem>>, vector<16xf32>,
    tpu.vector_store %arg10[%swap3A_147], %mul3A_146 {strides = array<i32>} : memref<32xf32, #tpu.memory_space<vmem>>, vector<16xf32>,
    %mul3A_149 = arith.mulf %mul3A_131, %sub3A_100 : vector<16xf32>
    %swap3A_150 = arith.constant 0 : index
    %swap3A_151 = tpu.vector_load %arg11[%swap3A_150] {strides = array<i32>} : memref<32xf32, #tpu.memory_space<vmem>>, vector<16xf32>,
    tpu.vector_store %arg11[%swap3A_150], %mul3A_149 {strides = array<i32>} : memref<32xf32, #tpu.memory_space<vmem>>, vector<16xf32>,
    %mul3A_152 = arith.mulf %sub3A_98, %select_n3A : vector<16xf32>
    %mul3A_153 = arith.mulf %mul3A_152, %sub3A_134 : vector<16xf32>
    %swap3A_154 = arith.constant 0 : index
    %swap3A_155 = tpu.vector_load %arg12[%swap3A_154] {strides = array<i32>} : memref<32xf32, #tpu.memory_space<vmem>>, vector<16xf32>,
    tpu.vector_store %arg12[%swap3A_154], %mul3A_153 {strides = array<i32>} : memref<32xf32, #tpu.memory_space<vmem>>, vector<16xf32>,
    %mul3A_156 = arith.mulf %sub3A_98, %select_n3A : vector<16xf32>
    %mul3A_157 = arith.mulf %mul3A_156, %sub3A_100 : vector<16xf32>
    %swap3A_158 = arith.constant 0 : index
    %swap3A_159 = tpu.vector_load %arg13[%swap3A_158] {strides = array<i32>} : memref<32xf32, #tpu.memory_space<vmem>>, vector<16xf32>,
    tpu.vector_store %arg13[%swap3A_158], %mul3A_157 {strides = array<i32>} : memref<32xf32, #tpu.memory_space<vmem>>, vector<16xf32>,
    %add3A_160 = arith.constant 16 : i32
    %add3A_161 = arith.addi %add3A_4, %add3A_160 : i32
    %add3A_162 = vector.broadcast %add3A_161 : i32 to vector<16xi32>
    %add3A_163 = arith.addi %iota3A, %add3A_162 : vector<16xi32>
    %div3A_164 = arith.constant 49 : i32
    %div3A_165 = vector.broadcast %div3A_164 : i32 to vector<16xi32>
    %div3A_166 = arith.divsi %add3A_163, %div3A_165 : vector<16xi32>
    %mul3A_167 = arith.constant 49 : i32
    %mul3A_168 = vector.broadcast %mul3A_167 : i32 to vector<16xi32>
    %mul3A_169 = arith.muli %div3A_166, %mul3A_168 : vector<16xi32>
    %sub3A_170 = arith.subi %add3A_163, %mul3A_169 : vector<16xi32>
    %div3A_171 = arith.constant 7 : i32
    %div3A_172 = vector.broadcast %div3A_171 : i32 to vector<16xi32>
    %div3A_173 = arith.divsi %sub3A_170, %div3A_172 : vector<16xi32>
    %mul3A_174 = arith.constant 7 : i32
    %mul3A_175 = vector.broadcast %mul3A_174 : i32 to vector<16xi32>
    %mul3A_176 = arith.muli %div3A_173, %mul3A_175 : vector<16xi32>
    %sub3A_177 = arith.subi %sub3A_170, %mul3A_176 : vector<16xi32>
    %min3A_178 = arith.constant 4999 : i32
    %min3A_179 = vector.broadcast %min3A_178 : i32 to vector<16xi32>
    %min3A_180 = arith.minsi %div3A_166, %min3A_179 : vector<16xi32>
    %mul3A_181 = arith.constant 5 : i32
    %mul3A_182 = vector.broadcast %mul3A_181 : i32 to vector<16xi32>
    %mul3A_183 = arith.muli %min3A_180, %mul3A_182 : vector<16xi32>
    %gather3A_184 = tpu.vector_load_idx %arg5[%mul3A_183] : memref<25000xf32, #tpu.memory_space<vmem>>[vector<16xi32>], vector<16xf32>,
    %add3A_185 = arith.constant 1 : i32
    %add3A_186 = vector.broadcast %add3A_185 : i32 to vector<16xi32>
    %add3A_187 = arith.addi %mul3A_183, %add3A_186 : vector<16xi32>
    %gather3A_188 = tpu.vector_load_idx %arg5[%add3A_187] : memref<25000xf32, #tpu.memory_space<vmem>>[vector<16xi32>], vector<16xf32>,
    %mul3A_189 = arith.constant 6.250000e-02 : f32
    %mul3A_190 = vector.broadcast %mul3A_189 : f32 to vector<16xf32>
    %mul3A_191 = arith.mulf %gather3A_188, %mul3A_190 : vector<16xf32>
    %add3A_192 = arith.constant 2 : i32
    %add3A_193 = vector.broadcast %add3A_192 : i32 to vector<16xi32>
    %add3A_194 = arith.addi %mul3A_183, %add3A_193 : vector<16xi32>
    %gather3A_195 = tpu.vector_load_idx %arg5[%add3A_194] : memref<25000xf32, #tpu.memory_space<vmem>>[vector<16xi32>], vector<16xf32>,
    %mul3A_196 = arith.constant 6.250000e-02 : f32
    %mul3A_197 = vector.broadcast %mul3A_196 : f32 to vector<16xf32>
    %mul3A_198 = arith.mulf %gather3A_195, %mul3A_197 : vector<16xf32>
    %add3A_199 = arith.constant 3 : i32
    %add3A_200 = vector.broadcast %add3A_199 : i32 to vector<16xi32>
    %add3A_201 = arith.addi %mul3A_183, %add3A_200 : vector<16xi32>
    %gather3A_202 = tpu.vector_load_idx %arg5[%add3A_201] : memref<25000xf32, #tpu.memory_space<vmem>>[vector<16xi32>], vector<16xf32>,
    %mul3A_203 = arith.constant 6.250000e-02 : f32
    %mul3A_204 = vector.broadcast %mul3A_203 : f32 to vector<16xf32>
    %mul3A_205 = arith.mulf %gather3A_202, %mul3A_204 : vector<16xf32>
    %add3A_206 = arith.constant 4 : i32
    %add3A_207 = vector.broadcast %add3A_206 : i32 to vector<16xi32>
    %add3A_208 = arith.addi %mul3A_183, %add3A_207 : vector<16xi32>
    %gather3A_209 = tpu.vector_load_idx %arg5[%add3A_208] : memref<25000xf32, #tpu.memory_space<vmem>>[vector<16xi32>], vector<16xf32>,
    %mul3A_210 = arith.constant 6.250000e-02 : f32
    %mul3A_211 = vector.broadcast %mul3A_210 : f32 to vector<16xf32>
    %mul3A_212 = arith.mulf %gather3A_209, %mul3A_211 : vector<16xf32>
    %sub3A_213 = arith.subf %mul3A_205, %mul3A_191 : vector<16xf32>
    %max3A_214 = arith.constant 0.000000e+00 : f32
    %max3A_215 = vector.broadcast %max3A_214 : f32 to vector<16xf32>
    %max3A_216 = arith.maximumf %sub3A_213, %max3A_215 : vector<16xf32>
    %mul3A_217 = arith.constant 0.166666672 : f32
    %mul3A_218 = vector.broadcast %mul3A_217 : f32 to vector<16xf32>
    %mul3A_219 = arith.mulf %max3A_216, %mul3A_218 : vector<16xf32>
    %sub3A_220 = arith.subf %mul3A_212, %mul3A_198 : vector<16xf32>
    %max3A_221 = arith.constant 0.000000e+00 : f32
    %max3A_222 = vector.broadcast %max3A_221 : f32 to vector<16xf32>
    %max3A_223 = arith.maximumf %sub3A_220, %max3A_222 : vector<16xf32>
    %mul3A_224 = arith.constant 0.166666672 : f32
    %mul3A_225 = vector.broadcast %mul3A_224 : f32 to vector<16xf32>
    %mul3A_226 = arith.mulf %max3A_223, %mul3A_225 : vector<16xf32>
    %convert_element_type3A_227 = arith.sitofp %div3A_173 : vector<16xi32> to vector<16xf32>
    %mul3A_228 = arith.mulf %convert_element_type3A_227, %mul3A_226 : vector<16xf32>
    %add3A_229 = arith.addf %mul3A_198, %mul3A_228 : vector<16xf32>
    %convert_element_type3A_230 = arith.sitofp %sub3A_177 : vector<16xi32> to vector<16xf32>
    %mul3A_231 = arith.mulf %convert_element_type3A_230, %mul3A_219 : vector<16xf32>
    %add3A_232 = arith.addf %mul3A_191, %mul3A_231 : vector<16xf32>
    %ge3A_233 = arith.constant 0.000000e+00 : f32
    %ge3A_234 = vector.broadcast %ge3A_233 : f32 to vector<16xf32>
    %ge3A_235 = arith.cmpf oge, %add3A_229, %ge3A_234 : vector<16xf32>
    %lt3A_236 = arith.constant 6.400000e+01 : f32
    %lt3A_237 = vector.broadcast %lt3A_236 : f32 to vector<16xf32>
    %lt3A_238 = arith.cmpf olt, %add3A_229, %lt3A_237 : vector<16xf32>
    %and3A_239 = arith.andi %ge3A_235, %lt3A_238 : vector<16xi1>
    %ge3A_240 = arith.constant 0.000000e+00 : f32
    %ge3A_241 = vector.broadcast %ge3A_240 : f32 to vector<16xf32>
    %ge3A_242 = arith.cmpf oge, %add3A_232, %ge3A_241 : vector<16xf32>
    %and3A_243 = arith.andi %and3A_239, %ge3A_242 : vector<16xi1>
    %lt3A_244 = arith.constant 6.400000e+01 : f32
    %lt3A_245 = vector.broadcast %lt3A_244 : f32 to vector<16xf32>
    %lt3A_246 = arith.cmpf olt, %add3A_232, %lt3A_245 : vector<16xf32>
    %and3A_247 = arith.andi %and3A_243, %lt3A_246 : vector<16xi1>
    %jit3A_248 = arith.constant 0.000000e+00 : f32
    %jit3A_249 = arith.constant 6.300000e+01 : f32
    %max3A_250 = vector.broadcast %jit3A_248 : f32 to vector<16xf32>
    %max3A_251 = arith.maximumf %max3A_250, %add3A_229 : vector<16xf32>
    %min3A_252 = vector.broadcast %jit3A_249 : f32 to vector<16xf32>
    %min3A_253 = arith.minimumf %min3A_252, %max3A_251 : vector<16xf32>
    %convert_element_type3A_254 = arith.fptosi %min3A_253 : vector<16xf32> to vector<16xi32>
    %jit3A_255 = arith.constant 0.000000e+00 : f32
    %jit3A_256 = arith.constant 6.300000e+01 : f32
    %max3A_257 = vector.broadcast %jit3A_255 : f32 to vector<16xf32>
    %max3A_258 = arith.maximumf %max3A_257, %add3A_232 : vector<16xf32>
    %min3A_259 = vector.broadcast %jit3A_256 : f32 to vector<16xf32>
    %min3A_260 = arith.minimumf %min3A_259, %max3A_258 : vector<16xf32>
    %convert_element_type3A_261 = arith.fptosi %min3A_260 : vector<16xf32> to vector<16xi32>
    %convert_element_type3A_262 = arith.sitofp %convert_element_type3A_254 : vector<16xi32> to vector<16xf32>
    %sub3A_263 = arith.subf %add3A_229, %convert_element_type3A_262 : vector<16xf32>
    %convert_element_type3A_264 = arith.sitofp %convert_element_type3A_261 : vector<16xi32> to vector<16xf32>
    %sub3A_265 = arith.subf %add3A_232, %convert_element_type3A_264 : vector<16xf32>
    %add3A_266 = arith.constant 1 : i32
    %add3A_267 = vector.broadcast %add3A_266 : i32 to vector<16xi32>
    %add3A_268 = arith.addi %convert_element_type3A_254, %add3A_267 : vector<16xi32>
    %min3A_269 = arith.constant 63 : i32
    %min3A_270 = vector.broadcast %min3A_269 : i32 to vector<16xi32>
    %min3A_271 = arith.minsi %add3A_268, %min3A_270 : vector<16xi32>
    %add3A_272 = arith.constant 1 : i32
    %add3A_273 = vector.broadcast %add3A_272 : i32 to vector<16xi32>
    %add3A_274 = arith.addi %convert_element_type3A_261, %add3A_273 : vector<16xi32>
    %min3A_275 = arith.constant 63 : i32
    %min3A_276 = vector.broadcast %min3A_275 : i32 to vector<16xi32>
    %min3A_277 = arith.minsi %add3A_274, %min3A_276 : vector<16xi32>
    %convert_element_type3A_278 = arith.fptosi %gather3A_184 : vector<16xf32> to vector<16xi32>
    %mul3A_279 = arith.constant 4096 : i32
    %mul3A_280 = vector.broadcast %mul3A_279 : i32 to vector<16xi32>
    %mul3A_281 = arith.muli %convert_element_type3A_278, %mul3A_280 : vector<16xi32>
    %mul3A_282 = arith.constant 64 : i32
    %mul3A_283 = vector.broadcast %mul3A_282 : i32 to vector<16xi32>
    %mul3A_284 = arith.muli %convert_element_type3A_254, %mul3A_283 : vector<16xi32>
    %add3A_285 = arith.addi %mul3A_281, %mul3A_284 : vector<16xi32>
    %mul3A_286 = arith.constant 64 : i32
    %mul3A_287 = vector.broadcast %mul3A_286 : i32 to vector<16xi32>
    %mul3A_288 = arith.muli %min3A_271, %mul3A_287 : vector<16xi32>
    %add3A_289 = arith.addi %mul3A_281, %mul3A_288 : vector<16xi32>
    %jit3A_290 = arith.constant 1.000000e+00 : f32
    %jit3A_291 = arith.constant 0.000000e+00 : f32
    %broadcast_in_dim3A_292 = vector.broadcast %jit3A_290 : f32 to vector<16xf32>
    %broadcast_in_dim3A_293 = vector.broadcast %jit3A_291 : f32 to vector<16xf32>
    %select_n3A_294 = arith.select %and3A_247, %broadcast_in_dim3A_292, %broadcast_in_dim3A_293 : vector<16xi1>, vector<16xf32>
    %sub3A_295 = arith.constant 1.000000e+00 : f32
    %sub3A_296 = vector.broadcast %sub3A_295 : f32 to vector<16xf32>
    %sub3A_297 = arith.subf %sub3A_296, %sub3A_263 : vector<16xf32>
    %mul3A_298 = arith.mulf %sub3A_297, %select_n3A_294 : vector<16xf32>
    %sub3A_299 = arith.constant 1.000000e+00 : f32
    %sub3A_300 = vector.broadcast %sub3A_299 : f32 to vector<16xf32>
    %sub3A_301 = arith.subf %sub3A_300, %sub3A_265 : vector<16xf32>
    %add3A_302 = arith.addi %add3A_285, %convert_element_type3A_261 : vector<16xi32>
    %swap3A_303 = arith.constant 16 : index
    %swap3A_304 = tpu.vector_load %arg6[%swap3A_303] {strides = array<i32>} : memref<32xi32, #tpu.memory_space<vmem>>, vector<16xi32>,
    tpu.vector_store %arg6[%swap3A_303], %add3A_302 {strides = array<i32>} : memref<32xi32, #tpu.memory_space<vmem>>, vector<16xi32>,
    %add3A_305 = arith.addi %add3A_285, %min3A_277 : vector<16xi32>
    %swap3A_306 = arith.constant 16 : index
    %swap3A_307 = tpu.vector_load %arg7[%swap3A_306] {strides = array<i32>} : memref<32xi32, #tpu.memory_space<vmem>>, vector<16xi32>,
    tpu.vector_store %arg7[%swap3A_306], %add3A_305 {strides = array<i32>} : memref<32xi32, #tpu.memory_space<vmem>>, vector<16xi32>,
    %add3A_308 = arith.addi %add3A_289, %convert_element_type3A_261 : vector<16xi32>
    %swap3A_309 = arith.constant 16 : index
    %swap3A_310 = tpu.vector_load %arg8[%swap3A_309] {strides = array<i32>} : memref<32xi32, #tpu.memory_space<vmem>>, vector<16xi32>,
    tpu.vector_store %arg8[%swap3A_309], %add3A_308 {strides = array<i32>} : memref<32xi32, #tpu.memory_space<vmem>>, vector<16xi32>,
    %add3A_311 = arith.addi %add3A_289, %min3A_277 : vector<16xi32>
    %swap3A_312 = arith.constant 16 : index
    %swap3A_313 = tpu.vector_load %arg9[%swap3A_312] {strides = array<i32>} : memref<32xi32, #tpu.memory_space<vmem>>, vector<16xi32>,
    tpu.vector_store %arg9[%swap3A_312], %add3A_311 {strides = array<i32>} : memref<32xi32, #tpu.memory_space<vmem>>, vector<16xi32>,
    %mul3A_314 = arith.mulf %mul3A_298, %sub3A_301 : vector<16xf32>
    %swap3A_315 = arith.constant 16 : index
    %swap3A_316 = tpu.vector_load %arg10[%swap3A_315] {strides = array<i32>} : memref<32xf32, #tpu.memory_space<vmem>>, vector<16xf32>,
    tpu.vector_store %arg10[%swap3A_315], %mul3A_314 {strides = array<i32>} : memref<32xf32, #tpu.memory_space<vmem>>, vector<16xf32>,
    %mul3A_317 = arith.mulf %mul3A_298, %sub3A_265 : vector<16xf32>
    %swap3A_318 = arith.constant 16 : index
    %swap3A_319 = tpu.vector_load %arg11[%swap3A_318] {strides = array<i32>} : memref<32xf32, #tpu.memory_space<vmem>>, vector<16xf32>,
    tpu.vector_store %arg11[%swap3A_318], %mul3A_317 {strides = array<i32>} : memref<32xf32, #tpu.memory_space<vmem>>, vector<16xf32>,
    %mul3A_320 = arith.mulf %sub3A_263, %select_n3A_294 : vector<16xf32>
    %mul3A_321 = arith.mulf %mul3A_320, %sub3A_301 : vector<16xf32>
    %swap3A_322 = arith.constant 16 : index
    %swap3A_323 = tpu.vector_load %arg12[%swap3A_322] {strides = array<i32>} : memref<32xf32, #tpu.memory_space<vmem>>, vector<16xf32>,
    tpu.vector_store %arg12[%swap3A_322], %mul3A_321 {strides = array<i32>} : memref<32xf32, #tpu.memory_space<vmem>>, vector<16xf32>,
    %mul3A_324 = arith.mulf %sub3A_263, %select_n3A_294 : vector<16xf32>
    %mul3A_325 = arith.mulf %mul3A_324, %sub3A_265 : vector<16xf32>
    %swap3A_326 = arith.constant 16 : index
    %swap3A_327 = tpu.vector_load %arg13[%swap3A_326] {strides = array<i32>} : memref<32xf32, #tpu.memory_space<vmem>>, vector<16xf32>,
    tpu.vector_store %arg13[%swap3A_326], %mul3A_325 {strides = array<i32>} : memref<32xf32, #tpu.memory_space<vmem>>, vector<16xf32>,
    %dma_start3A = arith.constant 0 : i32
    %dma_start3A_328 = arith.constant 0 : i32
    %dma_start3A_329 = tpu.memref_slice %arg2[%dma_start3A, %dma_start3A_328] : memref<8192x256xf32, #tpu.memory_space<hbm>> -> memref<8192x256xf32, #tpu.memory_space<hbm>>
    tpu.enqueue_indirect_dma source(%dma_start3A_329 : memref<8192x256xf32, #tpu.memory_space<hbm>>) target(%arg14 : memref<32x256xf32, #tpu.memory_space<vmem>>) offsets(%arg6 : memref<32xi32, #tpu.memory_space<vmem>>) semaphore(%arg32 : memref<!tpu.dma_semaphore, #tpu.memory_space<semaphore_mem>>)
    %dma_start3A_330 = arith.constant 0 : i32
    %dma_start3A_331 = arith.constant 0 : i32
    %dma_start3A_332 = tpu.memref_slice %arg2[%dma_start3A_330, %dma_start3A_331] : memref<8192x256xf32, #tpu.memory_space<hbm>> -> memref<8192x256xf32, #tpu.memory_space<hbm>>
    tpu.enqueue_indirect_dma source(%dma_start3A_332 : memref<8192x256xf32, #tpu.memory_space<hbm>>) target(%arg15 : memref<32x256xf32, #tpu.memory_space<vmem>>) offsets(%arg7 : memref<32xi32, #tpu.memory_space<vmem>>) semaphore(%arg32 : memref<!tpu.dma_semaphore, #tpu.memory_space<semaphore_mem>>)
    %dma_start3A_333 = arith.constant 0 : i32
    %dma_start3A_334 = arith.constant 0 : i32
    %dma_start3A_335 = tpu.memref_slice %arg2[%dma_start3A_333, %dma_start3A_334] : memref<8192x256xf32, #tpu.memory_space<hbm>> -> memref<8192x256xf32, #tpu.memory_space<hbm>>
    tpu.enqueue_indirect_dma source(%dma_start3A_335 : memref<8192x256xf32, #tpu.memory_space<hbm>>) target(%arg16 : memref<32x256xf32, #tpu.memory_space<vmem>>) offsets(%arg8 : memref<32xi32, #tpu.memory_space<vmem>>) semaphore(%arg32 : memref<!tpu.dma_semaphore, #tpu.memory_space<semaphore_mem>>)
    %dma_start3A_336 = arith.constant 0 : i32
    %dma_start3A_337 = arith.constant 0 : i32
    %dma_start3A_338 = tpu.memref_slice %arg2[%dma_start3A_336, %dma_start3A_337] : memref<8192x256xf32, #tpu.memory_space<hbm>> -> memref<8192x256xf32, #tpu.memory_space<hbm>>
    tpu.enqueue_indirect_dma source(%dma_start3A_338 : memref<8192x256xf32, #tpu.memory_space<hbm>>) target(%arg17 : memref<32x256xf32, #tpu.memory_space<vmem>>) offsets(%arg9 : memref<32xi32, #tpu.memory_space<vmem>>) semaphore(%arg32 : memref<!tpu.dma_semaphore, #tpu.memory_space<semaphore_mem>>)
    %scan3A = arith.constant 0 : i32
    %scan3A_339 = arith.constant 0 : i32
    %scan3A_340 = arith.constant 120 : i32
    %scan3A_341 = arith.addi %scan3A_339, %scan3A_340 : i32
    %scan3A_342 = arith.constant 1 : i32
    scf.for %scan3A_355 = %scan3A_339 to %scan3A_341 step %scan3A_342  : i32 {
      %mul3A_356 = arith.constant 2 : i32
      %mul3A_357 = arith.muli %mul3A_356, %scan3A_355 : i32
      %add3A_358 = arith.constant 1 : i32
      %add3A_359 = arith.addi %mul3A_357, %add3A_358 : i32
      %mul3A_360 = arith.constant 32 : i32
      %mul3A_361 = arith.muli %add3A_359, %mul3A_360 : i32
      %add3A_362 = arith.addi %mul3A_2, %mul3A_361 : i32
      %add3A_363 = arith.constant 0 : i32
      %add3A_364 = arith.addi %add3A_362, %add3A_363 : i32
      %add3A_365 = vector.broadcast %add3A_364 : i32 to vector<16xi32>
      %add3A_366 = arith.addi %iota3A, %add3A_365 : vector<16xi32>
      %div3A_367 = arith.constant 49 : i32
      %div3A_368 = vector.broadcast %div3A_367 : i32 to vector<16xi32>
      %div3A_369 = arith.divsi %add3A_366, %div3A_368 : vector<16xi32>
      %mul3A_370 = arith.constant 49 : i32
      %mul3A_371 = vector.broadcast %mul3A_370 : i32 to vector<16xi32>
      %mul3A_372 = arith.muli %div3A_369, %mul3A_371 : vector<16xi32>
      %sub3A_373 = arith.subi %add3A_366, %mul3A_372 : vector<16xi32>
      %div3A_374 = arith.constant 7 : i32
      %div3A_375 = vector.broadcast %div3A_374 : i32 to vector<16xi32>
      %div3A_376 = arith.divsi %sub3A_373, %div3A_375 : vector<16xi32>
      %mul3A_377 = arith.constant 7 : i32
      %mul3A_378 = vector.broadcast %mul3A_377 : i32 to vector<16xi32>
      %mul3A_379 = arith.muli %div3A_376, %mul3A_378 : vector<16xi32>
      %sub3A_380 = arith.subi %sub3A_373, %mul3A_379 : vector<16xi32>
      %min3A_381 = arith.constant 4999 : i32
      %min3A_382 = vector.broadcast %min3A_381 : i32 to vector<16xi32>
      %min3A_383 = arith.minsi %div3A_369, %min3A_382 : vector<16xi32>
      %mul3A_384 = arith.constant 5 : i32
      %mul3A_385 = vector.broadcast %mul3A_384 : i32 to vector<16xi32>
      %mul3A_386 = arith.muli %min3A_383, %mul3A_385 : vector<16xi32>
      %gather3A_387 = tpu.vector_load_idx %arg5[%mul3A_386] : memref<25000xf32, #tpu.memory_space<vmem>>[vector<16xi32>], vector<16xf32>,
      %add3A_388 = arith.constant 1 : i32
      %add3A_389 = vector.broadcast %add3A_388 : i32 to vector<16xi32>
      %add3A_390 = arith.addi %mul3A_386, %add3A_389 : vector<16xi32>
      %gather3A_391 = tpu.vector_load_idx %arg5[%add3A_390] : memref<25000xf32, #tpu.memory_space<vmem>>[vector<16xi32>], vector<16xf32>,
      %mul3A_392 = arith.constant 6.250000e-02 : f32
      %mul3A_393 = vector.broadcast %mul3A_392 : f32 to vector<16xf32>
      %mul3A_394 = arith.mulf %gather3A_391, %mul3A_393 : vector<16xf32>
      %add3A_395 = arith.constant 2 : i32
      %add3A_396 = vector.broadcast %add3A_395 : i32 to vector<16xi32>
      %add3A_397 = arith.addi %mul3A_386, %add3A_396 : vector<16xi32>
      %gather3A_398 = tpu.vector_load_idx %arg5[%add3A_397] : memref<25000xf32, #tpu.memory_space<vmem>>[vector<16xi32>], vector<16xf32>,
      %mul3A_399 = arith.constant 6.250000e-02 : f32
      %mul3A_400 = vector.broadcast %mul3A_399 : f32 to vector<16xf32>
      %mul3A_401 = arith.mulf %gather3A_398, %mul3A_400 : vector<16xf32>
      %add3A_402 = arith.constant 3 : i32
      %add3A_403 = vector.broadcast %add3A_402 : i32 to vector<16xi32>
      %add3A_404 = arith.addi %mul3A_386, %add3A_403 : vector<16xi32>
      %gather3A_405 = tpu.vector_load_idx %arg5[%add3A_404] : memref<25000xf32, #tpu.memory_space<vmem>>[vector<16xi32>], vector<16xf32>,
      %mul3A_406 = arith.constant 6.250000e-02 : f32
      %mul3A_407 = vector.broadcast %mul3A_406 : f32 to vector<16xf32>
      %mul3A_408 = arith.mulf %gather3A_405, %mul3A_407 : vector<16xf32>
      %add3A_409 = arith.constant 4 : i32
      %add3A_410 = vector.broadcast %add3A_409 : i32 to vector<16xi32>
      %add3A_411 = arith.addi %mul3A_386, %add3A_410 : vector<16xi32>
      %gather3A_412 = tpu.vector_load_idx %arg5[%add3A_411] : memref<25000xf32, #tpu.memory_space<vmem>>[vector<16xi32>], vector<16xf32>,
      %mul3A_413 = arith.constant 6.250000e-02 : f32
      %mul3A_414 = vector.broadcast %mul3A_413 : f32 to vector<16xf32>
      %mul3A_415 = arith.mulf %gather3A_412, %mul3A_414 : vector<16xf32>
      %sub3A_416 = arith.subf %mul3A_408, %mul3A_394 : vector<16xf32>
      %max3A_417 = arith.constant 0.000000e+00 : f32
      %max3A_418 = vector.broadcast %max3A_417 : f32 to vector<16xf32>
      %max3A_419 = arith.maximumf %sub3A_416, %max3A_418 : vector<16xf32>
      %mul3A_420 = arith.constant 0.166666672 : f32
      %mul3A_421 = vector.broadcast %mul3A_420 : f32 to vector<16xf32>
      %mul3A_422 = arith.mulf %max3A_419, %mul3A_421 : vector<16xf32>
      %sub3A_423 = arith.subf %mul3A_415, %mul3A_401 : vector<16xf32>
      %max3A_424 = arith.constant 0.000000e+00 : f32
      %max3A_425 = vector.broadcast %max3A_424 : f32 to vector<16xf32>
      %max3A_426 = arith.maximumf %sub3A_423, %max3A_425 : vector<16xf32>
      %mul3A_427 = arith.constant 0.166666672 : f32
      %mul3A_428 = vector.broadcast %mul3A_427 : f32 to vector<16xf32>
      %mul3A_429 = arith.mulf %max3A_426, %mul3A_428 : vector<16xf32>
      %convert_element_type3A_430 = arith.sitofp %div3A_376 : vector<16xi32> to vector<16xf32>
      %mul3A_431 = arith.mulf %convert_element_type3A_430, %mul3A_429 : vector<16xf32>
      %add3A_432 = arith.addf %mul3A_401, %mul3A_431 : vector<16xf32>
      %convert_element_type3A_433 = arith.sitofp %sub3A_380 : vector<16xi32> to vector<16xf32>
      %mul3A_434 = arith.mulf %convert_element_type3A_433, %mul3A_422 : vector<16xf32>
      %add3A_435 = arith.addf %mul3A_394, %mul3A_434 : vector<16xf32>
      %ge3A_436 = arith.constant 0.000000e+00 : f32
      %ge3A_437 = vector.broadcast %ge3A_436 : f32 to vector<16xf32>
      %ge3A_438 = arith.cmpf oge, %add3A_432, %ge3A_437 : vector<16xf32>
      %lt3A_439 = arith.constant 6.400000e+01 : f32
      %lt3A_440 = vector.broadcast %lt3A_439 : f32 to vector<16xf32>
      %lt3A_441 = arith.cmpf olt, %add3A_432, %lt3A_440 : vector<16xf32>
      %and3A_442 = arith.andi %ge3A_438, %lt3A_441 : vector<16xi1>
      %ge3A_443 = arith.constant 0.000000e+00 : f32
      %ge3A_444 = vector.broadcast %ge3A_443 : f32 to vector<16xf32>
      %ge3A_445 = arith.cmpf oge, %add3A_435, %ge3A_444 : vector<16xf32>
      %and3A_446 = arith.andi %and3A_442, %ge3A_445 : vector<16xi1>
      %lt3A_447 = arith.constant 6.400000e+01 : f32
      %lt3A_448 = vector.broadcast %lt3A_447 : f32 to vector<16xf32>
      %lt3A_449 = arith.cmpf olt, %add3A_435, %lt3A_448 : vector<16xf32>
      %and3A_450 = arith.andi %and3A_446, %lt3A_449 : vector<16xi1>
      %jit3A_451 = arith.constant 0.000000e+00 : f32
      %jit3A_452 = arith.constant 6.300000e+01 : f32
      %max3A_453 = vector.broadcast %jit3A_451 : f32 to vector<16xf32>
      %max3A_454 = arith.maximumf %max3A_453, %add3A_432 : vector<16xf32>
      %min3A_455 = vector.broadcast %jit3A_452 : f32 to vector<16xf32>
      %min3A_456 = arith.minimumf %min3A_455, %max3A_454 : vector<16xf32>
      %convert_element_type3A_457 = arith.fptosi %min3A_456 : vector<16xf32> to vector<16xi32>
      %jit3A_458 = arith.constant 0.000000e+00 : f32
      %jit3A_459 = arith.constant 6.300000e+01 : f32
      %max3A_460 = vector.broadcast %jit3A_458 : f32 to vector<16xf32>
      %max3A_461 = arith.maximumf %max3A_460, %add3A_435 : vector<16xf32>
      %min3A_462 = vector.broadcast %jit3A_459 : f32 to vector<16xf32>
      %min3A_463 = arith.minimumf %min3A_462, %max3A_461 : vector<16xf32>
      %convert_element_type3A_464 = arith.fptosi %min3A_463 : vector<16xf32> to vector<16xi32>
      %convert_element_type3A_465 = arith.sitofp %convert_element_type3A_457 : vector<16xi32> to vector<16xf32>
      %sub3A_466 = arith.subf %add3A_432, %convert_element_type3A_465 : vector<16xf32>
      %convert_element_type3A_467 = arith.sitofp %convert_element_type3A_464 : vector<16xi32> to vector<16xf32>
      %sub3A_468 = arith.subf %add3A_435, %convert_element_type3A_467 : vector<16xf32>
      %add3A_469 = arith.constant 1 : i32
      %add3A_470 = vector.broadcast %add3A_469 : i32 to vector<16xi32>
      %add3A_471 = arith.addi %convert_element_type3A_457, %add3A_470 : vector<16xi32>
      %min3A_472 = arith.constant 63 : i32
      %min3A_473 = vector.broadcast %min3A_472 : i32 to vector<16xi32>
      %min3A_474 = arith.minsi %add3A_471, %min3A_473 : vector<16xi32>
      %add3A_475 = arith.constant 1 : i32
      %add3A_476 = vector.broadcast %add3A_475 : i32 to vector<16xi32>
      %add3A_477 = arith.addi %convert_element_type3A_464, %add3A_476 : vector<16xi32>
      %min3A_478 = arith.constant 63 : i32
      %min3A_479 = vector.broadcast %min3A_478 : i32 to vector<16xi32>
      %min3A_480 = arith.minsi %add3A_477, %min3A_479 : vector<16xi32>
      %convert_element_type3A_481 = arith.fptosi %gather3A_387 : vector<16xf32> to vector<16xi32>
      %mul3A_482 = arith.constant 4096 : i32
      %mul3A_483 = vector.broadcast %mul3A_482 : i32 to vector<16xi32>
      %mul3A_484 = arith.muli %convert_element_type3A_481, %mul3A_483 : vector<16xi32>
      %mul3A_485 = arith.constant 64 : i32
      %mul3A_486 = vector.broadcast %mul3A_485 : i32 to vector<16xi32>
      %mul3A_487 = arith.muli %convert_element_type3A_457, %mul3A_486 : vector<16xi32>
      %add3A_488 = arith.addi %mul3A_484, %mul3A_487 : vector<16xi32>
      %mul3A_489 = arith.constant 64 : i32
      %mul3A_490 = vector.broadcast %mul3A_489 : i32 to vector<16xi32>
      %mul3A_491 = arith.muli %min3A_474, %mul3A_490 : vector<16xi32>
      %add3A_492 = arith.addi %mul3A_484, %mul3A_491 : vector<16xi32>
      %jit3A_493 = arith.constant 1.000000e+00 : f32
      %jit3A_494 = arith.constant 0.000000e+00 : f32
      %broadcast_in_dim3A_495 = vector.broadcast %jit3A_493 : f32 to vector<16xf32>
      %broadcast_in_dim3A_496 = vector.broadcast %jit3A_494 : f32 to vector<16xf32>
      %select_n3A_497 = arith.select %and3A_450, %broadcast_in_dim3A_495, %broadcast_in_dim3A_496 : vector<16xi1>, vector<16xf32>
      %sub3A_498 = arith.constant 1.000000e+00 : f32
      %sub3A_499 = vector.broadcast %sub3A_498 : f32 to vector<16xf32>
      %sub3A_500 = arith.subf %sub3A_499, %sub3A_466 : vector<16xf32>
      %mul3A_501 = arith.mulf %sub3A_500, %select_n3A_497 : vector<16xf32>
      %sub3A_502 = arith.constant 1.000000e+00 : f32
      %sub3A_503 = vector.broadcast %sub3A_502 : f32 to vector<16xf32>
      %sub3A_504 = arith.subf %sub3A_503, %sub3A_468 : vector<16xf32>
      %add3A_505 = arith.addi %add3A_488, %convert_element_type3A_464 : vector<16xi32>
      %swap3A_506 = arith.constant 0 : index
      %swap3A_507 = tpu.vector_load %arg19[%swap3A_506] {strides = array<i32>} : memref<32xi32, #tpu.memory_space<vmem>>, vector<16xi32>,
      tpu.vector_store %arg19[%swap3A_506], %add3A_505 {strides = array<i32>} : memref<32xi32, #tpu.memory_space<vmem>>, vector<16xi32>,
      %add3A_508 = arith.addi %add3A_488, %min3A_480 : vector<16xi32>
      %swap3A_509 = arith.constant 0 : index
      %swap3A_510 = tpu.vector_load %arg20[%swap3A_509] {strides = array<i32>} : memref<32xi32, #tpu.memory_space<vmem>>, vector<16xi32>,
      tpu.vector_store %arg20[%swap3A_509], %add3A_508 {strides = array<i32>} : memref<32xi32, #tpu.memory_space<vmem>>, vector<16xi32>,
      %add3A_511 = arith.addi %add3A_492, %convert_element_type3A_464 : vector<16xi32>
      %swap3A_512 = arith.constant 0 : index
      %swap3A_513 = tpu.vector_load %arg21[%swap3A_512] {strides = array<i32>} : memref<32xi32, #tpu.memory_space<vmem>>, vector<16xi32>,
      tpu.vector_store %arg21[%swap3A_512], %add3A_511 {strides = array<i32>} : memref<32xi32, #tpu.memory_space<vmem>>, vector<16xi32>,
      %add3A_514 = arith.addi %add3A_492, %min3A_480 : vector<16xi32>
      %swap3A_515 = arith.constant 0 : index
      %swap3A_516 = tpu.vector_load %arg22[%swap3A_515] {strides = array<i32>} : memref<32xi32, #tpu.memory_space<vmem>>, vector<16xi32>,
      tpu.vector_store %arg22[%swap3A_515], %add3A_514 {strides = array<i32>} : memref<32xi32, #tpu.memory_space<vmem>>, vector<16xi32>,
      %mul3A_517 = arith.mulf %mul3A_501, %sub3A_504 : vector<16xf32>
      %swap3A_518 = arith.constant 0 : index
      %swap3A_519 = tpu.vector_load %arg23[%swap3A_518] {strides = array<i32>} : memref<32xf32, #tpu.memory_space<vmem>>, vector<16xf32>,
      tpu.vector_store %arg23[%swap3A_518], %mul3A_517 {strides = array<i32>} : memref<32xf32, #tpu.memory_space<vmem>>, vector<16xf32>,
      %mul3A_520 = arith.mulf %mul3A_501, %sub3A_468 : vector<16xf32>
      %swap3A_521 = arith.constant 0 : index
      %swap3A_522 = tpu.vector_load %arg24[%swap3A_521] {strides = array<i32>} : memref<32xf32, #tpu.memory_space<vmem>>, vector<16xf32>,
      tpu.vector_store %arg24[%swap3A_521], %mul3A_520 {strides = array<i32>} : memref<32xf32, #tpu.memory_space<vmem>>, vector<16xf32>,
      %mul3A_523 = arith.mulf %sub3A_466, %select_n3A_497 : vector<16xf32>
      %mul3A_524 = arith.mulf %mul3A_523, %sub3A_504 : vector<16xf32>
      %swap3A_525 = arith.constant 0 : index
      %swap3A_526 = tpu.vector_load %arg25[%swap3A_525] {strides = array<i32>} : memref<32xf32, #tpu.memory_space<vmem>>, vector<16xf32>,
      tpu.vector_store %arg25[%swap3A_525], %mul3A_524 {strides = array<i32>} : memref<32xf32, #tpu.memory_space<vmem>>, vector<16xf32>,
      %mul3A_527 = arith.mulf %sub3A_466, %select_n3A_497 : vector<16xf32>
      %mul3A_528 = arith.mulf %mul3A_527, %sub3A_468 : vector<16xf32>
      %swap3A_529 = arith.constant 0 : index
      %swap3A_530 = tpu.vector_load %arg26[%swap3A_529] {strides = array<i32>} : memref<32xf32, #tpu.memory_space<vmem>>, vector<16xf32>,
      tpu.vector_store %arg26[%swap3A_529], %mul3A_528 {strides = array<i32>} : memref<32xf32, #tpu.memory_space<vmem>>, vector<16xf32>,
      %add3A_531 = arith.constant 16 : i32
      %add3A_532 = arith.addi %add3A_362, %add3A_531 : i32
      %add3A_533 = vector.broadcast %add3A_532 : i32 to vector<16xi32>
      %add3A_534 = arith.addi %iota3A, %add3A_533 : vector<16xi32>
      %div3A_535 = arith.constant 49 : i32
      %div3A_536 = vector.broadcast %div3A_535 : i32 to vector<16xi32>
      %div3A_537 = arith.divsi %add3A_534, %div3A_536 : vector<16xi32>
      %mul3A_538 = arith.constant 49 : i32
      %mul3A_539 = vector.broadcast %mul3A_538 : i32 to vector<16xi32>
      %mul3A_540 = arith.muli %div3A_537, %mul3A_539 : vector<16xi32>
      %sub3A_541 = arith.subi %add3A_534, %mul3A_540 : vector<16xi32>
      %div3A_542 = arith.constant 7 : i32
      %div3A_543 = vector.broadcast %div3A_542 : i32 to vector<16xi32>
      %div3A_544 = arith.divsi %sub3A_541, %div3A_543 : vector<16xi32>
      %mul3A_545 = arith.constant 7 : i32
      %mul3A_546 = vector.broadcast %mul3A_545 : i32 to vector<16xi32>
      %mul3A_547 = arith.muli %div3A_544, %mul3A_546 : vector<16xi32>
      %sub3A_548 = arith.subi %sub3A_541, %mul3A_547 : vector<16xi32>
      %min3A_549 = arith.constant 4999 : i32
      %min3A_550 = vector.broadcast %min3A_549 : i32 to vector<16xi32>
      %min3A_551 = arith.minsi %div3A_537, %min3A_550 : vector<16xi32>
      %mul3A_552 = arith.constant 5 : i32
      %mul3A_553 = vector.broadcast %mul3A_552 : i32 to vector<16xi32>
      %mul3A_554 = arith.muli %min3A_551, %mul3A_553 : vector<16xi32>
      %gather3A_555 = tpu.vector_load_idx %arg5[%mul3A_554] : memref<25000xf32, #tpu.memory_space<vmem>>[vector<16xi32>], vector<16xf32>,
      %add3A_556 = arith.constant 1 : i32
      %add3A_557 = vector.broadcast %add3A_556 : i32 to vector<16xi32>
      %add3A_558 = arith.addi %mul3A_554, %add3A_557 : vector<16xi32>
      %gather3A_559 = tpu.vector_load_idx %arg5[%add3A_558] : memref<25000xf32, #tpu.memory_space<vmem>>[vector<16xi32>], vector<16xf32>,
      %mul3A_560 = arith.constant 6.250000e-02 : f32
      %mul3A_561 = vector.broadcast %mul3A_560 : f32 to vector<16xf32>
      %mul3A_562 = arith.mulf %gather3A_559, %mul3A_561 : vector<16xf32>
      %add3A_563 = arith.constant 2 : i32
      %add3A_564 = vector.broadcast %add3A_563 : i32 to vector<16xi32>
      %add3A_565 = arith.addi %mul3A_554, %add3A_564 : vector<16xi32>
      %gather3A_566 = tpu.vector_load_idx %arg5[%add3A_565] : memref<25000xf32, #tpu.memory_space<vmem>>[vector<16xi32>], vector<16xf32>,
      %mul3A_567 = arith.constant 6.250000e-02 : f32
      %mul3A_568 = vector.broadcast %mul3A_567 : f32 to vector<16xf32>
      %mul3A_569 = arith.mulf %gather3A_566, %mul3A_568 : vector<16xf32>
      %add3A_570 = arith.constant 3 : i32
      %add3A_571 = vector.broadcast %add3A_570 : i32 to vector<16xi32>
      %add3A_572 = arith.addi %mul3A_554, %add3A_571 : vector<16xi32>
      %gather3A_573 = tpu.vector_load_idx %arg5[%add3A_572] : memref<25000xf32, #tpu.memory_space<vmem>>[vector<16xi32>], vector<16xf32>,
      %mul3A_574 = arith.constant 6.250000e-02 : f32
      %mul3A_575 = vector.broadcast %mul3A_574 : f32 to vector<16xf32>
      %mul3A_576 = arith.mulf %gather3A_573, %mul3A_575 : vector<16xf32>
      %add3A_577 = arith.constant 4 : i32
      %add3A_578 = vector.broadcast %add3A_577 : i32 to vector<16xi32>
      %add3A_579 = arith.addi %mul3A_554, %add3A_578 : vector<16xi32>
      %gather3A_580 = tpu.vector_load_idx %arg5[%add3A_579] : memref<25000xf32, #tpu.memory_space<vmem>>[vector<16xi32>], vector<16xf32>,
      %mul3A_581 = arith.constant 6.250000e-02 : f32
      %mul3A_582 = vector.broadcast %mul3A_581 : f32 to vector<16xf32>
      %mul3A_583 = arith.mulf %gather3A_580, %mul3A_582 : vector<16xf32>
      %sub3A_584 = arith.subf %mul3A_576, %mul3A_562 : vector<16xf32>
      %max3A_585 = arith.constant 0.000000e+00 : f32
      %max3A_586 = vector.broadcast %max3A_585 : f32 to vector<16xf32>
      %max3A_587 = arith.maximumf %sub3A_584, %max3A_586 : vector<16xf32>
      %mul3A_588 = arith.constant 0.166666672 : f32
      %mul3A_589 = vector.broadcast %mul3A_588 : f32 to vector<16xf32>
      %mul3A_590 = arith.mulf %max3A_587, %mul3A_589 : vector<16xf32>
      %sub3A_591 = arith.subf %mul3A_583, %mul3A_569 : vector<16xf32>
      %max3A_592 = arith.constant 0.000000e+00 : f32
      %max3A_593 = vector.broadcast %max3A_592 : f32 to vector<16xf32>
      %max3A_594 = arith.maximumf %sub3A_591, %max3A_593 : vector<16xf32>
      %mul3A_595 = arith.constant 0.166666672 : f32
      %mul3A_596 = vector.broadcast %mul3A_595 : f32 to vector<16xf32>
      %mul3A_597 = arith.mulf %max3A_594, %mul3A_596 : vector<16xf32>
      %convert_element_type3A_598 = arith.sitofp %div3A_544 : vector<16xi32> to vector<16xf32>
      %mul3A_599 = arith.mulf %convert_element_type3A_598, %mul3A_597 : vector<16xf32>
      %add3A_600 = arith.addf %mul3A_569, %mul3A_599 : vector<16xf32>
      %convert_element_type3A_601 = arith.sitofp %sub3A_548 : vector<16xi32> to vector<16xf32>
      %mul3A_602 = arith.mulf %convert_element_type3A_601, %mul3A_590 : vector<16xf32>
      %add3A_603 = arith.addf %mul3A_562, %mul3A_602 : vector<16xf32>
      %ge3A_604 = arith.constant 0.000000e+00 : f32
      %ge3A_605 = vector.broadcast %ge3A_604 : f32 to vector<16xf32>
      %ge3A_606 = arith.cmpf oge, %add3A_600, %ge3A_605 : vector<16xf32>
      %lt3A_607 = arith.constant 6.400000e+01 : f32
      %lt3A_608 = vector.broadcast %lt3A_607 : f32 to vector<16xf32>
      %lt3A_609 = arith.cmpf olt, %add3A_600, %lt3A_608 : vector<16xf32>
      %and3A_610 = arith.andi %ge3A_606, %lt3A_609 : vector<16xi1>
      %ge3A_611 = arith.constant 0.000000e+00 : f32
      %ge3A_612 = vector.broadcast %ge3A_611 : f32 to vector<16xf32>
      %ge3A_613 = arith.cmpf oge, %add3A_603, %ge3A_612 : vector<16xf32>
      %and3A_614 = arith.andi %and3A_610, %ge3A_613 : vector<16xi1>
      %lt3A_615 = arith.constant 6.400000e+01 : f32
      %lt3A_616 = vector.broadcast %lt3A_615 : f32 to vector<16xf32>
      %lt3A_617 = arith.cmpf olt, %add3A_603, %lt3A_616 : vector<16xf32>
      %and3A_618 = arith.andi %and3A_614, %lt3A_617 : vector<16xi1>
      %jit3A_619 = arith.constant 0.000000e+00 : f32
      %jit3A_620 = arith.constant 6.300000e+01 : f32
      %max3A_621 = vector.broadcast %jit3A_619 : f32 to vector<16xf32>
      %max3A_622 = arith.maximumf %max3A_621, %add3A_600 : vector<16xf32>
      %min3A_623 = vector.broadcast %jit3A_620 : f32 to vector<16xf32>
      %min3A_624 = arith.minimumf %min3A_623, %max3A_622 : vector<16xf32>
      %convert_element_type3A_625 = arith.fptosi %min3A_624 : vector<16xf32> to vector<16xi32>
      %jit3A_626 = arith.constant 0.000000e+00 : f32
      %jit3A_627 = arith.constant 6.300000e+01 : f32
      %max3A_628 = vector.broadcast %jit3A_626 : f32 to vector<16xf32>
      %max3A_629 = arith.maximumf %max3A_628, %add3A_603 : vector<16xf32>
      %min3A_630 = vector.broadcast %jit3A_627 : f32 to vector<16xf32>
      %min3A_631 = arith.minimumf %min3A_630, %max3A_629 : vector<16xf32>
      %convert_element_type3A_632 = arith.fptosi %min3A_631 : vector<16xf32> to vector<16xi32>
      %convert_element_type3A_633 = arith.sitofp %convert_element_type3A_625 : vector<16xi32> to vector<16xf32>
      %sub3A_634 = arith.subf %add3A_600, %convert_element_type3A_633 : vector<16xf32>
      %convert_element_type3A_635 = arith.sitofp %convert_element_type3A_632 : vector<16xi32> to vector<16xf32>
      %sub3A_636 = arith.subf %add3A_603, %convert_element_type3A_635 : vector<16xf32>
      %add3A_637 = arith.constant 1 : i32
      %add3A_638 = vector.broadcast %add3A_637 : i32 to vector<16xi32>
      %add3A_639 = arith.addi %convert_element_type3A_625, %add3A_638 : vector<16xi32>
      %min3A_640 = arith.constant 63 : i32
      %min3A_641 = vector.broadcast %min3A_640 : i32 to vector<16xi32>
      %min3A_642 = arith.minsi %add3A_639, %min3A_641 : vector<16xi32>
      %add3A_643 = arith.constant 1 : i32
      %add3A_644 = vector.broadcast %add3A_643 : i32 to vector<16xi32>
      %add3A_645 = arith.addi %convert_element_type3A_632, %add3A_644 : vector<16xi32>
      %min3A_646 = arith.constant 63 : i32
      %min3A_647 = vector.broadcast %min3A_646 : i32 to vector<16xi32>
      %min3A_648 = arith.minsi %add3A_645, %min3A_647 : vector<16xi32>
      %convert_element_type3A_649 = arith.fptosi %gather3A_555 : vector<16xf32> to vector<16xi32>
      %mul3A_650 = arith.constant 4096 : i32
      %mul3A_651 = vector.broadcast %mul3A_650 : i32 to vector<16xi32>
      %mul3A_652 = arith.muli %convert_element_type3A_649, %mul3A_651 : vector<16xi32>
      %mul3A_653 = arith.constant 64 : i32
      %mul3A_654 = vector.broadcast %mul3A_653 : i32 to vector<16xi32>
      %mul3A_655 = arith.muli %convert_element_type3A_625, %mul3A_654 : vector<16xi32>
      %add3A_656 = arith.addi %mul3A_652, %mul3A_655 : vector<16xi32>
      %mul3A_657 = arith.constant 64 : i32
      %mul3A_658 = vector.broadcast %mul3A_657 : i32 to vector<16xi32>
      %mul3A_659 = arith.muli %min3A_642, %mul3A_658 : vector<16xi32>
      %add3A_660 = arith.addi %mul3A_652, %mul3A_659 : vector<16xi32>
      %jit3A_661 = arith.constant 1.000000e+00 : f32
      %jit3A_662 = arith.constant 0.000000e+00 : f32
      %broadcast_in_dim3A_663 = vector.broadcast %jit3A_661 : f32 to vector<16xf32>
      %broadcast_in_dim3A_664 = vector.broadcast %jit3A_662 : f32 to vector<16xf32>
      %select_n3A_665 = arith.select %and3A_618, %broadcast_in_dim3A_663, %broadcast_in_dim3A_664 : vector<16xi1>, vector<16xf32>
      %sub3A_666 = arith.constant 1.000000e+00 : f32
      %sub3A_667 = vector.broadcast %sub3A_666 : f32 to vector<16xf32>
      %sub3A_668 = arith.subf %sub3A_667, %sub3A_634 : vector<16xf32>
      %mul3A_669 = arith.mulf %sub3A_668, %select_n3A_665 : vector<16xf32>
      %sub3A_670 = arith.constant 1.000000e+00 : f32
      %sub3A_671 = vector.broadcast %sub3A_670 : f32 to vector<16xf32>
      %sub3A_672 = arith.subf %sub3A_671, %sub3A_636 : vector<16xf32>
      %add3A_673 = arith.addi %add3A_656, %convert_element_type3A_632 : vector<16xi32>
      %swap3A_674 = arith.constant 16 : index
      %swap3A_675 = tpu.vector_load %arg19[%swap3A_674] {strides = array<i32>} : memref<32xi32, #tpu.memory_space<vmem>>, vector<16xi32>,
      tpu.vector_store %arg19[%swap3A_674], %add3A_673 {strides = array<i32>} : memref<32xi32, #tpu.memory_space<vmem>>, vector<16xi32>,
      %add3A_676 = arith.addi %add3A_656, %min3A_648 : vector<16xi32>
      %swap3A_677 = arith.constant 16 : index
      %swap3A_678 = tpu.vector_load %arg20[%swap3A_677] {strides = array<i32>} : memref<32xi32, #tpu.memory_space<vmem>>, vector<16xi32>,
      tpu.vector_store %arg20[%swap3A_677], %add3A_676 {strides = array<i32>} : memref<32xi32, #tpu.memory_space<vmem>>, vector<16xi32>,
      %add3A_679 = arith.addi %add3A_660, %convert_element_type3A_632 : vector<16xi32>
      %swap3A_680 = arith.constant 16 : index
      %swap3A_681 = tpu.vector_load %arg21[%swap3A_680] {strides = array<i32>} : memref<32xi32, #tpu.memory_space<vmem>>, vector<16xi32>,
      tpu.vector_store %arg21[%swap3A_680], %add3A_679 {strides = array<i32>} : memref<32xi32, #tpu.memory_space<vmem>>, vector<16xi32>,
      %add3A_682 = arith.addi %add3A_660, %min3A_648 : vector<16xi32>
      %swap3A_683 = arith.constant 16 : index
      %swap3A_684 = tpu.vector_load %arg22[%swap3A_683] {strides = array<i32>} : memref<32xi32, #tpu.memory_space<vmem>>, vector<16xi32>,
      tpu.vector_store %arg22[%swap3A_683], %add3A_682 {strides = array<i32>} : memref<32xi32, #tpu.memory_space<vmem>>, vector<16xi32>,
      %mul3A_685 = arith.mulf %mul3A_669, %sub3A_672 : vector<16xf32>
      %swap3A_686 = arith.constant 16 : index
      %swap3A_687 = tpu.vector_load %arg23[%swap3A_686] {strides = array<i32>} : memref<32xf32, #tpu.memory_space<vmem>>, vector<16xf32>,
      tpu.vector_store %arg23[%swap3A_686], %mul3A_685 {strides = array<i32>} : memref<32xf32, #tpu.memory_space<vmem>>, vector<16xf32>,
      %mul3A_688 = arith.mulf %mul3A_669, %sub3A_636 : vector<16xf32>
      %swap3A_689 = arith.constant 16 : index
      %swap3A_690 = tpu.vector_load %arg24[%swap3A_689] {strides = array<i32>} : memref<32xf32, #tpu.memory_space<vmem>>, vector<16xf32>,
      tpu.vector_store %arg24[%swap3A_689], %mul3A_688 {strides = array<i32>} : memref<32xf32, #tpu.memory_space<vmem>>, vector<16xf32>,
      %mul3A_691 = arith.mulf %sub3A_634, %select_n3A_665 : vector<16xf32>
      %mul3A_692 = arith.mulf %mul3A_691, %sub3A_672 : vector<16xf32>
      %swap3A_693 = arith.constant 16 : index
      %swap3A_694 = tpu.vector_load %arg25[%swap3A_693] {strides = array<i32>} : memref<32xf32, #tpu.memory_space<vmem>>, vector<16xf32>,
      tpu.vector_store %arg25[%swap3A_693], %mul3A_692 {strides = array<i32>} : memref<32xf32, #tpu.memory_space<vmem>>, vector<16xf32>,
      %mul3A_695 = arith.mulf %sub3A_634, %select_n3A_665 : vector<16xf32>
      %mul3A_696 = arith.mulf %mul3A_695, %sub3A_636 : vector<16xf32>
      %swap3A_697 = arith.constant 16 : index
      %swap3A_698 = tpu.vector_load %arg26[%swap3A_697] {strides = array<i32>} : memref<32xf32, #tpu.memory_space<vmem>>, vector<16xf32>,
      tpu.vector_store %arg26[%swap3A_697], %mul3A_696 {strides = array<i32>} : memref<32xf32, #tpu.memory_space<vmem>>, vector<16xf32>,
      %dma_start3A_699 = arith.constant 0 : i32
      %dma_start3A_700 = arith.constant 0 : i32
      %dma_start3A_701 = tpu.memref_slice %arg2[%dma_start3A_699, %dma_start3A_700] : memref<8192x256xf32, #tpu.memory_space<hbm>> -> memref<8192x256xf32, #tpu.memory_space<hbm>>
      tpu.enqueue_indirect_dma source(%dma_start3A_701 : memref<8192x256xf32, #tpu.memory_space<hbm>>) target(%arg27 : memref<32x256xf32, #tpu.memory_space<vmem>>) offsets(%arg19 : memref<32xi32, #tpu.memory_space<vmem>>) semaphore(%arg33 : memref<!tpu.dma_semaphore, #tpu.memory_space<semaphore_mem>>)
      %dma_start3A_702 = arith.constant 0 : i32
      %dma_start3A_703 = arith.constant 0 : i32
      %dma_start3A_704 = tpu.memref_slice %arg2[%dma_start3A_702, %dma_start3A_703] : memref<8192x256xf32, #tpu.memory_space<hbm>> -> memref<8192x256xf32, #tpu.memory_space<hbm>>
      tpu.enqueue_indirect_dma source(%dma_start3A_704 : memref<8192x256xf32, #tpu.memory_space<hbm>>) target(%arg28 : memref<32x256xf32, #tpu.memory_space<vmem>>) offsets(%arg20 : memref<32xi32, #tpu.memory_space<vmem>>) semaphore(%arg33 : memref<!tpu.dma_semaphore, #tpu.memory_space<semaphore_mem>>)
      %dma_start3A_705 = arith.constant 0 : i32
      %dma_start3A_706 = arith.constant 0 : i32
      %dma_start3A_707 = tpu.memref_slice %arg2[%dma_start3A_705, %dma_start3A_706] : memref<8192x256xf32, #tpu.memory_space<hbm>> -> memref<8192x256xf32, #tpu.memory_space<hbm>>
      tpu.enqueue_indirect_dma source(%dma_start3A_707 : memref<8192x256xf32, #tpu.memory_space<hbm>>) target(%arg29 : memref<32x256xf32, #tpu.memory_space<vmem>>) offsets(%arg21 : memref<32xi32, #tpu.memory_space<vmem>>) semaphore(%arg33 : memref<!tpu.dma_semaphore, #tpu.memory_space<semaphore_mem>>)
      %dma_start3A_708 = arith.constant 0 : i32
      %dma_start3A_709 = arith.constant 0 : i32
      %dma_start3A_710 = tpu.memref_slice %arg2[%dma_start3A_708, %dma_start3A_709] : memref<8192x256xf32, #tpu.memory_space<hbm>> -> memref<8192x256xf32, #tpu.memory_space<hbm>>
      tpu.enqueue_indirect_dma source(%dma_start3A_710 : memref<8192x256xf32, #tpu.memory_space<hbm>>) target(%arg30 : memref<32x256xf32, #tpu.memory_space<vmem>>) offsets(%arg22 : memref<32xi32, #tpu.memory_space<vmem>>) semaphore(%arg33 : memref<!tpu.dma_semaphore, #tpu.memory_space<semaphore_mem>>)
      %dma_wait3A_711 = arith.constant 0 : i32
      %dma_wait3A_712 = arith.constant 0 : i32
      %dma_wait3A_713 = tpu.memref_slice %arg2[%dma_wait3A_711, %dma_wait3A_712] : memref<8192x256xf32, #tpu.memory_space<hbm>> -> memref<8192x256xf32, #tpu.memory_space<hbm>>
      tpu.wait_indirect_dma semaphore(%arg32 : memref<!tpu.dma_semaphore, #tpu.memory_space<semaphore_mem>>) src(%dma_wait3A_713 : memref<8192x256xf32, #tpu.memory_space<hbm>>) dst(%arg14 : memref<32x256xf32, #tpu.memory_space<vmem>>)
      %dma_wait3A_714 = arith.constant 0 : i32
      %dma_wait3A_715 = arith.constant 0 : i32
      %dma_wait3A_716 = tpu.memref_slice %arg2[%dma_wait3A_714, %dma_wait3A_715] : memref<8192x256xf32, #tpu.memory_space<hbm>> -> memref<8192x256xf32, #tpu.memory_space<hbm>>
      tpu.wait_indirect_dma semaphore(%arg32 : memref<!tpu.dma_semaphore, #tpu.memory_space<semaphore_mem>>) src(%dma_wait3A_716 : memref<8192x256xf32, #tpu.memory_space<hbm>>) dst(%arg15 : memref<32x256xf32, #tpu.memory_space<vmem>>)
      %dma_wait3A_717 = arith.constant 0 : i32
      %dma_wait3A_718 = arith.constant 0 : i32
      %dma_wait3A_719 = tpu.memref_slice %arg2[%dma_wait3A_717, %dma_wait3A_718] : memref<8192x256xf32, #tpu.memory_space<hbm>> -> memref<8192x256xf32, #tpu.memory_space<hbm>>
      tpu.wait_indirect_dma semaphore(%arg32 : memref<!tpu.dma_semaphore, #tpu.memory_space<semaphore_mem>>) src(%dma_wait3A_719 : memref<8192x256xf32, #tpu.memory_space<hbm>>) dst(%arg16 : memref<32x256xf32, #tpu.memory_space<vmem>>)
      %dma_wait3A_720 = arith.constant 0 : i32
      %dma_wait3A_721 = arith.constant 0 : i32
      %dma_wait3A_722 = tpu.memref_slice %arg2[%dma_wait3A_720, %dma_wait3A_721] : memref<8192x256xf32, #tpu.memory_space<hbm>> -> memref<8192x256xf32, #tpu.memory_space<hbm>>
      tpu.wait_indirect_dma semaphore(%arg32 : memref<!tpu.dma_semaphore, #tpu.memory_space<semaphore_mem>>) src(%dma_wait3A_722 : memref<8192x256xf32, #tpu.memory_space<hbm>>) dst(%arg17 : memref<32x256xf32, #tpu.memory_space<vmem>>)
      %scan3A_723 = arith.constant 0 : i32
      %scan3A_724 = arith.constant 0 : i32
      %scan3A_725 = arith.constant 32 : i32
      %scan3A_726 = arith.addi %scan3A_724, %scan3A_725 : i32
      %scan3A_727 = arith.constant 1 : i32
      scf.for %scan3A_1108 = %scan3A_724 to %scan3A_726 step %scan3A_727  : i32 {
        %broadcast_in_dim3A_1109 = arith.constant 0 : i32
        %broadcast_in_dim3A_1110 = vector.broadcast %broadcast_in_dim3A_1109 : i32 to vector<16xi32>
        %add3A_1111 = vector.broadcast %scan3A_1108 : i32 to vector<16xi32>
        %add3A_1112 = arith.addi %broadcast_in_dim3A_1110, %add3A_1111 : vector<16xi32>
        %gather3A_1113 = tpu.vector_load_idx %arg10[%add3A_1112] : memref<32xf32, #tpu.memory_space<vmem>>[vector<16xi32>], vector<16xf32>,
        %gather3A_1114 = tpu.vector_load_idx %arg11[%add3A_1112] : memref<32xf32, #tpu.memory_space<vmem>>[vector<16xi32>], vector<16xf32>,
        %gather3A_1115 = tpu.vector_load_idx %arg12[%add3A_1112] : memref<32xf32, #tpu.memory_space<vmem>>[vector<16xi32>], vector<16xf32>,
        %gather3A_1116 = tpu.vector_load_idx %arg13[%add3A_1112] : memref<32xf32, #tpu.memory_space<vmem>>[vector<16xi32>], vector<16xf32>,
        %get3A = arith.index_cast %scan3A_1108 : i32 to index
        %get3A_1117 = arith.constant 0 : index
        %get3A_1118 = tpu.vector_load %arg14[%get3A, %get3A_1117] {strides = array<i32>} : memref<32x256xf32, #tpu.memory_space<vmem>>, vector<16xf32>,
        %mul3A_1119 = arith.mulf %gather3A_1113, %get3A_1118 : vector<16xf32>
        %get3A_1120 = arith.index_cast %scan3A_1108 : i32 to index
        %get3A_1121 = arith.constant 0 : index
        %get3A_1122 = tpu.vector_load %arg15[%get3A_1120, %get3A_1121] {strides = array<i32>} : memref<32x256xf32, #tpu.memory_space<vmem>>, vector<16xf32>,
        %mul3A_1123 = arith.mulf %gather3A_1114, %get3A_1122 : vector<16xf32>
        %add3A_1124 = arith.addf %mul3A_1119, %mul3A_1123 : vector<16xf32>
        %get3A_1125 = arith.index_cast %scan3A_1108 : i32 to index
        %get3A_1126 = arith.constant 0 : index
        %get3A_1127 = tpu.vector_load %arg16[%get3A_1125, %get3A_1126] {strides = array<i32>} : memref<32x256xf32, #tpu.memory_space<vmem>>, vector<16xf32>,
        %mul3A_1128 = arith.mulf %gather3A_1115, %get3A_1127 : vector<16xf32>
        %add3A_1129 = arith.addf %add3A_1124, %mul3A_1128 : vector<16xf32>
        %get3A_1130 = arith.index_cast %scan3A_1108 : i32 to index
        %get3A_1131 = arith.constant 0 : index
        %get3A_1132 = tpu.vector_load %arg17[%get3A_1130, %get3A_1131] {strides = array<i32>} : memref<32x256xf32, #tpu.memory_space<vmem>>, vector<16xf32>,
        %mul3A_1133 = arith.mulf %gather3A_1116, %get3A_1132 : vector<16xf32>
        %add3A_1134 = arith.addf %add3A_1129, %mul3A_1133 : vector<16xf32>
        %swap3A_1135 = arith.index_cast %scan3A_1108 : i32 to index
        %swap3A_1136 = arith.constant 0 : index
        %swap3A_1137 = tpu.vector_load %arg18[%swap3A_1135, %swap3A_1136] {strides = array<i32>} : memref<32x256xf32, #tpu.memory_space<vmem>>, vector<16xf32>,
        tpu.vector_store %arg18[%swap3A_1135, %swap3A_1136], %add3A_1134 {strides = array<i32>} : memref<32x256xf32, #tpu.memory_space<vmem>>, vector<16xf32>,
        %get3A_1138 = arith.index_cast %scan3A_1108 : i32 to index
        %get3A_1139 = arith.constant 16 : index
        %get3A_1140 = tpu.vector_load %arg14[%get3A_1138, %get3A_1139] {strides = array<i32>} : memref<32x256xf32, #tpu.memory_space<vmem>>, vector<16xf32>,
        %mul3A_1141 = arith.mulf %gather3A_1113, %get3A_1140 : vector<16xf32>
        %get3A_1142 = arith.index_cast %scan3A_1108 : i32 to index
        %get3A_1143 = arith.constant 16 : index
        %get3A_1144 = tpu.vector_load %arg15[%get3A_1142, %get3A_1143] {strides = array<i32>} : memref<32x256xf32, #tpu.memory_space<vmem>>, vector<16xf32>,
        %mul3A_1145 = arith.mulf %gather3A_1114, %get3A_1144 : vector<16xf32>
        %add3A_1146 = arith.addf %mul3A_1141, %mul3A_1145 : vector<16xf32>
        %get3A_1147 = arith.index_cast %scan3A_1108 : i32 to index
        %get3A_1148 = arith.constant 16 : index
        %get3A_1149 = tpu.vector_load %arg16[%get3A_1147, %get3A_1148] {strides = array<i32>} : memref<32x256xf32, #tpu.memory_space<vmem>>, vector<16xf32>,
        %mul3A_1150 = arith.mulf %gather3A_1115, %get3A_1149 : vector<16xf32>
        %add3A_1151 = arith.addf %add3A_1146, %mul3A_1150 : vector<16xf32>
        %get3A_1152 = arith.index_cast %scan3A_1108 : i32 to index
        %get3A_1153 = arith.constant 16 : index
        %get3A_1154 = tpu.vector_load %arg17[%get3A_1152, %get3A_1153] {strides = array<i32>} : memref<32x256xf32, #tpu.memory_space<vmem>>, vector<16xf32>,
        %mul3A_1155 = arith.mulf %gather3A_1116, %get3A_1154 : vector<16xf32>
        %add3A_1156 = arith.addf %add3A_1151, %mul3A_1155 : vector<16xf32>
        %swap3A_1157 = arith.index_cast %scan3A_1108 : i32 to index
        %swap3A_1158 = arith.constant 16 : index
        %swap3A_1159 = tpu.vector_load %arg18[%swap3A_1157, %swap3A_1158] {strides = array<i32>} : memref<32x256xf32, #tpu.memory_space<vmem>>, vector<16xf32>,
        tpu.vector_store %arg18[%swap3A_1157, %swap3A_1158], %add3A_1156 {strides = array<i32>} : memref<32x256xf32, #tpu.memory_space<vmem>>, vector<16xf32>,
        %get3A_1160 = arith.index_cast %scan3A_1108 : i32 to index
        %get3A_1161 = arith.constant 32 : index
        %get3A_1162 = tpu.vector_load %arg14[%get3A_1160, %get3A_1161] {strides = array<i32>} : memref<32x256xf32, #tpu.memory_space<vmem>>, vector<16xf32>,
        %mul3A_1163 = arith.mulf %gather3A_1113, %get3A_1162 : vector<16xf32>
        %get3A_1164 = arith.index_cast %scan3A_1108 : i32 to index
        %get3A_1165 = arith.constant 32 : index
        %get3A_1166 = tpu.vector_load %arg15[%get3A_1164, %get3A_1165] {strides = array<i32>} : memref<32x256xf32, #tpu.memory_space<vmem>>, vector<16xf32>,
        %mul3A_1167 = arith.mulf %gather3A_1114, %get3A_1166 : vector<16xf32>
        %add3A_1168 = arith.addf %mul3A_1163, %mul3A_1167 : vector<16xf32>
        %get3A_1169 = arith.index_cast %scan3A_1108 : i32 to index
        %get3A_1170 = arith.constant 32 : index
        %get3A_1171 = tpu.vector_load %arg16[%get3A_1169, %get3A_1170] {strides = array<i32>} : memref<32x256xf32, #tpu.memory_space<vmem>>, vector<16xf32>,
        %mul3A_1172 = arith.mulf %gather3A_1115, %get3A_1171 : vector<16xf32>
        %add3A_1173 = arith.addf %add3A_1168, %mul3A_1172 : vector<16xf32>
        %get3A_1174 = arith.index_cast %scan3A_1108 : i32 to index
        %get3A_1175 = arith.constant 32 : index
        %get3A_1176 = tpu.vector_load %arg17[%get3A_1174, %get3A_1175] {strides = array<i32>} : memref<32x256xf32, #tpu.memory_space<vmem>>, vector<16xf32>,
        %mul3A_1177 = arith.mulf %gather3A_1116, %get3A_1176 : vector<16xf32>
        %add3A_1178 = arith.addf %add3A_1173, %mul3A_1177 : vector<16xf32>
        %swap3A_1179 = arith.index_cast %scan3A_1108 : i32 to index
        %swap3A_1180 = arith.constant 32 : index
        %swap3A_1181 = tpu.vector_load %arg18[%swap3A_1179, %swap3A_1180] {strides = array<i32>} : memref<32x256xf32, #tpu.memory_space<vmem>>, vector<16xf32>,
        tpu.vector_store %arg18[%swap3A_1179, %swap3A_1180], %add3A_1178 {strides = array<i32>} : memref<32x256xf32, #tpu.memory_space<vmem>>, vector<16xf32>,
        %get3A_1182 = arith.index_cast %scan3A_1108 : i32 to index
        %get3A_1183 = arith.constant 48 : index
        %get3A_1184 = tpu.vector_load %arg14[%get3A_1182, %get3A_1183] {strides = array<i32>} : memref<32x256xf32, #tpu.memory_space<vmem>>, vector<16xf32>,
        %mul3A_1185 = arith.mulf %gather3A_1113, %get3A_1184 : vector<16xf32>
        %get3A_1186 = arith.index_cast %scan3A_1108 : i32 to index
        %get3A_1187 = arith.constant 48 : index
        %get3A_1188 = tpu.vector_load %arg15[%get3A_1186, %get3A_1187] {strides = array<i32>} : memref<32x256xf32, #tpu.memory_space<vmem>>, vector<16xf32>,
        %mul3A_1189 = arith.mulf %gather3A_1114, %get3A_1188 : vector<16xf32>
        %add3A_1190 = arith.addf %mul3A_1185, %mul3A_1189 : vector<16xf32>
        %get3A_1191 = arith.index_cast %scan3A_1108 : i32 to index
        %get3A_1192 = arith.constant 48 : index
        %get3A_1193 = tpu.vector_load %arg16[%get3A_1191, %get3A_1192] {strides = array<i32>} : memref<32x256xf32, #tpu.memory_space<vmem>>, vector<16xf32>,
        %mul3A_1194 = arith.mulf %gather3A_1115, %get3A_1193 : vector<16xf32>
        %add3A_1195 = arith.addf %add3A_1190, %mul3A_1194 : vector<16xf32>
        %get3A_1196 = arith.index_cast %scan3A_1108 : i32 to index
        %get3A_1197 = arith.constant 48 : index
        %get3A_1198 = tpu.vector_load %arg17[%get3A_1196, %get3A_1197] {strides = array<i32>} : memref<32x256xf32, #tpu.memory_space<vmem>>, vector<16xf32>,
        %mul3A_1199 = arith.mulf %gather3A_1116, %get3A_1198 : vector<16xf32>
        %add3A_1200 = arith.addf %add3A_1195, %mul3A_1199 : vector<16xf32>
        %swap3A_1201 = arith.index_cast %scan3A_1108 : i32 to index
        %swap3A_1202 = arith.constant 48 : index
        %swap3A_1203 = tpu.vector_load %arg18[%swap3A_1201, %swap3A_1202] {strides = array<i32>} : memref<32x256xf32, #tpu.memory_space<vmem>>, vector<16xf32>,
        tpu.vector_store %arg18[%swap3A_1201, %swap3A_1202], %add3A_1200 {strides = array<i32>} : memref<32x256xf32, #tpu.memory_space<vmem>>, vector<16xf32>,
        %get3A_1204 = arith.index_cast %scan3A_1108 : i32 to index
        %get3A_1205 = arith.constant 64 : index
        %get3A_1206 = tpu.vector_load %arg14[%get3A_1204, %get3A_1205] {strides = array<i32>} : memref<32x256xf32, #tpu.memory_space<vmem>>, vector<16xf32>,
        %mul3A_1207 = arith.mulf %gather3A_1113, %get3A_1206 : vector<16xf32>
        %get3A_1208 = arith.index_cast %scan3A_1108 : i32 to index
        %get3A_1209 = arith.constant 64 : index
        %get3A_1210 = tpu.vector_load %arg15[%get3A_1208, %get3A_1209] {strides = array<i32>} : memref<32x256xf32, #tpu.memory_space<vmem>>, vector<16xf32>,
        %mul3A_1211 = arith.mulf %gather3A_1114, %get3A_1210 : vector<16xf32>
        %add3A_1212 = arith.addf %mul3A_1207, %mul3A_1211 : vector<16xf32>
        %get3A_1213 = arith.index_cast %scan3A_1108 : i32 to index
        %get3A_1214 = arith.constant 64 : index
        %get3A_1215 = tpu.vector_load %arg16[%get3A_1213, %get3A_1214] {strides = array<i32>} : memref<32x256xf32, #tpu.memory_space<vmem>>, vector<16xf32>,
        %mul3A_1216 = arith.mulf %gather3A_1115, %get3A_1215 : vector<16xf32>
        %add3A_1217 = arith.addf %add3A_1212, %mul3A_1216 : vector<16xf32>
        %get3A_1218 = arith.index_cast %scan3A_1108 : i32 to index
        %get3A_1219 = arith.constant 64 : index
        %get3A_1220 = tpu.vector_load %arg17[%get3A_1218, %get3A_1219] {strides = array<i32>} : memref<32x256xf32, #tpu.memory_space<vmem>>, vector<16xf32>,
        %mul3A_1221 = arith.mulf %gather3A_1116, %get3A_1220 : vector<16xf32>
        %add3A_1222 = arith.addf %add3A_1217, %mul3A_1221 : vector<16xf32>
        %swap3A_1223 = arith.index_cast %scan3A_1108 : i32 to index
        %swap3A_1224 = arith.constant 64 : index
        %swap3A_1225 = tpu.vector_load %arg18[%swap3A_1223, %swap3A_1224] {strides = array<i32>} : memref<32x256xf32, #tpu.memory_space<vmem>>, vector<16xf32>,
        tpu.vector_store %arg18[%swap3A_1223, %swap3A_1224], %add3A_1222 {strides = array<i32>} : memref<32x256xf32, #tpu.memory_space<vmem>>, vector<16xf32>,
        %get3A_1226 = arith.index_cast %scan3A_1108 : i32 to index
        %get3A_1227 = arith.constant 80 : index
        %get3A_1228 = tpu.vector_load %arg14[%get3A_1226, %get3A_1227] {strides = array<i32>} : memref<32x256xf32, #tpu.memory_space<vmem>>, vector<16xf32>,
        %mul3A_1229 = arith.mulf %gather3A_1113, %get3A_1228 : vector<16xf32>
        %get3A_1230 = arith.index_cast %scan3A_1108 : i32 to index
        %get3A_1231 = arith.constant 80 : index
        %get3A_1232 = tpu.vector_load %arg15[%get3A_1230, %get3A_1231] {strides = array<i32>} : memref<32x256xf32, #tpu.memory_space<vmem>>, vector<16xf32>,
        %mul3A_1233 = arith.mulf %gather3A_1114, %get3A_1232 : vector<16xf32>
        %add3A_1234 = arith.addf %mul3A_1229, %mul3A_1233 : vector<16xf32>
        %get3A_1235 = arith.index_cast %scan3A_1108 : i32 to index
        %get3A_1236 = arith.constant 80 : index
        %get3A_1237 = tpu.vector_load %arg16[%get3A_1235, %get3A_1236] {strides = array<i32>} : memref<32x256xf32, #tpu.memory_space<vmem>>, vector<16xf32>,
        %mul3A_1238 = arith.mulf %gather3A_1115, %get3A_1237 : vector<16xf32>
        %add3A_1239 = arith.addf %add3A_1234, %mul3A_1238 : vector<16xf32>
        %get3A_1240 = arith.index_cast %scan3A_1108 : i32 to index
        %get3A_1241 = arith.constant 80 : index
        %get3A_1242 = tpu.vector_load %arg17[%get3A_1240, %get3A_1241] {strides = array<i32>} : memref<32x256xf32, #tpu.memory_space<vmem>>, vector<16xf32>,
        %mul3A_1243 = arith.mulf %gather3A_1116, %get3A_1242 : vector<16xf32>
        %add3A_1244 = arith.addf %add3A_1239, %mul3A_1243 : vector<16xf32>
        %swap3A_1245 = arith.index_cast %scan3A_1108 : i32 to index
        %swap3A_1246 = arith.constant 80 : index
        %swap3A_1247 = tpu.vector_load %arg18[%swap3A_1245, %swap3A_1246] {strides = array<i32>} : memref<32x256xf32, #tpu.memory_space<vmem>>, vector<16xf32>,
        tpu.vector_store %arg18[%swap3A_1245, %swap3A_1246], %add3A_1244 {strides = array<i32>} : memref<32x256xf32, #tpu.memory_space<vmem>>, vector<16xf32>,
        %get3A_1248 = arith.index_cast %scan3A_1108 : i32 to index
        %get3A_1249 = arith.constant 96 : index
        %get3A_1250 = tpu.vector_load %arg14[%get3A_1248, %get3A_1249] {strides = array<i32>} : memref<32x256xf32, #tpu.memory_space<vmem>>, vector<16xf32>,
        %mul3A_1251 = arith.mulf %gather3A_1113, %get3A_1250 : vector<16xf32>
        %get3A_1252 = arith.index_cast %scan3A_1108 : i32 to index
        %get3A_1253 = arith.constant 96 : index
        %get3A_1254 = tpu.vector_load %arg15[%get3A_1252, %get3A_1253] {strides = array<i32>} : memref<32x256xf32, #tpu.memory_space<vmem>>, vector<16xf32>,
        %mul3A_1255 = arith.mulf %gather3A_1114, %get3A_1254 : vector<16xf32>
        %add3A_1256 = arith.addf %mul3A_1251, %mul3A_1255 : vector<16xf32>
        %get3A_1257 = arith.index_cast %scan3A_1108 : i32 to index
        %get3A_1258 = arith.constant 96 : index
        %get3A_1259 = tpu.vector_load %arg16[%get3A_1257, %get3A_1258] {strides = array<i32>} : memref<32x256xf32, #tpu.memory_space<vmem>>, vector<16xf32>,
        %mul3A_1260 = arith.mulf %gather3A_1115, %get3A_1259 : vector<16xf32>
        %add3A_1261 = arith.addf %add3A_1256, %mul3A_1260 : vector<16xf32>
        %get3A_1262 = arith.index_cast %scan3A_1108 : i32 to index
        %get3A_1263 = arith.constant 96 : index
        %get3A_1264 = tpu.vector_load %arg17[%get3A_1262, %get3A_1263] {strides = array<i32>} : memref<32x256xf32, #tpu.memory_space<vmem>>, vector<16xf32>,
        %mul3A_1265 = arith.mulf %gather3A_1116, %get3A_1264 : vector<16xf32>
        %add3A_1266 = arith.addf %add3A_1261, %mul3A_1265 : vector<16xf32>
        %swap3A_1267 = arith.index_cast %scan3A_1108 : i32 to index
        %swap3A_1268 = arith.constant 96 : index
        %swap3A_1269 = tpu.vector_load %arg18[%swap3A_1267, %swap3A_1268] {strides = array<i32>} : memref<32x256xf32, #tpu.memory_space<vmem>>, vector<16xf32>,
        tpu.vector_store %arg18[%swap3A_1267, %swap3A_1268], %add3A_1266 {strides = array<i32>} : memref<32x256xf32, #tpu.memory_space<vmem>>, vector<16xf32>,
        %get3A_1270 = arith.index_cast %scan3A_1108 : i32 to index
        %get3A_1271 = arith.constant 112 : index
        %get3A_1272 = tpu.vector_load %arg14[%get3A_1270, %get3A_1271] {strides = array<i32>} : memref<32x256xf32, #tpu.memory_space<vmem>>, vector<16xf32>,
        %mul3A_1273 = arith.mulf %gather3A_1113, %get3A_1272 : vector<16xf32>
        %get3A_1274 = arith.index_cast %scan3A_1108 : i32 to index
        %get3A_1275 = arith.constant 112 : index
        %get3A_1276 = tpu.vector_load %arg15[%get3A_1274, %get3A_1275] {strides = array<i32>} : memref<32x256xf32, #tpu.memory_space<vmem>>, vector<16xf32>,
        %mul3A_1277 = arith.mulf %gather3A_1114, %get3A_1276 : vector<16xf32>
        %add3A_1278 = arith.addf %mul3A_1273, %mul3A_1277 : vector<16xf32>
        %get3A_1279 = arith.index_cast %scan3A_1108 : i32 to index
        %get3A_1280 = arith.constant 112 : index
        %get3A_1281 = tpu.vector_load %arg16[%get3A_1279, %get3A_1280] {strides = array<i32>} : memref<32x256xf32, #tpu.memory_space<vmem>>, vector<16xf32>,
        %mul3A_1282 = arith.mulf %gather3A_1115, %get3A_1281 : vector<16xf32>
        %add3A_1283 = arith.addf %add3A_1278, %mul3A_1282 : vector<16xf32>
        %get3A_1284 = arith.index_cast %scan3A_1108 : i32 to index
        %get3A_1285 = arith.constant 112 : index
        %get3A_1286 = tpu.vector_load %arg17[%get3A_1284, %get3A_1285] {strides = array<i32>} : memref<32x256xf32, #tpu.memory_space<vmem>>, vector<16xf32>,
        %mul3A_1287 = arith.mulf %gather3A_1116, %get3A_1286 : vector<16xf32>
        %add3A_1288 = arith.addf %add3A_1283, %mul3A_1287 : vector<16xf32>
        %swap3A_1289 = arith.index_cast %scan3A_1108 : i32 to index
        %swap3A_1290 = arith.constant 112 : index
        %swap3A_1291 = tpu.vector_load %arg18[%swap3A_1289, %swap3A_1290] {strides = array<i32>} : memref<32x256xf32, #tpu.memory_space<vmem>>, vector<16xf32>,
        tpu.vector_store %arg18[%swap3A_1289, %swap3A_1290], %add3A_1288 {strides = array<i32>} : memref<32x256xf32, #tpu.memory_space<vmem>>, vector<16xf32>,
        %get3A_1292 = arith.index_cast %scan3A_1108 : i32 to index
        %get3A_1293 = arith.constant 128 : index
        %get3A_1294 = tpu.vector_load %arg14[%get3A_1292, %get3A_1293] {strides = array<i32>} : memref<32x256xf32, #tpu.memory_space<vmem>>, vector<16xf32>,
        %mul3A_1295 = arith.mulf %gather3A_1113, %get3A_1294 : vector<16xf32>
        %get3A_1296 = arith.index_cast %scan3A_1108 : i32 to index
        %get3A_1297 = arith.constant 128 : index
        %get3A_1298 = tpu.vector_load %arg15[%get3A_1296, %get3A_1297] {strides = array<i32>} : memref<32x256xf32, #tpu.memory_space<vmem>>, vector<16xf32>,
        %mul3A_1299 = arith.mulf %gather3A_1114, %get3A_1298 : vector<16xf32>
        %add3A_1300 = arith.addf %mul3A_1295, %mul3A_1299 : vector<16xf32>
        %get3A_1301 = arith.index_cast %scan3A_1108 : i32 to index
        %get3A_1302 = arith.constant 128 : index
        %get3A_1303 = tpu.vector_load %arg16[%get3A_1301, %get3A_1302] {strides = array<i32>} : memref<32x256xf32, #tpu.memory_space<vmem>>, vector<16xf32>,
        %mul3A_1304 = arith.mulf %gather3A_1115, %get3A_1303 : vector<16xf32>
        %add3A_1305 = arith.addf %add3A_1300, %mul3A_1304 : vector<16xf32>
        %get3A_1306 = arith.index_cast %scan3A_1108 : i32 to index
        %get3A_1307 = arith.constant 128 : index
        %get3A_1308 = tpu.vector_load %arg17[%get3A_1306, %get3A_1307] {strides = array<i32>} : memref<32x256xf32, #tpu.memory_space<vmem>>, vector<16xf32>,
        %mul3A_1309 = arith.mulf %gather3A_1116, %get3A_1308 : vector<16xf32>
        %add3A_1310 = arith.addf %add3A_1305, %mul3A_1309 : vector<16xf32>
        %swap3A_1311 = arith.index_cast %scan3A_1108 : i32 to index
        %swap3A_1312 = arith.constant 128 : index
        %swap3A_1313 = tpu.vector_load %arg18[%swap3A_1311, %swap3A_1312] {strides = array<i32>} : memref<32x256xf32, #tpu.memory_space<vmem>>, vector<16xf32>,
        tpu.vector_store %arg18[%swap3A_1311, %swap3A_1312], %add3A_1310 {strides = array<i32>} : memref<32x256xf32, #tpu.memory_space<vmem>>, vector<16xf32>,
        %get3A_1314 = arith.index_cast %scan3A_1108 : i32 to index
        %get3A_1315 = arith.constant 144 : index
        %get3A_1316 = tpu.vector_load %arg14[%get3A_1314, %get3A_1315] {strides = array<i32>} : memref<32x256xf32, #tpu.memory_space<vmem>>, vector<16xf32>,
        %mul3A_1317 = arith.mulf %gather3A_1113, %get3A_1316 : vector<16xf32>
        %get3A_1318 = arith.index_cast %scan3A_1108 : i32 to index
        %get3A_1319 = arith.constant 144 : index
        %get3A_1320 = tpu.vector_load %arg15[%get3A_1318, %get3A_1319] {strides = array<i32>} : memref<32x256xf32, #tpu.memory_space<vmem>>, vector<16xf32>,
        %mul3A_1321 = arith.mulf %gather3A_1114, %get3A_1320 : vector<16xf32>
        %add3A_1322 = arith.addf %mul3A_1317, %mul3A_1321 : vector<16xf32>
        %get3A_1323 = arith.index_cast %scan3A_1108 : i32 to index
        %get3A_1324 = arith.constant 144 : index
        %get3A_1325 = tpu.vector_load %arg16[%get3A_1323, %get3A_1324] {strides = array<i32>} : memref<32x256xf32, #tpu.memory_space<vmem>>, vector<16xf32>,
        %mul3A_1326 = arith.mulf %gather3A_1115, %get3A_1325 : vector<16xf32>
        %add3A_1327 = arith.addf %add3A_1322, %mul3A_1326 : vector<16xf32>
        %get3A_1328 = arith.index_cast %scan3A_1108 : i32 to index
        %get3A_1329 = arith.constant 144 : index
        %get3A_1330 = tpu.vector_load %arg17[%get3A_1328, %get3A_1329] {strides = array<i32>} : memref<32x256xf32, #tpu.memory_space<vmem>>, vector<16xf32>,
        %mul3A_1331 = arith.mulf %gather3A_1116, %get3A_1330 : vector<16xf32>
        %add3A_1332 = arith.addf %add3A_1327, %mul3A_1331 : vector<16xf32>
        %swap3A_1333 = arith.index_cast %scan3A_1108 : i32 to index
        %swap3A_1334 = arith.constant 144 : index
        %swap3A_1335 = tpu.vector_load %arg18[%swap3A_1333, %swap3A_1334] {strides = array<i32>} : memref<32x256xf32, #tpu.memory_space<vmem>>, vector<16xf32>,
        tpu.vector_store %arg18[%swap3A_1333, %swap3A_1334], %add3A_1332 {strides = array<i32>} : memref<32x256xf32, #tpu.memory_space<vmem>>, vector<16xf32>,
        %get3A_1336 = arith.index_cast %scan3A_1108 : i32 to index
        %get3A_1337 = arith.constant 160 : index
        %get3A_1338 = tpu.vector_load %arg14[%get3A_1336, %get3A_1337] {strides = array<i32>} : memref<32x256xf32, #tpu.memory_space<vmem>>, vector<16xf32>,
        %mul3A_1339 = arith.mulf %gather3A_1113, %get3A_1338 : vector<16xf32>
        %get3A_1340 = arith.index_cast %scan3A_1108 : i32 to index
        %get3A_1341 = arith.constant 160 : index
        %get3A_1342 = tpu.vector_load %arg15[%get3A_1340, %get3A_1341] {strides = array<i32>} : memref<32x256xf32, #tpu.memory_space<vmem>>, vector<16xf32>,
        %mul3A_1343 = arith.mulf %gather3A_1114, %get3A_1342 : vector<16xf32>
        %add3A_1344 = arith.addf %mul3A_1339, %mul3A_1343 : vector<16xf32>
        %get3A_1345 = arith.index_cast %scan3A_1108 : i32 to index
        %get3A_1346 = arith.constant 160 : index
        %get3A_1347 = tpu.vector_load %arg16[%get3A_1345, %get3A_1346] {strides = array<i32>} : memref<32x256xf32, #tpu.memory_space<vmem>>, vector<16xf32>,
        %mul3A_1348 = arith.mulf %gather3A_1115, %get3A_1347 : vector<16xf32>
        %add3A_1349 = arith.addf %add3A_1344, %mul3A_1348 : vector<16xf32>
        %get3A_1350 = arith.index_cast %scan3A_1108 : i32 to index
        %get3A_1351 = arith.constant 160 : index
        %get3A_1352 = tpu.vector_load %arg17[%get3A_1350, %get3A_1351] {strides = array<i32>} : memref<32x256xf32, #tpu.memory_space<vmem>>, vector<16xf32>,
        %mul3A_1353 = arith.mulf %gather3A_1116, %get3A_1352 : vector<16xf32>
        %add3A_1354 = arith.addf %add3A_1349, %mul3A_1353 : vector<16xf32>
        %swap3A_1355 = arith.index_cast %scan3A_1108 : i32 to index
        %swap3A_1356 = arith.constant 160 : index
        %swap3A_1357 = tpu.vector_load %arg18[%swap3A_1355, %swap3A_1356] {strides = array<i32>} : memref<32x256xf32, #tpu.memory_space<vmem>>, vector<16xf32>,
        tpu.vector_store %arg18[%swap3A_1355, %swap3A_1356], %add3A_1354 {strides = array<i32>} : memref<32x256xf32, #tpu.memory_space<vmem>>, vector<16xf32>,
        %get3A_1358 = arith.index_cast %scan3A_1108 : i32 to index
        %get3A_1359 = arith.constant 176 : index
        %get3A_1360 = tpu.vector_load %arg14[%get3A_1358, %get3A_1359] {strides = array<i32>} : memref<32x256xf32, #tpu.memory_space<vmem>>, vector<16xf32>,
        %mul3A_1361 = arith.mulf %gather3A_1113, %get3A_1360 : vector<16xf32>
        %get3A_1362 = arith.index_cast %scan3A_1108 : i32 to index
        %get3A_1363 = arith.constant 176 : index
        %get3A_1364 = tpu.vector_load %arg15[%get3A_1362, %get3A_1363] {strides = array<i32>} : memref<32x256xf32, #tpu.memory_space<vmem>>, vector<16xf32>,
        %mul3A_1365 = arith.mulf %gather3A_1114, %get3A_1364 : vector<16xf32>
        %add3A_1366 = arith.addf %mul3A_1361, %mul3A_1365 : vector<16xf32>
        %get3A_1367 = arith.index_cast %scan3A_1108 : i32 to index
        %get3A_1368 = arith.constant 176 : index
        %get3A_1369 = tpu.vector_load %arg16[%get3A_1367, %get3A_1368] {strides = array<i32>} : memref<32x256xf32, #tpu.memory_space<vmem>>, vector<16xf32>,
        %mul3A_1370 = arith.mulf %gather3A_1115, %get3A_1369 : vector<16xf32>
        %add3A_1371 = arith.addf %add3A_1366, %mul3A_1370 : vector<16xf32>
        %get3A_1372 = arith.index_cast %scan3A_1108 : i32 to index
        %get3A_1373 = arith.constant 176 : index
        %get3A_1374 = tpu.vector_load %arg17[%get3A_1372, %get3A_1373] {strides = array<i32>} : memref<32x256xf32, #tpu.memory_space<vmem>>, vector<16xf32>,
        %mul3A_1375 = arith.mulf %gather3A_1116, %get3A_1374 : vector<16xf32>
        %add3A_1376 = arith.addf %add3A_1371, %mul3A_1375 : vector<16xf32>
        %swap3A_1377 = arith.index_cast %scan3A_1108 : i32 to index
        %swap3A_1378 = arith.constant 176 : index
        %swap3A_1379 = tpu.vector_load %arg18[%swap3A_1377, %swap3A_1378] {strides = array<i32>} : memref<32x256xf32, #tpu.memory_space<vmem>>, vector<16xf32>,
        tpu.vector_store %arg18[%swap3A_1377, %swap3A_1378], %add3A_1376 {strides = array<i32>} : memref<32x256xf32, #tpu.memory_space<vmem>>, vector<16xf32>,
        %get3A_1380 = arith.index_cast %scan3A_1108 : i32 to index
        %get3A_1381 = arith.constant 192 : index
        %get3A_1382 = tpu.vector_load %arg14[%get3A_1380, %get3A_1381] {strides = array<i32>} : memref<32x256xf32, #tpu.memory_space<vmem>>, vector<16xf32>,
        %mul3A_1383 = arith.mulf %gather3A_1113, %get3A_1382 : vector<16xf32>
        %get3A_1384 = arith.index_cast %scan3A_1108 : i32 to index
        %get3A_1385 = arith.constant 192 : index
        %get3A_1386 = tpu.vector_load %arg15[%get3A_1384, %get3A_1385] {strides = array<i32>} : memref<32x256xf32, #tpu.memory_space<vmem>>, vector<16xf32>,
        %mul3A_1387 = arith.mulf %gather3A_1114, %get3A_1386 : vector<16xf32>
        %add3A_1388 = arith.addf %mul3A_1383, %mul3A_1387 : vector<16xf32>
        %get3A_1389 = arith.index_cast %scan3A_1108 : i32 to index
        %get3A_1390 = arith.constant 192 : index
        %get3A_1391 = tpu.vector_load %arg16[%get3A_1389, %get3A_1390] {strides = array<i32>} : memref<32x256xf32, #tpu.memory_space<vmem>>, vector<16xf32>,
        %mul3A_1392 = arith.mulf %gather3A_1115, %get3A_1391 : vector<16xf32>
        %add3A_1393 = arith.addf %add3A_1388, %mul3A_1392 : vector<16xf32>
        %get3A_1394 = arith.index_cast %scan3A_1108 : i32 to index
        %get3A_1395 = arith.constant 192 : index
        %get3A_1396 = tpu.vector_load %arg17[%get3A_1394, %get3A_1395] {strides = array<i32>} : memref<32x256xf32, #tpu.memory_space<vmem>>, vector<16xf32>,
        %mul3A_1397 = arith.mulf %gather3A_1116, %get3A_1396 : vector<16xf32>
        %add3A_1398 = arith.addf %add3A_1393, %mul3A_1397 : vector<16xf32>
        %swap3A_1399 = arith.index_cast %scan3A_1108 : i32 to index
        %swap3A_1400 = arith.constant 192 : index
        %swap3A_1401 = tpu.vector_load %arg18[%swap3A_1399, %swap3A_1400] {strides = array<i32>} : memref<32x256xf32, #tpu.memory_space<vmem>>, vector<16xf32>,
        tpu.vector_store %arg18[%swap3A_1399, %swap3A_1400], %add3A_1398 {strides = array<i32>} : memref<32x256xf32, #tpu.memory_space<vmem>>, vector<16xf32>,
        %get3A_1402 = arith.index_cast %scan3A_1108 : i32 to index
        %get3A_1403 = arith.constant 208 : index
        %get3A_1404 = tpu.vector_load %arg14[%get3A_1402, %get3A_1403] {strides = array<i32>} : memref<32x256xf32, #tpu.memory_space<vmem>>, vector<16xf32>,
        %mul3A_1405 = arith.mulf %gather3A_1113, %get3A_1404 : vector<16xf32>
        %get3A_1406 = arith.index_cast %scan3A_1108 : i32 to index
        %get3A_1407 = arith.constant 208 : index
        %get3A_1408 = tpu.vector_load %arg15[%get3A_1406, %get3A_1407] {strides = array<i32>} : memref<32x256xf32, #tpu.memory_space<vmem>>, vector<16xf32>,
        %mul3A_1409 = arith.mulf %gather3A_1114, %get3A_1408 : vector<16xf32>
        %add3A_1410 = arith.addf %mul3A_1405, %mul3A_1409 : vector<16xf32>
        %get3A_1411 = arith.index_cast %scan3A_1108 : i32 to index
        %get3A_1412 = arith.constant 208 : index
        %get3A_1413 = tpu.vector_load %arg16[%get3A_1411, %get3A_1412] {strides = array<i32>} : memref<32x256xf32, #tpu.memory_space<vmem>>, vector<16xf32>,
        %mul3A_1414 = arith.mulf %gather3A_1115, %get3A_1413 : vector<16xf32>
        %add3A_1415 = arith.addf %add3A_1410, %mul3A_1414 : vector<16xf32>
        %get3A_1416 = arith.index_cast %scan3A_1108 : i32 to index
        %get3A_1417 = arith.constant 208 : index
        %get3A_1418 = tpu.vector_load %arg17[%get3A_1416, %get3A_1417] {strides = array<i32>} : memref<32x256xf32, #tpu.memory_space<vmem>>, vector<16xf32>,
        %mul3A_1419 = arith.mulf %gather3A_1116, %get3A_1418 : vector<16xf32>
        %add3A_1420 = arith.addf %add3A_1415, %mul3A_1419 : vector<16xf32>
        %swap3A_1421 = arith.index_cast %scan3A_1108 : i32 to index
        %swap3A_1422 = arith.constant 208 : index
        %swap3A_1423 = tpu.vector_load %arg18[%swap3A_1421, %swap3A_1422] {strides = array<i32>} : memref<32x256xf32, #tpu.memory_space<vmem>>, vector<16xf32>,
        tpu.vector_store %arg18[%swap3A_1421, %swap3A_1422], %add3A_1420 {strides = array<i32>} : memref<32x256xf32, #tpu.memory_space<vmem>>, vector<16xf32>,
        %get3A_1424 = arith.index_cast %scan3A_1108 : i32 to index
        %get3A_1425 = arith.constant 224 : index
        %get3A_1426 = tpu.vector_load %arg14[%get3A_1424, %get3A_1425] {strides = array<i32>} : memref<32x256xf32, #tpu.memory_space<vmem>>, vector<16xf32>,
        %mul3A_1427 = arith.mulf %gather3A_1113, %get3A_1426 : vector<16xf32>
        %get3A_1428 = arith.index_cast %scan3A_1108 : i32 to index
        %get3A_1429 = arith.constant 224 : index
        %get3A_1430 = tpu.vector_load %arg15[%get3A_1428, %get3A_1429] {strides = array<i32>} : memref<32x256xf32, #tpu.memory_space<vmem>>, vector<16xf32>,
        %mul3A_1431 = arith.mulf %gather3A_1114, %get3A_1430 : vector<16xf32>
        %add3A_1432 = arith.addf %mul3A_1427, %mul3A_1431 : vector<16xf32>
        %get3A_1433 = arith.index_cast %scan3A_1108 : i32 to index
        %get3A_1434 = arith.constant 224 : index
        %get3A_1435 = tpu.vector_load %arg16[%get3A_1433, %get3A_1434] {strides = array<i32>} : memref<32x256xf32, #tpu.memory_space<vmem>>, vector<16xf32>,
        %mul3A_1436 = arith.mulf %gather3A_1115, %get3A_1435 : vector<16xf32>
        %add3A_1437 = arith.addf %add3A_1432, %mul3A_1436 : vector<16xf32>
        %get3A_1438 = arith.index_cast %scan3A_1108 : i32 to index
        %get3A_1439 = arith.constant 224 : index
        %get3A_1440 = tpu.vector_load %arg17[%get3A_1438, %get3A_1439] {strides = array<i32>} : memref<32x256xf32, #tpu.memory_space<vmem>>, vector<16xf32>,
        %mul3A_1441 = arith.mulf %gather3A_1116, %get3A_1440 : vector<16xf32>
        %add3A_1442 = arith.addf %add3A_1437, %mul3A_1441 : vector<16xf32>
        %swap3A_1443 = arith.index_cast %scan3A_1108 : i32 to index
        %swap3A_1444 = arith.constant 224 : index
        %swap3A_1445 = tpu.vector_load %arg18[%swap3A_1443, %swap3A_1444] {strides = array<i32>} : memref<32x256xf32, #tpu.memory_space<vmem>>, vector<16xf32>,
        tpu.vector_store %arg18[%swap3A_1443, %swap3A_1444], %add3A_1442 {strides = array<i32>} : memref<32x256xf32, #tpu.memory_space<vmem>>, vector<16xf32>,
        %get3A_1446 = arith.index_cast %scan3A_1108 : i32 to index
        %get3A_1447 = arith.constant 240 : index
        %get3A_1448 = tpu.vector_load %arg14[%get3A_1446, %get3A_1447] {strides = array<i32>} : memref<32x256xf32, #tpu.memory_space<vmem>>, vector<16xf32>,
        %mul3A_1449 = arith.mulf %gather3A_1113, %get3A_1448 : vector<16xf32>
        %get3A_1450 = arith.index_cast %scan3A_1108 : i32 to index
        %get3A_1451 = arith.constant 240 : index
        %get3A_1452 = tpu.vector_load %arg15[%get3A_1450, %get3A_1451] {strides = array<i32>} : memref<32x256xf32, #tpu.memory_space<vmem>>, vector<16xf32>,
        %mul3A_1453 = arith.mulf %gather3A_1114, %get3A_1452 : vector<16xf32>
        %add3A_1454 = arith.addf %mul3A_1449, %mul3A_1453 : vector<16xf32>
        %get3A_1455 = arith.index_cast %scan3A_1108 : i32 to index
        %get3A_1456 = arith.constant 240 : index
        %get3A_1457 = tpu.vector_load %arg16[%get3A_1455, %get3A_1456] {strides = array<i32>} : memref<32x256xf32, #tpu.memory_space<vmem>>, vector<16xf32>,
        %mul3A_1458 = arith.mulf %gather3A_1115, %get3A_1457 : vector<16xf32>
        %add3A_1459 = arith.addf %add3A_1454, %mul3A_1458 : vector<16xf32>
        %get3A_1460 = arith.index_cast %scan3A_1108 : i32 to index
        %get3A_1461 = arith.constant 240 : index
        %get3A_1462 = tpu.vector_load %arg17[%get3A_1460, %get3A_1461] {strides = array<i32>} : memref<32x256xf32, #tpu.memory_space<vmem>>, vector<16xf32>,
        %mul3A_1463 = arith.mulf %gather3A_1116, %get3A_1462 : vector<16xf32>
        %add3A_1464 = arith.addf %add3A_1459, %mul3A_1463 : vector<16xf32>
        %swap3A_1465 = arith.index_cast %scan3A_1108 : i32 to index
        %swap3A_1466 = arith.constant 240 : index
        %swap3A_1467 = tpu.vector_load %arg18[%swap3A_1465, %swap3A_1466] {strides = array<i32>} : memref<32x256xf32, #tpu.memory_space<vmem>>, vector<16xf32>,
        tpu.vector_store %arg18[%swap3A_1465, %swap3A_1466], %add3A_1464 {strides = array<i32>} : memref<32x256xf32, #tpu.memory_space<vmem>>, vector<16xf32>,
      }
      %scan3A_728 = arith.constant 32 : i32
      %mul3A_729 = arith.constant 32 : i32
      %mul3A_730 = arith.muli %mul3A_357, %mul3A_729 : i32
      %add3A_731 = arith.addi %mul3A_2, %mul3A_730 : i32
      "tpu.region"() ({
        %run_scoped3A = tpu.sem_alloc : memref<!tpu.dma_semaphore, #tpu.memory_space<semaphore_mem>>
        %dma_start3A_1108 = arith.constant 0 : i32
        %dma_start3A_1109 = tpu.memref_slice %arg4[%add3A_731, %dma_start3A_1108] : memref<245760x256xf32, #tpu.memory_space<hbm>> -> memref<32x256xf32, #tpu.memory_space<hbm>>
        %dma_start3A_1110 = arith.constant 0 : i32
        %dma_start3A_1111 = tpu.memref_slice %arg4[%add3A_731, %dma_start3A_1110] : memref<245760x256xf32, #tpu.memory_space<hbm>> -> memref<32x256xf32, #tpu.memory_space<hbm>>
        tpu.enqueue_dma source(%arg18 : memref<32x256xf32, #tpu.memory_space<vmem>>) target(%dma_start3A_1111 : memref<32x256xf32, #tpu.memory_space<hbm>>) target_semaphore(%run_scoped3A : memref<!tpu.dma_semaphore, #tpu.memory_space<semaphore_mem>>)
        %dma_wait3A_1112 = arith.constant 0 : i32
        %dma_wait3A_1113 = tpu.memref_slice %arg4[%add3A_731, %dma_wait3A_1112] : memref<245760x256xf32, #tpu.memory_space<hbm>> -> memref<32x256xf32, #tpu.memory_space<hbm>>
        %dma_wait3A_1114 = arith.constant 0 : i32
        %dma_wait3A_1115 = tpu.memref_slice %arg4[%add3A_731, %dma_wait3A_1114] : memref<245760x256xf32, #tpu.memory_space<hbm>> -> memref<32x256xf32, #tpu.memory_space<hbm>>
        tpu.wait_dma2 semaphore(%run_scoped3A : memref<!tpu.dma_semaphore, #tpu.memory_space<semaphore_mem>>) src(%arg18 : memref<32x256xf32, #tpu.memory_space<vmem>>) dst(%dma_wait3A_1115 : memref<32x256xf32, #tpu.memory_space<hbm>>)
        tpu.yield
      }) : () -> ()
      %add3A_732 = arith.constant 2 : i32
      %add3A_733 = arith.addi %mul3A_357, %add3A_732 : i32
      %mul3A_734 = arith.constant 32 : i32
      %mul3A_735 = arith.muli %add3A_733, %mul3A_734 : i32
      %add3A_736 = arith.addi %mul3A_2, %mul3A_735 : i32
      %add3A_737 = arith.constant 0 : i32
      %add3A_738 = arith.addi %add3A_736, %add3A_737 : i32
      %add3A_739 = vector.broadcast %add3A_738 : i32 to vector<16xi32>
      %add3A_740 = arith.addi %iota3A, %add3A_739 : vector<16xi32>
      %div3A_741 = arith.constant 49 : i32
      %div3A_742 = vector.broadcast %div3A_741 : i32 to vector<16xi32>
      %div3A_743 = arith.divsi %add3A_740, %div3A_742 : vector<16xi32>
      %mul3A_744 = arith.constant 49 : i32
      %mul3A_745 = vector.broadcast %mul3A_744 : i32 to vector<16xi32>
      %mul3A_746 = arith.muli %div3A_743, %mul3A_745 : vector<16xi32>
      %sub3A_747 = arith.subi %add3A_740, %mul3A_746 : vector<16xi32>
      %div3A_748 = arith.constant 7 : i32
      %div3A_749 = vector.broadcast %div3A_748 : i32 to vector<16xi32>
      %div3A_750 = arith.divsi %sub3A_747, %div3A_749 : vector<16xi32>
      %mul3A_751 = arith.constant 7 : i32
      %mul3A_752 = vector.broadcast %mul3A_751 : i32 to vector<16xi32>
      %mul3A_753 = arith.muli %div3A_750, %mul3A_752 : vector<16xi32>
      %sub3A_754 = arith.subi %sub3A_747, %mul3A_753 : vector<16xi32>
      %min3A_755 = arith.constant 4999 : i32
      %min3A_756 = vector.broadcast %min3A_755 : i32 to vector<16xi32>
      %min3A_757 = arith.minsi %div3A_743, %min3A_756 : vector<16xi32>
      %mul3A_758 = arith.constant 5 : i32
      %mul3A_759 = vector.broadcast %mul3A_758 : i32 to vector<16xi32>
      %mul3A_760 = arith.muli %min3A_757, %mul3A_759 : vector<16xi32>
      %gather3A_761 = tpu.vector_load_idx %arg5[%mul3A_760] : memref<25000xf32, #tpu.memory_space<vmem>>[vector<16xi32>], vector<16xf32>,
      %add3A_762 = arith.constant 1 : i32
      %add3A_763 = vector.broadcast %add3A_762 : i32 to vector<16xi32>
      %add3A_764 = arith.addi %mul3A_760, %add3A_763 : vector<16xi32>
      %gather3A_765 = tpu.vector_load_idx %arg5[%add3A_764] : memref<25000xf32, #tpu.memory_space<vmem>>[vector<16xi32>], vector<16xf32>,
      %mul3A_766 = arith.constant 6.250000e-02 : f32
      %mul3A_767 = vector.broadcast %mul3A_766 : f32 to vector<16xf32>
      %mul3A_768 = arith.mulf %gather3A_765, %mul3A_767 : vector<16xf32>
      %add3A_769 = arith.constant 2 : i32
      %add3A_770 = vector.broadcast %add3A_769 : i32 to vector<16xi32>
      %add3A_771 = arith.addi %mul3A_760, %add3A_770 : vector<16xi32>
      %gather3A_772 = tpu.vector_load_idx %arg5[%add3A_771] : memref<25000xf32, #tpu.memory_space<vmem>>[vector<16xi32>], vector<16xf32>,
      %mul3A_773 = arith.constant 6.250000e-02 : f32
      %mul3A_774 = vector.broadcast %mul3A_773 : f32 to vector<16xf32>
      %mul3A_775 = arith.mulf %gather3A_772, %mul3A_774 : vector<16xf32>
      %add3A_776 = arith.constant 3 : i32
      %add3A_777 = vector.broadcast %add3A_776 : i32 to vector<16xi32>
      %add3A_778 = arith.addi %mul3A_760, %add3A_777 : vector<16xi32>
      %gather3A_779 = tpu.vector_load_idx %arg5[%add3A_778] : memref<25000xf32, #tpu.memory_space<vmem>>[vector<16xi32>], vector<16xf32>,
      %mul3A_780 = arith.constant 6.250000e-02 : f32
      %mul3A_781 = vector.broadcast %mul3A_780 : f32 to vector<16xf32>
      %mul3A_782 = arith.mulf %gather3A_779, %mul3A_781 : vector<16xf32>
      %add3A_783 = arith.constant 4 : i32
      %add3A_784 = vector.broadcast %add3A_783 : i32 to vector<16xi32>
      %add3A_785 = arith.addi %mul3A_760, %add3A_784 : vector<16xi32>
      %gather3A_786 = tpu.vector_load_idx %arg5[%add3A_785] : memref<25000xf32, #tpu.memory_space<vmem>>[vector<16xi32>], vector<16xf32>,
      %mul3A_787 = arith.constant 6.250000e-02 : f32
      %mul3A_788 = vector.broadcast %mul3A_787 : f32 to vector<16xf32>
      %mul3A_789 = arith.mulf %gather3A_786, %mul3A_788 : vector<16xf32>
      %sub3A_790 = arith.subf %mul3A_782, %mul3A_768 : vector<16xf32>
      %max3A_791 = arith.constant 0.000000e+00 : f32
      %max3A_792 = vector.broadcast %max3A_791 : f32 to vector<16xf32>
      %max3A_793 = arith.maximumf %sub3A_790, %max3A_792 : vector<16xf32>
      %mul3A_794 = arith.constant 0.166666672 : f32
      %mul3A_795 = vector.broadcast %mul3A_794 : f32 to vector<16xf32>
      %mul3A_796 = arith.mulf %max3A_793, %mul3A_795 : vector<16xf32>
      %sub3A_797 = arith.subf %mul3A_789, %mul3A_775 : vector<16xf32>
      %max3A_798 = arith.constant 0.000000e+00 : f32
      %max3A_799 = vector.broadcast %max3A_798 : f32 to vector<16xf32>
      %max3A_800 = arith.maximumf %sub3A_797, %max3A_799 : vector<16xf32>
      %mul3A_801 = arith.constant 0.166666672 : f32
      %mul3A_802 = vector.broadcast %mul3A_801 : f32 to vector<16xf32>
      %mul3A_803 = arith.mulf %max3A_800, %mul3A_802 : vector<16xf32>
      %convert_element_type3A_804 = arith.sitofp %div3A_750 : vector<16xi32> to vector<16xf32>
      %mul3A_805 = arith.mulf %convert_element_type3A_804, %mul3A_803 : vector<16xf32>
      %add3A_806 = arith.addf %mul3A_775, %mul3A_805 : vector<16xf32>
      %convert_element_type3A_807 = arith.sitofp %sub3A_754 : vector<16xi32> to vector<16xf32>
      %mul3A_808 = arith.mulf %convert_element_type3A_807, %mul3A_796 : vector<16xf32>
      %add3A_809 = arith.addf %mul3A_768, %mul3A_808 : vector<16xf32>
      %ge3A_810 = arith.constant 0.000000e+00 : f32
      %ge3A_811 = vector.broadcast %ge3A_810 : f32 to vector<16xf32>
      %ge3A_812 = arith.cmpf oge, %add3A_806, %ge3A_811 : vector<16xf32>
      %lt3A_813 = arith.constant 6.400000e+01 : f32
      %lt3A_814 = vector.broadcast %lt3A_813 : f32 to vector<16xf32>
      %lt3A_815 = arith.cmpf olt, %add3A_806, %lt3A_814 : vector<16xf32>
      %and3A_816 = arith.andi %ge3A_812, %lt3A_815 : vector<16xi1>
      %ge3A_817 = arith.constant 0.000000e+00 : f32
      %ge3A_818 = vector.broadcast %ge3A_817 : f32 to vector<16xf32>
      %ge3A_819 = arith.cmpf oge, %add3A_809, %ge3A_818 : vector<16xf32>
      %and3A_820 = arith.andi %and3A_816, %ge3A_819 : vector<16xi1>
      %lt3A_821 = arith.constant 6.400000e+01 : f32
      %lt3A_822 = vector.broadcast %lt3A_821 : f32 to vector<16xf32>
      %lt3A_823 = arith.cmpf olt, %add3A_809, %lt3A_822 : vector<16xf32>
      %and3A_824 = arith.andi %and3A_820, %lt3A_823 : vector<16xi1>
      %jit3A_825 = arith.constant 0.000000e+00 : f32
      %jit3A_826 = arith.constant 6.300000e+01 : f32
      %max3A_827 = vector.broadcast %jit3A_825 : f32 to vector<16xf32>
      %max3A_828 = arith.maximumf %max3A_827, %add3A_806 : vector<16xf32>
      %min3A_829 = vector.broadcast %jit3A_826 : f32 to vector<16xf32>
      %min3A_830 = arith.minimumf %min3A_829, %max3A_828 : vector<16xf32>
      %convert_element_type3A_831 = arith.fptosi %min3A_830 : vector<16xf32> to vector<16xi32>
      %jit3A_832 = arith.constant 0.000000e+00 : f32
      %jit3A_833 = arith.constant 6.300000e+01 : f32
      %max3A_834 = vector.broadcast %jit3A_832 : f32 to vector<16xf32>
      %max3A_835 = arith.maximumf %max3A_834, %add3A_809 : vector<16xf32>
      %min3A_836 = vector.broadcast %jit3A_833 : f32 to vector<16xf32>
      %min3A_837 = arith.minimumf %min3A_836, %max3A_835 : vector<16xf32>
      %convert_element_type3A_838 = arith.fptosi %min3A_837 : vector<16xf32> to vector<16xi32>
      %convert_element_type3A_839 = arith.sitofp %convert_element_type3A_831 : vector<16xi32> to vector<16xf32>
      %sub3A_840 = arith.subf %add3A_806, %convert_element_type3A_839 : vector<16xf32>
      %convert_element_type3A_841 = arith.sitofp %convert_element_type3A_838 : vector<16xi32> to vector<16xf32>
      %sub3A_842 = arith.subf %add3A_809, %convert_element_type3A_841 : vector<16xf32>
      %add3A_843 = arith.constant 1 : i32
      %add3A_844 = vector.broadcast %add3A_843 : i32 to vector<16xi32>
      %add3A_845 = arith.addi %convert_element_type3A_831, %add3A_844 : vector<16xi32>
      %min3A_846 = arith.constant 63 : i32
      %min3A_847 = vector.broadcast %min3A_846 : i32 to vector<16xi32>
      %min3A_848 = arith.minsi %add3A_845, %min3A_847 : vector<16xi32>
      %add3A_849 = arith.constant 1 : i32
      %add3A_850 = vector.broadcast %add3A_849 : i32 to vector<16xi32>
      %add3A_851 = arith.addi %convert_element_type3A_838, %add3A_850 : vector<16xi32>
      %min3A_852 = arith.constant 63 : i32
      %min3A_853 = vector.broadcast %min3A_852 : i32 to vector<16xi32>
      %min3A_854 = arith.minsi %add3A_851, %min3A_853 : vector<16xi32>
      %convert_element_type3A_855 = arith.fptosi %gather3A_761 : vector<16xf32> to vector<16xi32>
      %mul3A_856 = arith.constant 4096 : i32
      %mul3A_857 = vector.broadcast %mul3A_856 : i32 to vector<16xi32>
      %mul3A_858 = arith.muli %convert_element_type3A_855, %mul3A_857 : vector<16xi32>
      %mul3A_859 = arith.constant 64 : i32
      %mul3A_860 = vector.broadcast %mul3A_859 : i32 to vector<16xi32>
      %mul3A_861 = arith.muli %convert_element_type3A_831, %mul3A_860 : vector<16xi32>
      %add3A_862 = arith.addi %mul3A_858, %mul3A_861 : vector<16xi32>
      %mul3A_863 = arith.constant 64 : i32
      %mul3A_864 = vector.broadcast %mul3A_863 : i32 to vector<16xi32>
      %mul3A_865 = arith.muli %min3A_848, %mul3A_864 : vector<16xi32>
      %add3A_866 = arith.addi %mul3A_858, %mul3A_865 : vector<16xi32>
      %jit3A_867 = arith.constant 1.000000e+00 : f32
      %jit3A_868 = arith.constant 0.000000e+00 : f32
      %broadcast_in_dim3A_869 = vector.broadcast %jit3A_867 : f32 to vector<16xf32>
      %broadcast_in_dim3A_870 = vector.broadcast %jit3A_868 : f32 to vector<16xf32>
      %select_n3A_871 = arith.select %and3A_824, %broadcast_in_dim3A_869, %broadcast_in_dim3A_870 : vector<16xi1>, vector<16xf32>
      %sub3A_872 = arith.constant 1.000000e+00 : f32
      %sub3A_873 = vector.broadcast %sub3A_872 : f32 to vector<16xf32>
      %sub3A_874 = arith.subf %sub3A_873, %sub3A_840 : vector<16xf32>
      %mul3A_875 = arith.mulf %sub3A_874, %select_n3A_871 : vector<16xf32>
      %sub3A_876 = arith.constant 1.000000e+00 : f32
      %sub3A_877 = vector.broadcast %sub3A_876 : f32 to vector<16xf32>
      %sub3A_878 = arith.subf %sub3A_877, %sub3A_842 : vector<16xf32>
      %add3A_879 = arith.addi %add3A_862, %convert_element_type3A_838 : vector<16xi32>
      %swap3A_880 = arith.constant 0 : index
      %swap3A_881 = tpu.vector_load %arg6[%swap3A_880] {strides = array<i32>} : memref<32xi32, #tpu.memory_space<vmem>>, vector<16xi32>,
      tpu.vector_store %arg6[%swap3A_880], %add3A_879 {strides = array<i32>} : memref<32xi32, #tpu.memory_space<vmem>>, vector<16xi32>,
      %add3A_882 = arith.addi %add3A_862, %min3A_854 : vector<16xi32>
      %swap3A_883 = arith.constant 0 : index
      %swap3A_884 = tpu.vector_load %arg7[%swap3A_883] {strides = array<i32>} : memref<32xi32, #tpu.memory_space<vmem>>, vector<16xi32>,
      tpu.vector_store %arg7[%swap3A_883], %add3A_882 {strides = array<i32>} : memref<32xi32, #tpu.memory_space<vmem>>, vector<16xi32>,
      %add3A_885 = arith.addi %add3A_866, %convert_element_type3A_838 : vector<16xi32>
      %swap3A_886 = arith.constant 0 : index
      %swap3A_887 = tpu.vector_load %arg8[%swap3A_886] {strides = array<i32>} : memref<32xi32, #tpu.memory_space<vmem>>, vector<16xi32>,
      tpu.vector_store %arg8[%swap3A_886], %add3A_885 {strides = array<i32>} : memref<32xi32, #tpu.memory_space<vmem>>, vector<16xi32>,
      %add3A_888 = arith.addi %add3A_866, %min3A_854 : vector<16xi32>
      %swap3A_889 = arith.constant 0 : index
      %swap3A_890 = tpu.vector_load %arg9[%swap3A_889] {strides = array<i32>} : memref<32xi32, #tpu.memory_space<vmem>>, vector<16xi32>,
      tpu.vector_store %arg9[%swap3A_889], %add3A_888 {strides = array<i32>} : memref<32xi32, #tpu.memory_space<vmem>>, vector<16xi32>,
      %mul3A_891 = arith.mulf %mul3A_875, %sub3A_878 : vector<16xf32>
      %swap3A_892 = arith.constant 0 : index
      %swap3A_893 = tpu.vector_load %arg10[%swap3A_892] {strides = array<i32>} : memref<32xf32, #tpu.memory_space<vmem>>, vector<16xf32>,
      tpu.vector_store %arg10[%swap3A_892], %mul3A_891 {strides = array<i32>} : memref<32xf32, #tpu.memory_space<vmem>>, vector<16xf32>,
      %mul3A_894 = arith.mulf %mul3A_875, %sub3A_842 : vector<16xf32>
      %swap3A_895 = arith.constant 0 : index
      %swap3A_896 = tpu.vector_load %arg11[%swap3A_895] {strides = array<i32>} : memref<32xf32, #tpu.memory_space<vmem>>, vector<16xf32>,
      tpu.vector_store %arg11[%swap3A_895], %mul3A_894 {strides = array<i32>} : memref<32xf32, #tpu.memory_space<vmem>>, vector<16xf32>,
      %mul3A_897 = arith.mulf %sub3A_840, %select_n3A_871 : vector<16xf32>
      %mul3A_898 = arith.mulf %mul3A_897, %sub3A_878 : vector<16xf32>
      %swap3A_899 = arith.constant 0 : index
      %swap3A_900 = tpu.vector_load %arg12[%swap3A_899] {strides = array<i32>} : memref<32xf32, #tpu.memory_space<vmem>>, vector<16xf32>,
      tpu.vector_store %arg12[%swap3A_899], %mul3A_898 {strides = array<i32>} : memref<32xf32, #tpu.memory_space<vmem>>, vector<16xf32>,
      %mul3A_901 = arith.mulf %sub3A_840, %select_n3A_871 : vector<16xf32>
      %mul3A_902 = arith.mulf %mul3A_901, %sub3A_842 : vector<16xf32>
      %swap3A_903 = arith.constant 0 : index
      %swap3A_904 = tpu.vector_load %arg13[%swap3A_903] {strides = array<i32>} : memref<32xf32, #tpu.memory_space<vmem>>, vector<16xf32>,
      tpu.vector_store %arg13[%swap3A_903], %mul3A_902 {strides = array<i32>} : memref<32xf32, #tpu.memory_space<vmem>>, vector<16xf32>,
      %add3A_905 = arith.constant 16 : i32
      %add3A_906 = arith.addi %add3A_736, %add3A_905 : i32
      %add3A_907 = vector.broadcast %add3A_906 : i32 to vector<16xi32>
      %add3A_908 = arith.addi %iota3A, %add3A_907 : vector<16xi32>
      %div3A_909 = arith.constant 49 : i32
      %div3A_910 = vector.broadcast %div3A_909 : i32 to vector<16xi32>
      %div3A_911 = arith.divsi %add3A_908, %div3A_910 : vector<16xi32>
      %mul3A_912 = arith.constant 49 : i32
      %mul3A_913 = vector.broadcast %mul3A_912 : i32 to vector<16xi32>
      %mul3A_914 = arith.muli %div3A_911, %mul3A_913 : vector<16xi32>
      %sub3A_915 = arith.subi %add3A_908, %mul3A_914 : vector<16xi32>
      %div3A_916 = arith.constant 7 : i32
      %div3A_917 = vector.broadcast %div3A_916 : i32 to vector<16xi32>
      %div3A_918 = arith.divsi %sub3A_915, %div3A_917 : vector<16xi32>
      %mul3A_919 = arith.constant 7 : i32
      %mul3A_920 = vector.broadcast %mul3A_919 : i32 to vector<16xi32>
      %mul3A_921 = arith.muli %div3A_918, %mul3A_920 : vector<16xi32>
      %sub3A_922 = arith.subi %sub3A_915, %mul3A_921 : vector<16xi32>
      %min3A_923 = arith.constant 4999 : i32
      %min3A_924 = vector.broadcast %min3A_923 : i32 to vector<16xi32>
      %min3A_925 = arith.minsi %div3A_911, %min3A_924 : vector<16xi32>
      %mul3A_926 = arith.constant 5 : i32
      %mul3A_927 = vector.broadcast %mul3A_926 : i32 to vector<16xi32>
      %mul3A_928 = arith.muli %min3A_925, %mul3A_927 : vector<16xi32>
      %gather3A_929 = tpu.vector_load_idx %arg5[%mul3A_928] : memref<25000xf32, #tpu.memory_space<vmem>>[vector<16xi32>], vector<16xf32>,
      %add3A_930 = arith.constant 1 : i32
      %add3A_931 = vector.broadcast %add3A_930 : i32 to vector<16xi32>
      %add3A_932 = arith.addi %mul3A_928, %add3A_931 : vector<16xi32>
      %gather3A_933 = tpu.vector_load_idx %arg5[%add3A_932] : memref<25000xf32, #tpu.memory_space<vmem>>[vector<16xi32>], vector<16xf32>,
      %mul3A_934 = arith.constant 6.250000e-02 : f32
      %mul3A_935 = vector.broadcast %mul3A_934 : f32 to vector<16xf32>
      %mul3A_936 = arith.mulf %gather3A_933, %mul3A_935 : vector<16xf32>
      %add3A_937 = arith.constant 2 : i32
      %add3A_938 = vector.broadcast %add3A_937 : i32 to vector<16xi32>
      %add3A_939 = arith.addi %mul3A_928, %add3A_938 : vector<16xi32>
      %gather3A_940 = tpu.vector_load_idx %arg5[%add3A_939] : memref<25000xf32, #tpu.memory_space<vmem>>[vector<16xi32>], vector<16xf32>,
      %mul3A_941 = arith.constant 6.250000e-02 : f32
      %mul3A_942 = vector.broadcast %mul3A_941 : f32 to vector<16xf32>
      %mul3A_943 = arith.mulf %gather3A_940, %mul3A_942 : vector<16xf32>
      %add3A_944 = arith.constant 3 : i32
      %add3A_945 = vector.broadcast %add3A_944 : i32 to vector<16xi32>
      %add3A_946 = arith.addi %mul3A_928, %add3A_945 : vector<16xi32>
      %gather3A_947 = tpu.vector_load_idx %arg5[%add3A_946] : memref<25000xf32, #tpu.memory_space<vmem>>[vector<16xi32>], vector<16xf32>,
      %mul3A_948 = arith.constant 6.250000e-02 : f32
      %mul3A_949 = vector.broadcast %mul3A_948 : f32 to vector<16xf32>
      %mul3A_950 = arith.mulf %gather3A_947, %mul3A_949 : vector<16xf32>
      %add3A_951 = arith.constant 4 : i32
      %add3A_952 = vector.broadcast %add3A_951 : i32 to vector<16xi32>
      %add3A_953 = arith.addi %mul3A_928, %add3A_952 : vector<16xi32>
      %gather3A_954 = tpu.vector_load_idx %arg5[%add3A_953] : memref<25000xf32, #tpu.memory_space<vmem>>[vector<16xi32>], vector<16xf32>,
      %mul3A_955 = arith.constant 6.250000e-02 : f32
      %mul3A_956 = vector.broadcast %mul3A_955 : f32 to vector<16xf32>
      %mul3A_957 = arith.mulf %gather3A_954, %mul3A_956 : vector<16xf32>
      %sub3A_958 = arith.subf %mul3A_950, %mul3A_936 : vector<16xf32>
      %max3A_959 = arith.constant 0.000000e+00 : f32
      %max3A_960 = vector.broadcast %max3A_959 : f32 to vector<16xf32>
      %max3A_961 = arith.maximumf %sub3A_958, %max3A_960 : vector<16xf32>
      %mul3A_962 = arith.constant 0.166666672 : f32
      %mul3A_963 = vector.broadcast %mul3A_962 : f32 to vector<16xf32>
      %mul3A_964 = arith.mulf %max3A_961, %mul3A_963 : vector<16xf32>
      %sub3A_965 = arith.subf %mul3A_957, %mul3A_943 : vector<16xf32>
      %max3A_966 = arith.constant 0.000000e+00 : f32
      %max3A_967 = vector.broadcast %max3A_966 : f32 to vector<16xf32>
      %max3A_968 = arith.maximumf %sub3A_965, %max3A_967 : vector<16xf32>
      %mul3A_969 = arith.constant 0.166666672 : f32
      %mul3A_970 = vector.broadcast %mul3A_969 : f32 to vector<16xf32>
      %mul3A_971 = arith.mulf %max3A_968, %mul3A_970 : vector<16xf32>
      %convert_element_type3A_972 = arith.sitofp %div3A_918 : vector<16xi32> to vector<16xf32>
      %mul3A_973 = arith.mulf %convert_element_type3A_972, %mul3A_971 : vector<16xf32>
      %add3A_974 = arith.addf %mul3A_943, %mul3A_973 : vector<16xf32>
      %convert_element_type3A_975 = arith.sitofp %sub3A_922 : vector<16xi32> to vector<16xf32>
      %mul3A_976 = arith.mulf %convert_element_type3A_975, %mul3A_964 : vector<16xf32>
      %add3A_977 = arith.addf %mul3A_936, %mul3A_976 : vector<16xf32>
      %ge3A_978 = arith.constant 0.000000e+00 : f32
      %ge3A_979 = vector.broadcast %ge3A_978 : f32 to vector<16xf32>
      %ge3A_980 = arith.cmpf oge, %add3A_974, %ge3A_979 : vector<16xf32>
      %lt3A_981 = arith.constant 6.400000e+01 : f32
      %lt3A_982 = vector.broadcast %lt3A_981 : f32 to vector<16xf32>
      %lt3A_983 = arith.cmpf olt, %add3A_974, %lt3A_982 : vector<16xf32>
      %and3A_984 = arith.andi %ge3A_980, %lt3A_983 : vector<16xi1>
      %ge3A_985 = arith.constant 0.000000e+00 : f32
      %ge3A_986 = vector.broadcast %ge3A_985 : f32 to vector<16xf32>
      %ge3A_987 = arith.cmpf oge, %add3A_977, %ge3A_986 : vector<16xf32>
      %and3A_988 = arith.andi %and3A_984, %ge3A_987 : vector<16xi1>
      %lt3A_989 = arith.constant 6.400000e+01 : f32
      %lt3A_990 = vector.broadcast %lt3A_989 : f32 to vector<16xf32>
      %lt3A_991 = arith.cmpf olt, %add3A_977, %lt3A_990 : vector<16xf32>
      %and3A_992 = arith.andi %and3A_988, %lt3A_991 : vector<16xi1>
      %jit3A_993 = arith.constant 0.000000e+00 : f32
      %jit3A_994 = arith.constant 6.300000e+01 : f32
      %max3A_995 = vector.broadcast %jit3A_993 : f32 to vector<16xf32>
      %max3A_996 = arith.maximumf %max3A_995, %add3A_974 : vector<16xf32>
      %min3A_997 = vector.broadcast %jit3A_994 : f32 to vector<16xf32>
      %min3A_998 = arith.minimumf %min3A_997, %max3A_996 : vector<16xf32>
      %convert_element_type3A_999 = arith.fptosi %min3A_998 : vector<16xf32> to vector<16xi32>
      %jit3A_1000 = arith.constant 0.000000e+00 : f32
      %jit3A_1001 = arith.constant 6.300000e+01 : f32
      %max3A_1002 = vector.broadcast %jit3A_1000 : f32 to vector<16xf32>
      %max3A_1003 = arith.maximumf %max3A_1002, %add3A_977 : vector<16xf32>
      %min3A_1004 = vector.broadcast %jit3A_1001 : f32 to vector<16xf32>
      %min3A_1005 = arith.minimumf %min3A_1004, %max3A_1003 : vector<16xf32>
      %convert_element_type3A_1006 = arith.fptosi %min3A_1005 : vector<16xf32> to vector<16xi32>
      %convert_element_type3A_1007 = arith.sitofp %convert_element_type3A_999 : vector<16xi32> to vector<16xf32>
      %sub3A_1008 = arith.subf %add3A_974, %convert_element_type3A_1007 : vector<16xf32>
      %convert_element_type3A_1009 = arith.sitofp %convert_element_type3A_1006 : vector<16xi32> to vector<16xf32>
      %sub3A_1010 = arith.subf %add3A_977, %convert_element_type3A_1009 : vector<16xf32>
      %add3A_1011 = arith.constant 1 : i32
      %add3A_1012 = vector.broadcast %add3A_1011 : i32 to vector<16xi32>
      %add3A_1013 = arith.addi %convert_element_type3A_999, %add3A_1012 : vector<16xi32>
      %min3A_1014 = arith.constant 63 : i32
      %min3A_1015 = vector.broadcast %min3A_1014 : i32 to vector<16xi32>
      %min3A_1016 = arith.minsi %add3A_1013, %min3A_1015 : vector<16xi32>
      %add3A_1017 = arith.constant 1 : i32
      %add3A_1018 = vector.broadcast %add3A_1017 : i32 to vector<16xi32>
      %add3A_1019 = arith.addi %convert_element_type3A_1006, %add3A_1018 : vector<16xi32>
      %min3A_1020 = arith.constant 63 : i32
      %min3A_1021 = vector.broadcast %min3A_1020 : i32 to vector<16xi32>
      %min3A_1022 = arith.minsi %add3A_1019, %min3A_1021 : vector<16xi32>
      %convert_element_type3A_1023 = arith.fptosi %gather3A_929 : vector<16xf32> to vector<16xi32>
      %mul3A_1024 = arith.constant 4096 : i32
      %mul3A_1025 = vector.broadcast %mul3A_1024 : i32 to vector<16xi32>
      %mul3A_1026 = arith.muli %convert_element_type3A_1023, %mul3A_1025 : vector<16xi32>
      %mul3A_1027 = arith.constant 64 : i32
      %mul3A_1028 = vector.broadcast %mul3A_1027 : i32 to vector<16xi32>
      %mul3A_1029 = arith.muli %convert_element_type3A_999, %mul3A_1028 : vector<16xi32>
      %add3A_1030 = arith.addi %mul3A_1026, %mul3A_1029 : vector<16xi32>
      %mul3A_1031 = arith.constant 64 : i32
      %mul3A_1032 = vector.broadcast %mul3A_1031 : i32 to vector<16xi32>
      %mul3A_1033 = arith.muli %min3A_1016, %mul3A_1032 : vector<16xi32>
      %add3A_1034 = arith.addi %mul3A_1026, %mul3A_1033 : vector<16xi32>
      %jit3A_1035 = arith.constant 1.000000e+00 : f32
      %jit3A_1036 = arith.constant 0.000000e+00 : f32
      %broadcast_in_dim3A_1037 = vector.broadcast %jit3A_1035 : f32 to vector<16xf32>
      %broadcast_in_dim3A_1038 = vector.broadcast %jit3A_1036 : f32 to vector<16xf32>
      %select_n3A_1039 = arith.select %and3A_992, %broadcast_in_dim3A_1037, %broadcast_in_dim3A_1038 : vector<16xi1>, vector<16xf32>
      %sub3A_1040 = arith.constant 1.000000e+00 : f32
      %sub3A_1041 = vector.broadcast %sub3A_1040 : f32 to vector<16xf32>
      %sub3A_1042 = arith.subf %sub3A_1041, %sub3A_1008 : vector<16xf32>
      %mul3A_1043 = arith.mulf %sub3A_1042, %select_n3A_1039 : vector<16xf32>
      %sub3A_1044 = arith.constant 1.000000e+00 : f32
      %sub3A_1045 = vector.broadcast %sub3A_1044 : f32 to vector<16xf32>
      %sub3A_1046 = arith.subf %sub3A_1045, %sub3A_1010 : vector<16xf32>
      %add3A_1047 = arith.addi %add3A_1030, %convert_element_type3A_1006 : vector<16xi32>
      %swap3A_1048 = arith.constant 16 : index
      %swap3A_1049 = tpu.vector_load %arg6[%swap3A_1048] {strides = array<i32>} : memref<32xi32, #tpu.memory_space<vmem>>, vector<16xi32>,
      tpu.vector_store %arg6[%swap3A_1048], %add3A_1047 {strides = array<i32>} : memref<32xi32, #tpu.memory_space<vmem>>, vector<16xi32>,
      %add3A_1050 = arith.addi %add3A_1030, %min3A_1022 : vector<16xi32>
      %swap3A_1051 = arith.constant 16 : index
      %swap3A_1052 = tpu.vector_load %arg7[%swap3A_1051] {strides = array<i32>} : memref<32xi32, #tpu.memory_space<vmem>>, vector<16xi32>,
      tpu.vector_store %arg7[%swap3A_1051], %add3A_1050 {strides = array<i32>} : memref<32xi32, #tpu.memory_space<vmem>>, vector<16xi32>,
      %add3A_1053 = arith.addi %add3A_1034, %convert_element_type3A_1006 : vector<16xi32>
      %swap3A_1054 = arith.constant 16 : index
      %swap3A_1055 = tpu.vector_load %arg8[%swap3A_1054] {strides = array<i32>} : memref<32xi32, #tpu.memory_space<vmem>>, vector<16xi32>,
      tpu.vector_store %arg8[%swap3A_1054], %add3A_1053 {strides = array<i32>} : memref<32xi32, #tpu.memory_space<vmem>>, vector<16xi32>,
      %add3A_1056 = arith.addi %add3A_1034, %min3A_1022 : vector<16xi32>
      %swap3A_1057 = arith.constant 16 : index
      %swap3A_1058 = tpu.vector_load %arg9[%swap3A_1057] {strides = array<i32>} : memref<32xi32, #tpu.memory_space<vmem>>, vector<16xi32>,
      tpu.vector_store %arg9[%swap3A_1057], %add3A_1056 {strides = array<i32>} : memref<32xi32, #tpu.memory_space<vmem>>, vector<16xi32>,
      %mul3A_1059 = arith.mulf %mul3A_1043, %sub3A_1046 : vector<16xf32>
      %swap3A_1060 = arith.constant 16 : index
      %swap3A_1061 = tpu.vector_load %arg10[%swap3A_1060] {strides = array<i32>} : memref<32xf32, #tpu.memory_space<vmem>>, vector<16xf32>,
      tpu.vector_store %arg10[%swap3A_1060], %mul3A_1059 {strides = array<i32>} : memref<32xf32, #tpu.memory_space<vmem>>, vector<16xf32>,
      %mul3A_1062 = arith.mulf %mul3A_1043, %sub3A_1010 : vector<16xf32>
      %swap3A_1063 = arith.constant 16 : index
      %swap3A_1064 = tpu.vector_load %arg11[%swap3A_1063] {strides = array<i32>} : memref<32xf32, #tpu.memory_space<vmem>>, vector<16xf32>,
      tpu.vector_store %arg11[%swap3A_1063], %mul3A_1062 {strides = array<i32>} : memref<32xf32, #tpu.memory_space<vmem>>, vector<16xf32>,
      %mul3A_1065 = arith.mulf %sub3A_1008, %select_n3A_1039 : vector<16xf32>
      %mul3A_1066 = arith.mulf %mul3A_1065, %sub3A_1046 : vector<16xf32>
      %swap3A_1067 = arith.constant 16 : index
      %swap3A_1068 = tpu.vector_load %arg12[%swap3A_1067] {strides = array<i32>} : memref<32xf32, #tpu.memory_space<vmem>>, vector<16xf32>,
      tpu.vector_store %arg12[%swap3A_1067], %mul3A_1066 {strides = array<i32>} : memref<32xf32, #tpu.memory_space<vmem>>, vector<16xf32>,
      %mul3A_1069 = arith.mulf %sub3A_1008, %select_n3A_1039 : vector<16xf32>
      %mul3A_1070 = arith.mulf %mul3A_1069, %sub3A_1010 : vector<16xf32>
      %swap3A_1071 = arith.constant 16 : index
      %swap3A_1072 = tpu.vector_load %arg13[%swap3A_1071] {strides = array<i32>} : memref<32xf32, #tpu.memory_space<vmem>>, vector<16xf32>,
      tpu.vector_store %arg13[%swap3A_1071], %mul3A_1070 {strides = array<i32>} : memref<32xf32, #tpu.memory_space<vmem>>, vector<16xf32>,
      %dma_start3A_1073 = arith.constant 0 : i32
      %dma_start3A_1074 = arith.constant 0 : i32
      %dma_start3A_1075 = tpu.memref_slice %arg2[%dma_start3A_1073, %dma_start3A_1074] : memref<8192x256xf32, #tpu.memory_space<hbm>> -> memref<8192x256xf32, #tpu.memory_space<hbm>>
      tpu.enqueue_indirect_dma source(%dma_start3A_1075 : memref<8192x256xf32, #tpu.memory_space<hbm>>) target(%arg14 : memref<32x256xf32, #tpu.memory_space<vmem>>) offsets(%arg6 : memref<32xi32, #tpu.memory_space<vmem>>) semaphore(%arg32 : memref<!tpu.dma_semaphore, #tpu.memory_space<semaphore_mem>>)
      %dma_start3A_1076 = arith.constant 0 : i32
      %dma_start3A_1077 = arith.constant 0 : i32
      %dma_start3A_1078 = tpu.memref_slice %arg2[%dma_start3A_1076, %dma_start3A_1077] : memref<8192x256xf32, #tpu.memory_space<hbm>> -> memref<8192x256xf32, #tpu.memory_space<hbm>>
      tpu.enqueue_indirect_dma source(%dma_start3A_1078 : memref<8192x256xf32, #tpu.memory_space<hbm>>) target(%arg15 : memref<32x256xf32, #tpu.memory_space<vmem>>) offsets(%arg7 : memref<32xi32, #tpu.memory_space<vmem>>) semaphore(%arg32 : memref<!tpu.dma_semaphore, #tpu.memory_space<semaphore_mem>>)
      %dma_start3A_1079 = arith.constant 0 : i32
      %dma_start3A_1080 = arith.constant 0 : i32
      %dma_start3A_1081 = tpu.memref_slice %arg2[%dma_start3A_1079, %dma_start3A_1080] : memref<8192x256xf32, #tpu.memory_space<hbm>> -> memref<8192x256xf32, #tpu.memory_space<hbm>>
      tpu.enqueue_indirect_dma source(%dma_start3A_1081 : memref<8192x256xf32, #tpu.memory_space<hbm>>) target(%arg16 : memref<32x256xf32, #tpu.memory_space<vmem>>) offsets(%arg8 : memref<32xi32, #tpu.memory_space<vmem>>) semaphore(%arg32 : memref<!tpu.dma_semaphore, #tpu.memory_space<semaphore_mem>>)
      %dma_start3A_1082 = arith.constant 0 : i32
      %dma_start3A_1083 = arith.constant 0 : i32
      %dma_start3A_1084 = tpu.memref_slice %arg2[%dma_start3A_1082, %dma_start3A_1083] : memref<8192x256xf32, #tpu.memory_space<hbm>> -> memref<8192x256xf32, #tpu.memory_space<hbm>>
      tpu.enqueue_indirect_dma source(%dma_start3A_1084 : memref<8192x256xf32, #tpu.memory_space<hbm>>) target(%arg17 : memref<32x256xf32, #tpu.memory_space<vmem>>) offsets(%arg9 : memref<32xi32, #tpu.memory_space<vmem>>) semaphore(%arg32 : memref<!tpu.dma_semaphore, #tpu.memory_space<semaphore_mem>>)
      %dma_wait3A_1085 = arith.constant 0 : i32
      %dma_wait3A_1086 = arith.constant 0 : i32
      %dma_wait3A_1087 = tpu.memref_slice %arg2[%dma_wait3A_1085, %dma_wait3A_1086] : memref<8192x256xf32, #tpu.memory_space<hbm>> -> memref<8192x256xf32, #tpu.memory_space<hbm>>
      tpu.wait_indirect_dma semaphore(%arg33 : memref<!tpu.dma_semaphore, #tpu.memory_space<semaphore_mem>>) src(%dma_wait3A_1087 : memref<8192x256xf32, #tpu.memory_space<hbm>>) dst(%arg27 : memref<32x256xf32, #tpu.memory_space<vmem>>)
      %dma_wait3A_1088 = arith.constant 0 : i32
      %dma_wait3A_1089 = arith.constant 0 : i32
      %dma_wait3A_1090 = tpu.memref_slice %arg2[%dma_wait3A_1088, %dma_wait3A_1089] : memref<8192x256xf32, #tpu.memory_space<hbm>> -> memref<8192x256xf32, #tpu.memory_space<hbm>>
      tpu.wait_indirect_dma semaphore(%arg33 : memref<!tpu.dma_semaphore, #tpu.memory_space<semaphore_mem>>) src(%dma_wait3A_1090 : memref<8192x256xf32, #tpu.memory_space<hbm>>) dst(%arg28 : memref<32x256xf32, #tpu.memory_space<vmem>>)
      %dma_wait3A_1091 = arith.constant 0 : i32
      %dma_wait3A_1092 = arith.constant 0 : i32
      %dma_wait3A_1093 = tpu.memref_slice %arg2[%dma_wait3A_1091, %dma_wait3A_1092] : memref<8192x256xf32, #tpu.memory_space<hbm>> -> memref<8192x256xf32, #tpu.memory_space<hbm>>
      tpu.wait_indirect_dma semaphore(%arg33 : memref<!tpu.dma_semaphore, #tpu.memory_space<semaphore_mem>>) src(%dma_wait3A_1093 : memref<8192x256xf32, #tpu.memory_space<hbm>>) dst(%arg29 : memref<32x256xf32, #tpu.memory_space<vmem>>)
      %dma_wait3A_1094 = arith.constant 0 : i32
      %dma_wait3A_1095 = arith.constant 0 : i32
      %dma_wait3A_1096 = tpu.memref_slice %arg2[%dma_wait3A_1094, %dma_wait3A_1095] : memref<8192x256xf32, #tpu.memory_space<hbm>> -> memref<8192x256xf32, #tpu.memory_space<hbm>>
      tpu.wait_indirect_dma semaphore(%arg33 : memref<!tpu.dma_semaphore, #tpu.memory_space<semaphore_mem>>) src(%dma_wait3A_1096 : memref<8192x256xf32, #tpu.memory_space<hbm>>) dst(%arg30 : memref<32x256xf32, #tpu.memory_space<vmem>>)
      %add3A_1097 = arith.constant 1 : i32
      %add3A_1098 = arith.addi %mul3A_357, %add3A_1097 : i32
      %scan3A_1099 = arith.constant 0 : i32
      %scan3A_1100 = arith.constant 0 : i32
      %scan3A_1101 = arith.constant 32 : i32
      %scan3A_1102 = arith.addi %scan3A_1100, %scan3A_1101 : i32
      %scan3A_1103 = arith.constant 1 : i32
      scf.for %scan3A_1108 = %scan3A_1100 to %scan3A_1102 step %scan3A_1103  : i32 {
        %broadcast_in_dim3A_1109 = arith.constant 0 : i32
        %broadcast_in_dim3A_1110 = vector.broadcast %broadcast_in_dim3A_1109 : i32 to vector<16xi32>
        %add3A_1111 = vector.broadcast %scan3A_1108 : i32 to vector<16xi32>
        %add3A_1112 = arith.addi %broadcast_in_dim3A_1110, %add3A_1111 : vector<16xi32>
        %gather3A_1113 = tpu.vector_load_idx %arg23[%add3A_1112] : memref<32xf32, #tpu.memory_space<vmem>>[vector<16xi32>], vector<16xf32>,
        %gather3A_1114 = tpu.vector_load_idx %arg24[%add3A_1112] : memref<32xf32, #tpu.memory_space<vmem>>[vector<16xi32>], vector<16xf32>,
        %gather3A_1115 = tpu.vector_load_idx %arg25[%add3A_1112] : memref<32xf32, #tpu.memory_space<vmem>>[vector<16xi32>], vector<16xf32>,
        %gather3A_1116 = tpu.vector_load_idx %arg26[%add3A_1112] : memref<32xf32, #tpu.memory_space<vmem>>[vector<16xi32>], vector<16xf32>,
        %get3A = arith.index_cast %scan3A_1108 : i32 to index
        %get3A_1117 = arith.constant 0 : index
        %get3A_1118 = tpu.vector_load %arg27[%get3A, %get3A_1117] {strides = array<i32>} : memref<32x256xf32, #tpu.memory_space<vmem>>, vector<16xf32>,
        %mul3A_1119 = arith.mulf %gather3A_1113, %get3A_1118 : vector<16xf32>
        %get3A_1120 = arith.index_cast %scan3A_1108 : i32 to index
        %get3A_1121 = arith.constant 0 : index
        %get3A_1122 = tpu.vector_load %arg28[%get3A_1120, %get3A_1121] {strides = array<i32>} : memref<32x256xf32, #tpu.memory_space<vmem>>, vector<16xf32>,
        %mul3A_1123 = arith.mulf %gather3A_1114, %get3A_1122 : vector<16xf32>
        %add3A_1124 = arith.addf %mul3A_1119, %mul3A_1123 : vector<16xf32>
        %get3A_1125 = arith.index_cast %scan3A_1108 : i32 to index
        %get3A_1126 = arith.constant 0 : index
        %get3A_1127 = tpu.vector_load %arg29[%get3A_1125, %get3A_1126] {strides = array<i32>} : memref<32x256xf32, #tpu.memory_space<vmem>>, vector<16xf32>,
        %mul3A_1128 = arith.mulf %gather3A_1115, %get3A_1127 : vector<16xf32>
        %add3A_1129 = arith.addf %add3A_1124, %mul3A_1128 : vector<16xf32>
        %get3A_1130 = arith.index_cast %scan3A_1108 : i32 to index
        %get3A_1131 = arith.constant 0 : index
        %get3A_1132 = tpu.vector_load %arg30[%get3A_1130, %get3A_1131] {strides = array<i32>} : memref<32x256xf32, #tpu.memory_space<vmem>>, vector<16xf32>,
        %mul3A_1133 = arith.mulf %gather3A_1116, %get3A_1132 : vector<16xf32>
        %add3A_1134 = arith.addf %add3A_1129, %mul3A_1133 : vector<16xf32>
        %swap3A_1135 = arith.index_cast %scan3A_1108 : i32 to index
        %swap3A_1136 = arith.constant 0 : index
        %swap3A_1137 = tpu.vector_load %arg31[%swap3A_1135, %swap3A_1136] {strides = array<i32>} : memref<32x256xf32, #tpu.memory_space<vmem>>, vector<16xf32>,
        tpu.vector_store %arg31[%swap3A_1135, %swap3A_1136], %add3A_1134 {strides = array<i32>} : memref<32x256xf32, #tpu.memory_space<vmem>>, vector<16xf32>,
        %get3A_1138 = arith.index_cast %scan3A_1108 : i32 to index
        %get3A_1139 = arith.constant 16 : index
        %get3A_1140 = tpu.vector_load %arg27[%get3A_1138, %get3A_1139] {strides = array<i32>} : memref<32x256xf32, #tpu.memory_space<vmem>>, vector<16xf32>,
        %mul3A_1141 = arith.mulf %gather3A_1113, %get3A_1140 : vector<16xf32>
        %get3A_1142 = arith.index_cast %scan3A_1108 : i32 to index
        %get3A_1143 = arith.constant 16 : index
        %get3A_1144 = tpu.vector_load %arg28[%get3A_1142, %get3A_1143] {strides = array<i32>} : memref<32x256xf32, #tpu.memory_space<vmem>>, vector<16xf32>,
        %mul3A_1145 = arith.mulf %gather3A_1114, %get3A_1144 : vector<16xf32>
        %add3A_1146 = arith.addf %mul3A_1141, %mul3A_1145 : vector<16xf32>
        %get3A_1147 = arith.index_cast %scan3A_1108 : i32 to index
        %get3A_1148 = arith.constant 16 : index
        %get3A_1149 = tpu.vector_load %arg29[%get3A_1147, %get3A_1148] {strides = array<i32>} : memref<32x256xf32, #tpu.memory_space<vmem>>, vector<16xf32>,
        %mul3A_1150 = arith.mulf %gather3A_1115, %get3A_1149 : vector<16xf32>
        %add3A_1151 = arith.addf %add3A_1146, %mul3A_1150 : vector<16xf32>
        %get3A_1152 = arith.index_cast %scan3A_1108 : i32 to index
        %get3A_1153 = arith.constant 16 : index
        %get3A_1154 = tpu.vector_load %arg30[%get3A_1152, %get3A_1153] {strides = array<i32>} : memref<32x256xf32, #tpu.memory_space<vmem>>, vector<16xf32>,
        %mul3A_1155 = arith.mulf %gather3A_1116, %get3A_1154 : vector<16xf32>
        %add3A_1156 = arith.addf %add3A_1151, %mul3A_1155 : vector<16xf32>
        %swap3A_1157 = arith.index_cast %scan3A_1108 : i32 to index
        %swap3A_1158 = arith.constant 16 : index
        %swap3A_1159 = tpu.vector_load %arg31[%swap3A_1157, %swap3A_1158] {strides = array<i32>} : memref<32x256xf32, #tpu.memory_space<vmem>>, vector<16xf32>,
        tpu.vector_store %arg31[%swap3A_1157, %swap3A_1158], %add3A_1156 {strides = array<i32>} : memref<32x256xf32, #tpu.memory_space<vmem>>, vector<16xf32>,
        %get3A_1160 = arith.index_cast %scan3A_1108 : i32 to index
        %get3A_1161 = arith.constant 32 : index
        %get3A_1162 = tpu.vector_load %arg27[%get3A_1160, %get3A_1161] {strides = array<i32>} : memref<32x256xf32, #tpu.memory_space<vmem>>, vector<16xf32>,
        %mul3A_1163 = arith.mulf %gather3A_1113, %get3A_1162 : vector<16xf32>
        %get3A_1164 = arith.index_cast %scan3A_1108 : i32 to index
        %get3A_1165 = arith.constant 32 : index
        %get3A_1166 = tpu.vector_load %arg28[%get3A_1164, %get3A_1165] {strides = array<i32>} : memref<32x256xf32, #tpu.memory_space<vmem>>, vector<16xf32>,
        %mul3A_1167 = arith.mulf %gather3A_1114, %get3A_1166 : vector<16xf32>
        %add3A_1168 = arith.addf %mul3A_1163, %mul3A_1167 : vector<16xf32>
        %get3A_1169 = arith.index_cast %scan3A_1108 : i32 to index
        %get3A_1170 = arith.constant 32 : index
        %get3A_1171 = tpu.vector_load %arg29[%get3A_1169, %get3A_1170] {strides = array<i32>} : memref<32x256xf32, #tpu.memory_space<vmem>>, vector<16xf32>,
        %mul3A_1172 = arith.mulf %gather3A_1115, %get3A_1171 : vector<16xf32>
        %add3A_1173 = arith.addf %add3A_1168, %mul3A_1172 : vector<16xf32>
        %get3A_1174 = arith.index_cast %scan3A_1108 : i32 to index
        %get3A_1175 = arith.constant 32 : index
        %get3A_1176 = tpu.vector_load %arg30[%get3A_1174, %get3A_1175] {strides = array<i32>} : memref<32x256xf32, #tpu.memory_space<vmem>>, vector<16xf32>,
        %mul3A_1177 = arith.mulf %gather3A_1116, %get3A_1176 : vector<16xf32>
        %add3A_1178 = arith.addf %add3A_1173, %mul3A_1177 : vector<16xf32>
        %swap3A_1179 = arith.index_cast %scan3A_1108 : i32 to index
        %swap3A_1180 = arith.constant 32 : index
        %swap3A_1181 = tpu.vector_load %arg31[%swap3A_1179, %swap3A_1180] {strides = array<i32>} : memref<32x256xf32, #tpu.memory_space<vmem>>, vector<16xf32>,
        tpu.vector_store %arg31[%swap3A_1179, %swap3A_1180], %add3A_1178 {strides = array<i32>} : memref<32x256xf32, #tpu.memory_space<vmem>>, vector<16xf32>,
        %get3A_1182 = arith.index_cast %scan3A_1108 : i32 to index
        %get3A_1183 = arith.constant 48 : index
        %get3A_1184 = tpu.vector_load %arg27[%get3A_1182, %get3A_1183] {strides = array<i32>} : memref<32x256xf32, #tpu.memory_space<vmem>>, vector<16xf32>,
        %mul3A_1185 = arith.mulf %gather3A_1113, %get3A_1184 : vector<16xf32>
        %get3A_1186 = arith.index_cast %scan3A_1108 : i32 to index
        %get3A_1187 = arith.constant 48 : index
        %get3A_1188 = tpu.vector_load %arg28[%get3A_1186, %get3A_1187] {strides = array<i32>} : memref<32x256xf32, #tpu.memory_space<vmem>>, vector<16xf32>,
        %mul3A_1189 = arith.mulf %gather3A_1114, %get3A_1188 : vector<16xf32>
        %add3A_1190 = arith.addf %mul3A_1185, %mul3A_1189 : vector<16xf32>
        %get3A_1191 = arith.index_cast %scan3A_1108 : i32 to index
        %get3A_1192 = arith.constant 48 : index
        %get3A_1193 = tpu.vector_load %arg29[%get3A_1191, %get3A_1192] {strides = array<i32>} : memref<32x256xf32, #tpu.memory_space<vmem>>, vector<16xf32>,
        %mul3A_1194 = arith.mulf %gather3A_1115, %get3A_1193 : vector<16xf32>
        %add3A_1195 = arith.addf %add3A_1190, %mul3A_1194 : vector<16xf32>
        %get3A_1196 = arith.index_cast %scan3A_1108 : i32 to index
        %get3A_1197 = arith.constant 48 : index
        %get3A_1198 = tpu.vector_load %arg30[%get3A_1196, %get3A_1197] {strides = array<i32>} : memref<32x256xf32, #tpu.memory_space<vmem>>, vector<16xf32>,
        %mul3A_1199 = arith.mulf %gather3A_1116, %get3A_1198 : vector<16xf32>
        %add3A_1200 = arith.addf %add3A_1195, %mul3A_1199 : vector<16xf32>
        %swap3A_1201 = arith.index_cast %scan3A_1108 : i32 to index
        %swap3A_1202 = arith.constant 48 : index
        %swap3A_1203 = tpu.vector_load %arg31[%swap3A_1201, %swap3A_1202] {strides = array<i32>} : memref<32x256xf32, #tpu.memory_space<vmem>>, vector<16xf32>,
        tpu.vector_store %arg31[%swap3A_1201, %swap3A_1202], %add3A_1200 {strides = array<i32>} : memref<32x256xf32, #tpu.memory_space<vmem>>, vector<16xf32>,
        %get3A_1204 = arith.index_cast %scan3A_1108 : i32 to index
        %get3A_1205 = arith.constant 64 : index
        %get3A_1206 = tpu.vector_load %arg27[%get3A_1204, %get3A_1205] {strides = array<i32>} : memref<32x256xf32, #tpu.memory_space<vmem>>, vector<16xf32>,
        %mul3A_1207 = arith.mulf %gather3A_1113, %get3A_1206 : vector<16xf32>
        %get3A_1208 = arith.index_cast %scan3A_1108 : i32 to index
        %get3A_1209 = arith.constant 64 : index
        %get3A_1210 = tpu.vector_load %arg28[%get3A_1208, %get3A_1209] {strides = array<i32>} : memref<32x256xf32, #tpu.memory_space<vmem>>, vector<16xf32>,
        %mul3A_1211 = arith.mulf %gather3A_1114, %get3A_1210 : vector<16xf32>
        %add3A_1212 = arith.addf %mul3A_1207, %mul3A_1211 : vector<16xf32>
        %get3A_1213 = arith.index_cast %scan3A_1108 : i32 to index
        %get3A_1214 = arith.constant 64 : index
        %get3A_1215 = tpu.vector_load %arg29[%get3A_1213, %get3A_1214] {strides = array<i32>} : memref<32x256xf32, #tpu.memory_space<vmem>>, vector<16xf32>,
        %mul3A_1216 = arith.mulf %gather3A_1115, %get3A_1215 : vector<16xf32>
        %add3A_1217 = arith.addf %add3A_1212, %mul3A_1216 : vector<16xf32>
        %get3A_1218 = arith.index_cast %scan3A_1108 : i32 to index
        %get3A_1219 = arith.constant 64 : index
        %get3A_1220 = tpu.vector_load %arg30[%get3A_1218, %get3A_1219] {strides = array<i32>} : memref<32x256xf32, #tpu.memory_space<vmem>>, vector<16xf32>,
        %mul3A_1221 = arith.mulf %gather3A_1116, %get3A_1220 : vector<16xf32>
        %add3A_1222 = arith.addf %add3A_1217, %mul3A_1221 : vector<16xf32>
        %swap3A_1223 = arith.index_cast %scan3A_1108 : i32 to index
        %swap3A_1224 = arith.constant 64 : index
        %swap3A_1225 = tpu.vector_load %arg31[%swap3A_1223, %swap3A_1224] {strides = array<i32>} : memref<32x256xf32, #tpu.memory_space<vmem>>, vector<16xf32>,
        tpu.vector_store %arg31[%swap3A_1223, %swap3A_1224], %add3A_1222 {strides = array<i32>} : memref<32x256xf32, #tpu.memory_space<vmem>>, vector<16xf32>,
        %get3A_1226 = arith.index_cast %scan3A_1108 : i32 to index
        %get3A_1227 = arith.constant 80 : index
        %get3A_1228 = tpu.vector_load %arg27[%get3A_1226, %get3A_1227] {strides = array<i32>} : memref<32x256xf32, #tpu.memory_space<vmem>>, vector<16xf32>,
        %mul3A_1229 = arith.mulf %gather3A_1113, %get3A_1228 : vector<16xf32>
        %get3A_1230 = arith.index_cast %scan3A_1108 : i32 to index
        %get3A_1231 = arith.constant 80 : index
        %get3A_1232 = tpu.vector_load %arg28[%get3A_1230, %get3A_1231] {strides = array<i32>} : memref<32x256xf32, #tpu.memory_space<vmem>>, vector<16xf32>,
        %mul3A_1233 = arith.mulf %gather3A_1114, %get3A_1232 : vector<16xf32>
        %add3A_1234 = arith.addf %mul3A_1229, %mul3A_1233 : vector<16xf32>
        %get3A_1235 = arith.index_cast %scan3A_1108 : i32 to index
        %get3A_1236 = arith.constant 80 : index
        %get3A_1237 = tpu.vector_load %arg29[%get3A_1235, %get3A_1236] {strides = array<i32>} : memref<32x256xf32, #tpu.memory_space<vmem>>, vector<16xf32>,
        %mul3A_1238 = arith.mulf %gather3A_1115, %get3A_1237 : vector<16xf32>
        %add3A_1239 = arith.addf %add3A_1234, %mul3A_1238 : vector<16xf32>
        %get3A_1240 = arith.index_cast %scan3A_1108 : i32 to index
        %get3A_1241 = arith.constant 80 : index
        %get3A_1242 = tpu.vector_load %arg30[%get3A_1240, %get3A_1241] {strides = array<i32>} : memref<32x256xf32, #tpu.memory_space<vmem>>, vector<16xf32>,
        %mul3A_1243 = arith.mulf %gather3A_1116, %get3A_1242 : vector<16xf32>
        %add3A_1244 = arith.addf %add3A_1239, %mul3A_1243 : vector<16xf32>
        %swap3A_1245 = arith.index_cast %scan3A_1108 : i32 to index
        %swap3A_1246 = arith.constant 80 : index
        %swap3A_1247 = tpu.vector_load %arg31[%swap3A_1245, %swap3A_1246] {strides = array<i32>} : memref<32x256xf32, #tpu.memory_space<vmem>>, vector<16xf32>,
        tpu.vector_store %arg31[%swap3A_1245, %swap3A_1246], %add3A_1244 {strides = array<i32>} : memref<32x256xf32, #tpu.memory_space<vmem>>, vector<16xf32>,
        %get3A_1248 = arith.index_cast %scan3A_1108 : i32 to index
        %get3A_1249 = arith.constant 96 : index
        %get3A_1250 = tpu.vector_load %arg27[%get3A_1248, %get3A_1249] {strides = array<i32>} : memref<32x256xf32, #tpu.memory_space<vmem>>, vector<16xf32>,
        %mul3A_1251 = arith.mulf %gather3A_1113, %get3A_1250 : vector<16xf32>
        %get3A_1252 = arith.index_cast %scan3A_1108 : i32 to index
        %get3A_1253 = arith.constant 96 : index
        %get3A_1254 = tpu.vector_load %arg28[%get3A_1252, %get3A_1253] {strides = array<i32>} : memref<32x256xf32, #tpu.memory_space<vmem>>, vector<16xf32>,
        %mul3A_1255 = arith.mulf %gather3A_1114, %get3A_1254 : vector<16xf32>
        %add3A_1256 = arith.addf %mul3A_1251, %mul3A_1255 : vector<16xf32>
        %get3A_1257 = arith.index_cast %scan3A_1108 : i32 to index
        %get3A_1258 = arith.constant 96 : index
        %get3A_1259 = tpu.vector_load %arg29[%get3A_1257, %get3A_1258] {strides = array<i32>} : memref<32x256xf32, #tpu.memory_space<vmem>>, vector<16xf32>,
        %mul3A_1260 = arith.mulf %gather3A_1115, %get3A_1259 : vector<16xf32>
        %add3A_1261 = arith.addf %add3A_1256, %mul3A_1260 : vector<16xf32>
        %get3A_1262 = arith.index_cast %scan3A_1108 : i32 to index
        %get3A_1263 = arith.constant 96 : index
        %get3A_1264 = tpu.vector_load %arg30[%get3A_1262, %get3A_1263] {strides = array<i32>} : memref<32x256xf32, #tpu.memory_space<vmem>>, vector<16xf32>,
        %mul3A_1265 = arith.mulf %gather3A_1116, %get3A_1264 : vector<16xf32>
        %add3A_1266 = arith.addf %add3A_1261, %mul3A_1265 : vector<16xf32>
        %swap3A_1267 = arith.index_cast %scan3A_1108 : i32 to index
        %swap3A_1268 = arith.constant 96 : index
        %swap3A_1269 = tpu.vector_load %arg31[%swap3A_1267, %swap3A_1268] {strides = array<i32>} : memref<32x256xf32, #tpu.memory_space<vmem>>, vector<16xf32>,
        tpu.vector_store %arg31[%swap3A_1267, %swap3A_1268], %add3A_1266 {strides = array<i32>} : memref<32x256xf32, #tpu.memory_space<vmem>>, vector<16xf32>,
        %get3A_1270 = arith.index_cast %scan3A_1108 : i32 to index
        %get3A_1271 = arith.constant 112 : index
        %get3A_1272 = tpu.vector_load %arg27[%get3A_1270, %get3A_1271] {strides = array<i32>} : memref<32x256xf32, #tpu.memory_space<vmem>>, vector<16xf32>,
        %mul3A_1273 = arith.mulf %gather3A_1113, %get3A_1272 : vector<16xf32>
        %get3A_1274 = arith.index_cast %scan3A_1108 : i32 to index
        %get3A_1275 = arith.constant 112 : index
        %get3A_1276 = tpu.vector_load %arg28[%get3A_1274, %get3A_1275] {strides = array<i32>} : memref<32x256xf32, #tpu.memory_space<vmem>>, vector<16xf32>,
        %mul3A_1277 = arith.mulf %gather3A_1114, %get3A_1276 : vector<16xf32>
        %add3A_1278 = arith.addf %mul3A_1273, %mul3A_1277 : vector<16xf32>
        %get3A_1279 = arith.index_cast %scan3A_1108 : i32 to index
        %get3A_1280 = arith.constant 112 : index
        %get3A_1281 = tpu.vector_load %arg29[%get3A_1279, %get3A_1280] {strides = array<i32>} : memref<32x256xf32, #tpu.memory_space<vmem>>, vector<16xf32>,
        %mul3A_1282 = arith.mulf %gather3A_1115, %get3A_1281 : vector<16xf32>
        %add3A_1283 = arith.addf %add3A_1278, %mul3A_1282 : vector<16xf32>
        %get3A_1284 = arith.index_cast %scan3A_1108 : i32 to index
        %get3A_1285 = arith.constant 112 : index
        %get3A_1286 = tpu.vector_load %arg30[%get3A_1284, %get3A_1285] {strides = array<i32>} : memref<32x256xf32, #tpu.memory_space<vmem>>, vector<16xf32>,
        %mul3A_1287 = arith.mulf %gather3A_1116, %get3A_1286 : vector<16xf32>
        %add3A_1288 = arith.addf %add3A_1283, %mul3A_1287 : vector<16xf32>
        %swap3A_1289 = arith.index_cast %scan3A_1108 : i32 to index
        %swap3A_1290 = arith.constant 112 : index
        %swap3A_1291 = tpu.vector_load %arg31[%swap3A_1289, %swap3A_1290] {strides = array<i32>} : memref<32x256xf32, #tpu.memory_space<vmem>>, vector<16xf32>,
        tpu.vector_store %arg31[%swap3A_1289, %swap3A_1290], %add3A_1288 {strides = array<i32>} : memref<32x256xf32, #tpu.memory_space<vmem>>, vector<16xf32>,
        %get3A_1292 = arith.index_cast %scan3A_1108 : i32 to index
        %get3A_1293 = arith.constant 128 : index
        %get3A_1294 = tpu.vector_load %arg27[%get3A_1292, %get3A_1293] {strides = array<i32>} : memref<32x256xf32, #tpu.memory_space<vmem>>, vector<16xf32>,
        %mul3A_1295 = arith.mulf %gather3A_1113, %get3A_1294 : vector<16xf32>
        %get3A_1296 = arith.index_cast %scan3A_1108 : i32 to index
        %get3A_1297 = arith.constant 128 : index
        %get3A_1298 = tpu.vector_load %arg28[%get3A_1296, %get3A_1297] {strides = array<i32>} : memref<32x256xf32, #tpu.memory_space<vmem>>, vector<16xf32>,
        %mul3A_1299 = arith.mulf %gather3A_1114, %get3A_1298 : vector<16xf32>
        %add3A_1300 = arith.addf %mul3A_1295, %mul3A_1299 : vector<16xf32>
        %get3A_1301 = arith.index_cast %scan3A_1108 : i32 to index
        %get3A_1302 = arith.constant 128 : index
        %get3A_1303 = tpu.vector_load %arg29[%get3A_1301, %get3A_1302] {strides = array<i32>} : memref<32x256xf32, #tpu.memory_space<vmem>>, vector<16xf32>,
        %mul3A_1304 = arith.mulf %gather3A_1115, %get3A_1303 : vector<16xf32>
        %add3A_1305 = arith.addf %add3A_1300, %mul3A_1304 : vector<16xf32>
        %get3A_1306 = arith.index_cast %scan3A_1108 : i32 to index
        %get3A_1307 = arith.constant 128 : index
        %get3A_1308 = tpu.vector_load %arg30[%get3A_1306, %get3A_1307] {strides = array<i32>} : memref<32x256xf32, #tpu.memory_space<vmem>>, vector<16xf32>,
        %mul3A_1309 = arith.mulf %gather3A_1116, %get3A_1308 : vector<16xf32>
        %add3A_1310 = arith.addf %add3A_1305, %mul3A_1309 : vector<16xf32>
        %swap3A_1311 = arith.index_cast %scan3A_1108 : i32 to index
        %swap3A_1312 = arith.constant 128 : index
        %swap3A_1313 = tpu.vector_load %arg31[%swap3A_1311, %swap3A_1312] {strides = array<i32>} : memref<32x256xf32, #tpu.memory_space<vmem>>, vector<16xf32>,
        tpu.vector_store %arg31[%swap3A_1311, %swap3A_1312], %add3A_1310 {strides = array<i32>} : memref<32x256xf32, #tpu.memory_space<vmem>>, vector<16xf32>,
        %get3A_1314 = arith.index_cast %scan3A_1108 : i32 to index
        %get3A_1315 = arith.constant 144 : index
        %get3A_1316 = tpu.vector_load %arg27[%get3A_1314, %get3A_1315] {strides = array<i32>} : memref<32x256xf32, #tpu.memory_space<vmem>>, vector<16xf32>,
        %mul3A_1317 = arith.mulf %gather3A_1113, %get3A_1316 : vector<16xf32>
        %get3A_1318 = arith.index_cast %scan3A_1108 : i32 to index
        %get3A_1319 = arith.constant 144 : index
        %get3A_1320 = tpu.vector_load %arg28[%get3A_1318, %get3A_1319] {strides = array<i32>} : memref<32x256xf32, #tpu.memory_space<vmem>>, vector<16xf32>,
        %mul3A_1321 = arith.mulf %gather3A_1114, %get3A_1320 : vector<16xf32>
        %add3A_1322 = arith.addf %mul3A_1317, %mul3A_1321 : vector<16xf32>
        %get3A_1323 = arith.index_cast %scan3A_1108 : i32 to index
        %get3A_1324 = arith.constant 144 : index
        %get3A_1325 = tpu.vector_load %arg29[%get3A_1323, %get3A_1324] {strides = array<i32>} : memref<32x256xf32, #tpu.memory_space<vmem>>, vector<16xf32>,
        %mul3A_1326 = arith.mulf %gather3A_1115, %get3A_1325 : vector<16xf32>
        %add3A_1327 = arith.addf %add3A_1322, %mul3A_1326 : vector<16xf32>
        %get3A_1328 = arith.index_cast %scan3A_1108 : i32 to index
        %get3A_1329 = arith.constant 144 : index
        %get3A_1330 = tpu.vector_load %arg30[%get3A_1328, %get3A_1329] {strides = array<i32>} : memref<32x256xf32, #tpu.memory_space<vmem>>, vector<16xf32>,
        %mul3A_1331 = arith.mulf %gather3A_1116, %get3A_1330 : vector<16xf32>
        %add3A_1332 = arith.addf %add3A_1327, %mul3A_1331 : vector<16xf32>
        %swap3A_1333 = arith.index_cast %scan3A_1108 : i32 to index
        %swap3A_1334 = arith.constant 144 : index
        %swap3A_1335 = tpu.vector_load %arg31[%swap3A_1333, %swap3A_1334] {strides = array<i32>} : memref<32x256xf32, #tpu.memory_space<vmem>>, vector<16xf32>,
        tpu.vector_store %arg31[%swap3A_1333, %swap3A_1334], %add3A_1332 {strides = array<i32>} : memref<32x256xf32, #tpu.memory_space<vmem>>, vector<16xf32>,
        %get3A_1336 = arith.index_cast %scan3A_1108 : i32 to index
        %get3A_1337 = arith.constant 160 : index
        %get3A_1338 = tpu.vector_load %arg27[%get3A_1336, %get3A_1337] {strides = array<i32>} : memref<32x256xf32, #tpu.memory_space<vmem>>, vector<16xf32>,
        %mul3A_1339 = arith.mulf %gather3A_1113, %get3A_1338 : vector<16xf32>
        %get3A_1340 = arith.index_cast %scan3A_1108 : i32 to index
        %get3A_1341 = arith.constant 160 : index
        %get3A_1342 = tpu.vector_load %arg28[%get3A_1340, %get3A_1341] {strides = array<i32>} : memref<32x256xf32, #tpu.memory_space<vmem>>, vector<16xf32>,
        %mul3A_1343 = arith.mulf %gather3A_1114, %get3A_1342 : vector<16xf32>
        %add3A_1344 = arith.addf %mul3A_1339, %mul3A_1343 : vector<16xf32>
        %get3A_1345 = arith.index_cast %scan3A_1108 : i32 to index
        %get3A_1346 = arith.constant 160 : index
        %get3A_1347 = tpu.vector_load %arg29[%get3A_1345, %get3A_1346] {strides = array<i32>} : memref<32x256xf32, #tpu.memory_space<vmem>>, vector<16xf32>,
        %mul3A_1348 = arith.mulf %gather3A_1115, %get3A_1347 : vector<16xf32>
        %add3A_1349 = arith.addf %add3A_1344, %mul3A_1348 : vector<16xf32>
        %get3A_1350 = arith.index_cast %scan3A_1108 : i32 to index
        %get3A_1351 = arith.constant 160 : index
        %get3A_1352 = tpu.vector_load %arg30[%get3A_1350, %get3A_1351] {strides = array<i32>} : memref<32x256xf32, #tpu.memory_space<vmem>>, vector<16xf32>,
        %mul3A_1353 = arith.mulf %gather3A_1116, %get3A_1352 : vector<16xf32>
        %add3A_1354 = arith.addf %add3A_1349, %mul3A_1353 : vector<16xf32>
        %swap3A_1355 = arith.index_cast %scan3A_1108 : i32 to index
        %swap3A_1356 = arith.constant 160 : index
        %swap3A_1357 = tpu.vector_load %arg31[%swap3A_1355, %swap3A_1356] {strides = array<i32>} : memref<32x256xf32, #tpu.memory_space<vmem>>, vector<16xf32>,
        tpu.vector_store %arg31[%swap3A_1355, %swap3A_1356], %add3A_1354 {strides = array<i32>} : memref<32x256xf32, #tpu.memory_space<vmem>>, vector<16xf32>,
        %get3A_1358 = arith.index_cast %scan3A_1108 : i32 to index
        %get3A_1359 = arith.constant 176 : index
        %get3A_1360 = tpu.vector_load %arg27[%get3A_1358, %get3A_1359] {strides = array<i32>} : memref<32x256xf32, #tpu.memory_space<vmem>>, vector<16xf32>,
        %mul3A_1361 = arith.mulf %gather3A_1113, %get3A_1360 : vector<16xf32>
        %get3A_1362 = arith.index_cast %scan3A_1108 : i32 to index
        %get3A_1363 = arith.constant 176 : index
        %get3A_1364 = tpu.vector_load %arg28[%get3A_1362, %get3A_1363] {strides = array<i32>} : memref<32x256xf32, #tpu.memory_space<vmem>>, vector<16xf32>,
        %mul3A_1365 = arith.mulf %gather3A_1114, %get3A_1364 : vector<16xf32>
        %add3A_1366 = arith.addf %mul3A_1361, %mul3A_1365 : vector<16xf32>
        %get3A_1367 = arith.index_cast %scan3A_1108 : i32 to index
        %get3A_1368 = arith.constant 176 : index
        %get3A_1369 = tpu.vector_load %arg29[%get3A_1367, %get3A_1368] {strides = array<i32>} : memref<32x256xf32, #tpu.memory_space<vmem>>, vector<16xf32>,
        %mul3A_1370 = arith.mulf %gather3A_1115, %get3A_1369 : vector<16xf32>
        %add3A_1371 = arith.addf %add3A_1366, %mul3A_1370 : vector<16xf32>
        %get3A_1372 = arith.index_cast %scan3A_1108 : i32 to index
        %get3A_1373 = arith.constant 176 : index
        %get3A_1374 = tpu.vector_load %arg30[%get3A_1372, %get3A_1373] {strides = array<i32>} : memref<32x256xf32, #tpu.memory_space<vmem>>, vector<16xf32>,
        %mul3A_1375 = arith.mulf %gather3A_1116, %get3A_1374 : vector<16xf32>
        %add3A_1376 = arith.addf %add3A_1371, %mul3A_1375 : vector<16xf32>
        %swap3A_1377 = arith.index_cast %scan3A_1108 : i32 to index
        %swap3A_1378 = arith.constant 176 : index
        %swap3A_1379 = tpu.vector_load %arg31[%swap3A_1377, %swap3A_1378] {strides = array<i32>} : memref<32x256xf32, #tpu.memory_space<vmem>>, vector<16xf32>,
        tpu.vector_store %arg31[%swap3A_1377, %swap3A_1378], %add3A_1376 {strides = array<i32>} : memref<32x256xf32, #tpu.memory_space<vmem>>, vector<16xf32>,
        %get3A_1380 = arith.index_cast %scan3A_1108 : i32 to index
        %get3A_1381 = arith.constant 192 : index
        %get3A_1382 = tpu.vector_load %arg27[%get3A_1380, %get3A_1381] {strides = array<i32>} : memref<32x256xf32, #tpu.memory_space<vmem>>, vector<16xf32>,
        %mul3A_1383 = arith.mulf %gather3A_1113, %get3A_1382 : vector<16xf32>
        %get3A_1384 = arith.index_cast %scan3A_1108 : i32 to index
        %get3A_1385 = arith.constant 192 : index
        %get3A_1386 = tpu.vector_load %arg28[%get3A_1384, %get3A_1385] {strides = array<i32>} : memref<32x256xf32, #tpu.memory_space<vmem>>, vector<16xf32>,
        %mul3A_1387 = arith.mulf %gather3A_1114, %get3A_1386 : vector<16xf32>
        %add3A_1388 = arith.addf %mul3A_1383, %mul3A_1387 : vector<16xf32>
        %get3A_1389 = arith.index_cast %scan3A_1108 : i32 to index
        %get3A_1390 = arith.constant 192 : index
        %get3A_1391 = tpu.vector_load %arg29[%get3A_1389, %get3A_1390] {strides = array<i32>} : memref<32x256xf32, #tpu.memory_space<vmem>>, vector<16xf32>,
        %mul3A_1392 = arith.mulf %gather3A_1115, %get3A_1391 : vector<16xf32>
        %add3A_1393 = arith.addf %add3A_1388, %mul3A_1392 : vector<16xf32>
        %get3A_1394 = arith.index_cast %scan3A_1108 : i32 to index
        %get3A_1395 = arith.constant 192 : index
        %get3A_1396 = tpu.vector_load %arg30[%get3A_1394, %get3A_1395] {strides = array<i32>} : memref<32x256xf32, #tpu.memory_space<vmem>>, vector<16xf32>,
        %mul3A_1397 = arith.mulf %gather3A_1116, %get3A_1396 : vector<16xf32>
        %add3A_1398 = arith.addf %add3A_1393, %mul3A_1397 : vector<16xf32>
        %swap3A_1399 = arith.index_cast %scan3A_1108 : i32 to index
        %swap3A_1400 = arith.constant 192 : index
        %swap3A_1401 = tpu.vector_load %arg31[%swap3A_1399, %swap3A_1400] {strides = array<i32>} : memref<32x256xf32, #tpu.memory_space<vmem>>, vector<16xf32>,
        tpu.vector_store %arg31[%swap3A_1399, %swap3A_1400], %add3A_1398 {strides = array<i32>} : memref<32x256xf32, #tpu.memory_space<vmem>>, vector<16xf32>,
        %get3A_1402 = arith.index_cast %scan3A_1108 : i32 to index
        %get3A_1403 = arith.constant 208 : index
        %get3A_1404 = tpu.vector_load %arg27[%get3A_1402, %get3A_1403] {strides = array<i32>} : memref<32x256xf32, #tpu.memory_space<vmem>>, vector<16xf32>,
        %mul3A_1405 = arith.mulf %gather3A_1113, %get3A_1404 : vector<16xf32>
        %get3A_1406 = arith.index_cast %scan3A_1108 : i32 to index
        %get3A_1407 = arith.constant 208 : index
        %get3A_1408 = tpu.vector_load %arg28[%get3A_1406, %get3A_1407] {strides = array<i32>} : memref<32x256xf32, #tpu.memory_space<vmem>>, vector<16xf32>,
        %mul3A_1409 = arith.mulf %gather3A_1114, %get3A_1408 : vector<16xf32>
        %add3A_1410 = arith.addf %mul3A_1405, %mul3A_1409 : vector<16xf32>
        %get3A_1411 = arith.index_cast %scan3A_1108 : i32 to index
        %get3A_1412 = arith.constant 208 : index
        %get3A_1413 = tpu.vector_load %arg29[%get3A_1411, %get3A_1412] {strides = array<i32>} : memref<32x256xf32, #tpu.memory_space<vmem>>, vector<16xf32>,
        %mul3A_1414 = arith.mulf %gather3A_1115, %get3A_1413 : vector<16xf32>
        %add3A_1415 = arith.addf %add3A_1410, %mul3A_1414 : vector<16xf32>
        %get3A_1416 = arith.index_cast %scan3A_1108 : i32 to index
        %get3A_1417 = arith.constant 208 : index
        %get3A_1418 = tpu.vector_load %arg30[%get3A_1416, %get3A_1417] {strides = array<i32>} : memref<32x256xf32, #tpu.memory_space<vmem>>, vector<16xf32>,
        %mul3A_1419 = arith.mulf %gather3A_1116, %get3A_1418 : vector<16xf32>
        %add3A_1420 = arith.addf %add3A_1415, %mul3A_1419 : vector<16xf32>
        %swap3A_1421 = arith.index_cast %scan3A_1108 : i32 to index
        %swap3A_1422 = arith.constant 208 : index
        %swap3A_1423 = tpu.vector_load %arg31[%swap3A_1421, %swap3A_1422] {strides = array<i32>} : memref<32x256xf32, #tpu.memory_space<vmem>>, vector<16xf32>,
        tpu.vector_store %arg31[%swap3A_1421, %swap3A_1422], %add3A_1420 {strides = array<i32>} : memref<32x256xf32, #tpu.memory_space<vmem>>, vector<16xf32>,
        %get3A_1424 = arith.index_cast %scan3A_1108 : i32 to index
        %get3A_1425 = arith.constant 224 : index
        %get3A_1426 = tpu.vector_load %arg27[%get3A_1424, %get3A_1425] {strides = array<i32>} : memref<32x256xf32, #tpu.memory_space<vmem>>, vector<16xf32>,
        %mul3A_1427 = arith.mulf %gather3A_1113, %get3A_1426 : vector<16xf32>
        %get3A_1428 = arith.index_cast %scan3A_1108 : i32 to index
        %get3A_1429 = arith.constant 224 : index
        %get3A_1430 = tpu.vector_load %arg28[%get3A_1428, %get3A_1429] {strides = array<i32>} : memref<32x256xf32, #tpu.memory_space<vmem>>, vector<16xf32>,
        %mul3A_1431 = arith.mulf %gather3A_1114, %get3A_1430 : vector<16xf32>
        %add3A_1432 = arith.addf %mul3A_1427, %mul3A_1431 : vector<16xf32>
        %get3A_1433 = arith.index_cast %scan3A_1108 : i32 to index
        %get3A_1434 = arith.constant 224 : index
        %get3A_1435 = tpu.vector_load %arg29[%get3A_1433, %get3A_1434] {strides = array<i32>} : memref<32x256xf32, #tpu.memory_space<vmem>>, vector<16xf32>,
        %mul3A_1436 = arith.mulf %gather3A_1115, %get3A_1435 : vector<16xf32>
        %add3A_1437 = arith.addf %add3A_1432, %mul3A_1436 : vector<16xf32>
        %get3A_1438 = arith.index_cast %scan3A_1108 : i32 to index
        %get3A_1439 = arith.constant 224 : index
        %get3A_1440 = tpu.vector_load %arg30[%get3A_1438, %get3A_1439] {strides = array<i32>} : memref<32x256xf32, #tpu.memory_space<vmem>>, vector<16xf32>,
        %mul3A_1441 = arith.mulf %gather3A_1116, %get3A_1440 : vector<16xf32>
        %add3A_1442 = arith.addf %add3A_1437, %mul3A_1441 : vector<16xf32>
        %swap3A_1443 = arith.index_cast %scan3A_1108 : i32 to index
        %swap3A_1444 = arith.constant 224 : index
        %swap3A_1445 = tpu.vector_load %arg31[%swap3A_1443, %swap3A_1444] {strides = array<i32>} : memref<32x256xf32, #tpu.memory_space<vmem>>, vector<16xf32>,
        tpu.vector_store %arg31[%swap3A_1443, %swap3A_1444], %add3A_1442 {strides = array<i32>} : memref<32x256xf32, #tpu.memory_space<vmem>>, vector<16xf32>,
        %get3A_1446 = arith.index_cast %scan3A_1108 : i32 to index
        %get3A_1447 = arith.constant 240 : index
        %get3A_1448 = tpu.vector_load %arg27[%get3A_1446, %get3A_1447] {strides = array<i32>} : memref<32x256xf32, #tpu.memory_space<vmem>>, vector<16xf32>,
        %mul3A_1449 = arith.mulf %gather3A_1113, %get3A_1448 : vector<16xf32>
        %get3A_1450 = arith.index_cast %scan3A_1108 : i32 to index
        %get3A_1451 = arith.constant 240 : index
        %get3A_1452 = tpu.vector_load %arg28[%get3A_1450, %get3A_1451] {strides = array<i32>} : memref<32x256xf32, #tpu.memory_space<vmem>>, vector<16xf32>,
        %mul3A_1453 = arith.mulf %gather3A_1114, %get3A_1452 : vector<16xf32>
        %add3A_1454 = arith.addf %mul3A_1449, %mul3A_1453 : vector<16xf32>
        %get3A_1455 = arith.index_cast %scan3A_1108 : i32 to index
        %get3A_1456 = arith.constant 240 : index
        %get3A_1457 = tpu.vector_load %arg29[%get3A_1455, %get3A_1456] {strides = array<i32>} : memref<32x256xf32, #tpu.memory_space<vmem>>, vector<16xf32>,
        %mul3A_1458 = arith.mulf %gather3A_1115, %get3A_1457 : vector<16xf32>
        %add3A_1459 = arith.addf %add3A_1454, %mul3A_1458 : vector<16xf32>
        %get3A_1460 = arith.index_cast %scan3A_1108 : i32 to index
        %get3A_1461 = arith.constant 240 : index
        %get3A_1462 = tpu.vector_load %arg30[%get3A_1460, %get3A_1461] {strides = array<i32>} : memref<32x256xf32, #tpu.memory_space<vmem>>, vector<16xf32>,
        %mul3A_1463 = arith.mulf %gather3A_1116, %get3A_1462 : vector<16xf32>
        %add3A_1464 = arith.addf %add3A_1459, %mul3A_1463 : vector<16xf32>
        %swap3A_1465 = arith.index_cast %scan3A_1108 : i32 to index
        %swap3A_1466 = arith.constant 240 : index
        %swap3A_1467 = tpu.vector_load %arg31[%swap3A_1465, %swap3A_1466] {strides = array<i32>} : memref<32x256xf32, #tpu.memory_space<vmem>>, vector<16xf32>,
        tpu.vector_store %arg31[%swap3A_1465, %swap3A_1466], %add3A_1464 {strides = array<i32>} : memref<32x256xf32, #tpu.memory_space<vmem>>, vector<16xf32>,
      }
      %scan3A_1104 = arith.constant 32 : i32
      %mul3A_1105 = arith.constant 32 : i32
      %mul3A_1106 = arith.muli %add3A_1098, %mul3A_1105 : i32
      %add3A_1107 = arith.addi %mul3A_2, %mul3A_1106 : i32
      "tpu.region"() ({
        %run_scoped3A = tpu.sem_alloc : memref<!tpu.dma_semaphore, #tpu.memory_space<semaphore_mem>>
        %dma_start3A_1108 = arith.constant 0 : i32
        %dma_start3A_1109 = tpu.memref_slice %arg4[%add3A_1107, %dma_start3A_1108] : memref<245760x256xf32, #tpu.memory_space<hbm>> -> memref<32x256xf32, #tpu.memory_space<hbm>>
        %dma_start3A_1110 = arith.constant 0 : i32
        %dma_start3A_1111 = tpu.memref_slice %arg4[%add3A_1107, %dma_start3A_1110] : memref<245760x256xf32, #tpu.memory_space<hbm>> -> memref<32x256xf32, #tpu.memory_space<hbm>>
        tpu.enqueue_dma source(%arg31 : memref<32x256xf32, #tpu.memory_space<vmem>>) target(%dma_start3A_1111 : memref<32x256xf32, #tpu.memory_space<hbm>>) target_semaphore(%run_scoped3A : memref<!tpu.dma_semaphore, #tpu.memory_space<semaphore_mem>>)
        %dma_wait3A_1112 = arith.constant 0 : i32
        %dma_wait3A_1113 = tpu.memref_slice %arg4[%add3A_1107, %dma_wait3A_1112] : memref<245760x256xf32, #tpu.memory_space<hbm>> -> memref<32x256xf32, #tpu.memory_space<hbm>>
        %dma_wait3A_1114 = arith.constant 0 : i32
        %dma_wait3A_1115 = tpu.memref_slice %arg4[%add3A_1107, %dma_wait3A_1114] : memref<245760x256xf32, #tpu.memory_space<hbm>> -> memref<32x256xf32, #tpu.memory_space<hbm>>
        tpu.wait_dma2 semaphore(%run_scoped3A : memref<!tpu.dma_semaphore, #tpu.memory_space<semaphore_mem>>) src(%arg31 : memref<32x256xf32, #tpu.memory_space<vmem>>) dst(%dma_wait3A_1115 : memref<32x256xf32, #tpu.memory_space<hbm>>)
        tpu.yield
      }) : () -> ()
    }
    %scan3A_343 = arith.constant 120 : i32
    %dma_wait3A = arith.constant 0 : i32
    %dma_wait3A_344 = arith.constant 0 : i32
    %dma_wait3A_345 = tpu.memref_slice %arg2[%dma_wait3A, %dma_wait3A_344] : memref<8192x256xf32, #tpu.memory_space<hbm>> -> memref<8192x256xf32, #tpu.memory_space<hbm>>
    tpu.wait_indirect_dma semaphore(%arg32 : memref<!tpu.dma_semaphore, #tpu.memory_space<semaphore_mem>>) src(%dma_wait3A_345 : memref<8192x256xf32, #tpu.memory_space<hbm>>) dst(%arg14 : memref<32x256xf32, #tpu.memory_space<vmem>>)
    %dma_wait3A_346 = arith.constant 0 : i32
    %dma_wait3A_347 = arith.constant 0 : i32
    %dma_wait3A_348 = tpu.memref_slice %arg2[%dma_wait3A_346, %dma_wait3A_347] : memref<8192x256xf32, #tpu.memory_space<hbm>> -> memref<8192x256xf32, #tpu.memory_space<hbm>>
    tpu.wait_indirect_dma semaphore(%arg32 : memref<!tpu.dma_semaphore, #tpu.memory_space<semaphore_mem>>) src(%dma_wait3A_348 : memref<8192x256xf32, #tpu.memory_space<hbm>>) dst(%arg15 : memref<32x256xf32, #tpu.memory_space<vmem>>)
    %dma_wait3A_349 = arith.constant 0 : i32
    %dma_wait3A_350 = arith.constant 0 : i32
    %dma_wait3A_351 = tpu.memref_slice %arg2[%dma_wait3A_349, %dma_wait3A_350] : memref<8192x256xf32, #tpu.memory_space<hbm>> -> memref<8192x256xf32, #tpu.memory_space<hbm>>
    tpu.wait_indirect_dma semaphore(%arg32 : memref<!tpu.dma_semaphore, #tpu.memory_space<semaphore_mem>>) src(%dma_wait3A_351 : memref<8192x256xf32, #tpu.memory_space<hbm>>) dst(%arg16 : memref<32x256xf32, #tpu.memory_space<vmem>>)
    %dma_wait3A_352 = arith.constant 0 : i32
    %dma_wait3A_353 = arith.constant 0 : i32
    %dma_wait3A_354 = tpu.memref_slice %arg2[%dma_wait3A_352, %dma_wait3A_353] : memref<8192x256xf32, #tpu.memory_space<hbm>> -> memref<8192x256xf32, #tpu.memory_space<hbm>>
    tpu.wait_indirect_dma semaphore(%arg32 : memref<!tpu.dma_semaphore, #tpu.memory_space<semaphore_mem>>) src(%dma_wait3A_354 : memref<8192x256xf32, #tpu.memory_space<hbm>>) dst(%arg17 : memref<32x256xf32, #tpu.memory_space<vmem>>)
    return
  }
}

module attributes {stable_mosaic.version = 14 : i64} {
  func.func @_tc_transpose_body(%arg0: i32, %arg1: memref<1960x256xf32, #tpu.memory_space<vmem>>, %arg2: memref<40x256x49xf32, #tpu.memory_space<vmem>>) attributes {dimension_semantics = [#tpu.dimension_semantics<arbitrary>], iteration_bounds = array<i64: 125>, scalar_prefetch = 0 : i64, scratch_operands = 0 : i64, tpu.core_type = #tpu.core_type<tc>, window_params = [{transform_indices = @transform_0, window_bounds = array<i64: 1960, 256>}, {transform_indices = @transform_1, window_bounds = array<i64: 40, 256, 49>}]} {
    %get3A = arith.constant 0 : index
    %get3A_0 = arith.constant 0 : index
    %get3A_1 = vector.load %arg1[%get3A, %get3A_0] : memref<1960x256xf32, #tpu.memory_space<vmem>>, vector<1960x256xf32>
    %iota3A = tpu.iota {dimensions = array<i32: 0>} : vector<49x49xi32>
    %iota3A_2 = tpu.iota {dimensions = array<i32: 1>} : vector<49x49xi32>
    %add3A = arith.constant 0 : i32
    %add3A_3 = vector.broadcast %add3A : i32 to vector<49x49xi32>
    %add3A_4 = arith.addi %iota3A, %add3A_3 : vector<49x49xi32>
    %eq3A = arith.cmpi eq, %add3A_4, %iota3A_2 : vector<49x49xi32>
    %convert_element_type3A = arith.extui %eq3A : vector<49x49xi1> to vector<49x49xi32>
    %convert_element_type3A_5 = arith.sitofp %convert_element_type3A : vector<49x49xi32> to vector<49x49xf32>
    %slice3A = vector.extract_strided_slice %get3A_1 {offsets = [0, 0], sizes = [49, 256], strides = [1, 1]} : vector<1960x256xf32> to vector<49x256xf32>
    %dot_general3A = arith.constant dense<0.000000e+00> : vector<256x49xf32>
    %dot_general3A_6 = tpu.matmul %slice3A, %convert_element_type3A_5, %dot_general3A {dimension_numbers = #tpu.dot_dimension_numbers<[0], [0], [1], [1], [0, 1, 1, 1], [], []>, precision = #tpu.contract_precision<fp32>, transpose_lhs_hint = false} : vector<49x256xf32>, vector<49x49xf32>, vector<256x49xf32> -> vector<256x49xf32>
    %swap3A = arith.constant 0 : index
    %swap3A_7 = arith.constant 0 : index
    %swap3A_8 = arith.constant 0 : index
    %swap3A_9 = vector.load %arg2[%swap3A, %swap3A_7, %swap3A_8] : memref<40x256x49xf32, #tpu.memory_space<vmem>>, vector<1x256x49xf32>
    %swap3A_10 = vector.shape_cast %swap3A_9 : vector<1x256x49xf32> to vector<256x49xf32>
    %swap3A_11 = vector.shape_cast %dot_general3A_6 : vector<256x49xf32> to vector<1x256x49xf32>
    tpu.vector_store %arg2[%swap3A, %swap3A_7, %swap3A_8], %swap3A_11 {strides = array<i32>} : memref<40x256x49xf32, #tpu.memory_space<vmem>>, vector<1x256x49xf32>,
    %slice3A_12 = vector.extract_strided_slice %get3A_1 {offsets = [49, 0], sizes = [49, 256], strides = [1, 1]} : vector<1960x256xf32> to vector<49x256xf32>
    %dot_general3A_13 = arith.constant dense<0.000000e+00> : vector<256x49xf32>
    %dot_general3A_14 = tpu.matmul %slice3A_12, %convert_element_type3A_5, %dot_general3A_13 {dimension_numbers = #tpu.dot_dimension_numbers<[0], [0], [1], [1], [0, 1, 1, 1], [], []>, precision = #tpu.contract_precision<fp32>, transpose_lhs_hint = false} : vector<49x256xf32>, vector<49x49xf32>, vector<256x49xf32> -> vector<256x49xf32>
    %swap3A_15 = arith.constant 1 : index
    %swap3A_16 = arith.constant 0 : index
    %swap3A_17 = arith.constant 0 : index
    %swap3A_18 = vector.load %arg2[%swap3A_15, %swap3A_16, %swap3A_17] : memref<40x256x49xf32, #tpu.memory_space<vmem>>, vector<1x256x49xf32>
    %swap3A_19 = vector.shape_cast %swap3A_18 : vector<1x256x49xf32> to vector<256x49xf32>
    %swap3A_20 = vector.shape_cast %dot_general3A_14 : vector<256x49xf32> to vector<1x256x49xf32>
    tpu.vector_store %arg2[%swap3A_15, %swap3A_16, %swap3A_17], %swap3A_20 {strides = array<i32>} : memref<40x256x49xf32, #tpu.memory_space<vmem>>, vector<1x256x49xf32>,
    %slice3A_21 = vector.extract_strided_slice %get3A_1 {offsets = [98, 0], sizes = [49, 256], strides = [1, 1]} : vector<1960x256xf32> to vector<49x256xf32>
    %dot_general3A_22 = arith.constant dense<0.000000e+00> : vector<256x49xf32>
    %dot_general3A_23 = tpu.matmul %slice3A_21, %convert_element_type3A_5, %dot_general3A_22 {dimension_numbers = #tpu.dot_dimension_numbers<[0], [0], [1], [1], [0, 1, 1, 1], [], []>, precision = #tpu.contract_precision<fp32>, transpose_lhs_hint = false} : vector<49x256xf32>, vector<49x49xf32>, vector<256x49xf32> -> vector<256x49xf32>
    %swap3A_24 = arith.constant 2 : index
    %swap3A_25 = arith.constant 0 : index
    %swap3A_26 = arith.constant 0 : index
    %swap3A_27 = vector.load %arg2[%swap3A_24, %swap3A_25, %swap3A_26] : memref<40x256x49xf32, #tpu.memory_space<vmem>>, vector<1x256x49xf32>
    %swap3A_28 = vector.shape_cast %swap3A_27 : vector<1x256x49xf32> to vector<256x49xf32>
    %swap3A_29 = vector.shape_cast %dot_general3A_23 : vector<256x49xf32> to vector<1x256x49xf32>
    tpu.vector_store %arg2[%swap3A_24, %swap3A_25, %swap3A_26], %swap3A_29 {strides = array<i32>} : memref<40x256x49xf32, #tpu.memory_space<vmem>>, vector<1x256x49xf32>,
    %slice3A_30 = vector.extract_strided_slice %get3A_1 {offsets = [147, 0], sizes = [49, 256], strides = [1, 1]} : vector<1960x256xf32> to vector<49x256xf32>
    %dot_general3A_31 = arith.constant dense<0.000000e+00> : vector<256x49xf32>
    %dot_general3A_32 = tpu.matmul %slice3A_30, %convert_element_type3A_5, %dot_general3A_31 {dimension_numbers = #tpu.dot_dimension_numbers<[0], [0], [1], [1], [0, 1, 1, 1], [], []>, precision = #tpu.contract_precision<fp32>, transpose_lhs_hint = false} : vector<49x256xf32>, vector<49x49xf32>, vector<256x49xf32> -> vector<256x49xf32>
    %swap3A_33 = arith.constant 3 : index
    %swap3A_34 = arith.constant 0 : index
    %swap3A_35 = arith.constant 0 : index
    %swap3A_36 = vector.load %arg2[%swap3A_33, %swap3A_34, %swap3A_35] : memref<40x256x49xf32, #tpu.memory_space<vmem>>, vector<1x256x49xf32>
    %swap3A_37 = vector.shape_cast %swap3A_36 : vector<1x256x49xf32> to vector<256x49xf32>
    %swap3A_38 = vector.shape_cast %dot_general3A_32 : vector<256x49xf32> to vector<1x256x49xf32>
    tpu.vector_store %arg2[%swap3A_33, %swap3A_34, %swap3A_35], %swap3A_38 {strides = array<i32>} : memref<40x256x49xf32, #tpu.memory_space<vmem>>, vector<1x256x49xf32>,
    %slice3A_39 = vector.extract_strided_slice %get3A_1 {offsets = [196, 0], sizes = [49, 256], strides = [1, 1]} : vector<1960x256xf32> to vector<49x256xf32>
    %dot_general3A_40 = arith.constant dense<0.000000e+00> : vector<256x49xf32>
    %dot_general3A_41 = tpu.matmul %slice3A_39, %convert_element_type3A_5, %dot_general3A_40 {dimension_numbers = #tpu.dot_dimension_numbers<[0], [0], [1], [1], [0, 1, 1, 1], [], []>, precision = #tpu.contract_precision<fp32>, transpose_lhs_hint = false} : vector<49x256xf32>, vector<49x49xf32>, vector<256x49xf32> -> vector<256x49xf32>
    %swap3A_42 = arith.constant 4 : index
    %swap3A_43 = arith.constant 0 : index
    %swap3A_44 = arith.constant 0 : index
    %swap3A_45 = vector.load %arg2[%swap3A_42, %swap3A_43, %swap3A_44] : memref<40x256x49xf32, #tpu.memory_space<vmem>>, vector<1x256x49xf32>
    %swap3A_46 = vector.shape_cast %swap3A_45 : vector<1x256x49xf32> to vector<256x49xf32>
    %swap3A_47 = vector.shape_cast %dot_general3A_41 : vector<256x49xf32> to vector<1x256x49xf32>
    tpu.vector_store %arg2[%swap3A_42, %swap3A_43, %swap3A_44], %swap3A_47 {strides = array<i32>} : memref<40x256x49xf32, #tpu.memory_space<vmem>>, vector<1x256x49xf32>,
    %slice3A_48 = vector.extract_strided_slice %get3A_1 {offsets = [245, 0], sizes = [49, 256], strides = [1, 1]} : vector<1960x256xf32> to vector<49x256xf32>
    %dot_general3A_49 = arith.constant dense<0.000000e+00> : vector<256x49xf32>
    %dot_general3A_50 = tpu.matmul %slice3A_48, %convert_element_type3A_5, %dot_general3A_49 {dimension_numbers = #tpu.dot_dimension_numbers<[0], [0], [1], [1], [0, 1, 1, 1], [], []>, precision = #tpu.contract_precision<fp32>, transpose_lhs_hint = false} : vector<49x256xf32>, vector<49x49xf32>, vector<256x49xf32> -> vector<256x49xf32>
    %swap3A_51 = arith.constant 5 : index
    %swap3A_52 = arith.constant 0 : index
    %swap3A_53 = arith.constant 0 : index
    %swap3A_54 = vector.load %arg2[%swap3A_51, %swap3A_52, %swap3A_53] : memref<40x256x49xf32, #tpu.memory_space<vmem>>, vector<1x256x49xf32>
    %swap3A_55 = vector.shape_cast %swap3A_54 : vector<1x256x49xf32> to vector<256x49xf32>
    %swap3A_56 = vector.shape_cast %dot_general3A_50 : vector<256x49xf32> to vector<1x256x49xf32>
    tpu.vector_store %arg2[%swap3A_51, %swap3A_52, %swap3A_53], %swap3A_56 {strides = array<i32>} : memref<40x256x49xf32, #tpu.memory_space<vmem>>, vector<1x256x49xf32>,
    %slice3A_57 = vector.extract_strided_slice %get3A_1 {offsets = [294, 0], sizes = [49, 256], strides = [1, 1]} : vector<1960x256xf32> to vector<49x256xf32>
    %dot_general3A_58 = arith.constant dense<0.000000e+00> : vector<256x49xf32>
    %dot_general3A_59 = tpu.matmul %slice3A_57, %convert_element_type3A_5, %dot_general3A_58 {dimension_numbers = #tpu.dot_dimension_numbers<[0], [0], [1], [1], [0, 1, 1, 1], [], []>, precision = #tpu.contract_precision<fp32>, transpose_lhs_hint = false} : vector<49x256xf32>, vector<49x49xf32>, vector<256x49xf32> -> vector<256x49xf32>
    %swap3A_60 = arith.constant 6 : index
    %swap3A_61 = arith.constant 0 : index
    %swap3A_62 = arith.constant 0 : index
    %swap3A_63 = vector.load %arg2[%swap3A_60, %swap3A_61, %swap3A_62] : memref<40x256x49xf32, #tpu.memory_space<vmem>>, vector<1x256x49xf32>
    %swap3A_64 = vector.shape_cast %swap3A_63 : vector<1x256x49xf32> to vector<256x49xf32>
    %swap3A_65 = vector.shape_cast %dot_general3A_59 : vector<256x49xf32> to vector<1x256x49xf32>
    tpu.vector_store %arg2[%swap3A_60, %swap3A_61, %swap3A_62], %swap3A_65 {strides = array<i32>} : memref<40x256x49xf32, #tpu.memory_space<vmem>>, vector<1x256x49xf32>,
    %slice3A_66 = vector.extract_strided_slice %get3A_1 {offsets = [343, 0], sizes = [49, 256], strides = [1, 1]} : vector<1960x256xf32> to vector<49x256xf32>
    %dot_general3A_67 = arith.constant dense<0.000000e+00> : vector<256x49xf32>
    %dot_general3A_68 = tpu.matmul %slice3A_66, %convert_element_type3A_5, %dot_general3A_67 {dimension_numbers = #tpu.dot_dimension_numbers<[0], [0], [1], [1], [0, 1, 1, 1], [], []>, precision = #tpu.contract_precision<fp32>, transpose_lhs_hint = false} : vector<49x256xf32>, vector<49x49xf32>, vector<256x49xf32> -> vector<256x49xf32>
    %swap3A_69 = arith.constant 7 : index
    %swap3A_70 = arith.constant 0 : index
    %swap3A_71 = arith.constant 0 : index
    %swap3A_72 = vector.load %arg2[%swap3A_69, %swap3A_70, %swap3A_71] : memref<40x256x49xf32, #tpu.memory_space<vmem>>, vector<1x256x49xf32>
    %swap3A_73 = vector.shape_cast %swap3A_72 : vector<1x256x49xf32> to vector<256x49xf32>
    %swap3A_74 = vector.shape_cast %dot_general3A_68 : vector<256x49xf32> to vector<1x256x49xf32>
    tpu.vector_store %arg2[%swap3A_69, %swap3A_70, %swap3A_71], %swap3A_74 {strides = array<i32>} : memref<40x256x49xf32, #tpu.memory_space<vmem>>, vector<1x256x49xf32>,
    %slice3A_75 = vector.extract_strided_slice %get3A_1 {offsets = [392, 0], sizes = [49, 256], strides = [1, 1]} : vector<1960x256xf32> to vector<49x256xf32>
    %dot_general3A_76 = arith.constant dense<0.000000e+00> : vector<256x49xf32>
    %dot_general3A_77 = tpu.matmul %slice3A_75, %convert_element_type3A_5, %dot_general3A_76 {dimension_numbers = #tpu.dot_dimension_numbers<[0], [0], [1], [1], [0, 1, 1, 1], [], []>, precision = #tpu.contract_precision<fp32>, transpose_lhs_hint = false} : vector<49x256xf32>, vector<49x49xf32>, vector<256x49xf32> -> vector<256x49xf32>
    %swap3A_78 = arith.constant 8 : index
    %swap3A_79 = arith.constant 0 : index
    %swap3A_80 = arith.constant 0 : index
    %swap3A_81 = vector.load %arg2[%swap3A_78, %swap3A_79, %swap3A_80] : memref<40x256x49xf32, #tpu.memory_space<vmem>>, vector<1x256x49xf32>
    %swap3A_82 = vector.shape_cast %swap3A_81 : vector<1x256x49xf32> to vector<256x49xf32>
    %swap3A_83 = vector.shape_cast %dot_general3A_77 : vector<256x49xf32> to vector<1x256x49xf32>
    tpu.vector_store %arg2[%swap3A_78, %swap3A_79, %swap3A_80], %swap3A_83 {strides = array<i32>} : memref<40x256x49xf32, #tpu.memory_space<vmem>>, vector<1x256x49xf32>,
    %slice3A_84 = vector.extract_strided_slice %get3A_1 {offsets = [441, 0], sizes = [49, 256], strides = [1, 1]} : vector<1960x256xf32> to vector<49x256xf32>
    %dot_general3A_85 = arith.constant dense<0.000000e+00> : vector<256x49xf32>
    %dot_general3A_86 = tpu.matmul %slice3A_84, %convert_element_type3A_5, %dot_general3A_85 {dimension_numbers = #tpu.dot_dimension_numbers<[0], [0], [1], [1], [0, 1, 1, 1], [], []>, precision = #tpu.contract_precision<fp32>, transpose_lhs_hint = false} : vector<49x256xf32>, vector<49x49xf32>, vector<256x49xf32> -> vector<256x49xf32>
    %swap3A_87 = arith.constant 9 : index
    %swap3A_88 = arith.constant 0 : index
    %swap3A_89 = arith.constant 0 : index
    %swap3A_90 = vector.load %arg2[%swap3A_87, %swap3A_88, %swap3A_89] : memref<40x256x49xf32, #tpu.memory_space<vmem>>, vector<1x256x49xf32>
    %swap3A_91 = vector.shape_cast %swap3A_90 : vector<1x256x49xf32> to vector<256x49xf32>
    %swap3A_92 = vector.shape_cast %dot_general3A_86 : vector<256x49xf32> to vector<1x256x49xf32>
    tpu.vector_store %arg2[%swap3A_87, %swap3A_88, %swap3A_89], %swap3A_92 {strides = array<i32>} : memref<40x256x49xf32, #tpu.memory_space<vmem>>, vector<1x256x49xf32>,
    %slice3A_93 = vector.extract_strided_slice %get3A_1 {offsets = [490, 0], sizes = [49, 256], strides = [1, 1]} : vector<1960x256xf32> to vector<49x256xf32>
    %dot_general3A_94 = arith.constant dense<0.000000e+00> : vector<256x49xf32>
    %dot_general3A_95 = tpu.matmul %slice3A_93, %convert_element_type3A_5, %dot_general3A_94 {dimension_numbers = #tpu.dot_dimension_numbers<[0], [0], [1], [1], [0, 1, 1, 1], [], []>, precision = #tpu.contract_precision<fp32>, transpose_lhs_hint = false} : vector<49x256xf32>, vector<49x49xf32>, vector<256x49xf32> -> vector<256x49xf32>
    %swap3A_96 = arith.constant 10 : index
    %swap3A_97 = arith.constant 0 : index
    %swap3A_98 = arith.constant 0 : index
    %swap3A_99 = vector.load %arg2[%swap3A_96, %swap3A_97, %swap3A_98] : memref<40x256x49xf32, #tpu.memory_space<vmem>>, vector<1x256x49xf32>
    %swap3A_100 = vector.shape_cast %swap3A_99 : vector<1x256x49xf32> to vector<256x49xf32>
    %swap3A_101 = vector.shape_cast %dot_general3A_95 : vector<256x49xf32> to vector<1x256x49xf32>
    tpu.vector_store %arg2[%swap3A_96, %swap3A_97, %swap3A_98], %swap3A_101 {strides = array<i32>} : memref<40x256x49xf32, #tpu.memory_space<vmem>>, vector<1x256x49xf32>,
    %slice3A_102 = vector.extract_strided_slice %get3A_1 {offsets = [539, 0], sizes = [49, 256], strides = [1, 1]} : vector<1960x256xf32> to vector<49x256xf32>
    %dot_general3A_103 = arith.constant dense<0.000000e+00> : vector<256x49xf32>
    %dot_general3A_104 = tpu.matmul %slice3A_102, %convert_element_type3A_5, %dot_general3A_103 {dimension_numbers = #tpu.dot_dimension_numbers<[0], [0], [1], [1], [0, 1, 1, 1], [], []>, precision = #tpu.contract_precision<fp32>, transpose_lhs_hint = false} : vector<49x256xf32>, vector<49x49xf32>, vector<256x49xf32> -> vector<256x49xf32>
    %swap3A_105 = arith.constant 11 : index
    %swap3A_106 = arith.constant 0 : index
    %swap3A_107 = arith.constant 0 : index
    %swap3A_108 = vector.load %arg2[%swap3A_105, %swap3A_106, %swap3A_107] : memref<40x256x49xf32, #tpu.memory_space<vmem>>, vector<1x256x49xf32>
    %swap3A_109 = vector.shape_cast %swap3A_108 : vector<1x256x49xf32> to vector<256x49xf32>
    %swap3A_110 = vector.shape_cast %dot_general3A_104 : vector<256x49xf32> to vector<1x256x49xf32>
    tpu.vector_store %arg2[%swap3A_105, %swap3A_106, %swap3A_107], %swap3A_110 {strides = array<i32>} : memref<40x256x49xf32, #tpu.memory_space<vmem>>, vector<1x256x49xf32>,
    %slice3A_111 = vector.extract_strided_slice %get3A_1 {offsets = [588, 0], sizes = [49, 256], strides = [1, 1]} : vector<1960x256xf32> to vector<49x256xf32>
    %dot_general3A_112 = arith.constant dense<0.000000e+00> : vector<256x49xf32>
    %dot_general3A_113 = tpu.matmul %slice3A_111, %convert_element_type3A_5, %dot_general3A_112 {dimension_numbers = #tpu.dot_dimension_numbers<[0], [0], [1], [1], [0, 1, 1, 1], [], []>, precision = #tpu.contract_precision<fp32>, transpose_lhs_hint = false} : vector<49x256xf32>, vector<49x49xf32>, vector<256x49xf32> -> vector<256x49xf32>
    %swap3A_114 = arith.constant 12 : index
    %swap3A_115 = arith.constant 0 : index
    %swap3A_116 = arith.constant 0 : index
    %swap3A_117 = vector.load %arg2[%swap3A_114, %swap3A_115, %swap3A_116] : memref<40x256x49xf32, #tpu.memory_space<vmem>>, vector<1x256x49xf32>
    %swap3A_118 = vector.shape_cast %swap3A_117 : vector<1x256x49xf32> to vector<256x49xf32>
    %swap3A_119 = vector.shape_cast %dot_general3A_113 : vector<256x49xf32> to vector<1x256x49xf32>
    tpu.vector_store %arg2[%swap3A_114, %swap3A_115, %swap3A_116], %swap3A_119 {strides = array<i32>} : memref<40x256x49xf32, #tpu.memory_space<vmem>>, vector<1x256x49xf32>,
    %slice3A_120 = vector.extract_strided_slice %get3A_1 {offsets = [637, 0], sizes = [49, 256], strides = [1, 1]} : vector<1960x256xf32> to vector<49x256xf32>
    %dot_general3A_121 = arith.constant dense<0.000000e+00> : vector<256x49xf32>
    %dot_general3A_122 = tpu.matmul %slice3A_120, %convert_element_type3A_5, %dot_general3A_121 {dimension_numbers = #tpu.dot_dimension_numbers<[0], [0], [1], [1], [0, 1, 1, 1], [], []>, precision = #tpu.contract_precision<fp32>, transpose_lhs_hint = false} : vector<49x256xf32>, vector<49x49xf32>, vector<256x49xf32> -> vector<256x49xf32>
    %swap3A_123 = arith.constant 13 : index
    %swap3A_124 = arith.constant 0 : index
    %swap3A_125 = arith.constant 0 : index
    %swap3A_126 = vector.load %arg2[%swap3A_123, %swap3A_124, %swap3A_125] : memref<40x256x49xf32, #tpu.memory_space<vmem>>, vector<1x256x49xf32>
    %swap3A_127 = vector.shape_cast %swap3A_126 : vector<1x256x49xf32> to vector<256x49xf32>
    %swap3A_128 = vector.shape_cast %dot_general3A_122 : vector<256x49xf32> to vector<1x256x49xf32>
    tpu.vector_store %arg2[%swap3A_123, %swap3A_124, %swap3A_125], %swap3A_128 {strides = array<i32>} : memref<40x256x49xf32, #tpu.memory_space<vmem>>, vector<1x256x49xf32>,
    %slice3A_129 = vector.extract_strided_slice %get3A_1 {offsets = [686, 0], sizes = [49, 256], strides = [1, 1]} : vector<1960x256xf32> to vector<49x256xf32>
    %dot_general3A_130 = arith.constant dense<0.000000e+00> : vector<256x49xf32>
    %dot_general3A_131 = tpu.matmul %slice3A_129, %convert_element_type3A_5, %dot_general3A_130 {dimension_numbers = #tpu.dot_dimension_numbers<[0], [0], [1], [1], [0, 1, 1, 1], [], []>, precision = #tpu.contract_precision<fp32>, transpose_lhs_hint = false} : vector<49x256xf32>, vector<49x49xf32>, vector<256x49xf32> -> vector<256x49xf32>
    %swap3A_132 = arith.constant 14 : index
    %swap3A_133 = arith.constant 0 : index
    %swap3A_134 = arith.constant 0 : index
    %swap3A_135 = vector.load %arg2[%swap3A_132, %swap3A_133, %swap3A_134] : memref<40x256x49xf32, #tpu.memory_space<vmem>>, vector<1x256x49xf32>
    %swap3A_136 = vector.shape_cast %swap3A_135 : vector<1x256x49xf32> to vector<256x49xf32>
    %swap3A_137 = vector.shape_cast %dot_general3A_131 : vector<256x49xf32> to vector<1x256x49xf32>
    tpu.vector_store %arg2[%swap3A_132, %swap3A_133, %swap3A_134], %swap3A_137 {strides = array<i32>} : memref<40x256x49xf32, #tpu.memory_space<vmem>>, vector<1x256x49xf32>,
    %slice3A_138 = vector.extract_strided_slice %get3A_1 {offsets = [735, 0], sizes = [49, 256], strides = [1, 1]} : vector<1960x256xf32> to vector<49x256xf32>
    %dot_general3A_139 = arith.constant dense<0.000000e+00> : vector<256x49xf32>
    %dot_general3A_140 = tpu.matmul %slice3A_138, %convert_element_type3A_5, %dot_general3A_139 {dimension_numbers = #tpu.dot_dimension_numbers<[0], [0], [1], [1], [0, 1, 1, 1], [], []>, precision = #tpu.contract_precision<fp32>, transpose_lhs_hint = false} : vector<49x256xf32>, vector<49x49xf32>, vector<256x49xf32> -> vector<256x49xf32>
    %swap3A_141 = arith.constant 15 : index
    %swap3A_142 = arith.constant 0 : index
    %swap3A_143 = arith.constant 0 : index
    %swap3A_144 = vector.load %arg2[%swap3A_141, %swap3A_142, %swap3A_143] : memref<40x256x49xf32, #tpu.memory_space<vmem>>, vector<1x256x49xf32>
    %swap3A_145 = vector.shape_cast %swap3A_144 : vector<1x256x49xf32> to vector<256x49xf32>
    %swap3A_146 = vector.shape_cast %dot_general3A_140 : vector<256x49xf32> to vector<1x256x49xf32>
    tpu.vector_store %arg2[%swap3A_141, %swap3A_142, %swap3A_143], %swap3A_146 {strides = array<i32>} : memref<40x256x49xf32, #tpu.memory_space<vmem>>, vector<1x256x49xf32>,
    %slice3A_147 = vector.extract_strided_slice %get3A_1 {offsets = [784, 0], sizes = [49, 256], strides = [1, 1]} : vector<1960x256xf32> to vector<49x256xf32>
    %dot_general3A_148 = arith.constant dense<0.000000e+00> : vector<256x49xf32>
    %dot_general3A_149 = tpu.matmul %slice3A_147, %convert_element_type3A_5, %dot_general3A_148 {dimension_numbers = #tpu.dot_dimension_numbers<[0], [0], [1], [1], [0, 1, 1, 1], [], []>, precision = #tpu.contract_precision<fp32>, transpose_lhs_hint = false} : vector<49x256xf32>, vector<49x49xf32>, vector<256x49xf32> -> vector<256x49xf32>
    %swap3A_150 = arith.constant 16 : index
    %swap3A_151 = arith.constant 0 : index
    %swap3A_152 = arith.constant 0 : index
    %swap3A_153 = vector.load %arg2[%swap3A_150, %swap3A_151, %swap3A_152] : memref<40x256x49xf32, #tpu.memory_space<vmem>>, vector<1x256x49xf32>
    %swap3A_154 = vector.shape_cast %swap3A_153 : vector<1x256x49xf32> to vector<256x49xf32>
    %swap3A_155 = vector.shape_cast %dot_general3A_149 : vector<256x49xf32> to vector<1x256x49xf32>
    tpu.vector_store %arg2[%swap3A_150, %swap3A_151, %swap3A_152], %swap3A_155 {strides = array<i32>} : memref<40x256x49xf32, #tpu.memory_space<vmem>>, vector<1x256x49xf32>,
    %slice3A_156 = vector.extract_strided_slice %get3A_1 {offsets = [833, 0], sizes = [49, 256], strides = [1, 1]} : vector<1960x256xf32> to vector<49x256xf32>
    %dot_general3A_157 = arith.constant dense<0.000000e+00> : vector<256x49xf32>
    %dot_general3A_158 = tpu.matmul %slice3A_156, %convert_element_type3A_5, %dot_general3A_157 {dimension_numbers = #tpu.dot_dimension_numbers<[0], [0], [1], [1], [0, 1, 1, 1], [], []>, precision = #tpu.contract_precision<fp32>, transpose_lhs_hint = false} : vector<49x256xf32>, vector<49x49xf32>, vector<256x49xf32> -> vector<256x49xf32>
    %swap3A_159 = arith.constant 17 : index
    %swap3A_160 = arith.constant 0 : index
    %swap3A_161 = arith.constant 0 : index
    %swap3A_162 = vector.load %arg2[%swap3A_159, %swap3A_160, %swap3A_161] : memref<40x256x49xf32, #tpu.memory_space<vmem>>, vector<1x256x49xf32>
    %swap3A_163 = vector.shape_cast %swap3A_162 : vector<1x256x49xf32> to vector<256x49xf32>
    %swap3A_164 = vector.shape_cast %dot_general3A_158 : vector<256x49xf32> to vector<1x256x49xf32>
    tpu.vector_store %arg2[%swap3A_159, %swap3A_160, %swap3A_161], %swap3A_164 {strides = array<i32>} : memref<40x256x49xf32, #tpu.memory_space<vmem>>, vector<1x256x49xf32>,
    %slice3A_165 = vector.extract_strided_slice %get3A_1 {offsets = [882, 0], sizes = [49, 256], strides = [1, 1]} : vector<1960x256xf32> to vector<49x256xf32>
    %dot_general3A_166 = arith.constant dense<0.000000e+00> : vector<256x49xf32>
    %dot_general3A_167 = tpu.matmul %slice3A_165, %convert_element_type3A_5, %dot_general3A_166 {dimension_numbers = #tpu.dot_dimension_numbers<[0], [0], [1], [1], [0, 1, 1, 1], [], []>, precision = #tpu.contract_precision<fp32>, transpose_lhs_hint = false} : vector<49x256xf32>, vector<49x49xf32>, vector<256x49xf32> -> vector<256x49xf32>
    %swap3A_168 = arith.constant 18 : index
    %swap3A_169 = arith.constant 0 : index
    %swap3A_170 = arith.constant 0 : index
    %swap3A_171 = vector.load %arg2[%swap3A_168, %swap3A_169, %swap3A_170] : memref<40x256x49xf32, #tpu.memory_space<vmem>>, vector<1x256x49xf32>
    %swap3A_172 = vector.shape_cast %swap3A_171 : vector<1x256x49xf32> to vector<256x49xf32>
    %swap3A_173 = vector.shape_cast %dot_general3A_167 : vector<256x49xf32> to vector<1x256x49xf32>
    tpu.vector_store %arg2[%swap3A_168, %swap3A_169, %swap3A_170], %swap3A_173 {strides = array<i32>} : memref<40x256x49xf32, #tpu.memory_space<vmem>>, vector<1x256x49xf32>,
    %slice3A_174 = vector.extract_strided_slice %get3A_1 {offsets = [931, 0], sizes = [49, 256], strides = [1, 1]} : vector<1960x256xf32> to vector<49x256xf32>
    %dot_general3A_175 = arith.constant dense<0.000000e+00> : vector<256x49xf32>
    %dot_general3A_176 = tpu.matmul %slice3A_174, %convert_element_type3A_5, %dot_general3A_175 {dimension_numbers = #tpu.dot_dimension_numbers<[0], [0], [1], [1], [0, 1, 1, 1], [], []>, precision = #tpu.contract_precision<fp32>, transpose_lhs_hint = false} : vector<49x256xf32>, vector<49x49xf32>, vector<256x49xf32> -> vector<256x49xf32>
    %swap3A_177 = arith.constant 19 : index
    %swap3A_178 = arith.constant 0 : index
    %swap3A_179 = arith.constant 0 : index
    %swap3A_180 = vector.load %arg2[%swap3A_177, %swap3A_178, %swap3A_179] : memref<40x256x49xf32, #tpu.memory_space<vmem>>, vector<1x256x49xf32>
    %swap3A_181 = vector.shape_cast %swap3A_180 : vector<1x256x49xf32> to vector<256x49xf32>
    %swap3A_182 = vector.shape_cast %dot_general3A_176 : vector<256x49xf32> to vector<1x256x49xf32>
    tpu.vector_store %arg2[%swap3A_177, %swap3A_178, %swap3A_179], %swap3A_182 {strides = array<i32>} : memref<40x256x49xf32, #tpu.memory_space<vmem>>, vector<1x256x49xf32>,
    %slice3A_183 = vector.extract_strided_slice %get3A_1 {offsets = [980, 0], sizes = [49, 256], strides = [1, 1]} : vector<1960x256xf32> to vector<49x256xf32>
    %dot_general3A_184 = arith.constant dense<0.000000e+00> : vector<256x49xf32>
    %dot_general3A_185 = tpu.matmul %slice3A_183, %convert_element_type3A_5, %dot_general3A_184 {dimension_numbers = #tpu.dot_dimension_numbers<[0], [0], [1], [1], [0, 1, 1, 1], [], []>, precision = #tpu.contract_precision<fp32>, transpose_lhs_hint = false} : vector<49x256xf32>, vector<49x49xf32>, vector<256x49xf32> -> vector<256x49xf32>
    %swap3A_186 = arith.constant 20 : index
    %swap3A_187 = arith.constant 0 : index
    %swap3A_188 = arith.constant 0 : index
    %swap3A_189 = vector.load %arg2[%swap3A_186, %swap3A_187, %swap3A_188] : memref<40x256x49xf32, #tpu.memory_space<vmem>>, vector<1x256x49xf32>
    %swap3A_190 = vector.shape_cast %swap3A_189 : vector<1x256x49xf32> to vector<256x49xf32>
    %swap3A_191 = vector.shape_cast %dot_general3A_185 : vector<256x49xf32> to vector<1x256x49xf32>
    tpu.vector_store %arg2[%swap3A_186, %swap3A_187, %swap3A_188], %swap3A_191 {strides = array<i32>} : memref<40x256x49xf32, #tpu.memory_space<vmem>>, vector<1x256x49xf32>,
    %slice3A_192 = vector.extract_strided_slice %get3A_1 {offsets = [1029, 0], sizes = [49, 256], strides = [1, 1]} : vector<1960x256xf32> to vector<49x256xf32>
    %dot_general3A_193 = arith.constant dense<0.000000e+00> : vector<256x49xf32>
    %dot_general3A_194 = tpu.matmul %slice3A_192, %convert_element_type3A_5, %dot_general3A_193 {dimension_numbers = #tpu.dot_dimension_numbers<[0], [0], [1], [1], [0, 1, 1, 1], [], []>, precision = #tpu.contract_precision<fp32>, transpose_lhs_hint = false} : vector<49x256xf32>, vector<49x49xf32>, vector<256x49xf32> -> vector<256x49xf32>
    %swap3A_195 = arith.constant 21 : index
    %swap3A_196 = arith.constant 0 : index
    %swap3A_197 = arith.constant 0 : index
    %swap3A_198 = vector.load %arg2[%swap3A_195, %swap3A_196, %swap3A_197] : memref<40x256x49xf32, #tpu.memory_space<vmem>>, vector<1x256x49xf32>
    %swap3A_199 = vector.shape_cast %swap3A_198 : vector<1x256x49xf32> to vector<256x49xf32>
    %swap3A_200 = vector.shape_cast %dot_general3A_194 : vector<256x49xf32> to vector<1x256x49xf32>
    tpu.vector_store %arg2[%swap3A_195, %swap3A_196, %swap3A_197], %swap3A_200 {strides = array<i32>} : memref<40x256x49xf32, #tpu.memory_space<vmem>>, vector<1x256x49xf32>,
    %slice3A_201 = vector.extract_strided_slice %get3A_1 {offsets = [1078, 0], sizes = [49, 256], strides = [1, 1]} : vector<1960x256xf32> to vector<49x256xf32>
    %dot_general3A_202 = arith.constant dense<0.000000e+00> : vector<256x49xf32>
    %dot_general3A_203 = tpu.matmul %slice3A_201, %convert_element_type3A_5, %dot_general3A_202 {dimension_numbers = #tpu.dot_dimension_numbers<[0], [0], [1], [1], [0, 1, 1, 1], [], []>, precision = #tpu.contract_precision<fp32>, transpose_lhs_hint = false} : vector<49x256xf32>, vector<49x49xf32>, vector<256x49xf32> -> vector<256x49xf32>
    %swap3A_204 = arith.constant 22 : index
    %swap3A_205 = arith.constant 0 : index
    %swap3A_206 = arith.constant 0 : index
    %swap3A_207 = vector.load %arg2[%swap3A_204, %swap3A_205, %swap3A_206] : memref<40x256x49xf32, #tpu.memory_space<vmem>>, vector<1x256x49xf32>
    %swap3A_208 = vector.shape_cast %swap3A_207 : vector<1x256x49xf32> to vector<256x49xf32>
    %swap3A_209 = vector.shape_cast %dot_general3A_203 : vector<256x49xf32> to vector<1x256x49xf32>
    tpu.vector_store %arg2[%swap3A_204, %swap3A_205, %swap3A_206], %swap3A_209 {strides = array<i32>} : memref<40x256x49xf32, #tpu.memory_space<vmem>>, vector<1x256x49xf32>,
    %slice3A_210 = vector.extract_strided_slice %get3A_1 {offsets = [1127, 0], sizes = [49, 256], strides = [1, 1]} : vector<1960x256xf32> to vector<49x256xf32>
    %dot_general3A_211 = arith.constant dense<0.000000e+00> : vector<256x49xf32>
    %dot_general3A_212 = tpu.matmul %slice3A_210, %convert_element_type3A_5, %dot_general3A_211 {dimension_numbers = #tpu.dot_dimension_numbers<[0], [0], [1], [1], [0, 1, 1, 1], [], []>, precision = #tpu.contract_precision<fp32>, transpose_lhs_hint = false} : vector<49x256xf32>, vector<49x49xf32>, vector<256x49xf32> -> vector<256x49xf32>
    %swap3A_213 = arith.constant 23 : index
    %swap3A_214 = arith.constant 0 : index
    %swap3A_215 = arith.constant 0 : index
    %swap3A_216 = vector.load %arg2[%swap3A_213, %swap3A_214, %swap3A_215] : memref<40x256x49xf32, #tpu.memory_space<vmem>>, vector<1x256x49xf32>
    %swap3A_217 = vector.shape_cast %swap3A_216 : vector<1x256x49xf32> to vector<256x49xf32>
    %swap3A_218 = vector.shape_cast %dot_general3A_212 : vector<256x49xf32> to vector<1x256x49xf32>
    tpu.vector_store %arg2[%swap3A_213, %swap3A_214, %swap3A_215], %swap3A_218 {strides = array<i32>} : memref<40x256x49xf32, #tpu.memory_space<vmem>>, vector<1x256x49xf32>,
    %slice3A_219 = vector.extract_strided_slice %get3A_1 {offsets = [1176, 0], sizes = [49, 256], strides = [1, 1]} : vector<1960x256xf32> to vector<49x256xf32>
    %dot_general3A_220 = arith.constant dense<0.000000e+00> : vector<256x49xf32>
    %dot_general3A_221 = tpu.matmul %slice3A_219, %convert_element_type3A_5, %dot_general3A_220 {dimension_numbers = #tpu.dot_dimension_numbers<[0], [0], [1], [1], [0, 1, 1, 1], [], []>, precision = #tpu.contract_precision<fp32>, transpose_lhs_hint = false} : vector<49x256xf32>, vector<49x49xf32>, vector<256x49xf32> -> vector<256x49xf32>
    %swap3A_222 = arith.constant 24 : index
    %swap3A_223 = arith.constant 0 : index
    %swap3A_224 = arith.constant 0 : index
    %swap3A_225 = vector.load %arg2[%swap3A_222, %swap3A_223, %swap3A_224] : memref<40x256x49xf32, #tpu.memory_space<vmem>>, vector<1x256x49xf32>
    %swap3A_226 = vector.shape_cast %swap3A_225 : vector<1x256x49xf32> to vector<256x49xf32>
    %swap3A_227 = vector.shape_cast %dot_general3A_221 : vector<256x49xf32> to vector<1x256x49xf32>
    tpu.vector_store %arg2[%swap3A_222, %swap3A_223, %swap3A_224], %swap3A_227 {strides = array<i32>} : memref<40x256x49xf32, #tpu.memory_space<vmem>>, vector<1x256x49xf32>,
    %slice3A_228 = vector.extract_strided_slice %get3A_1 {offsets = [1225, 0], sizes = [49, 256], strides = [1, 1]} : vector<1960x256xf32> to vector<49x256xf32>
    %dot_general3A_229 = arith.constant dense<0.000000e+00> : vector<256x49xf32>
    %dot_general3A_230 = tpu.matmul %slice3A_228, %convert_element_type3A_5, %dot_general3A_229 {dimension_numbers = #tpu.dot_dimension_numbers<[0], [0], [1], [1], [0, 1, 1, 1], [], []>, precision = #tpu.contract_precision<fp32>, transpose_lhs_hint = false} : vector<49x256xf32>, vector<49x49xf32>, vector<256x49xf32> -> vector<256x49xf32>
    %swap3A_231 = arith.constant 25 : index
    %swap3A_232 = arith.constant 0 : index
    %swap3A_233 = arith.constant 0 : index
    %swap3A_234 = vector.load %arg2[%swap3A_231, %swap3A_232, %swap3A_233] : memref<40x256x49xf32, #tpu.memory_space<vmem>>, vector<1x256x49xf32>
    %swap3A_235 = vector.shape_cast %swap3A_234 : vector<1x256x49xf32> to vector<256x49xf32>
    %swap3A_236 = vector.shape_cast %dot_general3A_230 : vector<256x49xf32> to vector<1x256x49xf32>
    tpu.vector_store %arg2[%swap3A_231, %swap3A_232, %swap3A_233], %swap3A_236 {strides = array<i32>} : memref<40x256x49xf32, #tpu.memory_space<vmem>>, vector<1x256x49xf32>,
    %slice3A_237 = vector.extract_strided_slice %get3A_1 {offsets = [1274, 0], sizes = [49, 256], strides = [1, 1]} : vector<1960x256xf32> to vector<49x256xf32>
    %dot_general3A_238 = arith.constant dense<0.000000e+00> : vector<256x49xf32>
    %dot_general3A_239 = tpu.matmul %slice3A_237, %convert_element_type3A_5, %dot_general3A_238 {dimension_numbers = #tpu.dot_dimension_numbers<[0], [0], [1], [1], [0, 1, 1, 1], [], []>, precision = #tpu.contract_precision<fp32>, transpose_lhs_hint = false} : vector<49x256xf32>, vector<49x49xf32>, vector<256x49xf32> -> vector<256x49xf32>
    %swap3A_240 = arith.constant 26 : index
    %swap3A_241 = arith.constant 0 : index
    %swap3A_242 = arith.constant 0 : index
    %swap3A_243 = vector.load %arg2[%swap3A_240, %swap3A_241, %swap3A_242] : memref<40x256x49xf32, #tpu.memory_space<vmem>>, vector<1x256x49xf32>
    %swap3A_244 = vector.shape_cast %swap3A_243 : vector<1x256x49xf32> to vector<256x49xf32>
    %swap3A_245 = vector.shape_cast %dot_general3A_239 : vector<256x49xf32> to vector<1x256x49xf32>
    tpu.vector_store %arg2[%swap3A_240, %swap3A_241, %swap3A_242], %swap3A_245 {strides = array<i32>} : memref<40x256x49xf32, #tpu.memory_space<vmem>>, vector<1x256x49xf32>,
    %slice3A_246 = vector.extract_strided_slice %get3A_1 {offsets = [1323, 0], sizes = [49, 256], strides = [1, 1]} : vector<1960x256xf32> to vector<49x256xf32>
    %dot_general3A_247 = arith.constant dense<0.000000e+00> : vector<256x49xf32>
    %dot_general3A_248 = tpu.matmul %slice3A_246, %convert_element_type3A_5, %dot_general3A_247 {dimension_numbers = #tpu.dot_dimension_numbers<[0], [0], [1], [1], [0, 1, 1, 1], [], []>, precision = #tpu.contract_precision<fp32>, transpose_lhs_hint = false} : vector<49x256xf32>, vector<49x49xf32>, vector<256x49xf32> -> vector<256x49xf32>
    %swap3A_249 = arith.constant 27 : index
    %swap3A_250 = arith.constant 0 : index
    %swap3A_251 = arith.constant 0 : index
    %swap3A_252 = vector.load %arg2[%swap3A_249, %swap3A_250, %swap3A_251] : memref<40x256x49xf32, #tpu.memory_space<vmem>>, vector<1x256x49xf32>
    %swap3A_253 = vector.shape_cast %swap3A_252 : vector<1x256x49xf32> to vector<256x49xf32>
    %swap3A_254 = vector.shape_cast %dot_general3A_248 : vector<256x49xf32> to vector<1x256x49xf32>
    tpu.vector_store %arg2[%swap3A_249, %swap3A_250, %swap3A_251], %swap3A_254 {strides = array<i32>} : memref<40x256x49xf32, #tpu.memory_space<vmem>>, vector<1x256x49xf32>,
    %slice3A_255 = vector.extract_strided_slice %get3A_1 {offsets = [1372, 0], sizes = [49, 256], strides = [1, 1]} : vector<1960x256xf32> to vector<49x256xf32>
    %dot_general3A_256 = arith.constant dense<0.000000e+00> : vector<256x49xf32>
    %dot_general3A_257 = tpu.matmul %slice3A_255, %convert_element_type3A_5, %dot_general3A_256 {dimension_numbers = #tpu.dot_dimension_numbers<[0], [0], [1], [1], [0, 1, 1, 1], [], []>, precision = #tpu.contract_precision<fp32>, transpose_lhs_hint = false} : vector<49x256xf32>, vector<49x49xf32>, vector<256x49xf32> -> vector<256x49xf32>
    %swap3A_258 = arith.constant 28 : index
    %swap3A_259 = arith.constant 0 : index
    %swap3A_260 = arith.constant 0 : index
    %swap3A_261 = vector.load %arg2[%swap3A_258, %swap3A_259, %swap3A_260] : memref<40x256x49xf32, #tpu.memory_space<vmem>>, vector<1x256x49xf32>
    %swap3A_262 = vector.shape_cast %swap3A_261 : vector<1x256x49xf32> to vector<256x49xf32>
    %swap3A_263 = vector.shape_cast %dot_general3A_257 : vector<256x49xf32> to vector<1x256x49xf32>
    tpu.vector_store %arg2[%swap3A_258, %swap3A_259, %swap3A_260], %swap3A_263 {strides = array<i32>} : memref<40x256x49xf32, #tpu.memory_space<vmem>>, vector<1x256x49xf32>,
    %slice3A_264 = vector.extract_strided_slice %get3A_1 {offsets = [1421, 0], sizes = [49, 256], strides = [1, 1]} : vector<1960x256xf32> to vector<49x256xf32>
    %dot_general3A_265 = arith.constant dense<0.000000e+00> : vector<256x49xf32>
    %dot_general3A_266 = tpu.matmul %slice3A_264, %convert_element_type3A_5, %dot_general3A_265 {dimension_numbers = #tpu.dot_dimension_numbers<[0], [0], [1], [1], [0, 1, 1, 1], [], []>, precision = #tpu.contract_precision<fp32>, transpose_lhs_hint = false} : vector<49x256xf32>, vector<49x49xf32>, vector<256x49xf32> -> vector<256x49xf32>
    %swap3A_267 = arith.constant 29 : index
    %swap3A_268 = arith.constant 0 : index
    %swap3A_269 = arith.constant 0 : index
    %swap3A_270 = vector.load %arg2[%swap3A_267, %swap3A_268, %swap3A_269] : memref<40x256x49xf32, #tpu.memory_space<vmem>>, vector<1x256x49xf32>
    %swap3A_271 = vector.shape_cast %swap3A_270 : vector<1x256x49xf32> to vector<256x49xf32>
    %swap3A_272 = vector.shape_cast %dot_general3A_266 : vector<256x49xf32> to vector<1x256x49xf32>
    tpu.vector_store %arg2[%swap3A_267, %swap3A_268, %swap3A_269], %swap3A_272 {strides = array<i32>} : memref<40x256x49xf32, #tpu.memory_space<vmem>>, vector<1x256x49xf32>,
    %slice3A_273 = vector.extract_strided_slice %get3A_1 {offsets = [1470, 0], sizes = [49, 256], strides = [1, 1]} : vector<1960x256xf32> to vector<49x256xf32>
    %dot_general3A_274 = arith.constant dense<0.000000e+00> : vector<256x49xf32>
    %dot_general3A_275 = tpu.matmul %slice3A_273, %convert_element_type3A_5, %dot_general3A_274 {dimension_numbers = #tpu.dot_dimension_numbers<[0], [0], [1], [1], [0, 1, 1, 1], [], []>, precision = #tpu.contract_precision<fp32>, transpose_lhs_hint = false} : vector<49x256xf32>, vector<49x49xf32>, vector<256x49xf32> -> vector<256x49xf32>
    %swap3A_276 = arith.constant 30 : index
    %swap3A_277 = arith.constant 0 : index
    %swap3A_278 = arith.constant 0 : index
    %swap3A_279 = vector.load %arg2[%swap3A_276, %swap3A_277, %swap3A_278] : memref<40x256x49xf32, #tpu.memory_space<vmem>>, vector<1x256x49xf32>
    %swap3A_280 = vector.shape_cast %swap3A_279 : vector<1x256x49xf32> to vector<256x49xf32>
    %swap3A_281 = vector.shape_cast %dot_general3A_275 : vector<256x49xf32> to vector<1x256x49xf32>
    tpu.vector_store %arg2[%swap3A_276, %swap3A_277, %swap3A_278], %swap3A_281 {strides = array<i32>} : memref<40x256x49xf32, #tpu.memory_space<vmem>>, vector<1x256x49xf32>,
    %slice3A_282 = vector.extract_strided_slice %get3A_1 {offsets = [1519, 0], sizes = [49, 256], strides = [1, 1]} : vector<1960x256xf32> to vector<49x256xf32>
    %dot_general3A_283 = arith.constant dense<0.000000e+00> : vector<256x49xf32>
    %dot_general3A_284 = tpu.matmul %slice3A_282, %convert_element_type3A_5, %dot_general3A_283 {dimension_numbers = #tpu.dot_dimension_numbers<[0], [0], [1], [1], [0, 1, 1, 1], [], []>, precision = #tpu.contract_precision<fp32>, transpose_lhs_hint = false} : vector<49x256xf32>, vector<49x49xf32>, vector<256x49xf32> -> vector<256x49xf32>
    %swap3A_285 = arith.constant 31 : index
    %swap3A_286 = arith.constant 0 : index
    %swap3A_287 = arith.constant 0 : index
    %swap3A_288 = vector.load %arg2[%swap3A_285, %swap3A_286, %swap3A_287] : memref<40x256x49xf32, #tpu.memory_space<vmem>>, vector<1x256x49xf32>
    %swap3A_289 = vector.shape_cast %swap3A_288 : vector<1x256x49xf32> to vector<256x49xf32>
    %swap3A_290 = vector.shape_cast %dot_general3A_284 : vector<256x49xf32> to vector<1x256x49xf32>
    tpu.vector_store %arg2[%swap3A_285, %swap3A_286, %swap3A_287], %swap3A_290 {strides = array<i32>} : memref<40x256x49xf32, #tpu.memory_space<vmem>>, vector<1x256x49xf32>,
    %slice3A_291 = vector.extract_strided_slice %get3A_1 {offsets = [1568, 0], sizes = [49, 256], strides = [1, 1]} : vector<1960x256xf32> to vector<49x256xf32>
    %dot_general3A_292 = arith.constant dense<0.000000e+00> : vector<256x49xf32>
    %dot_general3A_293 = tpu.matmul %slice3A_291, %convert_element_type3A_5, %dot_general3A_292 {dimension_numbers = #tpu.dot_dimension_numbers<[0], [0], [1], [1], [0, 1, 1, 1], [], []>, precision = #tpu.contract_precision<fp32>, transpose_lhs_hint = false} : vector<49x256xf32>, vector<49x49xf32>, vector<256x49xf32> -> vector<256x49xf32>
    %swap3A_294 = arith.constant 32 : index
    %swap3A_295 = arith.constant 0 : index
    %swap3A_296 = arith.constant 0 : index
    %swap3A_297 = vector.load %arg2[%swap3A_294, %swap3A_295, %swap3A_296] : memref<40x256x49xf32, #tpu.memory_space<vmem>>, vector<1x256x49xf32>
    %swap3A_298 = vector.shape_cast %swap3A_297 : vector<1x256x49xf32> to vector<256x49xf32>
    %swap3A_299 = vector.shape_cast %dot_general3A_293 : vector<256x49xf32> to vector<1x256x49xf32>
    tpu.vector_store %arg2[%swap3A_294, %swap3A_295, %swap3A_296], %swap3A_299 {strides = array<i32>} : memref<40x256x49xf32, #tpu.memory_space<vmem>>, vector<1x256x49xf32>,
    %slice3A_300 = vector.extract_strided_slice %get3A_1 {offsets = [1617, 0], sizes = [49, 256], strides = [1, 1]} : vector<1960x256xf32> to vector<49x256xf32>
    %dot_general3A_301 = arith.constant dense<0.000000e+00> : vector<256x49xf32>
    %dot_general3A_302 = tpu.matmul %slice3A_300, %convert_element_type3A_5, %dot_general3A_301 {dimension_numbers = #tpu.dot_dimension_numbers<[0], [0], [1], [1], [0, 1, 1, 1], [], []>, precision = #tpu.contract_precision<fp32>, transpose_lhs_hint = false} : vector<49x256xf32>, vector<49x49xf32>, vector<256x49xf32> -> vector<256x49xf32>
    %swap3A_303 = arith.constant 33 : index
    %swap3A_304 = arith.constant 0 : index
    %swap3A_305 = arith.constant 0 : index
    %swap3A_306 = vector.load %arg2[%swap3A_303, %swap3A_304, %swap3A_305] : memref<40x256x49xf32, #tpu.memory_space<vmem>>, vector<1x256x49xf32>
    %swap3A_307 = vector.shape_cast %swap3A_306 : vector<1x256x49xf32> to vector<256x49xf32>
    %swap3A_308 = vector.shape_cast %dot_general3A_302 : vector<256x49xf32> to vector<1x256x49xf32>
    tpu.vector_store %arg2[%swap3A_303, %swap3A_304, %swap3A_305], %swap3A_308 {strides = array<i32>} : memref<40x256x49xf32, #tpu.memory_space<vmem>>, vector<1x256x49xf32>,
    %slice3A_309 = vector.extract_strided_slice %get3A_1 {offsets = [1666, 0], sizes = [49, 256], strides = [1, 1]} : vector<1960x256xf32> to vector<49x256xf32>
    %dot_general3A_310 = arith.constant dense<0.000000e+00> : vector<256x49xf32>
    %dot_general3A_311 = tpu.matmul %slice3A_309, %convert_element_type3A_5, %dot_general3A_310 {dimension_numbers = #tpu.dot_dimension_numbers<[0], [0], [1], [1], [0, 1, 1, 1], [], []>, precision = #tpu.contract_precision<fp32>, transpose_lhs_hint = false} : vector<49x256xf32>, vector<49x49xf32>, vector<256x49xf32> -> vector<256x49xf32>
    %swap3A_312 = arith.constant 34 : index
    %swap3A_313 = arith.constant 0 : index
    %swap3A_314 = arith.constant 0 : index
    %swap3A_315 = vector.load %arg2[%swap3A_312, %swap3A_313, %swap3A_314] : memref<40x256x49xf32, #tpu.memory_space<vmem>>, vector<1x256x49xf32>
    %swap3A_316 = vector.shape_cast %swap3A_315 : vector<1x256x49xf32> to vector<256x49xf32>
    %swap3A_317 = vector.shape_cast %dot_general3A_311 : vector<256x49xf32> to vector<1x256x49xf32>
    tpu.vector_store %arg2[%swap3A_312, %swap3A_313, %swap3A_314], %swap3A_317 {strides = array<i32>} : memref<40x256x49xf32, #tpu.memory_space<vmem>>, vector<1x256x49xf32>,
    %slice3A_318 = vector.extract_strided_slice %get3A_1 {offsets = [1715, 0], sizes = [49, 256], strides = [1, 1]} : vector<1960x256xf32> to vector<49x256xf32>
    %dot_general3A_319 = arith.constant dense<0.000000e+00> : vector<256x49xf32>
    %dot_general3A_320 = tpu.matmul %slice3A_318, %convert_element_type3A_5, %dot_general3A_319 {dimension_numbers = #tpu.dot_dimension_numbers<[0], [0], [1], [1], [0, 1, 1, 1], [], []>, precision = #tpu.contract_precision<fp32>, transpose_lhs_hint = false} : vector<49x256xf32>, vector<49x49xf32>, vector<256x49xf32> -> vector<256x49xf32>
    %swap3A_321 = arith.constant 35 : index
    %swap3A_322 = arith.constant 0 : index
    %swap3A_323 = arith.constant 0 : index
    %swap3A_324 = vector.load %arg2[%swap3A_321, %swap3A_322, %swap3A_323] : memref<40x256x49xf32, #tpu.memory_space<vmem>>, vector<1x256x49xf32>
    %swap3A_325 = vector.shape_cast %swap3A_324 : vector<1x256x49xf32> to vector<256x49xf32>
    %swap3A_326 = vector.shape_cast %dot_general3A_320 : vector<256x49xf32> to vector<1x256x49xf32>
    tpu.vector_store %arg2[%swap3A_321, %swap3A_322, %swap3A_323], %swap3A_326 {strides = array<i32>} : memref<40x256x49xf32, #tpu.memory_space<vmem>>, vector<1x256x49xf32>,
    %slice3A_327 = vector.extract_strided_slice %get3A_1 {offsets = [1764, 0], sizes = [49, 256], strides = [1, 1]} : vector<1960x256xf32> to vector<49x256xf32>
    %dot_general3A_328 = arith.constant dense<0.000000e+00> : vector<256x49xf32>
    %dot_general3A_329 = tpu.matmul %slice3A_327, %convert_element_type3A_5, %dot_general3A_328 {dimension_numbers = #tpu.dot_dimension_numbers<[0], [0], [1], [1], [0, 1, 1, 1], [], []>, precision = #tpu.contract_precision<fp32>, transpose_lhs_hint = false} : vector<49x256xf32>, vector<49x49xf32>, vector<256x49xf32> -> vector<256x49xf32>
    %swap3A_330 = arith.constant 36 : index
    %swap3A_331 = arith.constant 0 : index
    %swap3A_332 = arith.constant 0 : index
    %swap3A_333 = vector.load %arg2[%swap3A_330, %swap3A_331, %swap3A_332] : memref<40x256x49xf32, #tpu.memory_space<vmem>>, vector<1x256x49xf32>
    %swap3A_334 = vector.shape_cast %swap3A_333 : vector<1x256x49xf32> to vector<256x49xf32>
    %swap3A_335 = vector.shape_cast %dot_general3A_329 : vector<256x49xf32> to vector<1x256x49xf32>
    tpu.vector_store %arg2[%swap3A_330, %swap3A_331, %swap3A_332], %swap3A_335 {strides = array<i32>} : memref<40x256x49xf32, #tpu.memory_space<vmem>>, vector<1x256x49xf32>,
    %slice3A_336 = vector.extract_strided_slice %get3A_1 {offsets = [1813, 0], sizes = [49, 256], strides = [1, 1]} : vector<1960x256xf32> to vector<49x256xf32>
    %dot_general3A_337 = arith.constant dense<0.000000e+00> : vector<256x49xf32>
    %dot_general3A_338 = tpu.matmul %slice3A_336, %convert_element_type3A_5, %dot_general3A_337 {dimension_numbers = #tpu.dot_dimension_numbers<[0], [0], [1], [1], [0, 1, 1, 1], [], []>, precision = #tpu.contract_precision<fp32>, transpose_lhs_hint = false} : vector<49x256xf32>, vector<49x49xf32>, vector<256x49xf32> -> vector<256x49xf32>
    %swap3A_339 = arith.constant 37 : index
    %swap3A_340 = arith.constant 0 : index
    %swap3A_341 = arith.constant 0 : index
    %swap3A_342 = vector.load %arg2[%swap3A_339, %swap3A_340, %swap3A_341] : memref<40x256x49xf32, #tpu.memory_space<vmem>>, vector<1x256x49xf32>
    %swap3A_343 = vector.shape_cast %swap3A_342 : vector<1x256x49xf32> to vector<256x49xf32>
    %swap3A_344 = vector.shape_cast %dot_general3A_338 : vector<256x49xf32> to vector<1x256x49xf32>
    tpu.vector_store %arg2[%swap3A_339, %swap3A_340, %swap3A_341], %swap3A_344 {strides = array<i32>} : memref<40x256x49xf32, #tpu.memory_space<vmem>>, vector<1x256x49xf32>,
    %slice3A_345 = vector.extract_strided_slice %get3A_1 {offsets = [1862, 0], sizes = [49, 256], strides = [1, 1]} : vector<1960x256xf32> to vector<49x256xf32>
    %dot_general3A_346 = arith.constant dense<0.000000e+00> : vector<256x49xf32>
    %dot_general3A_347 = tpu.matmul %slice3A_345, %convert_element_type3A_5, %dot_general3A_346 {dimension_numbers = #tpu.dot_dimension_numbers<[0], [0], [1], [1], [0, 1, 1, 1], [], []>, precision = #tpu.contract_precision<fp32>, transpose_lhs_hint = false} : vector<49x256xf32>, vector<49x49xf32>, vector<256x49xf32> -> vector<256x49xf32>
    %swap3A_348 = arith.constant 38 : index
    %swap3A_349 = arith.constant 0 : index
    %swap3A_350 = arith.constant 0 : index
    %swap3A_351 = vector.load %arg2[%swap3A_348, %swap3A_349, %swap3A_350] : memref<40x256x49xf32, #tpu.memory_space<vmem>>, vector<1x256x49xf32>
    %swap3A_352 = vector.shape_cast %swap3A_351 : vector<1x256x49xf32> to vector<256x49xf32>
    %swap3A_353 = vector.shape_cast %dot_general3A_347 : vector<256x49xf32> to vector<1x256x49xf32>
    tpu.vector_store %arg2[%swap3A_348, %swap3A_349, %swap3A_350], %swap3A_353 {strides = array<i32>} : memref<40x256x49xf32, #tpu.memory_space<vmem>>, vector<1x256x49xf32>,
    %slice3A_354 = vector.extract_strided_slice %get3A_1 {offsets = [1911, 0], sizes = [49, 256], strides = [1, 1]} : vector<1960x256xf32> to vector<49x256xf32>
    %dot_general3A_355 = arith.constant dense<0.000000e+00> : vector<256x49xf32>
    %dot_general3A_356 = tpu.matmul %slice3A_354, %convert_element_type3A_5, %dot_general3A_355 {dimension_numbers = #tpu.dot_dimension_numbers<[0], [0], [1], [1], [0, 1, 1, 1], [], []>, precision = #tpu.contract_precision<fp32>, transpose_lhs_hint = false} : vector<49x256xf32>, vector<49x49xf32>, vector<256x49xf32> -> vector<256x49xf32>
    %swap3A_357 = arith.constant 39 : index
    %swap3A_358 = arith.constant 0 : index
    %swap3A_359 = arith.constant 0 : index
    %swap3A_360 = vector.load %arg2[%swap3A_357, %swap3A_358, %swap3A_359] : memref<40x256x49xf32, #tpu.memory_space<vmem>>, vector<1x256x49xf32>
    %swap3A_361 = vector.shape_cast %swap3A_360 : vector<1x256x49xf32> to vector<256x49xf32>
    %swap3A_362 = vector.shape_cast %dot_general3A_356 : vector<256x49xf32> to vector<1x256x49xf32>
    tpu.vector_store %arg2[%swap3A_357, %swap3A_358, %swap3A_359], %swap3A_362 {strides = array<i32>} : memref<40x256x49xf32, #tpu.memory_space<vmem>>, vector<1x256x49xf32>,
    return
  }
  func.func @transform_0(%arg0: i32) -> (i32, i32) {
    %c0_i32 = arith.constant 0 : i32
    %c0_i32_0 = arith.constant 0 : i32
    return %arg0, %c0_i32 : i32, i32
  }
  func.func @transform_1(%arg0: i32) -> (i32, i32, i32) {
    %c0_i32 = arith.constant 0 : i32
    %c0_i32_0 = arith.constant 0 : i32
    %c0_i32_1 = arith.constant 0 : i32
    return %arg0, %c0_i32, %c0_i32_0 : i32, i32, i32
  }
}

</mosaic_0001>

<sc_bundles>
// kernel: kernel.4.cloned.1.call-start
scs
__scs_entry_jumppad:
0x0: {  	(pc) =	sbr.rel $0x88, $3  }
0x1: {  	(tag) =	ssettag $0x0;
	lr =	simm.s32 $0x1  }
0x2: {  	[smem:$0x3F9F] =	sst lr;
	_ =	strace $0xD0000000  }
0x3: {  	_ = 	snop  }
0x4: {  	_ = 	snop  }
0x5: {  	_ = 	snop  }
0x6: {  	_ = 	snop  }
0x7: {  	_ = 	snop  }
__scs_overlays_trampoline_lowered:
0x8: {  	[smem:$0x3FAE] =	sst s0  }
0x9: {  	[smem:$0x3FAF] =	sst s1  }
0xa: {  	[smem:$0x3FB0] =	sst s2  }
0xb: {  	[smem:$0x3FB1] =	sst s3  }
0xc: {  	[smem:$0x3FB2] =	sst s4  }
0xd: {  	[smem:$0x3FB3] =	sst s5  }
0xe: {  	[smem:$0x3FB4] =	sst s6  }
0xf: {  	[smem:$0x3FB5] =	sst s7  }
0x10: {  	[smem:$0x3FB6] =	sst s8  }
0x11: {  	[smem:$0x3FB7] =	sst s9;
	s0 =	simm.s32 @!p0 $0x0  }
0x12: {  	s1 =	sld [smem:$0x3F9D];
	s0 =	simm.s32 @p0 $0x1  }
0x13: {  	[smem:$0x3FB8] =	sst s0;
	s0 =	simm.s32 @!p1 $0x0  }
0x14: {  	s2 =	sld [smem:$0x3F9C];
	s0 =	simm.s32 @p1 $0x1  }
0x15: {  	[smem:$0x3FB9] =	sst s0;
	s0 =	simm.s32 @!p2 $0x0  }
0x16: {  	s3 =	sld [smem:$0x3FDB];
	s0 =	simm.s32 @p2 $0x1  }
0x17: {  	s4 =	simm.s32 $0x1BF5;
	[smem:$0x3FBB] =	sst s0  }
0x18: {  	s0 =	sld [smem:$0x3F9E];
	_ =	swait.ge [sflag:s4], $0x0  }
0x19: {  	s7 =	sld [smem:$0x3F9F]  }
0x1a: {  	s8 =	sadd.s32 $0xFFFFE003, lr  }
0x1b: {  	s9 =	sadd.s32 $0xFFFFFEF7, lr;
	s5 =	simm.s32 $0xFFFFFFFF;
	p2 =	slt.u32 s8, $0xFFFFF086  }
0x1c: {  	p1 =	slt.u32 s9, $0xF7A;
	s5 =	simm.s32 @!p2 $0x0  }
0x1d: {  	s5 =	simm.s32 @p1 $0x1;
	p0 =	seq.s32 s7, s2  }
0x1e: {  	s7 =	smul.u32 @!p0 $0xF7A, s2;
	p2 =	seq.s32 @!p0 s5, $0x0  }
0x1f: {  	s9 =	smul.u32 $0xF7A, s1;
	s8 =	simm.s32 @!p0 $0x1BF5;
	p2 =	por !p2, p0  }
0x20: {  	[sflag:s8] =	ssyncset.s32 @!p0 $0xFFFFF086;
	s6 =	sadd.s32 @!p0 s3, s7;
	s7 =	simm.s32 @!p0 $0x108  }
0x21: {  	s3 =	sadd.s32 s3, s9;
	s6 =	sadd.s32 @!p0 $0x88, s6;
	s7 =	simm.s32 @p2 $0x1082  }
0x22: {  	[simem:s7], [sflag:s8] =	dma.local @!p0 [hbm:s6], $0xF7A  }
0x23: {  	s9 =	sor.u32 $0xD0000000, s2;
	s6 =	simm.s32 $0x108;
	_ =	swait.ge @!p0 [sflag:s8], $0x0  }
0x24: {  	s3 =	sadd.s32 $0x88, s3;
	s6 =	simm.s32 @!p1 $0x1082;
	[sflag:s4] =	ssyncset.s32 $0xFFFFF086  }
0x25: {  	[simem:s6], [sflag:s4] =	dma.local [hbm:s3], $0xF7A  }
0x26: {  	[smem:$0x3F9F] =	sst s1;
	(tag) =	ssettag s2;
	_ =	strace s9  }
0x27: {  	s1 =	sld [smem:$0x3FAF]  }
0x28: {  	s2 =	sld [smem:$0x3FB0]  }
0x29: {  	s4 =	sld [smem:$0x3FB2]  }
0x2a: {  	p0 =	seq.s32 s5, $0x0;
	s5 =	sld [smem:$0x3FB3]  }
0x2b: {  	s6 =	sld [smem:$0x3FB4]  }
0x2c: {  	s7 =	sld [smem:$0x3FB5]  }
0x2d: {  	s3 =	simm.s32 $0x108;
	s8 =	sld [smem:$0x3FB6]  }
0x2e: {  	s3 =	simm.s32 @!p0 $0x1082;
	s9 =	sld [smem:$0x3FB7]  }
0x2f: {  	lr =	sadd.s32 s0, s3;
	s0 =	sld [smem:$0x3FAE]  }
0x30: {  	s3 =	sld [smem:$0x3FB1]  }
0x31: {  	[smem:$0x3FBA] =	sst s10  }
0x32: {  	s10 =	sld [smem:$0x3FB8];
	_ =	sdelay $0x3  }
0x33: {  	p0 =	seq.s32 s10, $0x1;
	s10 =	sld [smem:$0x3FBA];
	_ =	sdelay $0x3  }
0x34: {  	[smem:$0x3FBA] =	sst s10  }
0x35: {  	s10 =	sld [smem:$0x3FB9];
	_ =	sdelay $0x3  }
0x36: {  	p1 =	seq.s32 s10, $0x1;
	s10 =	sld [smem:$0x3FBA];
	_ =	sdelay $0x3  }
0x37: {  	[smem:$0x3FBA] =	sst s10  }
0x38: {  	s10 =	sld [smem:$0x3FBB]  }
0x39: {  	_ = 	snop;
	(pc) =	sbr.ind lr, $3  }
0x3a: {  	_ = 	snop  }
0x3b: {  	_ = 	snop  }
0x3c: {  	p2 =	seq.s32 s10, $0x1;
	s10 =	sld [smem:$0x3FBA]  }
0x3d: {  	_ =	shalt  }
0x3e: {  	_ =	shalt  }
0x3f: {  	_ =	shalt  }
0x40: {  	_ =	shalt  }
0x41: {  	_ =	shalt  }
0x42: {  	_ =	shalt  }
0x43: {  	_ =	shalt  }
0x44: {  	_ =	shalt  }
0x45: {  	_ =	shalt  }
0x46: {  	_ =	shalt  }
0x47: {  	_ =	shalt  }
0x48: {  	_ =	shalt  }
0x49: {  	_ =	shalt  }
0x4a: {  	_ =	shalt  }
0x4b: {  	_ =	shalt  }
0x4c: {  	_ =	shalt  }
0x4d: {  	_ =	shalt  }
0x4e: {  	_ =	shalt  }
0x4f: {  	_ =	shalt  }
0x50: {  	_ =	shalt  }
0x51: {  	_ =	shalt  }
0x52: {  	_ =	shalt  }
0x53: {  	_ =	shalt  }
0x54: {  	_ =	shalt  }
0x55: {  	_ =	shalt  }
0x56: {  	_ =	shalt  }
0x57: {  	_ =	shalt  }
0x58: {  	_ =	shalt  }
0x59: {  	_ =	shalt  }
0x5a: {  	_ =	shalt  }
0x5b: {  	_ =	shalt  }
0x5c: {  	_ =	shalt  }
0x5d: {  	_ =	shalt  }
0x5e: {  	_ =	shalt  }
0x5f: {  	_ =	shalt  }
0x60: {  	_ =	shalt  }
0x61: {  	_ =	shalt  }
0x62: {  	_ =	shalt  }
0x63: {  	_ =	shalt  }
0x64: {  	_ =	shalt  }
0x65: {  	_ =	shalt  }
0x66: {  	_ =	shalt  }
0x67: {  	_ =	shalt  }
0x68: {  	_ =	shalt  }
0x69: {  	_ =	shalt  }
0x6a: {  	_ =	shalt  }
0x6b: {  	_ =	shalt  }
0x6c: {  	_ =	shalt  }
0x6d: {  	_ =	shalt  }
0x6e: {  	_ =	shalt  }
0x6f: {  	_ =	shalt  }
0x70: {  	_ =	shalt  }
0x71: {  	_ =	shalt  }
0x72: {  	_ =	shalt  }
0x73: {  	_ =	shalt  }
0x74: {  	_ =	shalt  }
0x75: {  	_ =	shalt  }
0x76: {  	_ =	shalt  }
0x77: {  	_ =	shalt  }
0x78: {  	_ =	shalt  }
0x79: {  	_ =	shalt  }
0x7a: {  	_ =	shalt  }
0x7b: {  	_ =	shalt  }
0x7c: {  	_ =	shalt  }
0x7d: {  	_ =	shalt  }
0x7e: {  	_ =	shalt  }
0x7f: {  	_ =	shalt  }
0x80: {  	_ =	shalt  }
0x81: {  	_ =	shalt  }
0x82: {  	_ =	shalt  }
0x83: {  	_ =	shalt  }
0x84: {  	_ =	shalt  }
0x85: {  	_ =	shalt  }
0x86: {  	_ =	shalt  }
0x87: {  	_ =	shalt  }
.Lfunc_end0:
.L_simem_size_0:
called_computation_lowered:
.L_overlay_start_0:
0x88: {  	s2 =	sld [smem:$0x3FD9]  }
0x89: {  	s3 =	sld [smem:$0x3FFE];
	_ =	sdelay $0x1  }
0x8a: {  	s1 =	srdreg.scid  }
0x8b: {  	s0 =	sand.u32 $0x1, s1  }
0x8c: {  	s17 =	sshll.u32 s0, $0xA;
	s2 =	sadd.s32 s3, s2  }
0x8d: {  	s2 =	sadd.s32 s2, s17  }
0x8e: {  	[smem:$0x3FC6] =	sst s2  }
0x8f: {  	_ = 	snop  }
0x90: {  	s2 =	sld [smem:$0x3FC9]  }
0x91: {  	s18 =	sld [smem:$0x3FD0];
	(tm) =	ssettm $0x1  }
0x92: {  	s4 =	sld [smem:$0x3FFB];
	_ =	sdelay $0x3  }
0x93: {  	_ =	strace s4  }
0x94: {  	s4 =	sld [smem:$0x3FFC];
	_ =	sdelay $0x3  }
0x95: {  	_ =	strace s4  }
0x96: {  	s4 =	sld [smem:$0x3FFD];
	_ =	sdelay $0x3  }
0x97: {  	_ =	strace s4  }
0x98: {  	_ =	strace $0x8FFFFFFF  }
0x99: {  	s19 =	sld [smem:$0x3FDB];
	_ =	sdelay $0x1  }
0x9a: {  	s5 =	simm.s32 $_scs_section_size  }
0x9b: {  	s6 =	simm.s32 $_size__tile_overlayer_lowered;
	s7 =	simm.s32 $_tile_overlayer_lowered  }
0x9c: {  	s22 =	simm.s32 $0x1BFF;
	s21 =	sshll.u32 s7, $0x1;
	s4 =	sadd.s32 s5, s19  }
0x9d: {  	s8 =	simm.s32 $0x0;
	s20 =	sshll.u32 s6, $0x1;
	s6 =	sadd.s32 s21, s4  }
0x9e: {  	[timem:s8], [sflag:s22] =	dma.local [hbm:s6], s20  }
0x9f: {  	_ =	swait.ge [sflag:s22], s20  }
0xa0: {  	s5 =	ssub.s32 $0x0, s20;
	[sflag:s22] =	ssyncset.done $0x0  }
0xa1: {  	[sflag:s22] =	ssyncadd.s32 s5;
	_ =	sdelay $0x1  }
0xa2: {  	s23 =	simm.s32 $0x1B8B  }
0xa3: {  	_ =	swait.ge [sflag:s23], $0x1  }
0xa4: {  	[sflag:s23] =	ssyncset.done $0x0  }
0xa5: {  	s25 =	simm.s32 $0x1B8E;
	s24 =	sld [smem:$0x3FFE];
	[sflag:s23] =	ssyncadd.s32 $0xFFFFFFFF  }
0xa6: {  	s26 =	simm.s32 $execute0_lowered;
	[smem:$0x3FD2] =	sst s25  }
0xa7: {  	s6 =	sshll.u32 s26, $0x1;
	_ =	strace $0x80000046;
	[dreg:$0x1] =	wrdreg $0xFFFFFFFF  }
0xa8: {  	s28 =	simm.s32 $_size_execute0_lowered;
	s4 =	sadd.s32 s4, s6;
	[dreg:$0x0] =	wrdreg $0x0  }
0xa9: {  	s6 =	sshll.u32 s28, $0x1;
	[dreg:$0x2] =	wrdreg s4  }
0xaa: {  	[dreg:$0x3] =	wrdreg s6  }
0xab: {  	[dreg:$0x4] =	wrdreg $0xC0  }
0xac: {  	_ =	task [dreg:s8], $0x5FFFF  }
0xad: {  	[dreg:$0x1] =	wrdreg $0xFFFFFFFF  }
0xae: {  	[dreg:$0x0] =	wrdreg $0x60  }
0xaf: {  	[dreg:$0x2] =	wrdreg s2  }
0xb0: {  	[dreg:$0x3] =	wrdreg s18  }
0xb1: {  	[dreg:$0x4] =	wrdreg s24  }
0xb2: {  	[dreg:$0x5] =	wrdreg $0x9  }
0xb3: {  	_ =	task.clear_ibuf [dreg:s8], $0x6FFFF;
	_ =	strace $0x90000046  }
0xb4: {  	s29 =	simm.s32 $0x9;
	_ =	strace $0x80000048  }
0xb5: {  	_ =	swait.ge [sflag:s29], $0x1  }
0xb6: {  	[sflag:s29] =	ssyncadd.s32 $0xFFFFFFFF  }
0xb7: {  	_ =	strace $0x90000048  }
0xb8: {  	_ =	sfence  }
0xb9: {  	s30 =	sld [smem:$0x0];
	_ =	sdelay $0x2  }
0xba: {  	s31 =	sshll.u32 s1, $0xD;
	s1 =	sshrl.u32 s1, $0x2  }
0xbb: {  	s3 =	sand.u32 $0x4000, s31;
	s1 =	sadd.s32 s1, s30  }
0xbc: {  	s0 =	sor.u32 s3, s0;
	s1 =	sshll.u32 s1, $0x11  }
0xbd: {  	s0 =	sor.u32 s1, s0  }
0xbe: {  	s0 =	sadd.s32 $0x8F2B, s0  }
0xbf: {  	[sflag:s0] =	ssyncadd.remote.s32 $0x1  }
0xc0: {  	_ =	sfence.sel $0xFFFF  }
0xc1: {  	[dreg:$0x0] =	wrdreg $0xFFFFFFFF;
	(pc) =	sbr.abs _section_cstart, $3  }
0xc2: {  	[dreg:$0x1] =	wrdreg $0xFFFFFFFF  }
0xc3: {  	_ =	task.clear_ibuf [dreg:s8], $0x2FFFF;
	_ =	strace $0x9FFFFFFF  }
0xc4: {  	(tm) =	ssettm $0x7FFFFFFF  }
0xc5: {  	_ =	shalt  }
tec
execute0_lowered:
.L_overlay_start_1:
0x0: {  	(tag) =	ssettag $0x1  }
0x1: {  	s0 =	srdreg.scid;
	s1 =	stileid.u32  }
0x2: {  	s20 =	sand.u32 $0x1, s0;
	s19 =	sshll.u32 s1, $0x1  }
0x3: {  	s0 =	sor.u32 s20, s19  }
0x4: {  	s1 =	smul.u32 $0x1E00, s0  }
0x5: {  	v0 =	vlaneseq.u32  }
0x6: {  	v1 =	vor.u32 s1, v0  }
0x7: {  	v2 =	vmulhi.u32 $0x5397829D, v1;
	_ =	sdelay $0x1  }
0x8: {  	s21 =	simm.s32 $0x0;
	v3 =	vshrl.u32 v2, $0x4  }
0x9: {  	[smem:$0x7FF] =	sst s21;
	v2 =	vmul.u32 $0xFFFFFFCF, v3  }
0xa: {  	[dreg:$0x1e] =	wrdreg s0  }
0xb: {  	s3 =	rddreg [dreg:$0x0];
	_ =	strace $0x80000047;
	v4 =	vadd.s32 v1, v2  }
0xc: {  	(v2sf) =	vpush v4, $0xD;
	_ =	sdelay $0x1  }
0xd: {  	(v2sf) =	vpush v4, $0xC  }
0xe: {  	(v2sf) =	vpush v4, $0xE  }
0xf: {  	(v2sf) =	vpush v4, $0xF  }
0x10: {  	(v2sf) =	vpush v4, $0x9  }
0x11: {  	(v2sf) =	vpush v4, $0x8;
	_ =	sdelay $0x2  }
0x12: {  	(v2sf) =	vpush v4, $0xA;
	_ =	sdelay $0x2  }
0x13: {  	(v2sf) =	vpush v4, $0xB  }
0x14: {  	(v2sf) =	vpush v4, $0x1  }
0x15: {  	(v2sf) =	vpush v4, $0x0  }
0x16: {  	(v2sf) =	vpush v4, $0x2;
	s8 =	spop (v2sf)  }
0x17: {  	s23 =	sshra.s32 s8, $0x1F  }
0x18: {  	s22 =	sor.u32 $0x10, s1;
	(v2sf) =	vpush v4, $0x3;
	s9 =	spop (v2sf);
	s0 =	smul.u32 $0x92492493, s23  }
0x19: {  	v1 =	vor.u32 s22, v0;
	s22 =	spop (v2sf)  }
0x1a: {  	v2 =	vmulhi.u32 $0x5397829D, v1;
	s24 =	sshra.s32 s9, $0x1F;
	s4 =	spop (v2sf);
	[dreg:$0x1d] =	wrdreg s0  }
0x1b: {  	(v2sf) =	vpush v4, $0x4;
	s2 =	sshra.s32 s22, $0x1F;
	s0 =	smul.u32 $0x92492493, s24;
	s11 =	spop (v2sf)  }
0x1c: {  	v6 =	vshrl.u32 v2, $0x4;
	(v2sf) =	vpush v4, $0x5;
	s25 =	smul.u32 $0x92492493, s2;
	s26 =	sshra.s32 s4, $0x1F;
	s12 =	spop (v2sf)  }
0x1d: {  	v2 =	vmul.u32 $0xFFFFFFCF, v6;
	s28 =	smul.u32 $0x92492493, s26;
	s6 =	sshra.s32 s12, $0x1F  }
0x1e: {  	(v2sf) =	vpush v4, $0x6;
	[smem:$0x7F0] =	sst s0;
	s7 =	smul.u32 $0x92492493, s6  }
0x1f: {  	v11 =	vadd.s32 v1, v2;
	(v2sf) =	vpush v4, $0x7;
	[smem:$0x7F1] =	sst s25;
	s19 =	spop (v2sf)  }
0x20: {  	(v2sf) =	vpush v11, $0xD;
	[smem:$0x7F3] =	sst s7;
	s7 =	sshra.s32 s19, $0x1F  }
0x21: {  	s0 =	sshra.s32 s11, $0x1F;
	[smem:$0x7F2] =	sst s28;
	s10 =	smul.u32 $0x92492493, s7  }
0x22: {  	(v2sf) =	vpush v11, $0xC;
	s5 =	smul.u32 $0x92492493, s0;
	s6 =	spop (v2sf)  }
0x23: {  	(v2sf) =	vpush v11, $0xE;
	s7 =	spop (v2sf);
	[smem:$0x7F4] =	sst s10;
	s10 =	sshra.s32 s6, $0x1F  }
0x24: {  	s13 =	smul.u32 $0x92492493, s10;
	s10 =	spop (v2sf)  }
0x25: {  	[dreg:$0x1f] =	wrdreg s5;
	s31 =	spop (v2sf);
	s15 =	sshra.s32 s10, $0x1F  }
0x26: {  	(v2sf) =	vpush v11, $0xF;
	[smem:$0x7F5] =	sst s13;
	s13 =	sshra.s32 s7, $0x1F;
	s16 =	smul.u32 $0x92492493, s15  }
0x27: {  	(v2sf) =	vpush v11, $0x9;
	s14 =	smul.u32 $0x92492493, s13;
	s13 =	spop (v2sf)  }
0x28: {  	(v2sf) =	vpush v11, $0x8;
	[smem:$0x7F6] =	sst s16;
	s15 =	sshra.s32 s13, $0x1F  }
0x29: {  	(v2sf) =	vpush v11, $0xA;
	[dreg:$0x1b] =	wrdreg s14;
	s14 =	sshra.s32 s31, $0x1F;
	s18 =	smul.u32 $0x92492493, s15  }
0x2a: {  	s17 =	smul.u32 $0x92492493, s14;
	s14 =	spop (v2sf)  }
0x2b: {  	[smem:$0x7F7] =	sst s18;
	s15 =	spop (v2sf);
	s16 =	sshra.s32 s14, $0x1F  }
0x2c: {  	[dreg:$0x1c] =	wrdreg s17;
	s21 =	smul.u32 $0x92492493, s16;
	s23 =	sshra.s32 s15, $0x1F  }
0x2d: {  	(v2sf) =	vpush v11, $0xB;
	s25 =	spop (v2sf);
	s24 =	smul.u32 $0x92492493, s23  }
0x2e: {  	s30 =	spop (v2sf);
	s26 =	sshra.s32 s25, $0x1F;
	[dreg:$0x16] =	wrdreg s21  }
0x2f: {  	s28 =	smul.u32 $0x92492493, s26;
	s23 =	spop (v2sf);
	s0 =	sshra.s32 s30, $0x1F  }
0x30: {  	[dreg:$0x19] =	wrdreg s24;
	s2 =	smul.u32 $0x92492493, s0  }
0x31: {  	s5 =	sshra.s32 s23, $0x1F;
	s24 =	spop (v2sf);
	[dreg:$0x17] =	wrdreg s28  }
0x32: {  	s16 =	smul.u32 $0x92492493, s5;
	s28 =	spop (v2sf);
	s17 =	sshra.s32 s24, $0x1F  }
0x33: {  	(v2sf) =	vpush v11, $0x1;
	[dreg:$0x1a] =	wrdreg s2;
	s17 =	smul.u32 $0x92492493, s17;
	s18 =	sshra.s32 s28, $0x1F  }
0x34: {  	[dreg:$0x11] =	wrdreg s16;
	s21 =	smul.u32 $0x92492493, s18  }
0x35: {  	s16 =	spop (v2sf);
	[dreg:$0x15] =	wrdreg s17  }
0x36: {  	s17 =	spop (v2sf);
	s18 =	sshra.s32 s16, $0x1F;
	[dreg:$0x12] =	wrdreg s21  }
0x37: {  	s26 =	smul.u32 $0x92492493, s18;
	s18 =	spop (v2sf);
	s21 =	sshra.s32 s17, $0x1F  }
0x38: {  	s2 =	smul.u32 $0x92492493, s21;
	s5 =	sshra.s32 s18, $0x1F;
	s29 =	spop (v2sf)  }
0x39: {  	[dreg:$0x14] =	wrdreg s26;
	s21 =	smul.u32 $0x92492493, s5;
	s26 =	sshra.s32 s29, $0x1F  }
0x3a: {  	(v2sf) =	vpush v11, $0x0;
	s26 =	smul.u32 $0x92492493, s26  }
0x3b: {  	s20 =	ssub.s32 $0x2, s20;
	[dreg:$0x10] =	wrdreg s21  }
0x3c: {  	s5 =	sshrl.u32 s20, $0x1;
	s21 =	spop (v2sf);
	[dreg:$0xc] =	wrdreg s26  }
0x3d: {  	s0 =	sshra.s32 s21, $0x1F;
	s26 =	ssub.s32 s20, s5;
	s5 =	smulhi.u32 $0x92492493, s9  }
0x3e: {  	[dreg:$0xf] =	wrdreg s2;
	s2 =	smul.u32 $0x92492493, s0  }
0x3f: {  	s0 =	smulhi.u32 $0x92492493, s8;
	[dreg:$0xb] =	wrdreg s26  }
0x40: {  	s20 =	smulhi.u32 $0x92492493, s4;
	s9 =	ssub.s32 s5, s9;
	s5 =	rddreg [dreg:$0x1d]  }
0x41: {  	(v2sf) =	vpush v11, $0x2;
	[dreg:$0xe] =	wrdreg s2;
	s26 =	ssub.s32 s0, s8;
	s2 =	smulhi.u32 $0x92492493, s22  }
0x42: {  	s8 =	spop (v2sf);
	s5 =	sadd.s32 s5, s26;
	s26 =	sld [smem:$0x7F0]  }
0x43: {  	s0 =	sshra.s32 s8, $0x1F;
	s2 =	ssub.s32 s2, s22;
	s22 =	sld [smem:$0x7F1]  }
0x44: {  	s4 =	ssub.s32 s20, s4;
	[smem:$0x7F8] =	sst s5;
	s0 =	smul.u32 $0x92492493, s0  }
0x45: {  	s20 =	smulhi.u32 $0x92492493, s11;
	s9 =	sadd.s32 s26, s9;
	s26 =	sld [smem:$0x7F2]  }
0x46: {  	s5 =	smulhi.u32 $0x92492493, s12;
	[dreg:$0xd] =	wrdreg s0;
	s0 =	sadd.s32 s22, s2  }
0x47: {  	s22 =	smulhi.u32 $0x92492493, s19;
	[smem:$0x7F9] =	sst s0  }
0x48: {  	s0 =	sadd.s32 s26, s4;
	s4 =	ssub.s32 s20, s11;
	s11 =	rddreg [dreg:$0x1f]  }
0x49: {  	(v2sf) =	vpush v11, $0x3;
	s20 =	spop (v2sf);
	s26 =	sld [smem:$0x7F3]  }
0x4a: {  	[smem:$0x7FA] =	sst s0;
	s0 =	ssub.s32 s5, s12;
	s12 =	smulhi.u32 $0x92492493, s6  }
0x4b: {  	s2 =	sshra.s32 s20, $0x1F;
	s5 =	ssub.s32 s22, s19;
	s19 =	sld [smem:$0x7F4]  }
0x4c: {  	s4 =	sadd.s32 s11, s4;
	s11 =	smulhi.u32 $0x92492493, s7;
	s22 =	sld [smem:$0x7F5]  }
0x4d: {  	[smem:$0x7FB] =	sst s4;
	s4 =	smul.u32 $0x92492493, s2  }
0x4e: {  	s7 =	ssub.s32 s11, s7;
	s11 =	sld [smem:$0x7F6]  }
0x4f: {  	s26 =	sadd.s32 s26, s0;
	s6 =	ssub.s32 s12, s6;
	[dreg:$0x13] =	wrdreg s4  }
0x50: {  	s0 =	sadd.s32 s19, s5;
	s4 =	spop (v2sf);
	v5 =	vmov s26;
	s26 =	sld [smem:$0x7FA]  }
0x51: {  	(v2sf) =	vpush v11, $0x4;
	s19 =	smulhi.u32 $0x92492493, s13;
	[smem:$0x7FC] =	sst s0;
	s0 =	sadd.s32 s22, s6  }
0x52: {  	s5 =	sshra.s32 s4, $0x1F;
	[smem:$0x7FD] =	sst s0;
	s0 =	smulhi.u32 $0x92492493, s10  }
0x53: {  	s6 =	rddreg [dreg:$0x1b];
	s22 =	smul.u32 $0x92492493, s5  }
0x54: {  	s12 =	smulhi.u32 $0x92492493, s31;
	s5 =	ssub.s32 s19, s13;
	s19 =	rddreg [dreg:$0x1c]  }
0x55: {  	s7 =	sadd.s32 s6, s7;
	s2 =	ssub.s32 s0, s10;
	[dreg:$0x18] =	wrdreg s22  }
0x56: {  	s0 =	ssub.s32 s12, s31;
	s10 =	smulhi.u32 $0x92492493, s14;
	s22 =	sld [smem:$0x7F7]  }
0x57: {  	s2 =	sadd.s32 s11, s2;
	s6 =	sadd.s32 s19, s0;
	s0 =	smulhi.u32 $0x92492493, s15  }
0x58: {  	(v2sf) =	vpush v11, $0x5;
	s19 =	smulhi.u32 $0x92492493, s25;
	s13 =	ssub.s32 s10, s14;
	s14 =	spop (v2sf)  }
0x59: {  	s10 =	rddreg [dreg:$0x16];
	v2 =	vmov s2;
	s2 =	smulhi.u32 $0x92492493, s21;
	s11 =	sadd.s32 s22, s5  }
0x5a: {  	s12 =	ssub.s32 s0, s15;
	s15 =	smulhi.u32 $0x92492493, s30;
	s5 =	sshra.s32 s14, $0x1F  }
0x5b: {  	s10 =	sadd.s32 s10, s13;
	s13 =	rddreg [dreg:$0x19];
	s0 =	ssub.s32 s19, s25  }
0x5c: {  	vm2 =	vcmask $0x300;
	s19 =	rddreg [dreg:$0x17];
	s31 =	sadd.s32 s13, s12;
	s13 =	smul.u32 $0x92492493, s5  }
0x5d: {  	vm0 =	vcmask $0xB08;
	s25 =	rddreg [dreg:$0x1a];
	v2 =	vnsel vm2, $0x0, v2;
	s5 =	smulhi.u32 $0x92492493, s23  }
0x5e: {  	v2 =	vsel vm0, s7, v2;
	s2 =	ssub.s32 s2, s21;
	s7 =	smulhi.u32 $0x92492493, s8;
	s21 =	rddreg [dreg:$0xc]  }
0x5f: {  	(v2sf) =	vpush v11, $0x6;
	s15 =	ssub.s32 s15, s30;
	s30 =	sadd.s32 s19, s0;
	s0 =	smulhi.u32 $0x92492493, s24  }
0x60: {  	s19 =	sadd.s32 s25, s15;
	s22 =	ssub.s32 s5, s23;
	s23 =	spop (v2sf)  }
0x61: {  	s25 =	smulhi.u32 $0x92492493, s28;
	s5 =	rddreg [dreg:$0x11];
	s12 =	ssub.s32 s0, s24  }
0x62: {  	s0 =	smulhi.u32 $0x92492493, s16;
	s24 =	sadd.s32 s5, s22;
	s5 =	rddreg [dreg:$0x15]  }
0x63: {  	s22 =	sadd.s32 s5, s12;
	s5 =	ssub.s32 s25, s28;
	s25 =	rddreg [dreg:$0x12]  }
0x64: {  	(v2sf) =	vpush v11, $0x7;
	s0 =	ssub.s32 s0, s16;
	s25 =	sadd.s32 s25, s5;
	s5 =	rddreg [dreg:$0x14]  }
0x65: {  	vm1 =	vcmask $0x1310;
	s12 =	sld [smem:$0x7F8];
	s16 =	sadd.s32 s5, s0;
	s0 =	smulhi.u32 $0x92492493, s18  }
0x66: {  	v2 =	vsel vm1, s6, v2;
	s6 =	sld [smem:$0x7FC];
	s15 =	sshra.s32 s23, $0x1F;
	s28 =	smulhi.u32 $0x92492493, s17  }
0x67: {  	vm3 =	vcmask $0x1B18;
	v1 =	vmov s9;
	s9 =	spop (v2sf);
	s0 =	ssub.s32 s0, s18;
	s18 =	sld [smem:$0x7F9]  }
0x68: {  	vm4 =	vcmask $0x2320;
	v2 =	vsel vm3, s11, v2;
	s5 =	rddreg [dreg:$0xf];
	v1 =	vsel vm0, s12, v1;
	s12 =	ssub.s32 s28, s17;
	s28 =	smulhi.u32 $0x92492493, s29  }
0x69: {  	v2 =	vsel vm4, s10, v2;
	s10 =	smulhi.u32 $0x92492493, s14;
	s12 =	sadd.s32 s5, s12;
	s5 =	rddreg [dreg:$0x10]  }
0x6a: {  	v1 =	vsel vm1, s18, v1;
	s18 =	sadd.s32 s5, s0;
	s0 =	ssub.s32 s28, s29;
	s28 =	sld [smem:$0x7FB]  }
0x6b: {  	s11 =	sld [smem:$0x7FD];
	s15 =	smul.u32 $0x92492493, s15;
	s17 =	sshra.s32 s9, $0x1F  }
0x6c: {  	s17 =	smul.u32 $0x92492493, s17;
	s5 =	rddreg [dreg:$0x13]  }
0x6d: {  	v1 =	vsel vm3, s26, v1;
	s21 =	sadd.s32 s21, s0;
	s26 =	rddreg [dreg:$0xe];
	v5 =	vsel vm0, s28, v5;
	s28 =	smulhi.u32 $0x92492493, s20  }
0x6e: {  	vm5 =	vcmask $0x2B28;
	v7 =	vimm.s32 $0xECA86420;
	s0 =	sadd.s32 s26, s2;
	v5 =	vsel vm1, s6, v5;
	s6 =	ssub.s32 s7, s8;
	s7 =	spop (v2sf)  }
0x6f: {  	vm6 =	vcmask $0x3330;
	vm7 =	vcmask $0x3B38;
	vm8 =	vmmov $0xff;
	s8 =	smulhi.u32 $0x92492493, s4;
	s2 =	ssub.s32 s28, s20;
	s28 =	rddreg [dreg:$0xd]  }
0x70: {  	vm9 =	vmmov $0xffff;
	v17 =	vimm.f32 $0.0e+00;
	v2 =	vsel vm5, s31, v2;
	s26 =	sshra.s32 s7, $0x1F;
	s20 =	smulhi.u32 $0x92492493, s9;
	s6 =	sadd.s32 s28, s6  }
0x71: {  	v7 =	vunpack.c.l.s4.s8 v7;
	v2 =	vsel vm6, s30, v2;
	v5 =	vsel vm3, s11, v5;
	s2 =	sadd.s32 s5, s2;
	s11 =	smul.u32 $0x92492493, s26;
	s4 =	ssub.s32 s8, s4  }
0x72: {  	v8 =	vsel vm7, s19, v2;
	v2 =	vmul.u32 $0x2, v0;
	s26 =	ssub.s32 s10, s14;
	s28 =	smulhi.u32 $0x92492493, s23;
	s5 =	rddreg [dreg:$0x18];
	v9 =	vmov s2  }
0x73: {  	v5 =	vcombine.low v5, v1;
	v1 =	vunpack.c.0.s8.s32 v7;
	s2 =	sadd.s32 s5, s4;
	s14 =	sadd.s32 s13, s26;
	s26 =	spop (v2sf);
	v7 =	vnsel vm2, $0x0, v9  }
0x74: {  	v8 =	vperm.xlane v8, v2;
	v10 =	vmov s18;
	s19 =	ssub.s32 s20, s9;
	s10 =	ssub.s32 s28, s23;
	s23 =	smulhi.u32 $0x92492493, s7;
	v7 =	vsel vm0, s6, v7  }
0x75: {  	v10 =	vsel vm0, s12, v10;
	v9 =	vmov s22;
	s28 =	smulhi.u32 $0x92492493, s26;
	s5 =	sshra.s32 s26, $0x1F;
	s6 =	rddreg [dreg:$0x2];
	v7 =	vsel vm1, s2, v7  }
0x76: {  	v10 =	vsel vm1, s21, v10;
	s10 =	sadd.s32 s15, s10;
	s20 =	smul.u32 $0x92492493, s5;
	v9 =	vsel vm0, s24, v9;
	s2 =	sadd.s32 $0x400, s6;
	v7 =	vsel vm3, s14, v7  }
0x77: {  	v10 =	vsel vm3, s0, v10;
	s22 =	ssub.s32 s23, s7;
	v9 =	vsel vm1, s25, v9;
	[dreg:$0x5] =	wrdreg s2;
	s2 =	sadd.s32 s17, s19;
	v7 =	vsel vm4, s10, v7  }
0x78: {  	v5 =	vperm.xlane v5, v1;
	s23 =	ssub.s32 s28, s26;
	s4 =	sadd.s32 s11, s22;
	v9 =	vsel vm3, s16, v9;
	v7 =	vsel vm5, s2, v7  }
0x79: {  	v19 =	vshrl.u32 v0, $0x3;
	s24 =	sadd.s32 s20, s23;
	v9 =	vcombine.low v10, v9;
	v7 =	vsel vm6, s4, v7  }
0x7a: {  	v18 =	vand.u32 $0x7, v0;
	v5 =	vsel vm8, v8, v5;
	v7 =	vsel vm7, s24, v7  }
0x7b: {  	v5 =	vadd.s32 v4, v5;
	v8 =	vperm.xlane v9, v1;
	v7 =	vperm.xlane v7, v2  }
0x7c: {  	v20 =	vor.u32 $0x8, v0;
	v9 =	vshrl.u32 v5, $0x1F;
	v5 =	vshra.s32 v5, $0x2  }
0x7d: {  	v3 =	vmin.u32 v3, $0x1387;
	v9 =	vadd.s32 v9, v5;
	v5 =	vsel vm8, v7, v8  }
0x7e: {  	v3 =	vmul.u32 $0x5, v3;
	v7 =	vmul.u32 $0xFFFFFFF9, v9;
	v5 =	vadd.s32 v11, v5  }
0x7f: {  	v19 =	vmul.u32 $0x8, v19;
	v9 =	vcvt.s32.f32 v9;
	v8 =	vshrl.u32 v5, $0x1F  }
0x80: {  	[dreg:$0x4] =	wrdreg s1;
	s31 =	simm.s32 $0x6500;
	s30 =	simm.s32 $0x6480;
	v5 =	vshra.s32 v5, $0x2;
	v10 =	vadd.s32 v4, v7;
	v4 =	vadd.s32 $0x1, v3  }
0x81: {  	s29 =	simm.s32 $0x6400;
	s12 =	simm.s32 $0x10900;
	s25 =	rddreg [dreg:$0x1e];
	v7 =	vadd.s32 $0x4, v3;
	v15 =	vadd.s32 v8, v5;
	v8 =	vmin.u32 v6, $0x1387  }
0x82: {  	s9 =	simm.s32 $0x10880;
	s26 =	sor.u32 $0x40, s1;
	s28 =	rddreg [dreg:$0xb];
	v5 =	vadd.s32 $0x2, v3;
	v12 =	vmul.u32 $0xFFFFFFF9, v15;
	v8 =	vmul.u32 $0x5, v8  }
0x83: {  	s5 =	smul.u32 $0x1E0000, s25;
	[dreg:$0x7] =	wrdreg s26;
	s0 =	smax.u32 s28, $0x1;
	v6 =	vadd.s32 $0x3, v3;
	v10 =	vcvt.s32.f32 v10;
	v15 =	vcvt.s32.f32 v15  }
0x84: {  	s13 =	simm.s32 $0x10980;
	s11 =	simm.s32 $0x10800;
	[dreg:$0x8] =	wrdreg s0;
	v16 =	vadd.s32 v11, v12;
	v11 =	vadd.s32 $0x1, v8;
	v12 =	vadd.s32 $0x2, v8  }
0x85: {  	[dreg:$0x6] =	wrdreg s5;
	s2 =	simm.s32 $0x6580;
	s4 =	simm.s32 $0x0;
	v13 =	vadd.s32 $0x3, v8;
	v14 =	vadd.s32 $0x4, v8;
	v16 =	vcvt.s32.f32 v16  }
.LBB2_1:
0x86: {  	[dreg:$0x9] =	wrdreg s4  }
0x87: {  	s0 =	rddreg [dreg:$0x1];
	s1 =	simm.s32 $0x0;
	s7 =	simm.s32 $0x3  }
0x88: {  	[tilespmem:s1], [sflag:$0x3] =	stream.linear.gather [hbm4b:s0+s1], $0x6200, $0x38;
	[tilespmem:$0x1AA00] =	vst v63  }
0x89: {  	_ =	swait.ge [sflag:s7], $0x6200  }
0x8a: {  	[sflag:s7] =	ssyncset.done $0x0  }
0x8b: {  	[sflag:s7] =	ssyncadd.s32 $0xFFFF9E00  }
0x8c: {  	v21 =	vld.idx.msk [tilespmem:v5+s1+$0x0], $0xffff  }
0x8d: {  	v22 =	vld.idx.msk [tilespmem:v7+s1+$0x0], $0xffff  }
0x8e: {  	v23 =	vld.idx.msk [tilespmem:v4+s1+$0x0], $0xffff  }
0x8f: {  	v24 =	vld.idx.msk [tilespmem:v6+s1+$0x0], $0xffff;
	_ =	sdelay $0x2  }
0x90: {  	v21 =	vmul.f32 $6.250000000e-02, v21;
	v22 =	vmul.f32 $6.250000000e-02, v22;
	_ =	sdelay $0x1  }
0x91: {  	v23 =	vmul.f32 $6.250000000e-02, v23;
	v24 =	vmul.f32 $6.250000000e-02, v24;
	v22 =	vsub.f32 v22, v21;
	_ =	sdelay $0x1  }
0x92: {  	v24 =	vsub.f32 v24, v23;
	v22 =	vmax.f32 v22, $0.0e+00  }
0x93: {  	v22 =	vmul.f32 $1.666666720e-01, v22  }
0x94: {  	v39 =	vld.idx.msk [tilespmem:v3+s1+$0x0], $0xffff;
	v24 =	vmax.f32 v24, $0.0e+00  }
0x95: {  	v24 =	vmul.f32 $1.666666720e-01, v24;
	v22 =	vmul.f32 v9, v22;
	_ =	sdelay $0x1  }
0x96: {  	v21 =	vadd.f32 v22, v21;
	v22 =	vmul.f32 v10, v24;
	_ =	sdelay $0x1  }
0x97: {  	v24 =	vtrunc.f32 v39;
	v38 =	vmax.f32 v21, $0.0e+00;
	v22 =	vadd.f32 v22, v23  }
0x98: {  	v24 =	vcvt.f32.s32 v24;
	vm10 =	vge.f32 v21, $0.0e+00;
	v23 =	vmin.f32 v38, $6.300000000e+01  }
0x99: {  	vm11 =	vlt.f32 v21, $6.400000000e+01;
	v23 =	vtrunc.f32 v23;
	v25 =	vmax.f32 v22, $0.0e+00  }
0x9a: {  	vm12 =	vge.f32 v22, $0.0e+00;
	v23 =	vcvt.f32.s32 v23;
	v25 =	vmin.f32 v25, $6.300000000e+01  }
0x9b: {  	v24 =	vshll.u32 v24, $0xC;
	vm10 =	vmand vm10, vm12;
	v25 =	vtrunc.f32 v25  }
0x9c: {  	vm10 =	vmand vm10, vm11;
	vm11 =	vlt.f32 v22, $6.400000000e+01;
	v26 =	vcvt.s32.f32 v23  }
0x9d: {  	v25 =	vcvt.f32.s32 v25;
	v27 =	vadd.s32 $0x1, v23;
	v23 =	vshll.u32 v23, $0x6  }
0x9e: {  	vm10 =	vmand vm11, vm10;
	vm11 =	vlt.s32 v27, $0x3F;
	v23 =	vadd.s32 v24, v23  }
0x9f: {  	v21 =	vsub.f32 v21, v26;
	v40 =	vcvt.s32.f32 v25;
	v28 =	vadd.s32 $0x1, v25  }
0xa0: {  	v44 =	vsel vm10, $0x3F800000, v17;
	v41 =	vnsel vm11, $0x3F, v27;
	vm11 =	vlt.s32 v28, $0x3F  }
0xa1: {  	v26 =	vshll.u32 v41, $0x6;
	v22 =	vsub.f32 v22, v40;
	v43 =	vsub.f32 $1.000000000e+00, v21  }
0xa2: {  	v29 =	vadd.s32 v25, v23;
	v42 =	vnsel vm11, $0x3F, v28;
	v24 =	vadd.s32 v24, v26  }
0xa3: {  	[tilespmem:$0x6200] =	vst v29;
	v23 =	vadd.s32 v42, v23;
	v28 =	vmul.f32 v43, v44;
	v30 =	vsub.f32 $1.000000000e+00, v22  }
0xa4: {  	[tilespmem:$0x6280] =	vst v23;
	v23 =	vadd.s32 v25, v24  }
0xa5: {  	v21 =	vmul.f32 v44, v21;
	[tilespmem:$0x6300] =	vst v23;
	v23 =	vadd.s32 v42, v24;
	v45 =	vmul.f32 v28, v30  }
0xa6: {  	[tilespmem:$0x6380] =	vst v23;
	v23 =	vmul.f32 v28, v22  }
0xa7: {  	v46 =	vmul.f32 v21, v30;
	[tilespmem:$0x6400] =	vst v45  }
0xa8: {  	v21 =	vmul.f32 v21, v22;
	[tilespmem:$0x6480] =	vst v23  }
0xa9: {  	[tilespmem:$0x6500] =	vst v46  }
0xaa: {  	[tilespmem:$0x6580] =	vst v21  }
0xab: {  	v21 =	vld.idx.msk [tilespmem:v12+s1+$0x0], $0xffff  }
0xac: {  	v22 =	vld.idx.msk [tilespmem:v14+s1+$0x0], $0xffff  }
0xad: {  	v23 =	vld.idx.msk [tilespmem:v11+s1+$0x0], $0xffff  }
0xae: {  	v24 =	vld.idx.msk [tilespmem:v13+s1+$0x0], $0xffff;
	_ =	sdelay $0x2  }
0xaf: {  	v21 =	vmul.f32 $6.250000000e-02, v21;
	v22 =	vmul.f32 $6.250000000e-02, v22;
	_ =	sdelay $0x1  }
0xb0: {  	v23 =	vmul.f32 $6.250000000e-02, v23;
	v24 =	vmul.f32 $6.250000000e-02, v24;
	v22 =	vsub.f32 v22, v21  }
0xb1: {  	v29 =	vld [tilespmem:$0x6200]  }
0xb2: {  	v48 =	vld.idx.msk [tilespmem:v8+s1+$0x0], $0xffff;
	v24 =	vsub.f32 v24, v23;
	v22 =	vmax.f32 v22, $0.0e+00  }
0xb3: {  	v22 =	vmul.f32 $1.666666720e-01, v22  }
0xb4: {  	v24 =	vmax.f32 v24, $0.0e+00  }
0xb5: {  	v24 =	vmul.f32 $1.666666720e-01, v24;
	v22 =	vmul.f32 v15, v22  }
0xb6: {  	v58 =	vshll.u32 v29, $0x1  }
0xb7: {  	v25 =	vtrunc.f32 v48;
	v21 =	vadd.f32 v22, v21;
	v22 =	vmul.f32 v16, v24  }
0xb8: {  	v29 =	vand.u32 $0x7, v29;
	v28 =	vand.u32 $0xFFFFFFF0, v58;
	v25 =	vcvt.f32.s32 v25  }
0xb9: {  	v28 =	vor.u32 v29, v28;
	v22 =	vadd.f32 v22, v23  }
0xba: {  	v25 =	vshll.u32 v25, $0xC;
	v23 =	vmax.f32 v21, $0.0e+00;
	vm10 =	vge.f32 v21, $0.0e+00  }
0xbb: {  	vm11 =	vlt.f32 v21, $6.400000000e+01;
	v23 =	vmin.f32 v23, $6.300000000e+01;
	v47 =	vmax.f32 v22, $0.0e+00  }
0xbc: {  	v23 =	vtrunc.f32 v23;
	vm12 =	vge.f32 v22, $0.0e+00;
	v24 =	vmin.f32 v47, $6.300000000e+01  }
0xbd: {  	v23 =	vcvt.f32.s32 v23;
	vm10 =	vmand vm10, vm12;
	v24 =	vtrunc.f32 v24  }
0xbe: {  	vm10 =	vmand vm10, vm11;
	vm11 =	vlt.f32 v22, $6.400000000e+01;
	v24 =	vcvt.f32.s32 v24  }
0xbf: {  	v49 =	vcvt.s32.f32 v23;
	v51 =	vadd.s32 $0x1, v23;
	v23 =	vshll.u32 v23, $0x6  }
0xc0: {  	vm10 =	vmand vm11, vm10;
	vm11 =	vlt.s32 v51, $0x3F;
	v23 =	vadd.s32 v25, v23  }
0xc1: {  	v21 =	vsub.f32 v21, v49;
	v50 =	vcvt.s32.f32 v24;
	v52 =	vadd.s32 $0x1, v24  }
0xc2: {  	v56 =	vsel vm10, $0x3F800000, v17;
	v53 =	vnsel vm11, $0x3F, v51;
	vm12 =	vlt.s32 v52, $0x3F  }
0xc3: {  	v26 =	vshll.u32 v53, $0x6;
	v22 =	vsub.f32 v22, v50;
	v55 =	vsub.f32 $1.000000000e+00, v21  }
0xc4: {  	v31 =	vadd.s32 v24, v23;
	v54 =	vnsel vm12, $0x3F, v52;
	v25 =	vadd.s32 v25, v26  }
0xc5: {  	[tilespmem:$0x6210] =	vst v31;
	v23 =	vadd.s32 v54, v23;
	v57 =	vmul.f32 v55, v56;
	v59 =	vsub.f32 $1.000000000e+00, v22  }
0xc6: {  	v60 =	vperm.xlane v28, v18;
	[tilespmem:$0x6290] =	vst v23;
	v23 =	vadd.s32 v24, v25  }
0xc7: {  	v21 =	vmul.f32 v56, v21;
	[tilespmem:$0x6310] =	vst v23;
	v23 =	vadd.s32 v54, v25;
	v61 =	vmul.f32 v57, v59  }
0xc8: {  	v62 =	vperm.xlane v28, v20;
	v24 =	vadd.s32 v19, v60;
	[tilespmem:$0x6390] =	vst v23;
	v23 =	vmul.f32 v57, v22  }
0xc9: {  	v63 =	vmul.f32 v21, v59;
	[tilespmem:$0x6410] =	vst v61  }
0xca: {  	v21 =	vmul.f32 v21, v22;
	v22 =	vadd.s32 v19, v62;
	[tilespmem:$0x6490] =	vst v23  }
0xcb: {  	[tilespmem:$0x6510] =	vst v63  }
0xcc: {  	s8 =	simm.s32 $0x6600;
	[tilespmem:$0x6590] =	vst v21  }
0xcd: {  	[tilespmem:s8], [sflag:$0x1] =	stream.indirect_vreg.gather [hbm4b:s3+s1], $0x80, v24, vm9, $0xb8;
	[tilespmem:$0x1AA00] =	vst v63  }
0xce: {  	s10 =	simm.s32 $0x6E00  }
0xcf: {  	[tilespmem:s10], [sflag:$0x1] =	stream.indirect_vreg.gather [hbm4b:s3+s1], $0x80, v22, vm9, $0xb8;
	[tilespmem:$0x1AA00] =	vst v63  }
0xd0: {  	v21 =	vld [tilespmem:$0x6210];
	_ =	sdelay $0x4  }
0xd1: {  	v22 =	vshll.u32 v21, $0x1  }
0xd2: {  	v21 =	vand.u32 $0x7, v21;
	v22 =	vand.u32 $0xFFFFFFF0, v22  }
0xd3: {  	v21 =	vor.u32 v21, v22  }
0xd4: {  	v22 =	vperm.xlane v21, v18;
	_ =	sdelay $0x1  }
0xd5: {  	v21 =	vperm.xlane v21, v20;
	v22 =	vadd.s32 v19, v22;
	_ =	sdelay $0x1  }
0xd6: {  	v21 =	vadd.s32 v19, v21;
	_ =	sdelay $0x1  }
0xd7: {  	s14 =	simm.s32 $0x7600  }
0xd8: {  	[tilespmem:s14], [sflag:$0x1] =	stream.indirect_vreg.gather [hbm4b:s3+s1], $0x80, v22, vm9, $0xb8;
	[tilespmem:$0x1AA00] =	vst v63  }
0xd9: {  	s15 =	simm.s32 $0x7E00  }
0xda: {  	[tilespmem:s15], [sflag:$0x1] =	stream.indirect_vreg.gather [hbm4b:s3+s1], $0x80, v21, vm9, $0xb8;
	[tilespmem:$0x1AA00] =	vst v63  }
0xdb: {  	v21 =	vld [tilespmem:$0x6280];
	_ =	sdelay $0x4  }
0xdc: {  	v22 =	vshll.u32 v21, $0x1  }
0xdd: {  	v21 =	vand.u32 $0x7, v21;
	v22 =	vand.u32 $0xFFFFFFF0, v22  }
0xde: {  	v21 =	vor.u32 v21, v22  }
0xdf: {  	v22 =	vperm.xlane v21, v18;
	_ =	sdelay $0x1  }
0xe0: {  	v21 =	vperm.xlane v21, v20;
	v22 =	vadd.s32 v19, v22;
	_ =	sdelay $0x1  }
0xe1: {  	v21 =	vadd.s32 v19, v21;
	_ =	sdelay $0x1  }
0xe2: {  	s16 =	simm.s32 $0x8600  }
0xe3: {  	[tilespmem:s16], [sflag:$0x1] =	stream.indirect_vreg.gather [hbm4b:s3+s1], $0x80, v22, vm9, $0xb8;
	[tilespmem:$0x1AA00] =	vst v63  }
0xe4: {  	s17 =	simm.s32 $0x8E00  }
0xe5: {  	[tilespmem:s17], [sflag:$0x1] =	stream.indirect_vreg.gather [hbm4b:s3+s1], $0x80, v21, vm9, $0xb8;
	[tilespmem:$0x1AA00] =	vst v63  }
0xe6: {  	v21 =	vld [tilespmem:$0x6290];
	_ =	sdelay $0x4  }
0xe7: {  	v22 =	vshll.u32 v21, $0x1  }
0xe8: {  	v21 =	vand.u32 $0x7, v21;
	v22 =	vand.u32 $0xFFFFFFF0, v22  }
0xe9: {  	v21 =	vor.u32 v21, v22  }
0xea: {  	v22 =	vperm.xlane v21, v18;
	_ =	sdelay $0x1  }
0xeb: {  	v21 =	vperm.xlane v21, v20;
	v22 =	vadd.s32 v19, v22;
	_ =	sdelay $0x1  }
0xec: {  	v21 =	vadd.s32 v19, v21;
	_ =	sdelay $0x1  }
0xed: {  	s18 =	simm.s32 $0x9600  }
0xee: {  	[tilespmem:s18], [sflag:$0x1] =	stream.indirect_vreg.gather [hbm4b:s3+s1], $0x80, v22, vm9, $0xb8;
	[tilespmem:$0x1AA00] =	vst v63  }
0xef: {  	s19 =	simm.s32 $0x9E00  }
0xf0: {  	[tilespmem:s19], [sflag:$0x1] =	stream.indirect_vreg.gather [hbm4b:s3+s1], $0x80, v21, vm9, $0xb8;
	[tilespmem:$0x1AA00] =	vst v63  }
0xf1: {  	v21 =	vld [tilespmem:$0x6300];
	_ =	sdelay $0x4  }
0xf2: {  	v22 =	vshll.u32 v21, $0x1  }
0xf3: {  	v21 =	vand.u32 $0x7, v21;
	v22 =	vand.u32 $0xFFFFFFF0, v22  }
0xf4: {  	v21 =	vor.u32 v21, v22  }
0xf5: {  	v22 =	vperm.xlane v21, v18;
	_ =	sdelay $0x1  }
0xf6: {  	v21 =	vperm.xlane v21, v20;
	v22 =	vadd.s32 v19, v22;
	_ =	sdelay $0x1  }
0xf7: {  	v21 =	vadd.s32 v19, v21;
	_ =	sdelay $0x1  }
0xf8: {  	s20 =	simm.s32 $0xA600  }
0xf9: {  	[tilespmem:s20], [sflag:$0x1] =	stream.indirect_vreg.gather [hbm4b:s3+s1], $0x80, v22, vm9, $0xb8;
	[tilespmem:$0x1AA00] =	vst v63  }
0xfa: {  	s21 =	simm.s32 $0xAE00  }
0xfb: {  	[tilespmem:s21], [sflag:$0x1] =	stream.indirect_vreg.gather [hbm4b:s3+s1], $0x80, v21, vm9, $0xb8;
	[tilespmem:$0x1AA00] =	vst v63  }
0xfc: {  	v21 =	vld [tilespmem:$0x6310];
	_ =	sdelay $0x4  }
0xfd: {  	v22 =	vshll.u32 v21, $0x1  }
0xfe: {  	v21 =	vand.u32 $0x7, v21;
	v22 =	vand.u32 $0xFFFFFFF0, v22  }
0xff: {  	v21 =	vor.u32 v21, v22  }
0x100: {  	v22 =	vperm.xlane v21, v18;
	_ =	sdelay $0x1  }
0x101: {  	v21 =	vperm.xlane v21, v20;
	v22 =	vadd.s32 v19, v22;
	_ =	sdelay $0x1  }
0x102: {  	v21 =	vadd.s32 v19, v21;
	_ =	sdelay $0x1  }
0x103: {  	s22 =	simm.s32 $0xB600  }
0x104: {  	[tilespmem:s22], [sflag:$0x1] =	stream.indirect_vreg.gather [hbm4b:s3+s1], $0x80, v22, vm9, $0xb8;
	[tilespmem:$0x1AA00] =	vst v63  }
0x105: {  	s23 =	simm.s32 $0xBE00  }
0x106: {  	[tilespmem:s23], [sflag:$0x1] =	stream.indirect_vreg.gather [hbm4b:s3+s1], $0x80, v21, vm9, $0xb8;
	[tilespmem:$0x1AA00] =	vst v63  }
0x107: {  	v21 =	vld [tilespmem:$0x6380];
	_ =	sdelay $0x4  }
0x108: {  	v22 =	vshll.u32 v21, $0x1  }
0x109: {  	v21 =	vand.u32 $0x7, v21;
	v22 =	vand.u32 $0xFFFFFFF0, v22  }
0x10a: {  	v21 =	vor.u32 v21, v22  }
0x10b: {  	v22 =	vperm.xlane v21, v18;
	_ =	sdelay $0x1  }
0x10c: {  	v21 =	vperm.xlane v21, v20;
	v22 =	vadd.s32 v19, v22;
	_ =	sdelay $0x1  }
0x10d: {  	v21 =	vadd.s32 v19, v21;
	_ =	sdelay $0x1  }
0x10e: {  	s24 =	simm.s32 $0xC600  }
0x10f: {  	[tilespmem:s24], [sflag:$0x1] =	stream.indirect_vreg.gather [hbm4b:s3+s1], $0x80, v22, vm9, $0xb8;
	[tilespmem:$0x1AA00] =	vst v63  }
0x110: {  	s25 =	simm.s32 $0xCE00  }
0x111: {  	[tilespmem:s25], [sflag:$0x1] =	stream.indirect_vreg.gather [hbm4b:s3+s1], $0x80, v21, vm9, $0xb8;
	[tilespmem:$0x1AA00] =	vst v63  }
0x112: {  	v21 =	vld [tilespmem:$0x6390];
	_ =	sdelay $0x4  }
0x113: {  	v22 =	vshll.u32 v21, $0x1  }
0x114: {  	v21 =	vand.u32 $0x7, v21;
	v22 =	vand.u32 $0xFFFFFFF0, v22  }
0x115: {  	v21 =	vor.u32 v21, v22  }
0x116: {  	v22 =	vperm.xlane v21, v18;
	_ =	sdelay $0x1  }
0x117: {  	v21 =	vperm.xlane v21, v20;
	v22 =	vadd.s32 v19, v22;
	_ =	sdelay $0x1  }
0x118: {  	v21 =	vadd.s32 v19, v21;
	_ =	sdelay $0x1  }
0x119: {  	s26 =	simm.s32 $0xD600  }
0x11a: {  	[tilespmem:s26], [sflag:$0x1] =	stream.indirect_vreg.gather [hbm4b:s3+s1], $0x80, v22, vm9, $0xb8;
	[tilespmem:$0x1AA00] =	vst v63  }
0x11b: {  	s28 =	simm.s32 $0xDE00;
	s15 =	simm.s32 $0x0  }
0x11c: {  	[tilespmem:s28], [sflag:$0x1] =	stream.indirect_vreg.gather [hbm4b:s3+s1], $0x80, v21, vm9, $0xb8;
	[tilespmem:$0x1AA00] =	vst v63  }
.LBB2_2:
0x11d: {  	s17 =	sshll.u32 s15, $0x6;
	s0 =	rddreg [dreg:$0x4]  }
0x11e: {  	s0 =	sadd.s32 s17, s0  }
0x11f: {  	s1 =	sadd.s32 $0x20, s0  }
0x120: {  	v21 =	vor.u32 s1, v0  }
0x121: {  	v22 =	vmulhi.u32 $0x5397829D, v21;
	_ =	sdelay $0x1  }
0x122: {  	v24 =	vshrl.u32 v22, $0x4  }
0x123: {  	v22 =	vmul.u32 $0xFFFFFFCF, v24;
	_ =	sdelay $0x1  }
0x124: {  	v23 =	vadd.s32 v21, v22  }
0x125: {  	(v2sf) =	vpush v23, $0xD;
	_ =	sdelay $0x1  }
0x126: {  	(v2sf) =	vpush v23, $0xC;
	_ =	sdelay $0x1  }
0x127: {  	(v2sf) =	vpush v23, $0xE;
	_ =	sdelay $0x1  }
0x128: {  	(v2sf) =	vpush v23, $0xF;
	_ =	sdelay $0x1  }
0x129: {  	(v2sf) =	vpush v23, $0x9;
	_ =	sdelay $0x1  }
0x12a: {  	(v2sf) =	vpush v23, $0x8;
	_ =	sdelay $0x1  }
0x12b: {  	(v2sf) =	vpush v23, $0xA;
	_ =	sdelay $0x1  }
0x12c: {  	(v2sf) =	vpush v23, $0xB  }
0x12d: {  	s18 =	spop (v2sf)  }
0x12e: {  	s19 =	smulhi.u32 $0x92492493, s18;
	s20 =	sshra.s32 s18, $0x1F  }
0x12f: {  	(v2sf) =	vpush v23, $0x1;
	s21 =	spop (v2sf);
	s20 =	smul.u32 $0x92492493, s20  }
0x130: {  	s25 =	smulhi.u32 $0x92492493, s21;
	s22 =	sshra.s32 s21, $0x1F  }
0x131: {  	s0 =	sadd.s32 $0x30, s0;
	(v2sf) =	vpush v23, $0x0;
	s28 =	spop (v2sf);
	s26 =	smul.u32 $0x92492493, s22  }
0x132: {  	[dreg:$0xa] =	wrdreg s1;
	(v2sf) =	vpush v23, $0x2;
	s1 =	smulhi.u32 $0x92492493, s28;
	s23 =	sshra.s32 s28, $0x1F  }
0x133: {  	s18 =	ssub.s32 s19, s18;
	s5 =	spop (v2sf);
	s4 =	smul.u32 $0x92492493, s23  }
0x134: {  	(v2sf) =	vpush v23, $0x3;
	s19 =	ssub.s32 s25, s21;
	s6 =	smulhi.u32 $0x92492493, s5;
	s7 =	sshra.s32 s5, $0x1F  }
0x135: {  	s10 =	spop (v2sf);
	(v2sf) =	vpush v23, $0x4;
	s24 =	sadd.s32 s26, s19;
	s8 =	smul.u32 $0x92492493, s7  }
0x136: {  	s21 =	ssub.s32 s1, s28;
	s16 =	smulhi.u32 $0x92492493, s10;
	s26 =	sshra.s32 s10, $0x1F;
	(v2sf) =	vpush v23, $0x5  }
0x137: {  	s1 =	spop (v2sf);
	s25 =	sadd.s32 s4, s21;
	s28 =	smul.u32 $0x92492493, s26  }
0x138: {  	s19 =	ssub.s32 s6, s5;
	s4 =	smulhi.u32 $0x92492493, s1;
	s5 =	sshra.s32 s1, $0x1F  }
0x139: {  	s20 =	sadd.s32 s20, s18;
	s7 =	spop (v2sf);
	s6 =	smul.u32 $0x92492493, s5  }
0x13a: {  	s14 =	sadd.s32 s8, s19;
	s8 =	smulhi.u32 $0x92492493, s7;
	s26 =	sshra.s32 s7, $0x1F  }
0x13b: {  	s21 =	ssub.s32 s16, s10;
	s16 =	spop (v2sf);
	s10 =	smul.u32 $0x92492493, s26  }
0x13c: {  	(v2sf) =	vpush v23, $0x6;
	s21 =	sadd.s32 s28, s21;
	s19 =	ssub.s32 s4, s1;
	s28 =	smulhi.u32 $0x92492493, s16  }
0x13d: {  	s1 =	sshra.s32 s16, $0x1F;
	s5 =	sadd.s32 s6, s19;
	s22 =	ssub.s32 s8, s7  }
0x13e: {  	v21 =	vor.u32 s0, v0;
	(v2sf) =	vpush v23, $0x7;
	s4 =	smul.u32 $0x92492493, s1;
	s18 =	sadd.s32 s10, s22;
	s6 =	spop (v2sf)  }
0x13f: {  	v22 =	vmulhi.u32 $0x5397829D, v21;
	s19 =	ssub.s32 s28, s16;
	s10 =	smulhi.u32 $0x92492493, s6;
	s16 =	sshra.s32 s6, $0x1F  }
0x140: {  	s28 =	spop (v2sf);
	s1 =	smul.u32 $0x92492493, s16  }
0x141: {  	v22 =	vshrl.u32 v22, $0x4;
	s19 =	sadd.s32 s4, s19;
	s7 =	smulhi.u32 $0x92492493, s28;
	s4 =	spop (v2sf)  }
0x142: {  	v26 =	vmul.u32 $0xFFFFFFCF, v22;
	s8 =	sshra.s32 s28, $0x1F;
	s23 =	ssub.s32 s10, s6;
	s6 =	smulhi.u32 $0x92492493, s4  }
0x143: {  	v25 =	vmov s24;
	s8 =	smul.u32 $0x92492493, s8;
	s0 =	sadd.s32 s1, s23;
	s23 =	spop (v2sf)  }
0x144: {  	v21 =	vadd.s32 v21, v26;
	v25 =	vsel vm0, s20, v25;
	s10 =	sshra.s32 s4, $0x1F;
	s1 =	ssub.s32 s6, s4;
	s6 =	spop (v2sf)  }
0x145: {  	v24 =	vmin.u32 v24, $0x1387;
	v25 =	vsel vm1, s25, v25;
	s7 =	ssub.s32 s7, s28;
	s16 =	smul.u32 $0x92492493, s10;
	s25 =	spop (v2sf);
	(v2sf) =	vpush v21, $0xD  }
0x146: {  	v24 =	vmul.u32 $0x5, v24;
	s7 =	sadd.s32 s8, s7;
	s8 =	smulhi.u32 $0x92492493, s23;
	s28 =	sshra.s32 s23, $0x1F  }
0x147: {  	v40 =	vmov s5;
	s4 =	smul.u32 $0x92492493, s28;
	(v2sf) =	vpush v21, $0xC  }
0x148: {  	v29 =	vadd.s32 $0x2, v24;
	v26 =	vsel vm0, s21, v40;
	s1 =	sadd.s32 s16, s1;
	s10 =	smulhi.u32 $0x92492493, s6;
	s16 =	sshra.s32 s6, $0x1F  }
0x149: {  	v30 =	vadd.s32 $0x4, v24;
	v26 =	vsel vm1, s18, v26;
	s18 =	simm.s32 $0x0;
	s8 =	ssub.s32 s8, s23;
	s23 =	smul.u32 $0x92492493, s16;
	(v2sf) =	vpush v21, $0xE  }
0x14a: {  	v27 =	vmov s7;
	s28 =	smulhi.u32 $0x92492493, s25;
	s26 =	sadd.s32 s4, s8;
	s4 =	sshra.s32 s25, $0x1F;
	(v2sf) =	vpush v21, $0xF  }
0x14b: {  	v28 =	vadd.s32 $0x1, v24;
	v27 =	vnsel vm2, $0x0, v27;
	s6 =	ssub.s32 s10, s6;
	s10 =	spop (v2sf);
	s8 =	smul.u32 $0x92492493, s4;
	(v2sf) =	vpush v21, $0x9  }
0x14c: {  	v31 =	vadd.s32 $0x3, v24;
	v25 =	vsel vm3, s14, v25;
	v27 =	vsel vm0, s0, v27;
	s14 =	sadd.s32 s23, s6;
	s16 =	smulhi.u32 $0x92492493, s10;
	s22 =	sshra.s32 s10, $0x1F  }
0x14d: {  	v42 =	vld.idx.msk [tilespmem:v29+s18+$0x0], $0xffff;
	v27 =	vsel vm1, s1, v27;
	s23 =	ssub.s32 s28, s25;
	s25 =	spop (v2sf);
	s24 =	smul.u32 $0x92492493, s22;
	(v2sf) =	vpush v21, $0x8  }
0x14e: {  	v43 =	vld.idx.msk [tilespmem:v30+s18+$0x0], $0xffff;
	v27 =	vsel vm3, s26, v27;
	s26 =	smulhi.u32 $0x92492493, s25;
	s28 =	sshra.s32 s25, $0x1F  }
0x14f: {  	v26 =	vsel vm3, s19, v26;
	s1 =	sadd.s32 s8, s23;
	v27 =	vsel vm4, s14, v27;
	s4 =	ssub.s32 s16, s10;
	s8 =	smul.u32 $0x92492493, s28;
	(v2sf) =	vpush v21, $0xA  }
0x150: {  	v28 =	vld.idx.msk [tilespmem:v28+s18+$0x0], $0xffff;
	v25 =	vcombine.low v26, v25;
	v27 =	vsel vm5, s1, v27;
	s0 =	sadd.s32 s24, s4;
	s5 =	ssub.s32 s26, s25  }
0x151: {  	v44 =	vld.idx.msk [tilespmem:v31+s18+$0x0], $0xffff;
	v41 =	vsel vm6, s0, v27;
	s6 =	sadd.s32 s8, s5;
	(v2sf) =	vpush v21, $0xB  }
0x152: {  	v25 =	vperm.xlane v25, v1;
	v45 =	vmul.f32 $6.250000000e-02, v42;
	v26 =	vsel vm7, s6, v41  }
0x153: {  	v46 =	vmul.f32 $6.250000000e-02, v43;
	(v2sf) =	vpush v21, $0x1;
	v26 =	vperm.xlane v26, v2  }
0x154: {  	(v2sf) =	vpush v21, $0x0;
	s7 =	spop (v2sf)  }
0x155: {  	v24 =	vld.idx.msk [tilespmem:v24+s18+$0x0], $0xffff;
	v27 =	vsub.f32 v46, v45;
	v25 =	vsel vm8, v26, v25;
	s10 =	smulhi.u32 $0x92492493, s7;
	s14 =	sshra.s32 s7, $0x1F  }
0x156: {  	v28 =	vmul.f32 $6.250000000e-02, v28;
	v30 =	vmul.f32 $6.250000000e-02, v44;
	v25 =	vadd.s32 v23, v25;
	s16 =	spop (v2sf);
	s5 =	smul.u32 $0x92492493, s14  }
0x157: {  	v27 =	vmax.f32 v27, $0.0e+00;
	v47 =	vshrl.u32 v25, $0x1F;
	v25 =	vshra.s32 v25, $0x2;
	s22 =	smulhi.u32 $0x92492493, s16;
	s25 =	sshra.s32 s16, $0x1F  }
0x158: {  	v48 =	vsub.f32 v30, v28;
	v27 =	vmul.f32 $1.666666720e-01, v27;
	v25 =	vadd.s32 v47, v25;
	s8 =	spop (v2sf);
	s19 =	smul.u32 $0x92492493, s25  }
0x159: {  	(v2sf) =	vpush v21, $0x2;
	v49 =	vmul.u32 $0xFFFFFFF9, v25;
	v25 =	vcvt.s32.f32 v25;
	s21 =	spop (v2sf);
	s26 =	smulhi.u32 $0x92492493, s8;
	s28 =	sshra.s32 s8, $0x1F  }
0x15a: {  	v24 =	vtrunc.f32 v24;
	v29 =	vmax.f32 v48, $0.0e+00;
	s0 =	ssub.s32 s10, s7;
	s23 =	spop (v2sf);
	s25 =	smul.u32 $0x92492493, s28  }
0x15b: {  	v23 =	vadd.s32 v23, v49;
	v25 =	vmul.f32 v25, v27;
	(v2sf) =	vpush v21, $0x3;
	s4 =	smulhi.u32 $0x92492493, s21;
	s6 =	sshra.s32 s21, $0x1F;
	s0 =	sadd.s32 s5, s0  }
0x15c: {  	v29 =	vmul.f32 $1.666666720e-01, v29;
	v23 =	vcvt.s32.f32 v23;
	s10 =	ssub.s32 s22, s16;
	s24 =	spop (v2sf);
	s7 =	smul.u32 $0x92492493, s6  }
0x15d: {  	v24 =	vcvt.f32.s32 v24;
	v25 =	vadd.f32 v25, v45;
	s14 =	smulhi.u32 $0x92492493, s23;
	s16 =	sshra.s32 s23, $0x1F;
	(v2sf) =	vpush v21, $0x4;
	s20 =	sadd.s32 s19, s10  }
0x15e: {  	v22 =	vmin.u32 v22, $0x1387;
	v23 =	vmul.f32 v23, v29;
	s22 =	ssub.s32 s26, s8;
	s6 =	spop (v2sf);
	s8 =	smul.u32 $0x92492493, s16  }
0x15f: {  	v24 =	vshll.u32 v24, $0xC;
	v26 =	vmax.f32 v25, $0.0e+00;
	s26 =	smulhi.u32 $0x92492493, s24;
	s28 =	sshra.s32 s24, $0x1F;
	(v2sf) =	vpush v21, $0x5;
	s19 =	sadd.s32 s25, s22  }
0x160: {  	vm10 =	vge.f32 v25, $0.0e+00;
	s1 =	ssub.s32 s4, s21;
	v23 =	vadd.f32 v23, v28;
	v26 =	vmin.f32 v26, $6.300000000e+01;
	s10 =	spop (v2sf);
	s5 =	smul.u32 $0x92492493, s28  }
0x161: {  	vm11 =	vlt.f32 v25, $6.400000000e+01;
	s25 =	smulhi.u32 $0x92492493, s6;
	s4 =	sshra.s32 s6, $0x1F;
	(v2sf) =	vpush v21, $0x6;
	s21 =	sadd.s32 s7, s1;
	v26 =	vtrunc.f32 v26  }
0x162: {  	s1 =	ssub.s32 s14, s23;
	s16 =	spop (v2sf);
	s7 =	smul.u32 $0x92492493, s4;
	v50 =	vmax.f32 v23, $0.0e+00;
	v26 =	vcvt.f32.s32 v26;
	vm12 =	vge.f32 v23, $0.0e+00  }
0x163: {  	s14 =	smulhi.u32 $0x92492493, s10;
	s23 =	sshra.s32 s10, $0x1F;
	s4 =	spop (v2sf);
	(v2sf) =	vpush v21, $0x7;
	v27 =	vmin.f32 v50, $6.300000000e+01;
	vm10 =	vmand vm10, vm12  }
0x164: {  	s22 =	sadd.s32 s8, s1;
	s24 =	ssub.s32 s26, s24;
	s1 =	smul.u32 $0x92492493, s23;
	v27 =	vtrunc.f32 v27;
	v51 =	vcvt.s32.f32 v26;
	vm10 =	vmand vm10, vm11  }
0x165: {  	s26 =	smulhi.u32 $0x92492493, s16;
	s23 =	sshra.s32 s16, $0x1F;
	s8 =	ssub.s32 s25, s6;
	vm11 =	vlt.f32 v23, $6.400000000e+01;
	v53 =	vadd.s32 $0x1, v26;
	v26 =	vshll.u32 v26, $0x6  }
0x166: {  	s24 =	sadd.s32 s5, s24;
	s6 =	smul.u32 $0x92492493, s23;
	s23 =	sadd.s32 s7, s8;
	v27 =	vcvt.f32.s32 v27;
	vm10 =	vmand vm11, vm10;
	vm11 =	vlt.s32 v53, $0x3F  }
0x167: {  	s5 =	smulhi.u32 $0x92492493, s4;
	s25 =	sshra.s32 s4, $0x1F;
	s10 =	ssub.s32 s14, s10;
	v26 =	vadd.s32 v24, v26;
	v25 =	vsub.f32 v25, v51;
	v55 =	vnsel vm11, $0x3F, v53  }
0x168: {  	s7 =	smul.u32 $0x92492493, s25;
	s14 =	ssub.s32 s26, s16;
	v58 =	vsel vm10, $0x3F800000, v17;
	v52 =	vcvt.s32.f32 v27;
	v54 =	vadd.s32 $0x1, v27;
	s28 =	spop (v2sf)  }
0x169: {  	s25 =	sadd.s32 s1, s10;
	v28 =	vshll.u32 v55, $0x6;
	v60 =	vadd.s32 v27, v26;
	v57 =	vsub.f32 $1.000000000e+00, v25;
	s16 =	smulhi.u32 $0x92492493, s28;
	s26 =	sshra.s32 s28, $0x1F  }
0x16a: {  	s1 =	sadd.s32 s6, s14;
	vm12 =	vlt.s32 v54, $0x3F;
	v24 =	vadd.s32 v24, v28;
	v23 =	vsub.f32 v23, v52;
	s6 =	smul.u32 $0x92492493, s26;
	s8 =	spop (v2sf)  }
0x16b: {  	s4 =	ssub.s32 s5, s4;
	[tilespmem:$0x10600] =	vst v60;
	v56 =	vnsel vm12, $0x3F, v54;
	v62 =	vadd.s32 v27, v24;
	v59 =	vmul.f32 v57, v58;
	s5 =	smulhi.u32 $0x92492493, s8;
	s26 =	sshra.s32 s8, $0x1F  }
0x16c: {  	v22 =	vmul.u32 $0x5, v22;
	s4 =	sadd.s32 s7, s4;
	v25 =	vmul.f32 v58, v25;
	v26 =	vadd.s32 v56, v26;
	[tilespmem:$0x10700] =	vst v62;
	s14 =	spop (v2sf);
	s7 =	smul.u32 $0x92492493, s26  }
0x16d: {  	v24 =	vadd.s32 v56, v24;
	v61 =	vsub.f32 $1.000000000e+00, v23;
	[tilespmem:$0x10680] =	vst v26;
	v32 =	vmul.f32 v59, v23;
	s26 =	ssub.s32 s16, s28;
	s16 =	smulhi.u32 $0x92492493, s14;
	s28 =	sshra.s32 s14, $0x1F  }
0x16e: {  	v36 =	vadd.s32 $0x2, v22;
	[tilespmem:$0x10780] =	vst v24;
	v23 =	vmul.f32 v25, v23;
	s10 =	spop (v2sf);
	s6 =	sadd.s32 s6, s26;
	s26 =	smul.u32 $0x92492493, s28  }
0x16f: {  	v38 =	vadd.s32 $0x4, v22;
	v35 =	vmov s4;
	v63 =	vmul.f32 v59, v61;
	[tilespmem:$0x10880] =	vst v32;
	s8 =	ssub.s32 s5, s8;
	s5 =	smulhi.u32 $0x92492493, s10;
	s28 =	sshra.s32 s10, $0x1F  }
0x170: {  	v33 =	vadd.s32 $0x1, v22;
	v37 =	vnsel vm2, $0x0, v35;
	v34 =	vmul.f32 v25, v61;
	[tilespmem:$0x10980] =	vst v23;
	s4 =	sadd.s32 s7, s8;
	s7 =	spop (v2sf);
	s8 =	smul.u32 $0x92492493, s28  }
0x171: {  	v39 =	vadd.s32 $0x3, v22;
	v24 =	vsel vm0, s1, v37;
	[tilespmem:$0x10800] =	vst v63;
	s16 =	ssub.s32 s16, s14;
	s14 =	smulhi.u32 $0x92492493, s7;
	s28 =	sshra.s32 s7, $0x1F  }
0x172: {  	v40 =	vmov s20;
	v41 =	vmov s24;
	[tilespmem:$0x10900] =	vst v34;
	v24 =	vsel vm1, s6, v24;
	s1 =	sadd.s32 s26, s16;
	s26 =	smul.u32 $0x92492493, s28;
	s28 =	spop (v2sf)  }
0x173: {  	v42 =	vsel vm0, s22, v41;
	v23 =	vsel vm0, s0, v40;
	v29 =	vld.idx.msk [tilespmem:v36+s18+$0x0], $0xffff;
	v24 =	vsel vm3, s4, v24;
	s10 =	ssub.s32 s5, s10;
	s20 =	smulhi.u32 $0x92492493, s28;
	s22 =	sshra.s32 s28, $0x1F  }
0x174: {  	v28 =	vsel vm1, s23, v42;
	v23 =	vsel vm1, s19, v23;
	v25 =	vld.idx.msk [tilespmem:v38+s18+$0x0], $0xffff;
	v24 =	vsel vm4, s1, v24;
	s0 =	sadd.s32 s8, s10;
	s24 =	ssub.s32 s14, s7;
	s5 =	smul.u32 $0x92492493, s22  }
0x175: {  	v28 =	vsel vm3, s25, v28;
	v27 =	vld.idx.msk [tilespmem:v33+s18+$0x0], $0xffff;
	v23 =	vsel vm3, s21, v23;
	v24 =	vsel vm5, s0, v24;
	s26 =	sadd.s32 s26, s24;
	s28 =	ssub.s32 s20, s28  }
0x176: {  	v26 =	vld.idx.msk [tilespmem:v39+s18+$0x0], $0xffff;
	v23 =	vcombine.low v28, v23;
	v24 =	vsel vm6, s26, v24;
	s1 =	sadd.s32 s5, s28  }
0x177: {  	v24 =	vsel vm7, s1, v24  }
0x178: {  	v23 =	vperm.xlane v23, v1;
	v24 =	vperm.xlane v24, v2  }
0x179: {  	v43 =	vmul.f32 $6.250000000e-02, v29;
	v25 =	vmul.f32 $6.250000000e-02, v25  }
0x17a: {  	v22 =	vld.idx.msk [tilespmem:v22+s18+$0x0], $0xffff;
	v27 =	vmul.f32 $6.250000000e-02, v27;
	v23 =	vsel vm8, v24, v23  }
0x17b: {  	v26 =	vmul.f32 $6.250000000e-02, v26;
	v25 =	vsub.f32 v25, v43;
	v23 =	vadd.s32 v21, v23  }
0x17c: {  	v44 =	vshrl.u32 v23, $0x1F;
	v23 =	vshra.s32 v23, $0x2  }
0x17d: {  	v26 =	vsub.f32 v26, v27;
	v25 =	vmax.f32 v25, $0.0e+00;
	v23 =	vadd.s32 v44, v23  }
0x17e: {  	v50 =	vld [tilespmem:$0x10600];
	v25 =	vmul.f32 $1.666666720e-01, v25;
	v28 =	vmul.u32 $0xFFFFFFF9, v23;
	v23 =	vcvt.s32.f32 v23  }
0x17f: {  	v22 =	vtrunc.f32 v22  }
0x180: {  	v26 =	vmax.f32 v26, $0.0e+00;
	v21 =	vadd.s32 v21, v28;
	v23 =	vmul.f32 v23, v25  }
0x181: {  	v26 =	vmul.f32 $1.666666720e-01, v26;
	v21 =	vcvt.s32.f32 v21  }
0x182: {  	v22 =	vcvt.f32.s32 v22;
	v23 =	vadd.f32 v23, v43  }
0x183: {  	v56 =	vshll.u32 v50, $0x1;
	v21 =	vmul.f32 v21, v26  }
0x184: {  	v29 =	vand.u32 $0x7, v50;
	v22 =	vshll.u32 v22, $0xC;
	v24 =	vmax.f32 v23, $0.0e+00  }
0x185: {  	v28 =	vand.u32 $0xFFFFFFF0, v56;
	v21 =	vadd.f32 v21, v27;
	v24 =	vmin.f32 v24, $6.300000000e+01  }
0x186: {  	v28 =	vor.u32 v29, v28;
	vm10 =	vge.f32 v23, $0.0e+00;
	v24 =	vtrunc.f32 v24  }
0x187: {  	v45 =	vmax.f32 v21, $0.0e+00;
	v24 =	vcvt.f32.s32 v24;
	vm12 =	vge.f32 v21, $0.0e+00  }
0x188: {  	vm11 =	vlt.f32 v23, $6.400000000e+01;
	v25 =	vmin.f32 v45, $6.300000000e+01;
	vm10 =	vmand vm10, vm12  }
0x189: {  	v25 =	vtrunc.f32 v25;
	v46 =	vcvt.s32.f32 v24;
	vm10 =	vmand vm10, vm11  }
0x18a: {  	vm11 =	vlt.f32 v21, $6.400000000e+01;
	v48 =	vadd.s32 $0x1, v24;
	v24 =	vshll.u32 v24, $0x6  }
0x18b: {  	v25 =	vcvt.f32.s32 v25;
	vm10 =	vmand vm11, vm10;
	vm11 =	vlt.s32 v48, $0x3F  }
0x18c: {  	v24 =	vadd.s32 v22, v24;
	v23 =	vsub.f32 v23, v46;
	v51 =	vnsel vm11, $0x3F, v48  }
0x18d: {  	v54 =	vsel vm10, $0x3F800000, v17;
	v47 =	vcvt.s32.f32 v25;
	v49 =	vadd.s32 $0x1, v25  }
0x18e: {  	v26 =	vshll.u32 v51, $0x6;
	v57 =	vadd.s32 v25, v24;
	v53 =	vsub.f32 $1.000000000e+00, v23  }
0x18f: {  	vm12 =	vlt.s32 v49, $0x3F;
	v22 =	vadd.s32 v22, v26;
	v21 =	vsub.f32 v21, v47  }
0x190: {  	[tilespmem:$0x10610] =	vst v57;
	v52 =	vnsel vm12, $0x3F, v49;
	v59 =	vadd.s32 v25, v22;
	v55 =	vmul.f32 v53, v54  }
0x191: {  	v60 =	vperm.xlane v28, v18;
	v23 =	vmul.f32 v54, v23;
	[tilespmem:$0x10710] =	vst v59;
	v22 =	vadd.s32 v52, v22  }
0x192: {  	v24 =	vadd.s32 v52, v24;
	v58 =	vsub.f32 $1.000000000e+00, v21;
	[tilespmem:$0x10790] =	vst v22;
	v22 =	vmul.f32 v55, v21  }
0x193: {  	v62 =	vperm.xlane v28, v20;
	v25 =	vadd.s32 v19, v60;
	[tilespmem:$0x10690] =	vst v24;
	v21 =	vmul.f32 v23, v21  }
0x194: {  	v61 =	vmul.f32 v55, v58;
	[tilespmem:$0x10890] =	vst v22  }
0x195: {  	v63 =	vmul.f32 v23, v58;
	v22 =	vadd.s32 v19, v62;
	[tilespmem:$0x10990] =	vst v21  }
0x196: {  	[tilespmem:$0x10810] =	vst v61  }
0x197: {  	s4 =	simm.s32 $0x10A00;
	[tilespmem:$0x10910] =	vst v63  }
0x198: {  	[tilespmem:s4], [sflag:$0x2] =	stream.indirect_vreg.gather [hbm4b:s3+s18], $0x80, v25, vm9, $0xb8;
	[tilespmem:$0x1AA00] =	vst v63  }
0x199: {  	s5 =	simm.s32 $0x11200  }
0x19a: {  	[tilespmem:s5], [sflag:$0x2] =	stream.indirect_vreg.gather [hbm4b:s3+s18], $0x80, v22, vm9, $0xb8;
	[tilespmem:$0x1AA00] =	vst v63  }
0x19b: {  	v21 =	vld [tilespmem:$0x10610];
	_ =	sdelay $0x4  }
0x19c: {  	v22 =	vshll.u32 v21, $0x1  }
0x19d: {  	v21 =	vand.u32 $0x7, v21;
	v22 =	vand.u32 $0xFFFFFFF0, v22  }
0x19e: {  	v21 =	vor.u32 v21, v22  }
0x19f: {  	v22 =	vperm.xlane v21, v18;
	_ =	sdelay $0x1  }
0x1a0: {  	v21 =	vperm.xlane v21, v20;
	v22 =	vadd.s32 v19, v22;
	_ =	sdelay $0x1  }
0x1a1: {  	v21 =	vadd.s32 v19, v21;
	_ =	sdelay $0x1  }
0x1a2: {  	s6 =	simm.s32 $0x11A00  }
0x1a3: {  	[tilespmem:s6], [sflag:$0x2] =	stream.indirect_vreg.gather [hbm4b:s3+s18], $0x80, v22, vm9, $0xb8;
	[tilespmem:$0x1AA00] =	vst v63  }
0x1a4: {  	s7 =	simm.s32 $0x12200  }
0x1a5: {  	[tilespmem:s7], [sflag:$0x2] =	stream.indirect_vreg.gather [hbm4b:s3+s18], $0x80, v21, vm9, $0xb8;
	[tilespmem:$0x1AA00] =	vst v63  }
0x1a6: {  	v21 =	vld [tilespmem:$0x10680];
	_ =	sdelay $0x4  }
0x1a7: {  	v22 =	vshll.u32 v21, $0x1  }
0x1a8: {  	v21 =	vand.u32 $0x7, v21;
	v22 =	vand.u32 $0xFFFFFFF0, v22  }
0x1a9: {  	v21 =	vor.u32 v21, v22  }
0x1aa: {  	v22 =	vperm.xlane v21, v18;
	_ =	sdelay $0x1  }
0x1ab: {  	v21 =	vperm.xlane v21, v20;
	v22 =	vadd.s32 v19, v22;
	_ =	sdelay $0x1  }
0x1ac: {  	v21 =	vadd.s32 v19, v21;
	_ =	sdelay $0x1  }
0x1ad: {  	s8 =	simm.s32 $0x12A00  }
0x1ae: {  	[tilespmem:s8], [sflag:$0x2] =	stream.indirect_vreg.gather [hbm4b:s3+s18], $0x80, v22, vm9, $0xb8;
	[tilespmem:$0x1AA00] =	vst v63  }
0x1af: {  	s10 =	simm.s32 $0x13200  }
0x1b0: {  	[tilespmem:s10], [sflag:$0x2] =	stream.indirect_vreg.gather [hbm4b:s3+s18], $0x80, v21, vm9, $0xb8;
	[tilespmem:$0x1AA00] =	vst v63  }
0x1b1: {  	v21 =	vld [tilespmem:$0x10690];
	_ =	sdelay $0x4  }
0x1b2: {  	v22 =	vshll.u32 v21, $0x1  }
0x1b3: {  	v21 =	vand.u32 $0x7, v21;
	v22 =	vand.u32 $0xFFFFFFF0, v22  }
0x1b4: {  	v21 =	vor.u32 v21, v22  }
0x1b5: {  	v22 =	vperm.xlane v21, v18;
	_ =	sdelay $0x1  }
0x1b6: {  	v21 =	vperm.xlane v21, v20;
	v22 =	vadd.s32 v19, v22;
	_ =	sdelay $0x1  }
0x1b7: {  	v21 =	vadd.s32 v19, v21;
	_ =	sdelay $0x1  }
0x1b8: {  	s14 =	simm.s32 $0x13A00  }
0x1b9: {  	[tilespmem:s14], [sflag:$0x2] =	stream.indirect_vreg.gather [hbm4b:s3+s18], $0x80, v22, vm9, $0xb8;
	[tilespmem:$0x1AA00] =	vst v63  }
0x1ba: {  	s16 =	simm.s32 $0x14200  }
0x1bb: {  	[tilespmem:s16], [sflag:$0x2] =	stream.indirect_vreg.gather [hbm4b:s3+s18], $0x80, v21, vm9, $0xb8;
	[tilespmem:$0x1AA00] =	vst v63  }
0x1bc: {  	v21 =	vld [tilespmem:$0x10700];
	_ =	sdelay $0x4  }
0x1bd: {  	v22 =	vshll.u32 v21, $0x1  }
0x1be: {  	v21 =	vand.u32 $0x7, v21;
	v22 =	vand.u32 $0xFFFFFFF0, v22  }
0x1bf: {  	v21 =	vor.u32 v21, v22  }
0x1c0: {  	v22 =	vperm.xlane v21, v18;
	_ =	sdelay $0x1  }
0x1c1: {  	v21 =	vperm.xlane v21, v20;
	v22 =	vadd.s32 v19, v22;
	_ =	sdelay $0x1  }
0x1c2: {  	v21 =	vadd.s32 v19, v21;
	_ =	sdelay $0x1  }
0x1c3: {  	s19 =	simm.s32 $0x14A00  }
0x1c4: {  	[tilespmem:s19], [sflag:$0x2] =	stream.indirect_vreg.gather [hbm4b:s3+s18], $0x80, v22, vm9, $0xb8;
	[tilespmem:$0x1AA00] =	vst v63  }
0x1c5: {  	s20 =	simm.s32 $0x15200  }
0x1c6: {  	[tilespmem:s20], [sflag:$0x2] =	stream.indirect_vreg.gather [hbm4b:s3+s18], $0x80, v21, vm9, $0xb8;
	[tilespmem:$0x1AA00] =	vst v63  }
0x1c7: {  	v21 =	vld [tilespmem:$0x10710];
	_ =	sdelay $0x4  }
0x1c8: {  	v22 =	vshll.u32 v21, $0x1  }
0x1c9: {  	v21 =	vand.u32 $0x7, v21;
	v22 =	vand.u32 $0xFFFFFFF0, v22  }
0x1ca: {  	v21 =	vor.u32 v21, v22  }
0x1cb: {  	v22 =	vperm.xlane v21, v18;
	_ =	sdelay $0x1  }
0x1cc: {  	v21 =	vperm.xlane v21, v20;
	v22 =	vadd.s32 v19, v22;
	_ =	sdelay $0x1  }
0x1cd: {  	v21 =	vadd.s32 v19, v21;
	_ =	sdelay $0x1  }
0x1ce: {  	s21 =	simm.s32 $0x15A00  }
0x1cf: {  	[tilespmem:s21], [sflag:$0x2] =	stream.indirect_vreg.gather [hbm4b:s3+s18], $0x80, v22, vm9, $0xb8;
	[tilespmem:$0x1AA00] =	vst v63  }
0x1d0: {  	s22 =	simm.s32 $0x16200  }
0x1d1: {  	[tilespmem:s22], [sflag:$0x2] =	stream.indirect_vreg.gather [hbm4b:s3+s18], $0x80, v21, vm9, $0xb8;
	[tilespmem:$0x1AA00] =	vst v63  }
0x1d2: {  	v21 =	vld [tilespmem:$0x10780];
	_ =	sdelay $0x4  }
0x1d3: {  	v22 =	vshll.u32 v21, $0x1  }
0x1d4: {  	v21 =	vand.u32 $0x7, v21;
	v22 =	vand.u32 $0xFFFFFFF0, v22  }
0x1d5: {  	v21 =	vor.u32 v21, v22  }
0x1d6: {  	v22 =	vperm.xlane v21, v18;
	_ =	sdelay $0x1  }
0x1d7: {  	v21 =	vperm.xlane v21, v20;
	v22 =	vadd.s32 v19, v22;
	_ =	sdelay $0x1  }
0x1d8: {  	v21 =	vadd.s32 v19, v21;
	_ =	sdelay $0x1  }
0x1d9: {  	s23 =	simm.s32 $0x16A00  }
0x1da: {  	[tilespmem:s23], [sflag:$0x2] =	stream.indirect_vreg.gather [hbm4b:s3+s18], $0x80, v22, vm9, $0xb8;
	[tilespmem:$0x1AA00] =	vst v63  }
0x1db: {  	s24 =	simm.s32 $0x17200  }
0x1dc: {  	[tilespmem:s24], [sflag:$0x2] =	stream.indirect_vreg.gather [hbm4b:s3+s18], $0x80, v21, vm9, $0xb8;
	[tilespmem:$0x1AA00] =	vst v63  }
0x1dd: {  	v21 =	vld [tilespmem:$0x10790];
	_ =	sdelay $0x4  }
0x1de: {  	v22 =	vshll.u32 v21, $0x1  }
0x1df: {  	v21 =	vand.u32 $0x7, v21;
	v22 =	vand.u32 $0xFFFFFFF0, v22  }
0x1e0: {  	v21 =	vor.u32 v21, v22  }
0x1e1: {  	v22 =	vperm.xlane v21, v18;
	_ =	sdelay $0x1  }
0x1e2: {  	v21 =	vperm.xlane v21, v20;
	v22 =	vadd.s32 v19, v22;
	_ =	sdelay $0x1  }
0x1e3: {  	v21 =	vadd.s32 v19, v21;
	_ =	sdelay $0x1  }
0x1e4: {  	s25 =	simm.s32 $0x17A00  }
0x1e5: {  	[tilespmem:s25], [sflag:$0x2] =	stream.indirect_vreg.gather [hbm4b:s3+s18], $0x80, v22, vm9, $0xb8;
	[tilespmem:$0x1AA00] =	vst v63  }
0x1e6: {  	s26 =	simm.s32 $0x18200;
	s28 =	simm.s32 $0x1  }
0x1e7: {  	[tilespmem:s26], [sflag:$0x2] =	stream.indirect_vreg.gather [hbm4b:s3+s18], $0x80, v21, vm9, $0xb8;
	[tilespmem:$0x1AA00] =	vst v63  }
0x1e8: {  	_ =	swait.ge [sflag:s28], $0x2000  }
0x1e9: {  	[sflag:s28] =	ssyncset.done $0x0  }
0x1ea: {  	[sflag:s28] =	ssyncadd.s32 $0xFFFFE000  }
0x1eb: {  	_ =	swait.ge [sflag:s28], $0x2000  }
0x1ec: {  	[sflag:s28] =	ssyncset.done $0x0  }
0x1ed: {  	[sflag:s28] =	ssyncadd.s32 $0xFFFFE000  }
0x1ee: {  	_ =	swait.ge [sflag:s28], $0x2000  }
0x1ef: {  	[sflag:s28] =	ssyncset.done $0x0  }
0x1f0: {  	[sflag:s28] =	ssyncadd.s32 $0xFFFFE000  }
0x1f1: {  	_ =	swait.ge [sflag:s28], $0x2000  }
0x1f2: {  	[sflag:s28] =	ssyncset.done $0x0  }
0x1f3: {  	s0 =	simm.s32 $0x0;
	s19 =	simm.s32 $0x0;
	[sflag:s28] =	ssyncadd.s32 $0xFFFFE000  }
.LBB2_3:
0x1f4: {  	s1 =	sand.u32 $0x1800, s18;
	s4 =	sand.u32 $0x380, s0  }
0x1f5: {  	s20 =	sor.u32 s4, s1  }
0x1f6: {  	v25 =	vld [tilespmem:s20+$0x6600]  }
0x1f7: {  	v26 =	vld [tilespmem:s20+$0x8600]  }
0x1f8: {  	v27 =	vld [tilespmem:s20+$0xA600]  }
0x1f9: {  	v28 =	vld [tilespmem:s20+$0xC600]  }
0x1fa: {  	v29 =	vld [tilespmem:s20+$0x6610]  }
0x1fb: {  	v30 =	vld [tilespmem:s20+$0x8610]  }
0x1fc: {  	v31 =	vld [tilespmem:s20+$0xA610]  }
0x1fd: {  	v32 =	vld [tilespmem:s20+$0xC610]  }
0x1fe: {  	v33 =	vld [tilespmem:s20+$0x6620]  }
0x1ff: {  	v34 =	vld [tilespmem:s20+$0x8620]  }
0x200: {  	v35 =	vld [tilespmem:s20+$0xA620]  }
0x201: {  	v36 =	vld [tilespmem:s20+$0xC620]  }
0x202: {  	v37 =	vld [tilespmem:s20+$0x6630]  }
0x203: {  	v38 =	vld [tilespmem:s20+$0x8630]  }
0x204: {  	v39 =	vld [tilespmem:s20+$0xA630]  }
0x205: {  	v40 =	vld [tilespmem:s20+$0xC630]  }
0x206: {  	v41 =	vld [tilespmem:s20+$0x6640]  }
0x207: {  	v42 =	vld [tilespmem:s20+$0x8640]  }
0x208: {  	v43 =	vld [tilespmem:s20+$0xA640]  }
0x209: {  	v44 =	vld [tilespmem:s20+$0xC640]  }
0x20a: {  	v45 =	vld [tilespmem:s20+$0x6650]  }
0x20b: {  	v46 =	vld [tilespmem:s20+$0x8650]  }
0x20c: {  	v47 =	vld [tilespmem:s20+$0xA650]  }
0x20d: {  	v21 =	vmov s19;
	v48 =	vld [tilespmem:s20+$0xC650]  }
0x20e: {  	v49 =	vld [tilespmem:s20+$0x6660]  }
0x20f: {  	v50 =	vld [tilespmem:s20+$0x8660]  }
0x210: {  	v51 =	vld [tilespmem:s20+$0xA660]  }
0x211: {  	v52 =	vld [tilespmem:s20+$0xC660]  }
0x212: {  	v23 =	vld.idx.msk [tilespmem:v21+s29+$0x0], $0xffff  }
0x213: {  	v24 =	vld.idx.msk [tilespmem:v21+s30+$0x0], $0xffff  }
0x214: {  	v53 =	vld [tilespmem:s20+$0x6670]  }
0x215: {  	v22 =	vld.idx.msk [tilespmem:v21+s31+$0x0], $0xffff  }
0x216: {  	v54 =	vld [tilespmem:s20+$0x8670]  }
0x217: {  	v55 =	vld [tilespmem:s20+$0xA670]  }
0x218: {  	v21 =	vld.idx.msk [tilespmem:v21+s2+$0x0], $0xffff;
	v25 =	vmul.f32 v25, v23;
	v26 =	vmul.f32 v26, v24  }
0x219: {  	v57 =	vld [tilespmem:s20+$0x6A00];
	v29 =	vmul.f32 v29, v23;
	v30 =	vmul.f32 v30, v24  }
0x21a: {  	v56 =	vld [tilespmem:s20+$0xC670];
	v61 =	vmul.f32 v27, v22;
	v62 =	vmul.f32 v31, v22  }
0x21b: {  	v27 =	vld [tilespmem:s20+$0x8A00];
	v63 =	vmul.f32 v33, v23;
	v58 =	vmul.f32 v34, v24  }
0x21c: {  	v31 =	vld [tilespmem:s20+$0xAA00];
	v59 =	vmul.f32 v37, v23;
	v60 =	vmul.f32 v38, v24  }
0x21d: {  	v34 =	vld [tilespmem:s20+$0xCA00];
	v28 =	vmul.f32 v28, v21;
	v32 =	vmul.f32 v32, v21  }
0x21e: {  	v38 =	vld [tilespmem:s20+$0x6A10];
	v55 =	vmul.f32 v55, v22;
	v57 =	vmul.f32 v57, v23;
	v25 =	vadd.f32 v26, v25  }
0x21f: {  	v33 =	vld [tilespmem:s20+$0xCA10];
	v52 =	vmul.f32 v52, v21;
	v29 =	vadd.f32 v30, v29;
	v26 =	vadd.f32 v58, v63  }
0x220: {  	v30 =	vadd.f32 v60, v59;
	v63 =	vmul.f32 v36, v21;
	v58 =	vmul.f32 v40, v21;
	v36 =	vld [tilespmem:s20+$0x6A20]  }
0x221: {  	v59 =	vmul.f32 v41, v23;
	v60 =	vmul.f32 v42, v24;
	v40 =	vld [tilespmem:s20+$0x8A20];
	v25 =	vadd.f32 v61, v25  }
0x222: {  	v42 =	vld [tilespmem:s20+$0xAA20];
	v29 =	vadd.f32 v62, v29;
	v61 =	vmul.f32 v35, v22;
	v62 =	vmul.f32 v39, v22  }
0x223: {  	v35 =	vld [tilespmem:s20+$0x8A10];
	v27 =	vmul.f32 v27, v24;
	v38 =	vmul.f32 v38, v23  }
0x224: {  	v39 =	vld [tilespmem:s20+$0xAA10];
	v31 =	vmul.f32 v31, v22;
	v33 =	vmul.f32 v33, v21;
	v25 =	vadd.f32 v28, v25  }
0x225: {  	v26 =	vadd.f32 v61, v26;
	v30 =	vadd.f32 v62, v30;
	v62 =	vmul.f32 v46, v24;
	v46 =	vld [tilespmem:s20+$0x6A30]  }
0x226: {  	v29 =	vadd.f32 v32, v29;
	v28 =	vadd.f32 v60, v59;
	v60 =	vmul.f32 v48, v21;
	v48 =	vld [tilespmem:s20+$0x8A30]  }
0x227: {  	v61 =	vmul.f32 v45, v23;
	v59 =	vmul.f32 v47, v22;
	v47 =	vld [tilespmem:s20+$0xCA30];
	v27 =	vadd.f32 v27, v57  }
0x228: {  	v45 =	vld [tilespmem:s20+$0xAA40];
	v26 =	vadd.f32 v63, v26;
	v30 =	vadd.f32 v58, v30;
	v63 =	vmul.f32 v43, v22  }
0x229: {  	v58 =	vmul.f32 v44, v21;
	v44 =	vld [tilespmem:s20+$0xCA20];
	v32 =	vadd.f32 v62, v61;
	v61 =	vmul.f32 v49, v23  }
0x22a: {  	v62 =	vmul.f32 v50, v24;
	v50 =	vld [tilespmem:s20+$0xAA30];
	v35 =	vmul.f32 v35, v24;
	v27 =	vadd.f32 v31, v27  }
0x22b: {  	v49 =	vld [tilespmem:s20+$0x6A40];
	v28 =	vadd.f32 v63, v28;
	v32 =	vadd.f32 v59, v32;
	v63 =	vmul.f32 v53, v23  }
0x22c: {  	v43 =	vld [tilespmem:s20+$0xCA40];
	v53 =	vmul.f32 v54, v24;
	v37 =	vadd.f32 v62, v61;
	v54 =	vmul.f32 v51, v22  }
0x22d: {  	v51 =	vld [tilespmem:s20+$0x8A40];
	v59 =	vmul.f32 v39, v22;
	v61 =	vmul.f32 v36, v23;
	v35 =	vadd.f32 v35, v38  }
0x22e: {  	v39 =	vld [tilespmem:s20+$0x6A50];
	v62 =	vmul.f32 v40, v24;
	v28 =	vadd.f32 v58, v28;
	v32 =	vadd.f32 v60, v32  }
0x22f: {  	v40 =	vld [tilespmem:s20+$0xCA50];
	v41 =	vadd.f32 v53, v63;
	v37 =	vadd.f32 v54, v37;
	v58 =	vmul.f32 v56, v21  }
0x230: {  	v38 =	vld [tilespmem:s20+$0xAA50];
	v60 =	vmul.f32 v34, v21;
	v63 =	vmul.f32 v46, v23;
	v53 =	vadd.f32 v62, v61  }
0x231: {  	v34 =	vld [tilespmem:s20+$0x8A50];
	v54 =	vmul.f32 v42, v22;
	v35 =	vadd.f32 v59, v35;
	v59 =	vmul.f32 v47, v21  }
0x232: {  	v56 =	vld [tilespmem:s20+$0x8A60];
	v61 =	vmul.f32 v49, v23;
	v41 =	vadd.f32 v55, v41;
	v37 =	vadd.f32 v52, v37  }
0x233: {  	[tilespmem:s20+$0xE600] =	vst v25;
	v27 =	vadd.f32 v60, v27;
	v52 =	vmul.f32 v48, v24;
	v48 =	vld [tilespmem:s20+$0x6A60];
	v55 =	vmul.f32 v44, v21  }
0x234: {  	[tilespmem:s20+$0xE610] =	vst v29;
	v60 =	vld [tilespmem:s20+$0x6A70];
	v25 =	vadd.f32 v54, v53;
	v33 =	vadd.f32 v33, v35;
	v62 =	vmul.f32 v51, v24  }
0x235: {  	[tilespmem:s20+$0xE620] =	vst v26;
	v39 =	vmul.f32 v39, v23;
	v41 =	vadd.f32 v58, v41;
	v57 =	vadd.f32 v52, v63;
	v63 =	vld [tilespmem:s20+$0x8A70]  }
0x236: {  	[tilespmem:s20+$0xE630] =	vst v30;
	v49 =	vld [tilespmem:s20+$0xAA60];
	v58 =	vmul.f32 v50, v22;
	v25 =	vadd.f32 v55, v25;
	v50 =	vmul.f32 v45, v22  }
0x237: {  	[tilespmem:s20+$0xE640] =	vst v28;
	v51 =	vld [tilespmem:s20+$0xAA70];
	v52 =	vmul.f32 v38, v22;
	v34 =	vmul.f32 v34, v24;
	v26 =	vadd.f32 v62, v61  }
0x238: {  	[tilespmem:s20+$0xE650] =	vst v32;
	v53 =	vld [tilespmem:s20+$0xCA60];
	v55 =	vmul.f32 v56, v24;
	v29 =	vadd.f32 v58, v57;
	v58 =	vmul.f32 v43, v21  }
0x239: {  	[tilespmem:s20+$0xE660] =	vst v37;
	v56 =	vld [tilespmem:s20+$0xCA70];
	v30 =	vadd.f32 v34, v39;
	v54 =	vmul.f32 v48, v23;
	v23 =	vmul.f32 v60, v23  }
0x23a: {  	[tilespmem:s20+$0xEA00] =	vst v27;
	v26 =	vadd.f32 v50, v26;
	v60 =	vmul.f32 v40, v21;
	v24 =	vmul.f32 v63, v24  }
0x23b: {  	[tilespmem:s20+$0xEA10] =	vst v33;
	v29 =	vadd.f32 v59, v29;
	v59 =	vmul.f32 v49, v22;
	v57 =	vadd.f32 v55, v54  }
0x23c: {  	[tilespmem:s20+$0xE670] =	vst v41;
	v22 =	vmul.f32 v51, v22;
	v30 =	vadd.f32 v52, v30;
	v23 =	vadd.f32 v24, v23  }
0x23d: {  	p0 =	sne.s32 s19, $0x1F;
	[tilespmem:s20+$0xEA20] =	vst v25;
	v61 =	vadd.f32 v58, v26;
	v63 =	vmul.f32 v53, v21;
	v62 =	vadd.f32 v59, v57  }
.Ltmp0:
0x23e: {  	[tilespmem:s20+$0xEA30] =	vst v29;
	v21 =	vmul.f32 v56, v21;
	v24 =	vadd.f32 v60, v30;
	v22 =	vadd.f32 v22, v23;
	(pc) =	sbr.rel @p0 .LBB2_3-.Ltmp0, $4  }
0x23f: {  	[tilespmem:s20+$0xEA40] =	vst v61;
	v23 =	vadd.f32 v63, v62  }
0x240: {  	[tilespmem:s20+$0xEA50] =	vst v24;
	v21 =	vadd.f32 v21, v22  }
0x241: {  	[tilespmem:s20+$0xEA60] =	vst v23  }
0x242: {  	s0 =	sadd.s32 $0x80, s0;
	s18 =	sadd.s32 $0x100, s18;
	s19 =	sadd.s32 $0x1, s19;
	[tilespmem:s20+$0xEA70] =	vst v21  }
0x243: {  	s0 =	rddreg [dreg:$0x7]  }
0x244: {  	s0 =	sadd.s32 s17, s0  }
0x245: {  	v21 =	vor.u32 s0, v0  }
0x246: {  	s1 =	sshll.u32 s15, $0xE;
	s4 =	rddreg [dreg:$0x6];
	v22 =	vmulhi.u32 $0x5397829D, v21  }
0x247: {  	s1 =	sadd.s32 s4, s1  }
0x248: {  	s20 =	rddreg [dreg:$0x5];
	s21 =	simm.s32 $0xE600;
	s1 =	sshrl.u32 s1, $0x3;
	v24 =	vshrl.u32 v22, $0x4  }
0x249: {  	s7 =	simm.s32 $0x3;
	s17 =	simm.s32 $0x0;
	s1 =	sadd.s32 s20, s1;
	v22 =	vmul.u32 $0xFFFFFFCF, v24  }
0x24a: {  	[hbm4b:s1+s17] =	stream.linear.scatter [tilespmem:s21], [sflag:$0x3], $0x2000, $0x38;
	[tilespmem:$0x1AA00] =	vst v63  }
0x24b: {  	_ =	swait.ge [sflag:s7], $0x2000;
	v23 =	vadd.s32 v21, v22  }
0x24c: {  	(v2sf) =	vpush v23, $0xD;
	_ =	sdelay $0x1  }
0x24d: {  	(v2sf) =	vpush v23, $0xC;
	_ =	sdelay $0x1  }
0x24e: {  	(v2sf) =	vpush v23, $0xE  }
0x24f: {  	(v2sf) =	vpush v23, $0xF;
	_ =	sdelay $0x1  }
0x250: {  	(v2sf) =	vpush v23, $0x9;
	_ =	sdelay $0x1  }
0x251: {  	(v2sf) =	vpush v23, $0x8;
	_ =	sdelay $0x1  }
0x252: {  	(v2sf) =	vpush v23, $0xA;
	_ =	sdelay $0x1  }
0x253: {  	(v2sf) =	vpush v23, $0xB;
	_ =	sdelay $0x1  }
0x254: {  	s22 =	spop (v2sf)  }
0x255: {  	(v2sf) =	vpush v23, $0x1;
	s23 =	smulhi.u32 $0x92492493, s22;
	s5 =	sshra.s32 s22, $0x1F  }
0x256: {  	[sflag:s7] =	ssyncset.done $0x0;
	s6 =	spop (v2sf);
	s5 =	smul.u32 $0x92492493, s5  }
0x257: {  	[sflag:s7] =	ssyncadd.s32 $0xFFFFE000;
	(v2sf) =	vpush v23, $0x0;
	s24 =	smulhi.u32 $0x92492493, s6;
	s8 =	sshra.s32 s6, $0x1F  }
0x258: {  	s26 =	spop (v2sf);
	s1 =	ssub.s32 s23, s22;
	s25 =	smul.u32 $0x92492493, s8  }
0x259: {  	(v2sf) =	vpush v23, $0x2;
	s28 =	smulhi.u32 $0x92492493, s26;
	s14 =	sshra.s32 s26, $0x1F;
	s16 =	spop (v2sf)  }
0x25a: {  	s19 =	sadd.s32 s5, s1;
	s6 =	ssub.s32 s24, s6;
	s5 =	smul.u32 $0x92492493, s14  }
0x25b: {  	(v2sf) =	vpush v23, $0x3;
	s18 =	smulhi.u32 $0x92492493, s16;
	s10 =	sshra.s32 s16, $0x1F;
	s21 =	spop (v2sf)  }
0x25c: {  	(v2sf) =	vpush v23, $0x4;
	s4 =	sadd.s32 s25, s6;
	s1 =	ssub.s32 s28, s26;
	s20 =	smul.u32 $0x92492493, s10  }
0x25d: {  	s22 =	smulhi.u32 $0x92492493, s21;
	s14 =	sshra.s32 s21, $0x1F;
	s24 =	spop (v2sf);
	(v2sf) =	vpush v23, $0x5  }
0x25e: {  	s1 =	sadd.s32 s5, s1;
	s6 =	ssub.s32 s18, s16;
	s23 =	smul.u32 $0x92492493, s14  }
0x25f: {  	s25 =	smulhi.u32 $0x92492493, s24;
	s16 =	sshra.s32 s24, $0x1F;
	s28 =	spop (v2sf)  }
0x260: {  	s6 =	sadd.s32 s20, s6;
	s5 =	ssub.s32 s22, s21;
	s26 =	smul.u32 $0x92492493, s16  }
0x261: {  	s21 =	smulhi.u32 $0x92492493, s28;
	s18 =	sshra.s32 s28, $0x1F;
	s20 =	spop (v2sf)  }
0x262: {  	s5 =	sadd.s32 s23, s5;
	s8 =	ssub.s32 s25, s24;
	s22 =	smul.u32 $0x92492493, s18  }
0x263: {  	(v2sf) =	vpush v23, $0x6;
	s23 =	smulhi.u32 $0x92492493, s20;
	s24 =	sshra.s32 s20, $0x1F;
	s7 =	ssub.s32 s21, s28  }
0x264: {  	s16 =	smul.u32 $0x92492493, s24;
	s24 =	sor.u32 $0x10, s0;
	s21 =	spop (v2sf)  }
0x265: {  	(v2sf) =	vpush v23, $0x7;
	s8 =	sadd.s32 s26, s8;
	v21 =	vor.u32 s24, v0;
	s25 =	smulhi.u32 $0x92492493, s21;
	s26 =	sshra.s32 s21, $0x1F  }
0x266: {  	s18 =	sadd.s32 s22, s7;
	v22 =	vmulhi.u32 $0x5397829D, v21;
	s28 =	spop (v2sf);
	s14 =	smul.u32 $0x92492493, s26  }
0x267: {  	s10 =	ssub.s32 s23, s20;
	s22 =	smulhi.u32 $0x92492493, s28;
	s23 =	sshra.s32 s28, $0x1F  }
0x268: {  	s0 =	sadd.s32 s16, s10;
	v22 =	vshrl.u32 v22, $0x4;
	s16 =	spop (v2sf);
	s10 =	smul.u32 $0x92492493, s23  }
0x269: {  	v26 =	vmul.u32 $0xFFFFFFCF, v22;
	s7 =	ssub.s32 s25, s21;
	s24 =	smulhi.u32 $0x92492493, s16;
	s25 =	sshra.s32 s16, $0x1F  }
0x26a: {  	v25 =	vmov s4;
	s23 =	spop (v2sf);
	s7 =	sadd.s32 s14, s7;
	s14 =	smul.u32 $0x92492493, s25  }
0x26b: {  	v24 =	vmin.u32 v24, $0x1387;
	v25 =	vsel vm0, s19, v25;
	v21 =	vadd.s32 v21, v26;
	s26 =	ssub.s32 s22, s28;
	s22 =	spop (v2sf);
	s24 =	ssub.s32 s24, s16  }
0x26c: {  	v24 =	vmul.u32 $0x5, v24;
	v25 =	vsel vm1, s1, v25;
	s1 =	sadd.s32 s14, s24;
	s14 =	spop (v2sf);
	(v2sf) =	vpush v21, $0xD  }
0x26d: {  	s20 =	smulhi.u32 $0x92492493, s23;
	s28 =	sshra.s32 s23, $0x1F  }
0x26e: {  	v29 =	vadd.s32 $0x2, v24;
	s19 =	smul.u32 $0x92492493, s28;
	(v2sf) =	vpush v21, $0xC  }
0x26f: {  	v30 =	vadd.s32 $0x4, v24;
	s4 =	sadd.s32 s10, s26;
	s25 =	smulhi.u32 $0x92492493, s22;
	s26 =	sshra.s32 s22, $0x1F  }
0x270: {  	v28 =	vadd.s32 $0x1, v24;
	s28 =	smul.u32 $0x92492493, s26;
	(v2sf) =	vpush v21, $0xE  }
0x271: {  	v40 =	vmov s8;
	v27 =	vmov s4;
	s20 =	ssub.s32 s20, s23;
	s8 =	smulhi.u32 $0x92492493, s14;
	s21 =	sshra.s32 s14, $0x1F;
	(v2sf) =	vpush v21, $0xF  }
0x272: {  	v26 =	vsel vm0, s5, v40;
	v27 =	vnsel vm2, $0x0, v27;
	s4 =	sadd.s32 s19, s20;
	s10 =	spop (v2sf);
	s5 =	smul.u32 $0x92492493, s21;
	(v2sf) =	vpush v21, $0x9  }
0x273: {  	v31 =	vadd.s32 $0x3, v24;
	v42 =	vld.idx.msk [tilespmem:v29+s17+$0x0], $0xffff;
	s22 =	ssub.s32 s25, s22;
	v27 =	vsel vm0, s7, v27;
	s23 =	smulhi.u32 $0x92492493, s10;
	s24 =	sshra.s32 s10, $0x1F  }
0x274: {  	v43 =	vld.idx.msk [tilespmem:v30+s17+$0x0], $0xffff;
	s25 =	sadd.s32 s28, s22;
	s28 =	spop (v2sf);
	v27 =	vsel vm1, s1, v27;
	s26 =	smul.u32 $0x92492493, s24;
	(v2sf) =	vpush v21, $0x8  }
0x275: {  	s19 =	ssub.s32 s8, s14;
	s20 =	smulhi.u32 $0x92492493, s28;
	s21 =	sshra.s32 s28, $0x1F;
	v27 =	vsel vm3, s4, v27  }
0x276: {  	v24 =	vld.idx.msk [tilespmem:v24+s17+$0x0], $0xffff;
	v26 =	vsel vm1, s18, v26;
	s22 =	sadd.s32 s5, s19;
	s23 =	ssub.s32 s23, s10;
	s24 =	smul.u32 $0x92492493, s21;
	v27 =	vsel vm4, s25, v27;
	(v2sf) =	vpush v21, $0xA  }
0x277: {  	v28 =	vld.idx.msk [tilespmem:v28+s17+$0x0], $0xffff;
	v25 =	vsel vm3, s6, v25;
	v26 =	vsel vm3, s0, v26;
	s25 =	sadd.s32 s26, s23;
	s26 =	ssub.s32 s20, s28;
	v27 =	vsel vm5, s22, v27  }
0x278: {  	v44 =	vld.idx.msk [tilespmem:v31+s17+$0x0], $0xffff;
	v25 =	vcombine.low v26, v25;
	s28 =	sadd.s32 s24, s26;
	v41 =	vsel vm6, s25, v27;
	(v2sf) =	vpush v21, $0xB  }
0x279: {  	v45 =	vmul.f32 $6.250000000e-02, v42;
	v46 =	vmul.f32 $6.250000000e-02, v43;
	v26 =	vsel vm7, s28, v41  }
0x27a: {  	v25 =	vperm.xlane v25, v1;
	(v2sf) =	vpush v21, $0x1;
	v26 =	vperm.xlane v26, v2  }
0x27b: {  	(v2sf) =	vpush v21, $0x0;
	s1 =	spop (v2sf)  }
0x27c: {  	v24 =	vtrunc.f32 v24;
	v27 =	vsub.f32 v46, v45;
	v25 =	vsel vm8, v26, v25;
	s5 =	smulhi.u32 $0x92492493, s1;
	s6 =	sshra.s32 s1, $0x1F  }
0x27d: {  	v28 =	vmul.f32 $6.250000000e-02, v28;
	v30 =	vmul.f32 $6.250000000e-02, v44;
	v25 =	vadd.s32 v23, v25;
	s7 =	spop (v2sf);
	s4 =	smul.u32 $0x92492493, s6  }
0x27e: {  	v27 =	vmax.f32 v27, $0.0e+00;
	v47 =	vshrl.u32 v25, $0x1F;
	v25 =	vshra.s32 v25, $0x2;
	s23 =	smulhi.u32 $0x92492493, s7;
	s24 =	sshra.s32 s7, $0x1F  }
0x27f: {  	v48 =	vsub.f32 v30, v28;
	v27 =	vmul.f32 $1.666666720e-01, v27;
	v25 =	vadd.s32 v47, v25;
	s14 =	spop (v2sf);
	s8 =	smul.u32 $0x92492493, s24  }
0x280: {  	(v2sf) =	vpush v21, $0x2;
	v49 =	vmul.u32 $0xFFFFFFF9, v25;
	v25 =	vcvt.s32.f32 v25;
	s10 =	spop (v2sf);
	s25 =	smulhi.u32 $0x92492493, s14;
	s26 =	sshra.s32 s14, $0x1F  }
0x281: {  	v24 =	vcvt.f32.s32 v24;
	v29 =	vmax.f32 v48, $0.0e+00;
	s0 =	ssub.s32 s5, s1;
	s21 =	spop (v2sf);
	s16 =	smul.u32 $0x92492493, s26  }
0x282: {  	v23 =	vadd.s32 v23, v49;
	v25 =	vmul.f32 v25, v27;
	(v2sf) =	vpush v21, $0x3;
	s1 =	smulhi.u32 $0x92492493, s10;
	s28 =	sshra.s32 s10, $0x1F;
	s0 =	sadd.s32 s4, s0  }
0x283: {  	v29 =	vmul.f32 $1.666666720e-01, v29;
	v23 =	vcvt.s32.f32 v23;
	s19 =	ssub.s32 s23, s7;
	s22 =	spop (v2sf);
	s5 =	smul.u32 $0x92492493, s28  }
0x284: {  	v25 =	vadd.f32 v25, v45;
	s7 =	smulhi.u32 $0x92492493, s21;
	s20 =	sshra.s32 s21, $0x1F;
	(v2sf) =	vpush v21, $0x4;
	s19 =	sadd.s32 s8, s19  }
0x285: {  	v24 =	vshll.u32 v24, $0xC;
	v23 =	vmul.f32 v23, v29;
	s23 =	ssub.s32 s25, s14;
	s24 =	spop (v2sf);
	s6 =	smul.u32 $0x92492493, s20  }
0x286: {  	v22 =	vmin.u32 v22, $0x1387;
	v26 =	vmax.f32 v25, $0.0e+00;
	s8 =	smulhi.u32 $0x92492493, s22;
	s26 =	sshra.s32 s22, $0x1F;
	(v2sf) =	vpush v21, $0x5;
	s18 =	sadd.s32 s16, s23  }
0x287: {  	vm10 =	vge.f32 v25, $0.0e+00;
	s1 =	ssub.s32 s1, s10;
	v23 =	vadd.f32 v23, v28;
	v26 =	vmin.f32 v26, $6.300000000e+01;
	s25 =	spop (v2sf);
	s4 =	smul.u32 $0x92492493, s26  }
0x288: {  	vm11 =	vlt.f32 v25, $6.400000000e+01;
	s10 =	smulhi.u32 $0x92492493, s24;
	s28 =	sshra.s32 s24, $0x1F;
	(v2sf) =	vpush v21, $0x6;
	s20 =	sadd.s32 s5, s1;
	v26 =	vtrunc.f32 v26  }
0x289: {  	s21 =	ssub.s32 s7, s21;
	s16 =	spop (v2sf);
	s5 =	smul.u32 $0x92492493, s28;
	v50 =	vmax.f32 v23, $0.0e+00;
	v26 =	vcvt.f32.s32 v26;
	vm12 =	vge.f32 v23, $0.0e+00  }
0x28a: {  	s7 =	smulhi.u32 $0x92492493, s25;
	s23 =	sshra.s32 s25, $0x1F;
	s26 =	spop (v2sf);
	(v2sf) =	vpush v21, $0x7;
	v27 =	vmin.f32 v50, $6.300000000e+01;
	vm10 =	vmand vm10, vm12  }
0x28b: {  	s21 =	sadd.s32 s6, s21;
	s1 =	smul.u32 $0x92492493, s23;
	s23 =	ssub.s32 s8, s22;
	v27 =	vtrunc.f32 v27;
	v51 =	vcvt.s32.f32 v26;
	vm10 =	vmand vm10, vm11  }
0x28c: {  	s8 =	smulhi.u32 $0x92492493, s16;
	s14 =	sshra.s32 s16, $0x1F;
	s22 =	ssub.s32 s10, s24;
	vm11 =	vlt.f32 v23, $6.400000000e+01;
	v53 =	vadd.s32 $0x1, v26;
	v26 =	vshll.u32 v26, $0x6  }
0x28d: {  	s23 =	sadd.s32 s4, s23;
	s6 =	smul.u32 $0x92492493, s14;
	s22 =	sadd.s32 s5, s22;
	v27 =	vcvt.f32.s32 v27;
	vm10 =	vmand vm11, vm10;
	vm11 =	vlt.s32 v53, $0x3F  }
0x28e: {  	s4 =	smulhi.u32 $0x92492493, s26;
	s24 =	sshra.s32 s26, $0x1F;
	s7 =	ssub.s32 s7, s25;
	v26 =	vadd.s32 v24, v26;
	v25 =	vsub.f32 v25, v51;
	v55 =	vnsel vm11, $0x3F, v53  }
0x28f: {  	s5 =	smul.u32 $0x92492493, s24;
	s8 =	ssub.s32 s8, s16;
	v58 =	vsel vm10, $0x3F800000, v17;
	v52 =	vcvt.s32.f32 v27;
	v54 =	vadd.s32 $0x1, v27;
	s28 =	spop (v2sf)  }
0x290: {  	s24 =	sadd.s32 s1, s7;
	v28 =	vshll.u32 v55, $0x6;
	v60 =	vadd.s32 v27, v26;
	v57 =	vsub.f32 $1.000000000e+00, v25;
	s14 =	smulhi.u32 $0x92492493, s28;
	s25 =	sshra.s32 s28, $0x1F  }
0x291: {  	s1 =	sadd.s32 s6, s8;
	vm12 =	vlt.s32 v54, $0x3F;
	v24 =	vadd.s32 v24, v28;
	v23 =	vsub.f32 v23, v52;
	s6 =	smul.u32 $0x92492493, s25;
	s10 =	spop (v2sf)  }
0x292: {  	s4 =	ssub.s32 s4, s26;
	[tilespmem:$0x6200] =	vst v60;
	v56 =	vnsel vm12, $0x3F, v54;
	v62 =	vadd.s32 v27, v24;
	v59 =	vmul.f32 v57, v58;
	s7 =	smulhi.u32 $0x92492493, s10;
	s25 =	sshra.s32 s10, $0x1F  }
0x293: {  	v22 =	vmul.u32 $0x5, v22;
	s4 =	sadd.s32 s5, s4;
	v25 =	vmul.f32 v58, v25;
	v26 =	vadd.s32 v56, v26;
	[tilespmem:$0x6300] =	vst v62;
	s16 =	spop (v2sf);
	s5 =	smul.u32 $0x92492493, s25  }
0x294: {  	v24 =	vadd.s32 v56, v24;
	v61 =	vsub.f32 $1.000000000e+00, v23;
	[tilespmem:$0x6280] =	vst v26;
	s26 =	ssub.s32 s14, s28;
	v32 =	vmul.f32 v59, v23;
	s14 =	smulhi.u32 $0x92492493, s16;
	s28 =	sshra.s32 s16, $0x1F  }
0x295: {  	v36 =	vadd.s32 $0x2, v22;
	[tilespmem:$0x6380] =	vst v24;
	s6 =	sadd.s32 s6, s26;
	v23 =	vmul.f32 v25, v23;
	s8 =	spop (v2sf);
	s25 =	smul.u32 $0x92492493, s28  }
0x296: {  	v38 =	vadd.s32 $0x4, v22;
	v35 =	vmov s4;
	v63 =	vmul.f32 v59, v61;
	[tilespmem:$0x6480] =	vst v32;
	s26 =	ssub.s32 s7, s10;
	s7 =	smulhi.u32 $0x92492493, s8;
	s28 =	sshra.s32 s8, $0x1F  }
0x297: {  	v33 =	vadd.s32 $0x1, v22;
	v37 =	vnsel vm2, $0x0, v35;
	v34 =	vmul.f32 v25, v61;
	[tilespmem:$0x6580] =	vst v23;
	s4 =	sadd.s32 s5, s26;
	s5 =	spop (v2sf);
	s10 =	smul.u32 $0x92492493, s28  }
0x298: {  	v39 =	vadd.s32 $0x3, v22;
	v24 =	vsel vm0, s1, v37;
	[tilespmem:$0x6400] =	vst v63;
	s26 =	ssub.s32 s14, s16;
	s14 =	smulhi.u32 $0x92492493, s5;
	s28 =	sshra.s32 s5, $0x1F  }
0x299: {  	v40 =	vmov s19;
	v41 =	vmov s23;
	v24 =	vsel vm1, s6, v24;
	[tilespmem:$0x6500] =	vst v34;
	s1 =	sadd.s32 s25, s26;
	s26 =	smul.u32 $0x92492493, s28;
	s28 =	spop (v2sf)  }
0x29a: {  	v42 =	vsel vm0, s21, v41;
	v23 =	vsel vm0, s0, v40;
	v29 =	vld.idx.msk [tilespmem:v36+s17+$0x0], $0xffff;
	v24 =	vsel vm3, s4, v24;
	s8 =	ssub.s32 s7, s8;
	s19 =	smulhi.u32 $0x92492493, s28;
	s21 =	sshra.s32 s28, $0x1F  }
0x29b: {  	v28 =	vsel vm1, s22, v42;
	v23 =	vsel vm1, s18, v23;
	v25 =	vld.idx.msk [tilespmem:v38+s17+$0x0], $0xffff;
	v24 =	vsel vm4, s1, v24;
	s0 =	sadd.s32 s10, s8;
	s23 =	ssub.s32 s14, s5;
	s25 =	smul.u32 $0x92492493, s21  }
0x29c: {  	v28 =	vsel vm3, s24, v28;
	v27 =	vld.idx.msk [tilespmem:v33+s17+$0x0], $0xffff;
	v23 =	vsel vm3, s20, v23;
	v24 =	vsel vm5, s0, v24;
	s26 =	sadd.s32 s26, s23;
	s28 =	ssub.s32 s19, s28  }
0x29d: {  	v26 =	vld.idx.msk [tilespmem:v39+s17+$0x0], $0xffff;
	v23 =	vcombine.low v28, v23;
	v24 =	vsel vm6, s26, v24;
	s4 =	sadd.s32 s25, s28  }
0x29e: {  	v24 =	vsel vm7, s4, v24  }
0x29f: {  	v23 =	vperm.xlane v23, v1;
	v24 =	vperm.xlane v24, v2  }
0x2a0: {  	v43 =	vmul.f32 $6.250000000e-02, v29;
	v25 =	vmul.f32 $6.250000000e-02, v25  }
0x2a1: {  	v22 =	vld.idx.msk [tilespmem:v22+s17+$0x0], $0xffff;
	v27 =	vmul.f32 $6.250000000e-02, v27;
	v23 =	vsel vm8, v24, v23  }
0x2a2: {  	v26 =	vmul.f32 $6.250000000e-02, v26;
	v25 =	vsub.f32 v25, v43;
	v23 =	vadd.s32 v21, v23  }
0x2a3: {  	v44 =	vshrl.u32 v23, $0x1F;
	v23 =	vshra.s32 v23, $0x2  }
0x2a4: {  	v26 =	vsub.f32 v26, v27;
	v25 =	vmax.f32 v25, $0.0e+00;
	v23 =	vadd.s32 v44, v23  }
0x2a5: {  	v50 =	vld [tilespmem:$0x6200];
	v25 =	vmul.f32 $1.666666720e-01, v25;
	v28 =	vmul.u32 $0xFFFFFFF9, v23;
	v23 =	vcvt.s32.f32 v23  }
0x2a6: {  	v22 =	vtrunc.f32 v22  }
0x2a7: {  	v26 =	vmax.f32 v26, $0.0e+00;
	v21 =	vadd.s32 v21, v28;
	v23 =	vmul.f32 v23, v25  }
0x2a8: {  	v26 =	vmul.f32 $1.666666720e-01, v26;
	v21 =	vcvt.s32.f32 v21  }
0x2a9: {  	v22 =	vcvt.f32.s32 v22;
	v23 =	vadd.f32 v23, v43  }
0x2aa: {  	v56 =	vshll.u32 v50, $0x1;
	v21 =	vmul.f32 v21, v26  }
0x2ab: {  	v29 =	vand.u32 $0x7, v50;
	v22 =	vshll.u32 v22, $0xC;
	v24 =	vmax.f32 v23, $0.0e+00  }
0x2ac: {  	v28 =	vand.u32 $0xFFFFFFF0, v56;
	v21 =	vadd.f32 v21, v27;
	v24 =	vmin.f32 v24, $6.300000000e+01  }
0x2ad: {  	v28 =	vor.u32 v29, v28;
	vm10 =	vge.f32 v23, $0.0e+00;
	v24 =	vtrunc.f32 v24  }
0x2ae: {  	v45 =	vmax.f32 v21, $0.0e+00;
	v24 =	vcvt.f32.s32 v24;
	vm12 =	vge.f32 v21, $0.0e+00  }
0x2af: {  	vm11 =	vlt.f32 v23, $6.400000000e+01;
	v25 =	vmin.f32 v45, $6.300000000e+01;
	vm10 =	vmand vm10, vm12  }
0x2b0: {  	v25 =	vtrunc.f32 v25;
	v46 =	vcvt.s32.f32 v24;
	vm10 =	vmand vm10, vm11  }
0x2b1: {  	vm11 =	vlt.f32 v21, $6.400000000e+01;
	v48 =	vadd.s32 $0x1, v24;
	v24 =	vshll.u32 v24, $0x6  }
0x2b2: {  	v25 =	vcvt.f32.s32 v25;
	vm10 =	vmand vm11, vm10;
	vm11 =	vlt.s32 v48, $0x3F  }
0x2b3: {  	v24 =	vadd.s32 v22, v24;
	v23 =	vsub.f32 v23, v46;
	v51 =	vnsel vm11, $0x3F, v48  }
0x2b4: {  	v54 =	vsel vm10, $0x3F800000, v17;
	v47 =	vcvt.s32.f32 v25;
	v49 =	vadd.s32 $0x1, v25  }
0x2b5: {  	v26 =	vshll.u32 v51, $0x6;
	v57 =	vadd.s32 v25, v24;
	v53 =	vsub.f32 $1.000000000e+00, v23  }
0x2b6: {  	vm12 =	vlt.s32 v49, $0x3F;
	v22 =	vadd.s32 v22, v26;
	v21 =	vsub.f32 v21, v47  }
0x2b7: {  	[tilespmem:$0x6210] =	vst v57;
	v52 =	vnsel vm12, $0x3F, v49;
	v59 =	vadd.s32 v25, v22;
	v55 =	vmul.f32 v53, v54  }
0x2b8: {  	v60 =	vperm.xlane v28, v18;
	v23 =	vmul.f32 v54, v23;
	[tilespmem:$0x6310] =	vst v59;
	v22 =	vadd.s32 v52, v22  }
0x2b9: {  	v24 =	vadd.s32 v52, v24;
	v58 =	vsub.f32 $1.000000000e+00, v21;
	[tilespmem:$0x6390] =	vst v22;
	v22 =	vmul.f32 v55, v21  }
0x2ba: {  	v62 =	vperm.xlane v28, v20;
	v25 =	vadd.s32 v19, v60;
	[tilespmem:$0x6290] =	vst v24;
	v21 =	vmul.f32 v23, v21  }
0x2bb: {  	v61 =	vmul.f32 v55, v58;
	[tilespmem:$0x6490] =	vst v22  }
0x2bc: {  	v63 =	vmul.f32 v23, v58;
	v22 =	vadd.s32 v19, v62;
	[tilespmem:$0x6590] =	vst v21  }
0x2bd: {  	[tilespmem:$0x6410] =	vst v61  }
0x2be: {  	s5 =	simm.s32 $0x6600;
	[tilespmem:$0x6510] =	vst v63  }
0x2bf: {  	[tilespmem:s5], [sflag:$0x1] =	stream.indirect_vreg.gather [hbm4b:s3+s17], $0x80, v25, vm9, $0xb8;
	[tilespmem:$0x1AA00] =	vst v63  }
0x2c0: {  	s6 =	simm.s32 $0x6E00  }
0x2c1: {  	[tilespmem:s6], [sflag:$0x1] =	stream.indirect_vreg.gather [hbm4b:s3+s17], $0x80, v22, vm9, $0xb8;
	[tilespmem:$0x1AA00] =	vst v63  }
0x2c2: {  	v21 =	vld [tilespmem:$0x6210];
	_ =	sdelay $0x4  }
0x2c3: {  	v22 =	vshll.u32 v21, $0x1  }
0x2c4: {  	v21 =	vand.u32 $0x7, v21;
	v22 =	vand.u32 $0xFFFFFFF0, v22  }
0x2c5: {  	v21 =	vor.u32 v21, v22  }
0x2c6: {  	v22 =	vperm.xlane v21, v18;
	_ =	sdelay $0x1  }
0x2c7: {  	v21 =	vperm.xlane v21, v20;
	v22 =	vadd.s32 v19, v22;
	_ =	sdelay $0x1  }
0x2c8: {  	v21 =	vadd.s32 v19, v21;
	_ =	sdelay $0x1  }
0x2c9: {  	s7 =	simm.s32 $0x7600  }
0x2ca: {  	[tilespmem:s7], [sflag:$0x1] =	stream.indirect_vreg.gather [hbm4b:s3+s17], $0x80, v22, vm9, $0xb8;
	[tilespmem:$0x1AA00] =	vst v63  }
0x2cb: {  	s8 =	simm.s32 $0x7E00  }
0x2cc: {  	[tilespmem:s8], [sflag:$0x1] =	stream.indirect_vreg.gather [hbm4b:s3+s17], $0x80, v21, vm9, $0xb8;
	[tilespmem:$0x1AA00] =	vst v63  }
0x2cd: {  	v21 =	vld [tilespmem:$0x6280];
	_ =	sdelay $0x4  }
0x2ce: {  	v22 =	vshll.u32 v21, $0x1  }
0x2cf: {  	v21 =	vand.u32 $0x7, v21;
	v22 =	vand.u32 $0xFFFFFFF0, v22  }
0x2d0: {  	v21 =	vor.u32 v21, v22  }
0x2d1: {  	v22 =	vperm.xlane v21, v18;
	_ =	sdelay $0x1  }
0x2d2: {  	v21 =	vperm.xlane v21, v20;
	v22 =	vadd.s32 v19, v22;
	_ =	sdelay $0x1  }
0x2d3: {  	v21 =	vadd.s32 v19, v21;
	_ =	sdelay $0x1  }
0x2d4: {  	s10 =	simm.s32 $0x8600  }
0x2d5: {  	[tilespmem:s10], [sflag:$0x1] =	stream.indirect_vreg.gather [hbm4b:s3+s17], $0x80, v22, vm9, $0xb8;
	[tilespmem:$0x1AA00] =	vst v63  }
0x2d6: {  	s14 =	simm.s32 $0x8E00  }
0x2d7: {  	[tilespmem:s14], [sflag:$0x1] =	stream.indirect_vreg.gather [hbm4b:s3+s17], $0x80, v21, vm9, $0xb8;
	[tilespmem:$0x1AA00] =	vst v63  }
0x2d8: {  	v21 =	vld [tilespmem:$0x6290];
	_ =	sdelay $0x4  }
0x2d9: {  	v22 =	vshll.u32 v21, $0x1  }
0x2da: {  	v21 =	vand.u32 $0x7, v21;
	v22 =	vand.u32 $0xFFFFFFF0, v22  }
0x2db: {  	v21 =	vor.u32 v21, v22  }
0x2dc: {  	v22 =	vperm.xlane v21, v18;
	_ =	sdelay $0x1  }
0x2dd: {  	v21 =	vperm.xlane v21, v20;
	v22 =	vadd.s32 v19, v22;
	_ =	sdelay $0x1  }
0x2de: {  	v21 =	vadd.s32 v19, v21;
	_ =	sdelay $0x1  }
0x2df: {  	s16 =	simm.s32 $0x9600  }
0x2e0: {  	[tilespmem:s16], [sflag:$0x1] =	stream.indirect_vreg.gather [hbm4b:s3+s17], $0x80, v22, vm9, $0xb8;
	[tilespmem:$0x1AA00] =	vst v63  }
0x2e1: {  	s18 =	simm.s32 $0x9E00  }
0x2e2: {  	[tilespmem:s18], [sflag:$0x1] =	stream.indirect_vreg.gather [hbm4b:s3+s17], $0x80, v21, vm9, $0xb8;
	[tilespmem:$0x1AA00] =	vst v63  }
0x2e3: {  	v21 =	vld [tilespmem:$0x6300];
	_ =	sdelay $0x4  }
0x2e4: {  	v22 =	vshll.u32 v21, $0x1  }
0x2e5: {  	v21 =	vand.u32 $0x7, v21;
	v22 =	vand.u32 $0xFFFFFFF0, v22  }
0x2e6: {  	v21 =	vor.u32 v21, v22  }
0x2e7: {  	v22 =	vperm.xlane v21, v18;
	_ =	sdelay $0x1  }
0x2e8: {  	v21 =	vperm.xlane v21, v20;
	v22 =	vadd.s32 v19, v22;
	_ =	sdelay $0x1  }
0x2e9: {  	v21 =	vadd.s32 v19, v21;
	_ =	sdelay $0x1  }
0x2ea: {  	s19 =	simm.s32 $0xA600  }
0x2eb: {  	[tilespmem:s19], [sflag:$0x1] =	stream.indirect_vreg.gather [hbm4b:s3+s17], $0x80, v22, vm9, $0xb8;
	[tilespmem:$0x1AA00] =	vst v63  }
0x2ec: {  	s20 =	simm.s32 $0xAE00  }
0x2ed: {  	[tilespmem:s20], [sflag:$0x1] =	stream.indirect_vreg.gather [hbm4b:s3+s17], $0x80, v21, vm9, $0xb8;
	[tilespmem:$0x1AA00] =	vst v63  }
0x2ee: {  	v21 =	vld [tilespmem:$0x6310];
	_ =	sdelay $0x4  }
0x2ef: {  	v22 =	vshll.u32 v21, $0x1  }
0x2f0: {  	v21 =	vand.u32 $0x7, v21;
	v22 =	vand.u32 $0xFFFFFFF0, v22  }
0x2f1: {  	v21 =	vor.u32 v21, v22  }
0x2f2: {  	v22 =	vperm.xlane v21, v18;
	_ =	sdelay $0x1  }
0x2f3: {  	v21 =	vperm.xlane v21, v20;
	v22 =	vadd.s32 v19, v22;
	_ =	sdelay $0x1  }
0x2f4: {  	v21 =	vadd.s32 v19, v21;
	_ =	sdelay $0x1  }
0x2f5: {  	s21 =	simm.s32 $0xB600  }
0x2f6: {  	[tilespmem:s21], [sflag:$0x1] =	stream.indirect_vreg.gather [hbm4b:s3+s17], $0x80, v22, vm9, $0xb8;
	[tilespmem:$0x1AA00] =	vst v63  }
0x2f7: {  	s22 =	simm.s32 $0xBE00  }
0x2f8: {  	[tilespmem:s22], [sflag:$0x1] =	stream.indirect_vreg.gather [hbm4b:s3+s17], $0x80, v21, vm9, $0xb8;
	[tilespmem:$0x1AA00] =	vst v63  }
0x2f9: {  	v21 =	vld [tilespmem:$0x6380];
	_ =	sdelay $0x4  }
0x2fa: {  	v22 =	vshll.u32 v21, $0x1  }
0x2fb: {  	v21 =	vand.u32 $0x7, v21;
	v22 =	vand.u32 $0xFFFFFFF0, v22  }
0x2fc: {  	v21 =	vor.u32 v21, v22  }
0x2fd: {  	v22 =	vperm.xlane v21, v18;
	_ =	sdelay $0x1  }
0x2fe: {  	v21 =	vperm.xlane v21, v20;
	v22 =	vadd.s32 v19, v22;
	_ =	sdelay $0x1  }
0x2ff: {  	v21 =	vadd.s32 v19, v21;
	_ =	sdelay $0x1  }
0x300: {  	s23 =	simm.s32 $0xC600  }
0x301: {  	[tilespmem:s23], [sflag:$0x1] =	stream.indirect_vreg.gather [hbm4b:s3+s17], $0x80, v22, vm9, $0xb8;
	[tilespmem:$0x1AA00] =	vst v63  }
0x302: {  	s24 =	simm.s32 $0xCE00  }
0x303: {  	[tilespmem:s24], [sflag:$0x1] =	stream.indirect_vreg.gather [hbm4b:s3+s17], $0x80, v21, vm9, $0xb8;
	[tilespmem:$0x1AA00] =	vst v63  }
0x304: {  	v21 =	vld [tilespmem:$0x6390];
	_ =	sdelay $0x4  }
0x305: {  	v22 =	vshll.u32 v21, $0x1  }
0x306: {  	v21 =	vand.u32 $0x7, v21;
	v22 =	vand.u32 $0xFFFFFFF0, v22  }
0x307: {  	v21 =	vor.u32 v21, v22  }
0x308: {  	v22 =	vperm.xlane v21, v18;
	_ =	sdelay $0x1  }
0x309: {  	v21 =	vperm.xlane v21, v20;
	v22 =	vadd.s32 v19, v22;
	_ =	sdelay $0x1  }
0x30a: {  	v21 =	vadd.s32 v19, v21;
	_ =	sdelay $0x1  }
0x30b: {  	s25 =	simm.s32 $0xD600  }
0x30c: {  	[tilespmem:s25], [sflag:$0x1] =	stream.indirect_vreg.gather [hbm4b:s3+s17], $0x80, v22, vm9, $0xb8;
	[tilespmem:$0x1AA00] =	vst v63  }
0x30d: {  	s26 =	simm.s32 $0xDE00;
	s28 =	simm.s32 $0x2  }
0x30e: {  	[tilespmem:s26], [sflag:$0x1] =	stream.indirect_vreg.gather [hbm4b:s3+s17], $0x80, v21, vm9, $0xb8;
	[tilespmem:$0x1AA00] =	vst v63  }
0x30f: {  	_ =	swait.ge [sflag:s28], $0x2000  }
0x310: {  	[sflag:s28] =	ssyncset.done $0x0  }
0x311: {  	[sflag:s28] =	ssyncadd.s32 $0xFFFFE000  }
0x312: {  	_ =	swait.ge [sflag:s28], $0x2000  }
0x313: {  	[sflag:s28] =	ssyncset.done $0x0  }
0x314: {  	[sflag:s28] =	ssyncadd.s32 $0xFFFFE000  }
0x315: {  	_ =	swait.ge [sflag:s28], $0x2000  }
0x316: {  	[sflag:s28] =	ssyncset.done $0x0  }
0x317: {  	[sflag:s28] =	ssyncadd.s32 $0xFFFFE000  }
0x318: {  	_ =	swait.ge [sflag:s28], $0x2000  }
0x319: {  	[sflag:s28] =	ssyncset.done $0x0  }
0x31a: {  	s0 =	simm.s32 $0x0;
	s18 =	simm.s32 $0x0;
	[sflag:s28] =	ssyncadd.s32 $0xFFFFE000  }
.LBB2_5:
0x31b: {  	s1 =	sand.u32 $0x1800, s17;
	s4 =	sand.u32 $0x380, s0  }
0x31c: {  	s19 =	sor.u32 s4, s1  }
0x31d: {  	v25 =	vld [tilespmem:s19+$0x10A00]  }
0x31e: {  	v26 =	vld [tilespmem:s19+$0x12A00]  }
0x31f: {  	v27 =	vld [tilespmem:s19+$0x14A00]  }
0x320: {  	v28 =	vld [tilespmem:s19+$0x16A00]  }
0x321: {  	v29 =	vld [tilespmem:s19+$0x10A10]  }
0x322: {  	v30 =	vld [tilespmem:s19+$0x12A10]  }
0x323: {  	v31 =	vld [tilespmem:s19+$0x14A10]  }
0x324: {  	v32 =	vld [tilespmem:s19+$0x16A10]  }
0x325: {  	v33 =	vld [tilespmem:s19+$0x10A20]  }
0x326: {  	v34 =	vld [tilespmem:s19+$0x12A20]  }
0x327: {  	v35 =	vld [tilespmem:s19+$0x14A20]  }
0x328: {  	v36 =	vld [tilespmem:s19+$0x16A20]  }
0x329: {  	v37 =	vld [tilespmem:s19+$0x10A30]  }
0x32a: {  	v38 =	vld [tilespmem:s19+$0x12A30]  }
0x32b: {  	v39 =	vld [tilespmem:s19+$0x14A30]  }
0x32c: {  	v40 =	vld [tilespmem:s19+$0x16A30]  }
0x32d: {  	v41 =	vld [tilespmem:s19+$0x10A40]  }
0x32e: {  	v42 =	vld [tilespmem:s19+$0x12A40]  }
0x32f: {  	v43 =	vld [tilespmem:s19+$0x14A40]  }
0x330: {  	v44 =	vld [tilespmem:s19+$0x16A40]  }
0x331: {  	v45 =	vld [tilespmem:s19+$0x10A50]  }
0x332: {  	v46 =	vld [tilespmem:s19+$0x12A50]  }
0x333: {  	v47 =	vld [tilespmem:s19+$0x14A50]  }
0x334: {  	v21 =	vmov s18;
	v48 =	vld [tilespmem:s19+$0x16A50]  }
0x335: {  	v49 =	vld [tilespmem:s19+$0x10A60]  }
0x336: {  	v50 =	vld [tilespmem:s19+$0x12A60]  }
0x337: {  	v51 =	vld [tilespmem:s19+$0x14A60]  }
0x338: {  	v52 =	vld [tilespmem:s19+$0x16A60]  }
0x339: {  	v23 =	vld.idx.msk [tilespmem:v21+s11+$0x0], $0xffff  }
0x33a: {  	v24 =	vld.idx.msk [tilespmem:v21+s9+$0x0], $0xffff  }
0x33b: {  	v53 =	vld [tilespmem:s19+$0x10A70]  }
0x33c: {  	v22 =	vld.idx.msk [tilespmem:v21+s12+$0x0], $0xffff  }
0x33d: {  	v54 =	vld [tilespmem:s19+$0x12A70]  }
0x33e: {  	v55 =	vld [tilespmem:s19+$0x14A70]  }
0x33f: {  	v21 =	vld.idx.msk [tilespmem:v21+s13+$0x0], $0xffff;
	v25 =	vmul.f32 v25, v23;
	v26 =	vmul.f32 v26, v24  }
0x340: {  	v57 =	vld [tilespmem:s19+$0x10E00];
	v29 =	vmul.f32 v29, v23;
	v30 =	vmul.f32 v30, v24  }
0x341: {  	v56 =	vld [tilespmem:s19+$0x16A70];
	v61 =	vmul.f32 v27, v22;
	v62 =	vmul.f32 v31, v22  }
0x342: {  	v27 =	vld [tilespmem:s19+$0x12E00];
	v63 =	vmul.f32 v33, v23;
	v58 =	vmul.f32 v34, v24  }
0x343: {  	v31 =	vld [tilespmem:s19+$0x14E00];
	v59 =	vmul.f32 v37, v23;
	v60 =	vmul.f32 v38, v24  }
0x344: {  	v34 =	vld [tilespmem:s19+$0x16E00];
	v28 =	vmul.f32 v28, v21;
	v32 =	vmul.f32 v32, v21  }
0x345: {  	v38 =	vld [tilespmem:s19+$0x10E10];
	v55 =	vmul.f32 v55, v22;
	v57 =	vmul.f32 v57, v23;
	v25 =	vadd.f32 v26, v25  }
0x346: {  	v33 =	vld [tilespmem:s19+$0x16E10];
	v52 =	vmul.f32 v52, v21;
	v29 =	vadd.f32 v30, v29;
	v26 =	vadd.f32 v58, v63  }
0x347: {  	v30 =	vadd.f32 v60, v59;
	v63 =	vmul.f32 v36, v21;
	v58 =	vmul.f32 v40, v21;
	v36 =	vld [tilespmem:s19+$0x10E20]  }
0x348: {  	v59 =	vmul.f32 v41, v23;
	v60 =	vmul.f32 v42, v24;
	v40 =	vld [tilespmem:s19+$0x12E20];
	v25 =	vadd.f32 v61, v25  }
0x349: {  	v42 =	vld [tilespmem:s19+$0x14E20];
	v29 =	vadd.f32 v62, v29;
	v61 =	vmul.f32 v35, v22;
	v62 =	vmul.f32 v39, v22  }
0x34a: {  	v35 =	vld [tilespmem:s19+$0x12E10];
	v27 =	vmul.f32 v27, v24;
	v38 =	vmul.f32 v38, v23  }
0x34b: {  	v39 =	vld [tilespmem:s19+$0x14E10];
	v31 =	vmul.f32 v31, v22;
	v33 =	vmul.f32 v33, v21;
	v25 =	vadd.f32 v28, v25  }
0x34c: {  	v26 =	vadd.f32 v61, v26;
	v30 =	vadd.f32 v62, v30;
	v62 =	vmul.f32 v46, v24;
	v46 =	vld [tilespmem:s19+$0x10E30]  }
0x34d: {  	v29 =	vadd.f32 v32, v29;
	v28 =	vadd.f32 v60, v59;
	v60 =	vmul.f32 v48, v21;
	v48 =	vld [tilespmem:s19+$0x12E30]  }
0x34e: {  	v61 =	vmul.f32 v45, v23;
	v59 =	vmul.f32 v47, v22;
	v47 =	vld [tilespmem:s19+$0x16E30];
	v27 =	vadd.f32 v27, v57  }
0x34f: {  	v45 =	vld [tilespmem:s19+$0x14E40];
	v26 =	vadd.f32 v63, v26;
	v30 =	vadd.f32 v58, v30;
	v63 =	vmul.f32 v43, v22  }
0x350: {  	v58 =	vmul.f32 v44, v21;
	v44 =	vld [tilespmem:s19+$0x16E20];
	v32 =	vadd.f32 v62, v61;
	v61 =	vmul.f32 v49, v23  }
0x351: {  	v62 =	vmul.f32 v50, v24;
	v50 =	vld [tilespmem:s19+$0x14E30];
	v35 =	vmul.f32 v35, v24;
	v27 =	vadd.f32 v31, v27  }
0x352: {  	v49 =	vld [tilespmem:s19+$0x10E40];
	v28 =	vadd.f32 v63, v28;
	v32 =	vadd.f32 v59, v32;
	v63 =	vmul.f32 v53, v23  }
0x353: {  	v43 =	vld [tilespmem:s19+$0x16E40];
	v53 =	vmul.f32 v54, v24;
	v37 =	vadd.f32 v62, v61;
	v54 =	vmul.f32 v51, v22  }
0x354: {  	v51 =	vld [tilespmem:s19+$0x12E40];
	v59 =	vmul.f32 v39, v22;
	v61 =	vmul.f32 v36, v23;
	v35 =	vadd.f32 v35, v38  }
0x355: {  	v39 =	vld [tilespmem:s19+$0x10E50];
	v62 =	vmul.f32 v40, v24;
	v28 =	vadd.f32 v58, v28;
	v32 =	vadd.f32 v60, v32  }
0x356: {  	v40 =	vld [tilespmem:s19+$0x16E50];
	v41 =	vadd.f32 v53, v63;
	v37 =	vadd.f32 v54, v37;
	v58 =	vmul.f32 v56, v21  }
0x357: {  	v38 =	vld [tilespmem:s19+$0x14E50];
	v60 =	vmul.f32 v34, v21;
	v63 =	vmul.f32 v46, v23;
	v53 =	vadd.f32 v62, v61  }
0x358: {  	v34 =	vld [tilespmem:s19+$0x12E50];
	v54 =	vmul.f32 v42, v22;
	v35 =	vadd.f32 v59, v35;
	v59 =	vmul.f32 v47, v21  }
0x359: {  	v56 =	vld [tilespmem:s19+$0x12E60];
	v61 =	vmul.f32 v49, v23;
	v41 =	vadd.f32 v55, v41;
	v37 =	vadd.f32 v52, v37  }
0x35a: {  	[tilespmem:s19+$0x18A00] =	vst v25;
	v27 =	vadd.f32 v60, v27;
	v52 =	vmul.f32 v48, v24;
	v48 =	vld [tilespmem:s19+$0x10E60];
	v55 =	vmul.f32 v44, v21  }
0x35b: {  	[tilespmem:s19+$0x18A10] =	vst v29;
	v60 =	vld [tilespmem:s19+$0x10E70];
	v25 =	vadd.f32 v54, v53;
	v33 =	vadd.f32 v33, v35;
	v62 =	vmul.f32 v51, v24  }
0x35c: {  	[tilespmem:s19+$0x18A20] =	vst v26;
	v39 =	vmul.f32 v39, v23;
	v41 =	vadd.f32 v58, v41;
	v57 =	vadd.f32 v52, v63;
	v63 =	vld [tilespmem:s19+$0x12E70]  }
0x35d: {  	[tilespmem:s19+$0x18A30] =	vst v30;
	v49 =	vld [tilespmem:s19+$0x14E60];
	v58 =	vmul.f32 v50, v22;
	v25 =	vadd.f32 v55, v25;
	v50 =	vmul.f32 v45, v22  }
0x35e: {  	[tilespmem:s19+$0x18A40] =	vst v28;
	v51 =	vld [tilespmem:s19+$0x14E70];
	v52 =	vmul.f32 v38, v22;
	v34 =	vmul.f32 v34, v24;
	v26 =	vadd.f32 v62, v61  }
0x35f: {  	[tilespmem:s19+$0x18A50] =	vst v32;
	v53 =	vld [tilespmem:s19+$0x16E60];
	v55 =	vmul.f32 v56, v24;
	v29 =	vadd.f32 v58, v57;
	v58 =	vmul.f32 v43, v21  }
0x360: {  	[tilespmem:s19+$0x18A60] =	vst v37;
	v56 =	vld [tilespmem:s19+$0x16E70];
	v30 =	vadd.f32 v34, v39;
	v54 =	vmul.f32 v48, v23;
	v23 =	vmul.f32 v60, v23  }
0x361: {  	[tilespmem:s19+$0x18E00] =	vst v27;
	v26 =	vadd.f32 v50, v26;
	v60 =	vmul.f32 v40, v21;
	v24 =	vmul.f32 v63, v24  }
0x362: {  	[tilespmem:s19+$0x18E10] =	vst v33;
	v29 =	vadd.f32 v59, v29;
	v59 =	vmul.f32 v49, v22;
	v57 =	vadd.f32 v55, v54  }
0x363: {  	[tilespmem:s19+$0x18A70] =	vst v41;
	v22 =	vmul.f32 v51, v22;
	v30 =	vadd.f32 v52, v30;
	v23 =	vadd.f32 v24, v23  }
0x364: {  	p0 =	sne.s32 s18, $0x1F;
	[tilespmem:s19+$0x18E20] =	vst v25;
	v61 =	vadd.f32 v58, v26;
	v63 =	vmul.f32 v53, v21;
	v62 =	vadd.f32 v59, v57  }
.Ltmp1:
0x365: {  	[tilespmem:s19+$0x18E30] =	vst v29;
	v21 =	vmul.f32 v56, v21;
	v24 =	vadd.f32 v60, v30;
	v22 =	vadd.f32 v22, v23;
	(pc) =	sbr.rel @p0 .LBB2_5-.Ltmp1, $4  }
0x366: {  	[tilespmem:s19+$0x18E40] =	vst v61;
	v23 =	vadd.f32 v63, v62  }
0x367: {  	[tilespmem:s19+$0x18E50] =	vst v24;
	v21 =	vadd.f32 v21, v22  }
0x368: {  	[tilespmem:s19+$0x18E60] =	vst v23  }
0x369: {  	s0 =	sadd.s32 $0x80, s0;
	s17 =	sadd.s32 $0x100, s17;
	s18 =	sadd.s32 $0x1, s18;
	[tilespmem:s19+$0x18E70] =	vst v21  }
0x36a: {  	s0 =	rddreg [dreg:$0xa]  }
0x36b: {  	s1 =	rddreg [dreg:$0x5];
	s26 =	simm.s32 $0x0;
	s15 =	sadd.s32 $0x1, s15  }
0x36c: {  	s4 =	simm.s32 $0x18A00;
	s0 =	sshll.u32 s0, $0x5;
	p0 =	sne.s32 s15, $0x78  }
.Ltmp2:
0x36d: {  	s28 =	simm.s32 $0x3;
	s0 =	sadd.s32 s1, s0;
	(pc) =	sbr.rel @p0 .LBB2_2-.Ltmp2, $4  }
0x36e: {  	[hbm4b:s0+s26] =	stream.linear.scatter [tilespmem:s4], [sflag:$0x3], $0x2000, $0x38;
	[tilespmem:$0x1AA00] =	vst v63  }
0x36f: {  	_ =	swait.ge [sflag:s28], $0x2000  }
0x370: {  	[sflag:s28] =	ssyncset.done $0x0  }
0x371: {  	[sflag:s28] =	ssyncadd.s32 $0xFFFFE000  }
0x372: {  	s1 =	simm.s32 $0x1  }
0x373: {  	_ =	swait.ge [sflag:s1], $0x2000  }
0x374: {  	[sflag:s1] =	ssyncset.done $0x0  }
0x375: {  	[sflag:s1] =	ssyncadd.s32 $0xFFFFE000  }
0x376: {  	_ =	swait.ge [sflag:s1], $0x2000  }
0x377: {  	[sflag:s1] =	ssyncset.done $0x0  }
0x378: {  	[sflag:s1] =	ssyncadd.s32 $0xFFFFE000  }
0x379: {  	_ =	swait.ge [sflag:s1], $0x2000  }
0x37a: {  	[sflag:s1] =	ssyncset.done $0x0  }
0x37b: {  	[sflag:s1] =	ssyncadd.s32 $0xFFFFE000  }
0x37c: {  	_ =	swait.ge [sflag:s1], $0x2000  }
0x37d: {  	s4 =	rddreg [dreg:$0x9]  }
0x37e: {  	s0 =	rddreg [dreg:$0x8];
	s4 =	sadd.s32 $0x1, s4  }
0x37f: {  	p0 =	sne.s32 s4, s0  }
.Ltmp3:
0x380: {  	_ = 	snop;
	(pc) =	sbr.rel @p0 .LBB2_1-.Ltmp3, $3  }
0x381: {  	_ =	sdelay $0x1  }
0x382: {  	[sflag:s1] =	ssyncset.done $0x0  }
0x383: {  	[sflag:s1] =	ssyncadd.s32 $0xFFFFE000  }
0x384: {  	_ =	sfence.sel $0x180000  }
0x385: {  	[bflag:$0x0] =	sbarrier.arrive $0xFFFF  }
0x386: {  	_ =	strace $0x90000047  }
0x387: {  	s0 =	stileid.u32;
	[bflag:$0x2] =	sbarrier.arrive $0xFFFF  }
0x388: {  	p0 =	sne.s32 s0, $0x0;
	s0 =	rddreg [dreg:$0x3]  }
0x389: {  	s0 =	sadd.s32 @!p0 $0x100000, s0  }
0x38a: {  	[sflag:s0] =	ssyncadd.tile.s32 @!p0 $0x1;
	_ =	shalt  }
.Lfunc_end2:
_tile_overlayer_lowered:
.L_overlay_start_2:
0x38b: {  	(tag) =	ssettag $0x2  }
0x38c: {  	s0 =	rddreg [dreg:$0x0];
	s2 =	stileid.u32  }
0x38d: {  	s1 =	rddreg [dreg:$0x1];
	p0 =	sne.s32 s2, $0x0  }
0x38e: {  	s3 =	rddreg [dreg:$0x2];
	[bflag:$0x3] =	sbarrier.arrive $0xFFFF;
	s2 =	simm.s32 @!p0 $0x1C03  }
0x38f: {  	[timem:s3], [sflag:s2] =	dma.local @!p0 [hbm:s0], s1  }
0x390: {  	s0 =	simm.s32 @!p0 $0x3  }
0x391: {  	_ =	swait.ge @!p0 [sflag:s0], s1  }
0x392: {  	s1 =	ssub.s32 @!p0 $0x0, s1;
	[sflag:s0] =	ssyncset.done @!p0 $0x0  }
0x393: {  	[sflag:s0] =	ssyncadd.s32 @!p0 s1  }
0x394: {  	[bflag:$0x3] =	sbarrier.arrive $0xFFFF  }
0x395: {  	_ =	shalt  }

</sc_bundles>
